<compile_context>
chip_gen: v7x
topology: tpu7x:2x2x1
jax: 0.10.2.dev20260603
libtpu: 0.0.44.dev20260713+nightly
codegen_flags: <defaults>
</compile_context>

<pallas_src>
import functools

import jax
import jax.numpy as jnp
from jax import lax
from jax.experimental import pallas as pl
from jax.experimental.pallas import tpu as pltpu
from jax.experimental.pallas import tpu_sc as plsc

F32 = jnp.float32
NC = 2
NS = 16
NW = NC * NS


def _mesh():
    return plsc.VectorSubcoreMesh(core_axis_name="c", subcore_axis_name="s")


def _edge_stage(E, B):
    epw = E // NW
    nchunks = epw // B
    assert nchunks % 2 == 0

    @functools.partial(
        pl.kernel,
        out_type=jax.ShapeDtypeStruct((E, 128), F32),
        mesh=_mesh(),
        compiler_params=pltpu.CompilerParams(needs_layout_passes=False),
        scratch_types=[
            pltpu.VMEM((epw,), jnp.int32),
            pltpu.VMEM((epw,), jnp.int32),
            pltpu.VMEM((B, 128), F32), pltpu.VMEM((B, 128), F32),
            pltpu.VMEM((B, 128), F32), pltpu.VMEM((B, 128), F32),
            pltpu.VMEM((B, 128), F32), pltpu.VMEM((B, 128), F32),
            pltpu.SemaphoreType.DMA, pltpu.SemaphoreType.DMA,
            pltpu.SemaphoreType.DMA, pltpu.SemaphoreType.DMA,
        ],
    )
    def k(u_hbm, p_hbm, src_hbm, dst_hbm, r_hbm, srcv, dstv,
          ub0, ub1, pb0, pb1, rb0, rb1, g0, g1, o0, o1):
        wid = lax.axis_index("s") * NC + lax.axis_index("c")
        base = wid * epw

        pltpu.sync_copy(src_hbm.at[pl.ds(base, epw)], srcv)
        pltpu.sync_copy(dst_hbm.at[pl.ds(base, epw)], dstv)

        def fire(ci, ubb, pbb, sem):
            s = pl.ds(ci * B, B)
            pltpu.async_copy(u_hbm.at[srcv.at[s]], ubb, sem)
            pltpu.async_copy(p_hbm.at[dstv.at[s]], pbb, sem)

        def wait_in(ubb, pbb, sem):
            pltpu.make_async_copy(u_hbm.at[pl.ds(0, B)], ubb, sem).wait()
            pltpu.make_async_copy(p_hbm.at[pl.ds(0, B)], pbb, sem).wait()

        def compute(ubb, pbb, rbb):
            @pl.loop(0, B)
            def _edge(j):
                for f in range(8):
                    s = pl.ds(f * 16, 16)
                    rbb[j, s] = jnp.maximum(ubb[j, s] - pbb[j, s], 0.0)

        def wait_out(rbb, sem):
            pltpu.make_async_copy(rbb, r_hbm.at[pl.ds(base, B)], sem).wait()

        fire(0, ub0, pb0, g0)
        fire(1, ub1, pb1, g1)

        @pl.loop(0, nchunks // 2)
        def _pair(j):
            for par, (ubb, pbb, rbb, gs, os) in enumerate(
                    ((ub0, pb0, rb0, g0, o0), (ub1, pb1, rb1, g1, o1))):
                ci = 2 * j + par
                wait_in(ubb, pbb, gs)

                @pl.when(j > 0)
                def _():
                    wait_out(rbb, os)

                compute(ubb, pbb, rbb)

                @pl.when(ci + 2 < nchunks)
                def _():
                    fire(ci + 2, ubb, pbb, gs)

                pltpu.async_copy(rbb, r_hbm.at[pl.ds(base + ci * B, B)], os)

        wait_out(rb0, o0)
        wait_out(rb1, o1)

    return k


def _dupflag_stage(NBLK, NPAD):
    bpw = NBLK // NW

    @functools.partial(
        pl.kernel,
        out_type=jax.ShapeDtypeStruct((NBLK * 16,), jnp.int32),
        mesh=_mesh(),
        compiler_params=pltpu.CompilerParams(needs_layout_passes=False),
        scratch_types=[
            pltpu.VMEM((bpw * 256,), jnp.int32),
            pltpu.VMEM((NPAD,), jnp.int32),
            pltpu.VMEM((bpw * 16,), jnp.int32),
        ],
    )
    def k(dstp_hbm, fl_hbm, dv, tmp, flb):
        wid = lax.axis_index("s") * NC + lax.axis_index("c")
        pltpu.sync_copy(dstp_hbm.at[pl.ds(wid * bpw * 256, bpw * 256)], dv)
        lane = lax.iota(jnp.int32, 16)

        @pl.loop(0, bpw)
        def _blk(b):
            acc = jnp.zeros((16,), jnp.int32)
            for g in range(16):
                d = dv[pl.ds(b * 256 + g * 16, 16)]
                plsc.store_scatter(tmp, [d], lane)
                t = plsc.load_gather(tmp, [d])
                cnt = jnp.max((t != lane).astype(jnp.int32))
                acc = jnp.where(lane == g, jnp.full((16,), cnt, jnp.int32), acc)
            flb[pl.ds(b * 16, 16)] = acc

        pltpu.sync_copy(flb, fl_hbm.at[pl.ds(wid * bpw * 16, bpw * 16)])

    return k


def _agg_stage(E, NPAD, C):
    epc = E // NC
    nchunks = epc // C
    G = C // 16
    assert nchunks % 2 == 0

    @functools.partial(
        pl.kernel,
        out_type=jax.ShapeDtypeStruct((NC, 128, NPAD), F32),
        mesh=_mesh(),
        compiler_params=pltpu.CompilerParams(needs_layout_passes=False),
        scratch_types=[
            pltpu.VMEM((C,), jnp.int32), pltpu.VMEM((C,), jnp.int32),
            pltpu.VMEM((8, C), F32), pltpu.VMEM((8, C), F32),
            pltpu.VMEM((G + 16,), jnp.int32), pltpu.VMEM((G + 16,), jnp.int32),
            pltpu.VMEM((8, NPAD), F32),
            pltpu.SemaphoreType.DMA, pltpu.SemaphoreType.DMA,
        ],
    )
    def k(mT_hbm, dst_hbm, fl_hbm, out_hbm, dv0, dv1, vb0, vb1, fl0, fl1,
          tab, s0, s1):
        cid = lax.axis_index("c")
        sid = lax.axis_index("s")
        fbase = sid * 8
        ebase = cid * epc
        gbase = cid * (epc // 16)

        for r in range(8):
            @pl.loop(0, NPAD // 16)
            def _z(i):
                tab[r, pl.ds(i * 16, 16)] = jnp.zeros((16,), F32)

        def fire(ci, dvb, vbb, flb, sem):
            off = ebase + ci * C
            pltpu.async_copy(dst_hbm.at[pl.ds(off, C)], dvb, sem)
            pltpu.async_copy(mT_hbm.at[pl.ds(fbase, 8), pl.ds(off, C)], vbb, sem)
            pltpu.async_copy(fl_hbm.at[pl.ds(gbase + ci * G, G)],
                             flb.at[pl.ds(0, G)], sem)

        def wait_in(dvb, vbb, flb, sem):
            pltpu.make_async_copy(dst_hbm.at[pl.ds(0, C)], dvb, sem).wait()
            pltpu.make_async_copy(mT_hbm.at[pl.ds(0, 8), pl.ds(0, C)], vbb, sem).wait()
            pltpu.make_async_copy(fl_hbm.at[pl.ds(0, G)],
                                  flb.at[pl.ds(0, G)], sem).wait()

        def update(g, dvb, vbb):
            s = pl.ds(g * 16, 16)
            d = dvb[s]
            for r in range(8):
                rv = jnp.full((16,), r, jnp.int32)
                v = vbb[r, s]
                old = plsc.load_gather(tab, [rv, d])
                plsc.store_scatter(tab, [rv, d], v, mask=v > old)

        def process(dvb, vbb, flb):
            @pl.loop(0, G)
            def _g(g):
                dup = flb[pl.ds(g, 16)][0]
                update(g, dvb, vbb)

                @pl.when(dup > 0)
                def _slow():
                    @pl.loop(0, 15)
                    def _round(_):
                        update(g, dvb, vbb)

        fire(0, dv0, vb0, fl0, s0)
        fire(1, dv1, vb1, fl1, s1)

        @pl.loop(0, nchunks // 2)
        def _pair(j):
            for par, (dvb, vbb, flb, sem) in enumerate(
                    ((dv0, vb0, fl0, s0), (dv1, vb1, fl1, s1))):
                ci = 2 * j + par
                wait_in(dvb, vbb, flb, sem)
                process(dvb, vbb, flb)

                @pl.when(ci + 2 < nchunks)
                def _():
                    fire(ci + 2, dvb, vbb, flb, sem)

        pltpu.sync_copy(tab, out_hbm.at[cid, pl.ds(fbase, 8)])

    return k


def _u_from_x(x_p, posp, w1h, w1p, b1, BN):
    NPAD, K = x_p.shape

    def body(x_ref, pp_ref, wh_ref, wp_ref, b_ref, u_ref, p_ref):
        pblk = jnp.dot(pp_ref[...], wp_ref[...], preferred_element_type=F32)
        u_ref[...] = (jnp.dot(x_ref[...], wh_ref[...], preferred_element_type=F32)
                      + pblk + b_ref[...])
        p_ref[...] = pblk

    return pl.pallas_call(
        body,
        grid=(NPAD // BN,),
        in_specs=[
            pl.BlockSpec((BN, K), lambda i: (i, 0)),
            pl.BlockSpec((BN, 128), lambda i: (i, 0)),
            pl.BlockSpec((K, 128), lambda i: (0, 0)),
            pl.BlockSpec((128, 128), lambda i: (0, 0)),
            pl.BlockSpec((1, 128), lambda i: (0, 0)),
        ],
        out_specs=[
            pl.BlockSpec((BN, 128), lambda i: (i, 0)),
            pl.BlockSpec((BN, 128), lambda i: (i, 0)),
        ],
        out_shape=[
            jax.ShapeDtypeStruct((NPAD, 128), F32),
            jax.ShapeDtypeStruct((NPAD, 128), F32),
        ],
    )(x_p, posp, w1h, w1p, b1)


def _u_from_agg(aggp, posp, w1h, w1p, b1, BN):
    NPAD = posp.shape[0]

    def body(a_ref, pp_ref, wh_ref, wp_ref, b_ref, u_ref, p_ref):
        h = jnp.maximum(jnp.maximum(a_ref[0], a_ref[1]), 0.0).astype(F32)
        pblk = jnp.dot(pp_ref[...], wp_ref[...], preferred_element_type=F32)
        u_ref[...] = (lax.dot_general(h, wh_ref[...], (((0,), (0,)), ((), ())),
                                      preferred_element_type=F32)
                      + pblk + b_ref[...])
        p_ref[...] = pblk

    return pl.pallas_call(
        body,
        grid=(NPAD // BN,),
        in_specs=[
            pl.BlockSpec((NC, 128, BN), lambda i: (0, 0, i)),
            pl.BlockSpec((BN, 128), lambda i: (i, 0)),
            pl.BlockSpec((128, 128), lambda i: (0, 0)),
            pl.BlockSpec((128, 128), lambda i: (0, 0)),
            pl.BlockSpec((1, 128), lambda i: (0, 0)),
        ],
        out_specs=[
            pl.BlockSpec((BN, 128), lambda i: (i, 0)),
            pl.BlockSpec((BN, 128), lambda i: (i, 0)),
        ],
        out_shape=[
            jax.ShapeDtypeStruct((NPAD, 128), F32),
            jax.ShapeDtypeStruct((NPAD, 128), F32),
        ],
    )(aggp, posp, w1h, w1p, b1)


def _msg_matmul(r, w2, b2c, BE):
    E = r.shape[0]

    def body(r_ref, w_ref, b_ref, o_ref):
        o_ref[...] = (lax.dot_general(w_ref[...], r_ref[...],
                                      (((0,), (1,)), ((), ())),
                                      preferred_element_type=F32)
                      + b_ref[...])

    return pl.pallas_call(
        body,
        grid=(E // BE,),
        in_specs=[
            pl.BlockSpec((BE, 128), lambda i: (i, 0)),
            pl.BlockSpec((128, 128), lambda i: (0, 0)),
            pl.BlockSpec((128, 1), lambda i: (0, 0)),
        ],
        out_specs=pl.BlockSpec((128, BE), lambda i: (0, i)),
        out_shape=jax.ShapeDtypeStruct((128, E), F32),
    )(r, w2, b2c)


def _decoder(aggp, dw1, db1, dw2, db2, BN):
    NPAD = aggp.shape[2]
    H1 = dw1.shape[1]
    OUT = dw2.shape[1]

    def body(a_ref, w1_ref, b1_ref, w2_ref, b2_ref, o_ref):
        h = jnp.maximum(jnp.maximum(a_ref[0], a_ref[1]), 0.0).astype(F32)
        t = jnp.maximum(
            lax.dot_general(h, w1_ref[...], (((0,), (0,)), ((), ())),
                            preferred_element_type=F32) + b1_ref[...], 0.0)
        o_ref[...] = jnp.dot(t, w2_ref[...], preferred_element_type=F32) + b2_ref[...]

    return pl.pallas_call(
        body,
        grid=(NPAD // BN,),
        in_specs=[
            pl.BlockSpec((NC, 128, BN), lambda i: (0, 0, i)),
            pl.BlockSpec((128, H1), lambda i: (0, 0)),
            pl.BlockSpec((1, H1), lambda i: (0, 0)),
            pl.BlockSpec((H1, OUT), lambda i: (0, 0)),
            pl.BlockSpec((1, OUT), lambda i: (0, 0)),
        ],
        out_specs=pl.BlockSpec((BN, OUT), lambda i: (i, 0)),
        out_shape=jax.ShapeDtypeStruct((NPAD, OUT), F32),
    )(aggp, dw1, db1, dw2, db2)


def kernel(x, pos, edge_index, c1_W1, c1_b1, c1_W2, c1_b2,
           c2_W1, c2_b1, c2_W2, c2_b2, d_W1, d_b1, d_W2, d_b2):
    N, P = x.shape
    E = edge_index.shape[1]
    F = c1_W2.shape[0]
    assert F == 128 and E % NW == 0
    NPAD = ((N + 255) // 256) * 256

    src = edge_index[0].astype(jnp.int32)
    dst = edge_index[1].astype(jnp.int32)
    x_p = jnp.zeros((NPAD, P), F32).at[:N].set(x)
    posp = jnp.zeros((NPAD, 128), F32).at[:N, :3].set(pos)
    w1p_1 = jnp.zeros((128, F), F32).at[:3].set(c1_W1[P:])
    w1p_2 = jnp.zeros((128, F), F32).at[:3].set(c2_W1[F:])

    edge_k = _edge_stage(E, B=40)
    agg_k = _agg_stage(E, NPAD, C=640)

    nblk = ((E + 255) // 256 + NW - 1) // NW * NW
    dst_pad = jnp.zeros((nblk * 256,), jnp.int32).at[:E].set(dst)
    flags = _dupflag_stage(nblk, NPAD)(dst_pad)
    x_p = x_p + (flags[0] * 0).astype(F32)

    u1, p1 = _u_from_x(x_p, posp, c1_W1[:P], w1p_1, c1_b1.reshape(1, F), BN=256)
    r1 = edge_k(u1, p1, src, dst)
    m1 = _msg_matmul(r1, c1_W2, c1_b2.reshape(F, 1), BE=640)
    agg1 = agg_k(m1, dst, flags)

    u2, p2 = _u_from_agg(agg1, posp, c2_W1[:F], w1p_2, c2_b1.reshape(1, F), BN=256)
    r2 = edge_k(u2, p2, src, dst)
    m2 = _msg_matmul(r2, c2_W2, c2_b2.reshape(F, 1), BE=640)
    agg2 = agg_k(m2, dst, flags)

    out = _decoder(agg2, d_W1, d_b1.reshape(1, -1), d_W2, d_b2.reshape(1, -1),
                   BN=256)
    return out[:N]

# --- scband reference (transcript-rebuilt; emitter-appended) ---
"""Pipeline reference for scband-autoencoder-17566416241003 (READ-ONLY COPY).

The authoritative reference and input builder live on the scoring server;
editing this copy changes nothing except your own understanding.
"""

import jax, jax.numpy as jnp
import numpy as np

N = 10000
E = 320000
NUM_POINTS = 256
NUM_FEATURES = 128


def _linear_init(key, fan_in, fan_out):
    k1, k2 = jax.random.split(key)
    bound = 1.0 / np.sqrt(fan_in)
    W = jax.random.uniform(k1, (fan_in, fan_out), minval=-bound, maxval=bound, dtype=jnp.float32)
    b = jax.random.uniform(k2, (fan_out,), minval=-bound, maxval=bound, dtype=jnp.float32)
    return W, b


def setup_inputs(seed: int = 0) -> dict:
    key = jax.random.key(seed)
    ks = jax.random.split(key, 10)
    inp = {}
    inp["x"] = jax.random.normal(ks[0], (N, NUM_POINTS), dtype=jnp.float32)
    inp["pos"] = jax.random.normal(ks[1], (N, 3), dtype=jnp.float32)
    inp["edge_index"] = jax.random.randint(ks[2], (2, E), 0, N).astype(jnp.int64)
    # PointNetLayer conv1: mlp = Linear(num_points + 3, num_features) -> ReLU -> Linear(num_features, num_features)
    inp["c1_W1"], inp["c1_b1"] = _linear_init(ks[3], NUM_POINTS + 3, NUM_FEATURES)
    inp["c1_W2"], inp["c1_b2"] = _linear_init(ks[4], NUM_FEATURES, NUM_FEATURES)
    # PointNetLayer conv2: mlp = Linear(num_features + 3, num_features) -> ReLU -> Linear(num_features, num_features)
    inp["c2_W1"], inp["c2_b1"] = _linear_init(ks[5], NUM_FEATURES + 3, NUM_FEATURES)
    inp["c2_W2"], inp["c2_b2"] = _linear_init(ks[6], NUM_FEATURES, NUM_FEATURES)
    # Decoder: Linear(num_features, 256) -> ReLU -> Linear(256, num_points)
    inp["d_W1"], inp["d_b1"] = _linear_init(ks[7], NUM_FEATURES, 256)
    inp["d_W2"], inp["d_b2"] = _linear_init(ks[8], 256, NUM_POINTS)
    return inp


def _pointnet_layer(h, pos, src, dst, W1, b1, W2, b2):
    # message: mlp(cat([h_j, pos_j - pos_i])) ; aggr='max' over destination nodes
    edge_in = jnp.concatenate([h[src], pos[src] - pos[dst]], axis=-1)
    m = jax.nn.relu(edge_in @ W1 + b1) @ W2 + b2
    agg = jax.ops.segment_max(m, dst, num_segments=N)
    # nodes with no incoming edges get 0 (matches scatter-max fill with zeros)
    return jnp.where(jnp.isneginf(agg), 0.0, agg)


def reference(x, pos, edge_index, c1_W1, c1_b1, c1_W2, c1_b2, c2_W1, c2_b1, c2_W2, c2_b2, d_W1, d_b1, d_W2, d_b2):
    src = edge_index[0]
    dst = edge_index[1]
    h = _pointnet_layer(x, pos, src, dst, c1_W1, c1_b1, c1_W2, c1_b2)
    h = jax.nn.relu(h)
    h = _pointnet_layer(h, pos, src, dst, c2_W1, c2_b1, c2_W2, c2_b2)
    h = jax.nn.relu(h)
    decoded = jax.nn.relu(h @ d_W1 + d_b1) @ d_W2 + d_b2
    return decoded


if False:  # reference __main__ guard neutralized (emitter)
    out = reference(**setup_inputs())
    print(out.shape)

if __name__ == "__main__":
    import jax
    _d = setup_inputs()
    print(jax.jit(kernel)(*tuple(_d.values())))

</pallas_src>

<mosaic_0001>
#map = affine_map<(d0, d1) -> (0, 0)>
#map1 = affine_map<(d0, d1) -> (0)>
module attributes {stable_mosaic.version = 14 : i64} {
  func.func @k(%arg0: i32, %arg1: i32, %arg2: memref<10240x128xf32, #tpu.memory_space<hbm>>, %arg3: memref<10240x128xf32, #tpu.memory_space<hbm>>, %arg4: memref<320000xi32, #tpu.memory_space<hbm>>, %arg5: memref<320000xi32, #tpu.memory_space<hbm>>, %arg6: memref<320000x128xf32, #tpu.memory_space<hbm>>, %arg7: memref<10000xi32, #tpu.memory_space<vmem>>, %arg8: memref<10000xi32, #tpu.memory_space<vmem>>, %arg9: memref<40x128xf32, #tpu.memory_space<vmem>>, %arg10: memref<40x128xf32, #tpu.memory_space<vmem>>, %arg11: memref<40x128xf32, #tpu.memory_space<vmem>>, %arg12: memref<40x128xf32, #tpu.memory_space<vmem>>, %arg13: memref<40x128xf32, #tpu.memory_space<vmem>>, %arg14: memref<40x128xf32, #tpu.memory_space<vmem>>, %arg15: memref<!tpu.dma_semaphore, #tpu.memory_space<semaphore_mem>>, %arg16: memref<!tpu.dma_semaphore, #tpu.memory_space<semaphore_mem>>, %arg17: memref<!tpu.dma_semaphore, #tpu.memory_space<semaphore_mem>>, %arg18: memref<!tpu.dma_semaphore, #tpu.memory_space<semaphore_mem>>) attributes {dimension_semantics = [#tpu.dimension_semantics<core_parallel>, #tpu.dimension_semantics<subcore_parallel>], iteration_bounds = array<i64: 2, 16>, scalar_prefetch = 0 : i64, scratch_operands = 12 : i64, tpu.core_type = #tpu.core_type<sc_vector_subcore>, window_params = [{transform_indices = #map}, {transform_indices = #map}, {transform_indices = #map1}, {transform_indices = #map1}, {transform_indices = #map}]} {
    %mul3A = arith.constant 2 : i32
    %mul3A_0 = arith.muli %arg1, %mul3A : i32
    %add3A = arith.addi %mul3A_0, %arg0 : i32
    %mul3A_1 = arith.constant 10000 : i32
    %mul3A_2 = arith.muli %add3A, %mul3A_1 : i32
    "tpu.region"() ({
      %run_scoped3A = tpu.sem_alloc : memref<!tpu.dma_semaphore, #tpu.memory_space<semaphore_mem>>
      %dma_start3A_33 = tpu.memref_slice %arg4[%mul3A_2] : memref<320000xi32, #tpu.memory_space<hbm>> -> memref<10000xi32, #tpu.memory_space<hbm>>
      %dma_start3A_34 = tpu.memref_slice %arg4[%mul3A_2] : memref<320000xi32, #tpu.memory_space<hbm>> -> memref<10000xi32, #tpu.memory_space<hbm>>
      tpu.enqueue_dma source(%dma_start3A_34 : memref<10000xi32, #tpu.memory_space<hbm>>) target(%arg7 : memref<10000xi32, #tpu.memory_space<vmem>>) target_semaphore(%run_scoped3A : memref<!tpu.dma_semaphore, #tpu.memory_space<semaphore_mem>>)
      %dma_wait3A_35 = tpu.memref_slice %arg4[%mul3A_2] : memref<320000xi32, #tpu.memory_space<hbm>> -> memref<10000xi32, #tpu.memory_space<hbm>>
      %dma_wait3A_36 = tpu.memref_slice %arg4[%mul3A_2] : memref<320000xi32, #tpu.memory_space<hbm>> -> memref<10000xi32, #tpu.memory_space<hbm>>
      tpu.wait_dma2 semaphore(%run_scoped3A : memref<!tpu.dma_semaphore, #tpu.memory_space<semaphore_mem>>) src(%dma_wait3A_36 : memref<10000xi32, #tpu.memory_space<hbm>>) dst(%arg7 : memref<10000xi32, #tpu.memory_space<vmem>>)
      tpu.yield
    }) : () -> ()
    "tpu.region"() ({
      %run_scoped3A = tpu.sem_alloc : memref<!tpu.dma_semaphore, #tpu.memory_space<semaphore_mem>>
      %dma_start3A_33 = tpu.memref_slice %arg5[%mul3A_2] : memref<320000xi32, #tpu.memory_space<hbm>> -> memref<10000xi32, #tpu.memory_space<hbm>>
      %dma_start3A_34 = tpu.memref_slice %arg5[%mul3A_2] : memref<320000xi32, #tpu.memory_space<hbm>> -> memref<10000xi32, #tpu.memory_space<hbm>>
      tpu.enqueue_dma source(%dma_start3A_34 : memref<10000xi32, #tpu.memory_space<hbm>>) target(%arg8 : memref<10000xi32, #tpu.memory_space<vmem>>) target_semaphore(%run_scoped3A : memref<!tpu.dma_semaphore, #tpu.memory_space<semaphore_mem>>)
      %dma_wait3A_35 = tpu.memref_slice %arg5[%mul3A_2] : memref<320000xi32, #tpu.memory_space<hbm>> -> memref<10000xi32, #tpu.memory_space<hbm>>
      %dma_wait3A_36 = tpu.memref_slice %arg5[%mul3A_2] : memref<320000xi32, #tpu.memory_space<hbm>> -> memref<10000xi32, #tpu.memory_space<hbm>>
      tpu.wait_dma2 semaphore(%run_scoped3A : memref<!tpu.dma_semaphore, #tpu.memory_space<semaphore_mem>>) src(%dma_wait3A_36 : memref<10000xi32, #tpu.memory_space<hbm>>) dst(%arg8 : memref<10000xi32, #tpu.memory_space<vmem>>)
      tpu.yield
    }) : () -> ()
    %dma_start3A = arith.constant 0 : i32
    %dma_start3A_3 = tpu.memref_slice %arg7[%dma_start3A] : memref<10000xi32, #tpu.memory_space<vmem>> -> memref<40xi32, #tpu.memory_space<vmem>>
    %dma_start3A_4 = arith.constant 0 : i32
    %dma_start3A_5 = arith.constant 0 : i32
    %dma_start3A_6 = tpu.memref_slice %arg2[%dma_start3A_4, %dma_start3A_5] : memref<10240x128xf32, #tpu.memory_space<hbm>> -> memref<10240x128xf32, #tpu.memory_space<hbm>>
    tpu.enqueue_indirect_dma source(%dma_start3A_6 : memref<10240x128xf32, #tpu.memory_space<hbm>>) target(%arg9 : memref<40x128xf32, #tpu.memory_space<vmem>>) offsets(%dma_start3A_3 : memref<40xi32, #tpu.memory_space<vmem>>) semaphore(%arg15 : memref<!tpu.dma_semaphore, #tpu.memory_space<semaphore_mem>>)
    %dma_start3A_7 = arith.constant 0 : i32
    %dma_start3A_8 = tpu.memref_slice %arg8[%dma_start3A_7] : memref<10000xi32, #tpu.memory_space<vmem>> -> memref<40xi32, #tpu.memory_space<vmem>>
    %dma_start3A_9 = arith.constant 0 : i32
    %dma_start3A_10 = arith.constant 0 : i32
    %dma_start3A_11 = tpu.memref_slice %arg3[%dma_start3A_9, %dma_start3A_10] : memref<10240x128xf32, #tpu.memory_space<hbm>> -> memref<10240x128xf32, #tpu.memory_space<hbm>>
    tpu.enqueue_indirect_dma source(%dma_start3A_11 : memref<10240x128xf32, #tpu.memory_space<hbm>>) target(%arg11 : memref<40x128xf32, #tpu.memory_space<vmem>>) offsets(%dma_start3A_8 : memref<40xi32, #tpu.memory_space<vmem>>) semaphore(%arg15 : memref<!tpu.dma_semaphore, #tpu.memory_space<semaphore_mem>>)
    %dma_start3A_12 = arith.constant 40 : i32
    %dma_start3A_13 = tpu.memref_slice %arg7[%dma_start3A_12] : memref<10000xi32, #tpu.memory_space<vmem>> -> memref<40xi32, #tpu.memory_space<vmem>>
    %dma_start3A_14 = arith.constant 0 : i32
    %dma_start3A_15 = arith.constant 0 : i32
    %dma_start3A_16 = tpu.memref_slice %arg2[%dma_start3A_14, %dma_start3A_15] : memref<10240x128xf32, #tpu.memory_space<hbm>> -> memref<10240x128xf32, #tpu.memory_space<hbm>>
    tpu.enqueue_indirect_dma source(%dma_start3A_16 : memref<10240x128xf32, #tpu.memory_space<hbm>>) target(%arg10 : memref<40x128xf32, #tpu.memory_space<vmem>>) offsets(%dma_start3A_13 : memref<40xi32, #tpu.memory_space<vmem>>) semaphore(%arg16 : memref<!tpu.dma_semaphore, #tpu.memory_space<semaphore_mem>>)
    %dma_start3A_17 = arith.constant 40 : i32
    %dma_start3A_18 = tpu.memref_slice %arg8[%dma_start3A_17] : memref<10000xi32, #tpu.memory_space<vmem>> -> memref<40xi32, #tpu.memory_space<vmem>>
    %dma_start3A_19 = arith.constant 0 : i32
    %dma_start3A_20 = arith.constant 0 : i32
    %dma_start3A_21 = tpu.memref_slice %arg3[%dma_start3A_19, %dma_start3A_20] : memref<10240x128xf32, #tpu.memory_space<hbm>> -> memref<10240x128xf32, #tpu.memory_space<hbm>>
    tpu.enqueue_indirect_dma source(%dma_start3A_21 : memref<10240x128xf32, #tpu.memory_space<hbm>>) target(%arg12 : memref<40x128xf32, #tpu.memory_space<vmem>>) offsets(%dma_start3A_18 : memref<40xi32, #tpu.memory_space<vmem>>) semaphore(%arg16 : memref<!tpu.dma_semaphore, #tpu.memory_space<semaphore_mem>>)
    %scan3A = arith.constant 0 : i32
    %scan3A_22 = arith.constant 125 : i32
    %scan3A_23 = arith.addi %scan3A, %scan3A_22 : i32
    %scan3A_24 = arith.constant 1 : i32
    scf.for %scan3A_33 = %scan3A to %scan3A_23 step %scan3A_24  : i32 {
      %mul3A_34 = arith.constant 1 : i32
      %mul3A_35 = arith.muli %scan3A_33, %mul3A_34 : i32
      %add3A_36 = arith.constant 0 : i32
      %add3A_37 = arith.addi %add3A_36, %mul3A_35 : i32
      %mul3A_38 = arith.constant 2 : i32
      %mul3A_39 = arith.muli %mul3A_38, %add3A_37 : i32
      %add3A_40 = arith.constant 0 : i32
      %add3A_41 = arith.addi %mul3A_39, %add3A_40 : i32
      %dma_wait3A_42 = arith.constant 0 : i32
      %dma_wait3A_43 = arith.constant 0 : i32
      %dma_wait3A_44 = tpu.memref_slice %arg2[%dma_wait3A_42, %dma_wait3A_43] : memref<10240x128xf32, #tpu.memory_space<hbm>> -> memref<40x128xf32, #tpu.memory_space<hbm>>
      %dma_wait3A_45 = arith.constant 0 : i32
      %dma_wait3A_46 = arith.constant 0 : i32
      %dma_wait3A_47 = tpu.memref_slice %arg2[%dma_wait3A_45, %dma_wait3A_46] : memref<10240x128xf32, #tpu.memory_space<hbm>> -> memref<40x128xf32, #tpu.memory_space<hbm>>
      tpu.wait_dma2 semaphore(%arg15 : memref<!tpu.dma_semaphore, #tpu.memory_space<semaphore_mem>>) src(%dma_wait3A_47 : memref<40x128xf32, #tpu.memory_space<hbm>>) dst(%arg9 : memref<40x128xf32, #tpu.memory_space<vmem>>)
      %dma_wait3A_48 = arith.constant 0 : i32
      %dma_wait3A_49 = arith.constant 0 : i32
      %dma_wait3A_50 = tpu.memref_slice %arg3[%dma_wait3A_48, %dma_wait3A_49] : memref<10240x128xf32, #tpu.memory_space<hbm>> -> memref<40x128xf32, #tpu.memory_space<hbm>>
      %dma_wait3A_51 = arith.constant 0 : i32
      %dma_wait3A_52 = arith.constant 0 : i32
      %dma_wait3A_53 = tpu.memref_slice %arg3[%dma_wait3A_51, %dma_wait3A_52] : memref<10240x128xf32, #tpu.memory_space<hbm>> -> memref<40x128xf32, #tpu.memory_space<hbm>>
      tpu.wait_dma2 semaphore(%arg15 : memref<!tpu.dma_semaphore, #tpu.memory_space<semaphore_mem>>) src(%dma_wait3A_53 : memref<40x128xf32, #tpu.memory_space<hbm>>) dst(%arg11 : memref<40x128xf32, #tpu.memory_space<vmem>>)
      %gt3A = arith.constant 0 : i32
      %gt3A_54 = arith.cmpi sgt, %add3A_37, %gt3A : i32
      %convert_element_type3A = arith.extui %gt3A_54 : i1 to i32
      %cond3A = arith.constant 0 : i32
      %cond3A_55 = arith.cmpi ne, %convert_element_type3A, %cond3A : i32
      scf.if %cond3A_55 {
        %dma_wait3A_114 = arith.constant 0 : i32
        %dma_wait3A_115 = tpu.memref_slice %arg6[%mul3A_2, %dma_wait3A_114] : memref<320000x128xf32, #tpu.memory_space<hbm>> -> memref<40x128xf32, #tpu.memory_space<hbm>>
        %dma_wait3A_116 = arith.constant 0 : i32
        %dma_wait3A_117 = tpu.memref_slice %arg6[%mul3A_2, %dma_wait3A_116] : memref<320000x128xf32, #tpu.memory_space<hbm>> -> memref<40x128xf32, #tpu.memory_space<hbm>>
        tpu.wait_dma2 semaphore(%arg17 : memref<!tpu.dma_semaphore, #tpu.memory_space<semaphore_mem>>) src(%arg13 : memref<40x128xf32, #tpu.memory_space<vmem>>) dst(%dma_wait3A_117 : memref<40x128xf32, #tpu.memory_space<hbm>>)
      } else {
      }
      %scan3A_56 = arith.constant 0 : i32
      %scan3A_57 = arith.constant 40 : i32
      %scan3A_58 = arith.addi %scan3A_56, %scan3A_57 : i32
      %scan3A_59 = arith.constant 1 : i32
      scf.for %scan3A_114 = %scan3A_56 to %scan3A_58 step %scan3A_59  : i32 {
        %mul3A_115 = arith.constant 1 : i32
        %mul3A_116 = arith.muli %scan3A_114, %mul3A_115 : i32
        %add3A_117 = arith.constant 0 : i32
        %add3A_118 = arith.addi %add3A_117, %mul3A_116 : i32
        %get3A = arith.index_cast %add3A_118 : i32 to index
        %get3A_119 = arith.constant 0 : index
        %get3A_120 = tpu.vector_load %arg9[%get3A, %get3A_119] {strides = array<i32>} : memref<40x128xf32, #tpu.memory_space<vmem>>, vector<16xf32>,
        %get3A_121 = arith.index_cast %add3A_118 : i32 to index
        %get3A_122 = arith.constant 0 : index
        %get3A_123 = tpu.vector_load %arg11[%get3A_121, %get3A_122] {strides = array<i32>} : memref<40x128xf32, #tpu.memory_space<vmem>>, vector<16xf32>,
        %sub3A = arith.subf %get3A_120, %get3A_123 : vector<16xf32>
        %max3A = arith.constant 0.000000e+00 : f32
        %max3A_124 = vector.broadcast %max3A : f32 to vector<16xf32>
        %max3A_125 = arith.maximumf %sub3A, %max3A_124 : vector<16xf32>
        %swap3A = arith.index_cast %add3A_118 : i32 to index
        %swap3A_126 = arith.constant 0 : index
        %swap3A_127 = tpu.vector_load %arg13[%swap3A, %swap3A_126] {strides = array<i32>} : memref<40x128xf32, #tpu.memory_space<vmem>>, vector<16xf32>,
        tpu.vector_store %arg13[%swap3A, %swap3A_126], %max3A_125 {strides = array<i32>} : memref<40x128xf32, #tpu.memory_space<vmem>>, vector<16xf32>,
        %get3A_128 = arith.index_cast %add3A_118 : i32 to index
        %get3A_129 = arith.constant 16 : index
        %get3A_130 = tpu.vector_load %arg9[%get3A_128, %get3A_129] {strides = array<i32>} : memref<40x128xf32, #tpu.memory_space<vmem>>, vector<16xf32>,
        %get3A_131 = arith.index_cast %add3A_118 : i32 to index
        %get3A_132 = arith.constant 16 : index
        %get3A_133 = tpu.vector_load %arg11[%get3A_131, %get3A_132] {strides = array<i32>} : memref<40x128xf32, #tpu.memory_space<vmem>>, vector<16xf32>,
        %sub3A_134 = arith.subf %get3A_130, %get3A_133 : vector<16xf32>
        %max3A_135 = arith.constant 0.000000e+00 : f32
        %max3A_136 = vector.broadcast %max3A_135 : f32 to vector<16xf32>
        %max3A_137 = arith.maximumf %sub3A_134, %max3A_136 : vector<16xf32>
        %swap3A_138 = arith.index_cast %add3A_118 : i32 to index
        %swap3A_139 = arith.constant 16 : index
        %swap3A_140 = tpu.vector_load %arg13[%swap3A_138, %swap3A_139] {strides = array<i32>} : memref<40x128xf32, #tpu.memory_space<vmem>>, vector<16xf32>,
        tpu.vector_store %arg13[%swap3A_138, %swap3A_139], %max3A_137 {strides = array<i32>} : memref<40x128xf32, #tpu.memory_space<vmem>>, vector<16xf32>,
        %get3A_141 = arith.index_cast %add3A_118 : i32 to index
        %get3A_142 = arith.constant 32 : index
        %get3A_143 = tpu.vector_load %arg9[%get3A_141, %get3A_142] {strides = array<i32>} : memref<40x128xf32, #tpu.memory_space<vmem>>, vector<16xf32>,
        %get3A_144 = arith.index_cast %add3A_118 : i32 to index
        %get3A_145 = arith.constant 32 : index
        %get3A_146 = tpu.vector_load %arg11[%get3A_144, %get3A_145] {strides = array<i32>} : memref<40x128xf32, #tpu.memory_space<vmem>>, vector<16xf32>,
        %sub3A_147 = arith.subf %get3A_143, %get3A_146 : vector<16xf32>
        %max3A_148 = arith.constant 0.000000e+00 : f32
        %max3A_149 = vector.broadcast %max3A_148 : f32 to vector<16xf32>
        %max3A_150 = arith.maximumf %sub3A_147, %max3A_149 : vector<16xf32>
        %swap3A_151 = arith.index_cast %add3A_118 : i32 to index
        %swap3A_152 = arith.constant 32 : index
        %swap3A_153 = tpu.vector_load %arg13[%swap3A_151, %swap3A_152] {strides = array<i32>} : memref<40x128xf32, #tpu.memory_space<vmem>>, vector<16xf32>,
        tpu.vector_store %arg13[%swap3A_151, %swap3A_152], %max3A_150 {strides = array<i32>} : memref<40x128xf32, #tpu.memory_space<vmem>>, vector<16xf32>,
        %get3A_154 = arith.index_cast %add3A_118 : i32 to index
        %get3A_155 = arith.constant 48 : index
        %get3A_156 = tpu.vector_load %arg9[%get3A_154, %get3A_155] {strides = array<i32>} : memref<40x128xf32, #tpu.memory_space<vmem>>, vector<16xf32>,
        %get3A_157 = arith.index_cast %add3A_118 : i32 to index
        %get3A_158 = arith.constant 48 : index
        %get3A_159 = tpu.vector_load %arg11[%get3A_157, %get3A_158] {strides = array<i32>} : memref<40x128xf32, #tpu.memory_space<vmem>>, vector<16xf32>,
        %sub3A_160 = arith.subf %get3A_156, %get3A_159 : vector<16xf32>
        %max3A_161 = arith.constant 0.000000e+00 : f32
        %max3A_162 = vector.broadcast %max3A_161 : f32 to vector<16xf32>
        %max3A_163 = arith.maximumf %sub3A_160, %max3A_162 : vector<16xf32>
        %swap3A_164 = arith.index_cast %add3A_118 : i32 to index
        %swap3A_165 = arith.constant 48 : index
        %swap3A_166 = tpu.vector_load %arg13[%swap3A_164, %swap3A_165] {strides = array<i32>} : memref<40x128xf32, #tpu.memory_space<vmem>>, vector<16xf32>,
        tpu.vector_store %arg13[%swap3A_164, %swap3A_165], %max3A_163 {strides = array<i32>} : memref<40x128xf32, #tpu.memory_space<vmem>>, vector<16xf32>,
        %get3A_167 = arith.index_cast %add3A_118 : i32 to index
        %get3A_168 = arith.constant 64 : index
        %get3A_169 = tpu.vector_load %arg9[%get3A_167, %get3A_168] {strides = array<i32>} : memref<40x128xf32, #tpu.memory_space<vmem>>, vector<16xf32>,
        %get3A_170 = arith.index_cast %add3A_118 : i32 to index
        %get3A_171 = arith.constant 64 : index
        %get3A_172 = tpu.vector_load %arg11[%get3A_170, %get3A_171] {strides = array<i32>} : memref<40x128xf32, #tpu.memory_space<vmem>>, vector<16xf32>,
        %sub3A_173 = arith.subf %get3A_169, %get3A_172 : vector<16xf32>
        %max3A_174 = arith.constant 0.000000e+00 : f32
        %max3A_175 = vector.broadcast %max3A_174 : f32 to vector<16xf32>
        %max3A_176 = arith.maximumf %sub3A_173, %max3A_175 : vector<16xf32>
        %swap3A_177 = arith.index_cast %add3A_118 : i32 to index
        %swap3A_178 = arith.constant 64 : index
        %swap3A_179 = tpu.vector_load %arg13[%swap3A_177, %swap3A_178] {strides = array<i32>} : memref<40x128xf32, #tpu.memory_space<vmem>>, vector<16xf32>,
        tpu.vector_store %arg13[%swap3A_177, %swap3A_178], %max3A_176 {strides = array<i32>} : memref<40x128xf32, #tpu.memory_space<vmem>>, vector<16xf32>,
        %get3A_180 = arith.index_cast %add3A_118 : i32 to index
        %get3A_181 = arith.constant 80 : index
        %get3A_182 = tpu.vector_load %arg9[%get3A_180, %get3A_181] {strides = array<i32>} : memref<40x128xf32, #tpu.memory_space<vmem>>, vector<16xf32>,
        %get3A_183 = arith.index_cast %add3A_118 : i32 to index
        %get3A_184 = arith.constant 80 : index
        %get3A_185 = tpu.vector_load %arg11[%get3A_183, %get3A_184] {strides = array<i32>} : memref<40x128xf32, #tpu.memory_space<vmem>>, vector<16xf32>,
        %sub3A_186 = arith.subf %get3A_182, %get3A_185 : vector<16xf32>
        %max3A_187 = arith.constant 0.000000e+00 : f32
        %max3A_188 = vector.broadcast %max3A_187 : f32 to vector<16xf32>
        %max3A_189 = arith.maximumf %sub3A_186, %max3A_188 : vector<16xf32>
        %swap3A_190 = arith.index_cast %add3A_118 : i32 to index
        %swap3A_191 = arith.constant 80 : index
        %swap3A_192 = tpu.vector_load %arg13[%swap3A_190, %swap3A_191] {strides = array<i32>} : memref<40x128xf32, #tpu.memory_space<vmem>>, vector<16xf32>,
        tpu.vector_store %arg13[%swap3A_190, %swap3A_191], %max3A_189 {strides = array<i32>} : memref<40x128xf32, #tpu.memory_space<vmem>>, vector<16xf32>,
        %get3A_193 = arith.index_cast %add3A_118 : i32 to index
        %get3A_194 = arith.constant 96 : index
        %get3A_195 = tpu.vector_load %arg9[%get3A_193, %get3A_194] {strides = array<i32>} : memref<40x128xf32, #tpu.memory_space<vmem>>, vector<16xf32>,
        %get3A_196 = arith.index_cast %add3A_118 : i32 to index
        %get3A_197 = arith.constant 96 : index
        %get3A_198 = tpu.vector_load %arg11[%get3A_196, %get3A_197] {strides = array<i32>} : memref<40x128xf32, #tpu.memory_space<vmem>>, vector<16xf32>,
        %sub3A_199 = arith.subf %get3A_195, %get3A_198 : vector<16xf32>
        %max3A_200 = arith.constant 0.000000e+00 : f32
        %max3A_201 = vector.broadcast %max3A_200 : f32 to vector<16xf32>
        %max3A_202 = arith.maximumf %sub3A_199, %max3A_201 : vector<16xf32>
        %swap3A_203 = arith.index_cast %add3A_118 : i32 to index
        %swap3A_204 = arith.constant 96 : index
        %swap3A_205 = tpu.vector_load %arg13[%swap3A_203, %swap3A_204] {strides = array<i32>} : memref<40x128xf32, #tpu.memory_space<vmem>>, vector<16xf32>,
        tpu.vector_store %arg13[%swap3A_203, %swap3A_204], %max3A_202 {strides = array<i32>} : memref<40x128xf32, #tpu.memory_space<vmem>>, vector<16xf32>,
        %get3A_206 = arith.index_cast %add3A_118 : i32 to index
        %get3A_207 = arith.constant 112 : index
        %get3A_208 = tpu.vector_load %arg9[%get3A_206, %get3A_207] {strides = array<i32>} : memref<40x128xf32, #tpu.memory_space<vmem>>, vector<16xf32>,
        %get3A_209 = arith.index_cast %add3A_118 : i32 to index
        %get3A_210 = arith.constant 112 : index
        %get3A_211 = tpu.vector_load %arg11[%get3A_209, %get3A_210] {strides = array<i32>} : memref<40x128xf32, #tpu.memory_space<vmem>>, vector<16xf32>,
        %sub3A_212 = arith.subf %get3A_208, %get3A_211 : vector<16xf32>
        %max3A_213 = arith.constant 0.000000e+00 : f32
        %max3A_214 = vector.broadcast %max3A_213 : f32 to vector<16xf32>
        %max3A_215 = arith.maximumf %sub3A_212, %max3A_214 : vector<16xf32>
        %swap3A_216 = arith.index_cast %add3A_118 : i32 to index
        %swap3A_217 = arith.constant 112 : index
        %swap3A_218 = tpu.vector_load %arg13[%swap3A_216, %swap3A_217] {strides = array<i32>} : memref<40x128xf32, #tpu.memory_space<vmem>>, vector<16xf32>,
        tpu.vector_store %arg13[%swap3A_216, %swap3A_217], %max3A_215 {strides = array<i32>} : memref<40x128xf32, #tpu.memory_space<vmem>>, vector<16xf32>,
      }
      %scan3A_60 = arith.constant 40 : i32
      %add3A_61 = arith.constant 2 : i32
      %add3A_62 = arith.addi %add3A_41, %add3A_61 : i32
      %lt3A = arith.constant 250 : i32
      %lt3A_63 = arith.cmpi slt, %add3A_62, %lt3A : i32
      %convert_element_type3A_64 = arith.extui %lt3A_63 : i1 to i32
      %cond3A_65 = arith.constant 0 : i32
      %cond3A_66 = arith.cmpi ne, %convert_element_type3A_64, %cond3A_65 : i32
      scf.if %cond3A_66 {
        %add3A_114 = arith.constant 2 : i32
        %add3A_115 = arith.addi %add3A_41, %add3A_114 : i32
        %mul3A_116 = arith.constant 40 : i32
        %mul3A_117 = arith.muli %add3A_115, %mul3A_116 : i32
        %dma_start3A_118 = tpu.memref_slice %arg7[%mul3A_117] : memref<10000xi32, #tpu.memory_space<vmem>> -> memref<40xi32, #tpu.memory_space<vmem>>
        %dma_start3A_119 = arith.constant 0 : i32
        %dma_start3A_120 = arith.constant 0 : i32
        %dma_start3A_121 = tpu.memref_slice %arg2[%dma_start3A_119, %dma_start3A_120] : memref<10240x128xf32, #tpu.memory_space<hbm>> -> memref<10240x128xf32, #tpu.memory_space<hbm>>
        tpu.enqueue_indirect_dma source(%dma_start3A_121 : memref<10240x128xf32, #tpu.memory_space<hbm>>) target(%arg9 : memref<40x128xf32, #tpu.memory_space<vmem>>) offsets(%dma_start3A_118 : memref<40xi32, #tpu.memory_space<vmem>>) semaphore(%arg15 : memref<!tpu.dma_semaphore, #tpu.memory_space<semaphore_mem>>)
        %dma_start3A_122 = tpu.memref_slice %arg8[%mul3A_117] : memref<10000xi32, #tpu.memory_space<vmem>> -> memref<40xi32, #tpu.memory_space<vmem>>
        %dma_start3A_123 = arith.constant 0 : i32
        %dma_start3A_124 = arith.constant 0 : i32
        %dma_start3A_125 = tpu.memref_slice %arg3[%dma_start3A_123, %dma_start3A_124] : memref<10240x128xf32, #tpu.memory_space<hbm>> -> memref<10240x128xf32, #tpu.memory_space<hbm>>
        tpu.enqueue_indirect_dma source(%dma_start3A_125 : memref<10240x128xf32, #tpu.memory_space<hbm>>) target(%arg11 : memref<40x128xf32, #tpu.memory_space<vmem>>) offsets(%dma_start3A_122 : memref<40xi32, #tpu.memory_space<vmem>>) semaphore(%arg15 : memref<!tpu.dma_semaphore, #tpu.memory_space<semaphore_mem>>)
      } else {
      }
      %mul3A_67 = arith.constant 40 : i32
      %mul3A_68 = arith.muli %add3A_41, %mul3A_67 : i32
      %add3A_69 = arith.addi %mul3A_2, %mul3A_68 : i32
      %dma_start3A_70 = arith.constant 0 : i32
      %dma_start3A_71 = tpu.memref_slice %arg6[%add3A_69, %dma_start3A_70] : memref<320000x128xf32, #tpu.memory_space<hbm>> -> memref<40x128xf32, #tpu.memory_space<hbm>>
      %dma_start3A_72 = arith.constant 0 : i32
      %dma_start3A_73 = tpu.memref_slice %arg6[%add3A_69, %dma_start3A_72] : memref<320000x128xf32, #tpu.memory_space<hbm>> -> memref<40x128xf32, #tpu.memory_space<hbm>>
      tpu.enqueue_dma source(%arg13 : memref<40x128xf32, #tpu.memory_space<vmem>>) target(%dma_start3A_73 : memref<40x128xf32, #tpu.memory_space<hbm>>) target_semaphore(%arg17 : memref<!tpu.dma_semaphore, #tpu.memory_space<semaphore_mem>>)
      %mul3A_74 = arith.constant 2 : i32
      %mul3A_75 = arith.muli %mul3A_74, %add3A_37 : i32
      %add3A_76 = arith.constant 1 : i32
      %add3A_77 = arith.addi %mul3A_75, %add3A_76 : i32
      %dma_wait3A_78 = arith.constant 0 : i32
      %dma_wait3A_79 = arith.constant 0 : i32
      %dma_wait3A_80 = tpu.memref_slice %arg2[%dma_wait3A_78, %dma_wait3A_79] : memref<10240x128xf32, #tpu.memory_space<hbm>> -> memref<40x128xf32, #tpu.memory_space<hbm>>
      %dma_wait3A_81 = arith.constant 0 : i32
      %dma_wait3A_82 = arith.constant 0 : i32
      %dma_wait3A_83 = tpu.memref_slice %arg2[%dma_wait3A_81, %dma_wait3A_82] : memref<10240x128xf32, #tpu.memory_space<hbm>> -> memref<40x128xf32, #tpu.memory_space<hbm>>
      tpu.wait_dma2 semaphore(%arg16 : memref<!tpu.dma_semaphore, #tpu.memory_space<semaphore_mem>>) src(%dma_wait3A_83 : memref<40x128xf32, #tpu.memory_space<hbm>>) dst(%arg10 : memref<40x128xf32, #tpu.memory_space<vmem>>)
      %dma_wait3A_84 = arith.constant 0 : i32
      %dma_wait3A_85 = arith.constant 0 : i32
      %dma_wait3A_86 = tpu.memref_slice %arg3[%dma_wait3A_84, %dma_wait3A_85] : memref<10240x128xf32, #tpu.memory_space<hbm>> -> memref<40x128xf32, #tpu.memory_space<hbm>>
      %dma_wait3A_87 = arith.constant 0 : i32
      %dma_wait3A_88 = arith.constant 0 : i32
      %dma_wait3A_89 = tpu.memref_slice %arg3[%dma_wait3A_87, %dma_wait3A_88] : memref<10240x128xf32, #tpu.memory_space<hbm>> -> memref<40x128xf32, #tpu.memory_space<hbm>>
      tpu.wait_dma2 semaphore(%arg16 : memref<!tpu.dma_semaphore, #tpu.memory_space<semaphore_mem>>) src(%dma_wait3A_89 : memref<40x128xf32, #tpu.memory_space<hbm>>) dst(%arg12 : memref<40x128xf32, #tpu.memory_space<vmem>>)
      %gt3A_90 = arith.constant 0 : i32
      %gt3A_91 = arith.cmpi sgt, %add3A_37, %gt3A_90 : i32
      %convert_element_type3A_92 = arith.extui %gt3A_91 : i1 to i32
      %cond3A_93 = arith.constant 0 : i32
      %cond3A_94 = arith.cmpi ne, %convert_element_type3A_92, %cond3A_93 : i32
      scf.if %cond3A_94 {
        %dma_wait3A_114 = arith.constant 0 : i32
        %dma_wait3A_115 = tpu.memref_slice %arg6[%mul3A_2, %dma_wait3A_114] : memref<320000x128xf32, #tpu.memory_space<hbm>> -> memref<40x128xf32, #tpu.memory_space<hbm>>
        %dma_wait3A_116 = arith.constant 0 : i32
        %dma_wait3A_117 = tpu.memref_slice %arg6[%mul3A_2, %dma_wait3A_116] : memref<320000x128xf32, #tpu.memory_space<hbm>> -> memref<40x128xf32, #tpu.memory_space<hbm>>
        tpu.wait_dma2 semaphore(%arg18 : memref<!tpu.dma_semaphore, #tpu.memory_space<semaphore_mem>>) src(%arg14 : memref<40x128xf32, #tpu.memory_space<vmem>>) dst(%dma_wait3A_117 : memref<40x128xf32, #tpu.memory_space<hbm>>)
      } else {
      }
      %scan3A_95 = arith.constant 0 : i32
      %scan3A_96 = arith.constant 40 : i32
      %scan3A_97 = arith.addi %scan3A_95, %scan3A_96 : i32
      %scan3A_98 = arith.constant 1 : i32
      scf.for %scan3A_114 = %scan3A_95 to %scan3A_97 step %scan3A_98  : i32 {
        %mul3A_115 = arith.constant 1 : i32
        %mul3A_116 = arith.muli %scan3A_114, %mul3A_115 : i32
        %add3A_117 = arith.constant 0 : i32
        %add3A_118 = arith.addi %add3A_117, %mul3A_116 : i32
        %get3A = arith.index_cast %add3A_118 : i32 to index
        %get3A_119 = arith.constant 0 : index
        %get3A_120 = tpu.vector_load %arg10[%get3A, %get3A_119] {strides = array<i32>} : memref<40x128xf32, #tpu.memory_space<vmem>>, vector<16xf32>,
        %get3A_121 = arith.index_cast %add3A_118 : i32 to index
        %get3A_122 = arith.constant 0 : index
        %get3A_123 = tpu.vector_load %arg12[%get3A_121, %get3A_122] {strides = array<i32>} : memref<40x128xf32, #tpu.memory_space<vmem>>, vector<16xf32>,
        %sub3A = arith.subf %get3A_120, %get3A_123 : vector<16xf32>
        %max3A = arith.constant 0.000000e+00 : f32
        %max3A_124 = vector.broadcast %max3A : f32 to vector<16xf32>
        %max3A_125 = arith.maximumf %sub3A, %max3A_124 : vector<16xf32>
        %swap3A = arith.index_cast %add3A_118 : i32 to index
        %swap3A_126 = arith.constant 0 : index
        %swap3A_127 = tpu.vector_load %arg14[%swap3A, %swap3A_126] {strides = array<i32>} : memref<40x128xf32, #tpu.memory_space<vmem>>, vector<16xf32>,
        tpu.vector_store %arg14[%swap3A, %swap3A_126], %max3A_125 {strides = array<i32>} : memref<40x128xf32, #tpu.memory_space<vmem>>, vector<16xf32>,
        %get3A_128 = arith.index_cast %add3A_118 : i32 to index
        %get3A_129 = arith.constant 16 : index
        %get3A_130 = tpu.vector_load %arg10[%get3A_128, %get3A_129] {strides = array<i32>} : memref<40x128xf32, #tpu.memory_space<vmem>>, vector<16xf32>,
        %get3A_131 = arith.index_cast %add3A_118 : i32 to index
        %get3A_132 = arith.constant 16 : index
        %get3A_133 = tpu.vector_load %arg12[%get3A_131, %get3A_132] {strides = array<i32>} : memref<40x128xf32, #tpu.memory_space<vmem>>, vector<16xf32>,
        %sub3A_134 = arith.subf %get3A_130, %get3A_133 : vector<16xf32>
        %max3A_135 = arith.constant 0.000000e+00 : f32
        %max3A_136 = vector.broadcast %max3A_135 : f32 to vector<16xf32>
        %max3A_137 = arith.maximumf %sub3A_134, %max3A_136 : vector<16xf32>
        %swap3A_138 = arith.index_cast %add3A_118 : i32 to index
        %swap3A_139 = arith.constant 16 : index
        %swap3A_140 = tpu.vector_load %arg14[%swap3A_138, %swap3A_139] {strides = array<i32>} : memref<40x128xf32, #tpu.memory_space<vmem>>, vector<16xf32>,
        tpu.vector_store %arg14[%swap3A_138, %swap3A_139], %max3A_137 {strides = array<i32>} : memref<40x128xf32, #tpu.memory_space<vmem>>, vector<16xf32>,
        %get3A_141 = arith.index_cast %add3A_118 : i32 to index
        %get3A_142 = arith.constant 32 : index
        %get3A_143 = tpu.vector_load %arg10[%get3A_141, %get3A_142] {strides = array<i32>} : memref<40x128xf32, #tpu.memory_space<vmem>>, vector<16xf32>,
        %get3A_144 = arith.index_cast %add3A_118 : i32 to index
        %get3A_145 = arith.constant 32 : index
        %get3A_146 = tpu.vector_load %arg12[%get3A_144, %get3A_145] {strides = array<i32>} : memref<40x128xf32, #tpu.memory_space<vmem>>, vector<16xf32>,
        %sub3A_147 = arith.subf %get3A_143, %get3A_146 : vector<16xf32>
        %max3A_148 = arith.constant 0.000000e+00 : f32
        %max3A_149 = vector.broadcast %max3A_148 : f32 to vector<16xf32>
        %max3A_150 = arith.maximumf %sub3A_147, %max3A_149 : vector<16xf32>
        %swap3A_151 = arith.index_cast %add3A_118 : i32 to index
        %swap3A_152 = arith.constant 32 : index
        %swap3A_153 = tpu.vector_load %arg14[%swap3A_151, %swap3A_152] {strides = array<i32>} : memref<40x128xf32, #tpu.memory_space<vmem>>, vector<16xf32>,
        tpu.vector_store %arg14[%swap3A_151, %swap3A_152], %max3A_150 {strides = array<i32>} : memref<40x128xf32, #tpu.memory_space<vmem>>, vector<16xf32>,
        %get3A_154 = arith.index_cast %add3A_118 : i32 to index
        %get3A_155 = arith.constant 48 : index
        %get3A_156 = tpu.vector_load %arg10[%get3A_154, %get3A_155] {strides = array<i32>} : memref<40x128xf32, #tpu.memory_space<vmem>>, vector<16xf32>,
        %get3A_157 = arith.index_cast %add3A_118 : i32 to index
        %get3A_158 = arith.constant 48 : index
        %get3A_159 = tpu.vector_load %arg12[%get3A_157, %get3A_158] {strides = array<i32>} : memref<40x128xf32, #tpu.memory_space<vmem>>, vector<16xf32>,
        %sub3A_160 = arith.subf %get3A_156, %get3A_159 : vector<16xf32>
        %max3A_161 = arith.constant 0.000000e+00 : f32
        %max3A_162 = vector.broadcast %max3A_161 : f32 to vector<16xf32>
        %max3A_163 = arith.maximumf %sub3A_160, %max3A_162 : vector<16xf32>
        %swap3A_164 = arith.index_cast %add3A_118 : i32 to index
        %swap3A_165 = arith.constant 48 : index
        %swap3A_166 = tpu.vector_load %arg14[%swap3A_164, %swap3A_165] {strides = array<i32>} : memref<40x128xf32, #tpu.memory_space<vmem>>, vector<16xf32>,
        tpu.vector_store %arg14[%swap3A_164, %swap3A_165], %max3A_163 {strides = array<i32>} : memref<40x128xf32, #tpu.memory_space<vmem>>, vector<16xf32>,
        %get3A_167 = arith.index_cast %add3A_118 : i32 to index
        %get3A_168 = arith.constant 64 : index
        %get3A_169 = tpu.vector_load %arg10[%get3A_167, %get3A_168] {strides = array<i32>} : memref<40x128xf32, #tpu.memory_space<vmem>>, vector<16xf32>,
        %get3A_170 = arith.index_cast %add3A_118 : i32 to index
        %get3A_171 = arith.constant 64 : index
        %get3A_172 = tpu.vector_load %arg12[%get3A_170, %get3A_171] {strides = array<i32>} : memref<40x128xf32, #tpu.memory_space<vmem>>, vector<16xf32>,
        %sub3A_173 = arith.subf %get3A_169, %get3A_172 : vector<16xf32>
        %max3A_174 = arith.constant 0.000000e+00 : f32
        %max3A_175 = vector.broadcast %max3A_174 : f32 to vector<16xf32>
        %max3A_176 = arith.maximumf %sub3A_173, %max3A_175 : vector<16xf32>
        %swap3A_177 = arith.index_cast %add3A_118 : i32 to index
        %swap3A_178 = arith.constant 64 : index
        %swap3A_179 = tpu.vector_load %arg14[%swap3A_177, %swap3A_178] {strides = array<i32>} : memref<40x128xf32, #tpu.memory_space<vmem>>, vector<16xf32>,
        tpu.vector_store %arg14[%swap3A_177, %swap3A_178], %max3A_176 {strides = array<i32>} : memref<40x128xf32, #tpu.memory_space<vmem>>, vector<16xf32>,
        %get3A_180 = arith.index_cast %add3A_118 : i32 to index
        %get3A_181 = arith.constant 80 : index
        %get3A_182 = tpu.vector_load %arg10[%get3A_180, %get3A_181] {strides = array<i32>} : memref<40x128xf32, #tpu.memory_space<vmem>>, vector<16xf32>,
        %get3A_183 = arith.index_cast %add3A_118 : i32 to index
        %get3A_184 = arith.constant 80 : index
        %get3A_185 = tpu.vector_load %arg12[%get3A_183, %get3A_184] {strides = array<i32>} : memref<40x128xf32, #tpu.memory_space<vmem>>, vector<16xf32>,
        %sub3A_186 = arith.subf %get3A_182, %get3A_185 : vector<16xf32>
        %max3A_187 = arith.constant 0.000000e+00 : f32
        %max3A_188 = vector.broadcast %max3A_187 : f32 to vector<16xf32>
        %max3A_189 = arith.maximumf %sub3A_186, %max3A_188 : vector<16xf32>
        %swap3A_190 = arith.index_cast %add3A_118 : i32 to index
        %swap3A_191 = arith.constant 80 : index
        %swap3A_192 = tpu.vector_load %arg14[%swap3A_190, %swap3A_191] {strides = array<i32>} : memref<40x128xf32, #tpu.memory_space<vmem>>, vector<16xf32>,
        tpu.vector_store %arg14[%swap3A_190, %swap3A_191], %max3A_189 {strides = array<i32>} : memref<40x128xf32, #tpu.memory_space<vmem>>, vector<16xf32>,
        %get3A_193 = arith.index_cast %add3A_118 : i32 to index
        %get3A_194 = arith.constant 96 : index
        %get3A_195 = tpu.vector_load %arg10[%get3A_193, %get3A_194] {strides = array<i32>} : memref<40x128xf32, #tpu.memory_space<vmem>>, vector<16xf32>,
        %get3A_196 = arith.index_cast %add3A_118 : i32 to index
        %get3A_197 = arith.constant 96 : index
        %get3A_198 = tpu.vector_load %arg12[%get3A_196, %get3A_197] {strides = array<i32>} : memref<40x128xf32, #tpu.memory_space<vmem>>, vector<16xf32>,
        %sub3A_199 = arith.subf %get3A_195, %get3A_198 : vector<16xf32>
        %max3A_200 = arith.constant 0.000000e+00 : f32
        %max3A_201 = vector.broadcast %max3A_200 : f32 to vector<16xf32>
        %max3A_202 = arith.maximumf %sub3A_199, %max3A_201 : vector<16xf32>
        %swap3A_203 = arith.index_cast %add3A_118 : i32 to index
        %swap3A_204 = arith.constant 96 : index
        %swap3A_205 = tpu.vector_load %arg14[%swap3A_203, %swap3A_204] {strides = array<i32>} : memref<40x128xf32, #tpu.memory_space<vmem>>, vector<16xf32>,
        tpu.vector_store %arg14[%swap3A_203, %swap3A_204], %max3A_202 {strides = array<i32>} : memref<40x128xf32, #tpu.memory_space<vmem>>, vector<16xf32>,
        %get3A_206 = arith.index_cast %add3A_118 : i32 to index
        %get3A_207 = arith.constant 112 : index
        %get3A_208 = tpu.vector_load %arg10[%get3A_206, %get3A_207] {strides = array<i32>} : memref<40x128xf32, #tpu.memory_space<vmem>>, vector<16xf32>,
        %get3A_209 = arith.index_cast %add3A_118 : i32 to index
        %get3A_210 = arith.constant 112 : index
        %get3A_211 = tpu.vector_load %arg12[%get3A_209, %get3A_210] {strides = array<i32>} : memref<40x128xf32, #tpu.memory_space<vmem>>, vector<16xf32>,
        %sub3A_212 = arith.subf %get3A_208, %get3A_211 : vector<16xf32>
        %max3A_213 = arith.constant 0.000000e+00 : f32
        %max3A_214 = vector.broadcast %max3A_213 : f32 to vector<16xf32>
        %max3A_215 = arith.maximumf %sub3A_212, %max3A_214 : vector<16xf32>
        %swap3A_216 = arith.index_cast %add3A_118 : i32 to index
        %swap3A_217 = arith.constant 112 : index
        %swap3A_218 = tpu.vector_load %arg14[%swap3A_216, %swap3A_217] {strides = array<i32>} : memref<40x128xf32, #tpu.memory_space<vmem>>, vector<16xf32>,
        tpu.vector_store %arg14[%swap3A_216, %swap3A_217], %max3A_215 {strides = array<i32>} : memref<40x128xf32, #tpu.memory_space<vmem>>, vector<16xf32>,
      }
      %scan3A_99 = arith.constant 40 : i32
      %add3A_100 = arith.constant 2 : i32
      %add3A_101 = arith.addi %add3A_77, %add3A_100 : i32
      %lt3A_102 = arith.constant 250 : i32
      %lt3A_103 = arith.cmpi slt, %add3A_101, %lt3A_102 : i32
      %convert_element_type3A_104 = arith.extui %lt3A_103 : i1 to i32
      %cond3A_105 = arith.constant 0 : i32
      %cond3A_106 = arith.cmpi ne, %convert_element_type3A_104, %cond3A_105 : i32
      scf.if %cond3A_106 {
        %add3A_114 = arith.constant 2 : i32
        %add3A_115 = arith.addi %add3A_77, %add3A_114 : i32
        %mul3A_116 = arith.constant 40 : i32
        %mul3A_117 = arith.muli %add3A_115, %mul3A_116 : i32
        %dma_start3A_118 = tpu.memref_slice %arg7[%mul3A_117] : memref<10000xi32, #tpu.memory_space<vmem>> -> memref<40xi32, #tpu.memory_space<vmem>>
        %dma_start3A_119 = arith.constant 0 : i32
        %dma_start3A_120 = arith.constant 0 : i32
        %dma_start3A_121 = tpu.memref_slice %arg2[%dma_start3A_119, %dma_start3A_120] : memref<10240x128xf32, #tpu.memory_space<hbm>> -> memref<10240x128xf32, #tpu.memory_space<hbm>>
        tpu.enqueue_indirect_dma source(%dma_start3A_121 : memref<10240x128xf32, #tpu.memory_space<hbm>>) target(%arg10 : memref<40x128xf32, #tpu.memory_space<vmem>>) offsets(%dma_start3A_118 : memref<40xi32, #tpu.memory_space<vmem>>) semaphore(%arg16 : memref<!tpu.dma_semaphore, #tpu.memory_space<semaphore_mem>>)
        %dma_start3A_122 = tpu.memref_slice %arg8[%mul3A_117] : memref<10000xi32, #tpu.memory_space<vmem>> -> memref<40xi32, #tpu.memory_space<vmem>>
        %dma_start3A_123 = arith.constant 0 : i32
        %dma_start3A_124 = arith.constant 0 : i32
        %dma_start3A_125 = tpu.memref_slice %arg3[%dma_start3A_123, %dma_start3A_124] : memref<10240x128xf32, #tpu.memory_space<hbm>> -> memref<10240x128xf32, #tpu.memory_space<hbm>>
        tpu.enqueue_indirect_dma source(%dma_start3A_125 : memref<10240x128xf32, #tpu.memory_space<hbm>>) target(%arg12 : memref<40x128xf32, #tpu.memory_space<vmem>>) offsets(%dma_start3A_122 : memref<40xi32, #tpu.memory_space<vmem>>) semaphore(%arg16 : memref<!tpu.dma_semaphore, #tpu.memory_space<semaphore_mem>>)
      } else {
      }
      %mul3A_107 = arith.constant 40 : i32
      %mul3A_108 = arith.muli %add3A_77, %mul3A_107 : i32
      %add3A_109 = arith.addi %mul3A_2, %mul3A_108 : i32
      %dma_start3A_110 = arith.constant 0 : i32
      %dma_start3A_111 = tpu.memref_slice %arg6[%add3A_109, %dma_start3A_110] : memref<320000x128xf32, #tpu.memory_space<hbm>> -> memref<40x128xf32, #tpu.memory_space<hbm>>
      %dma_start3A_112 = arith.constant 0 : i32
      %dma_start3A_113 = tpu.memref_slice %arg6[%add3A_109, %dma_start3A_112] : memref<320000x128xf32, #tpu.memory_space<hbm>> -> memref<40x128xf32, #tpu.memory_space<hbm>>
      tpu.enqueue_dma source(%arg14 : memref<40x128xf32, #tpu.memory_space<vmem>>) target(%dma_start3A_113 : memref<40x128xf32, #tpu.memory_space<hbm>>) target_semaphore(%arg18 : memref<!tpu.dma_semaphore, #tpu.memory_space<semaphore_mem>>)
    }
    %scan3A_25 = arith.constant 125 : i32
    %dma_wait3A = arith.constant 0 : i32
    %dma_wait3A_26 = tpu.memref_slice %arg6[%mul3A_2, %dma_wait3A] : memref<320000x128xf32, #tpu.memory_space<hbm>> -> memref<40x128xf32, #tpu.memory_space<hbm>>
    %dma_wait3A_27 = arith.constant 0 : i32
    %dma_wait3A_28 = tpu.memref_slice %arg6[%mul3A_2, %dma_wait3A_27] : memref<320000x128xf32, #tpu.memory_space<hbm>> -> memref<40x128xf32, #tpu.memory_space<hbm>>
    tpu.wait_dma2 semaphore(%arg17 : memref<!tpu.dma_semaphore, #tpu.memory_space<semaphore_mem>>) src(%arg13 : memref<40x128xf32, #tpu.memory_space<vmem>>) dst(%dma_wait3A_28 : memref<40x128xf32, #tpu.memory_space<hbm>>)
    %dma_wait3A_29 = arith.constant 0 : i32
    %dma_wait3A_30 = tpu.memref_slice %arg6[%mul3A_2, %dma_wait3A_29] : memref<320000x128xf32, #tpu.memory_space<hbm>> -> memref<40x128xf32, #tpu.memory_space<hbm>>
    %dma_wait3A_31 = arith.constant 0 : i32
    %dma_wait3A_32 = tpu.memref_slice %arg6[%mul3A_2, %dma_wait3A_31] : memref<320000x128xf32, #tpu.memory_space<hbm>> -> memref<40x128xf32, #tpu.memory_space<hbm>>
    tpu.wait_dma2 semaphore(%arg18 : memref<!tpu.dma_semaphore, #tpu.memory_space<semaphore_mem>>) src(%arg14 : memref<40x128xf32, #tpu.memory_space<vmem>>) dst(%dma_wait3A_32 : memref<40x128xf32, #tpu.memory_space<hbm>>)
    return
  }
}

#map = affine_map<(d0, d1) -> (0, 0)>
#map1 = affine_map<(d0, d1) -> (0)>
module attributes {stable_mosaic.version = 14 : i64} {
  func.func @k(%arg0: i32, %arg1: i32, %arg2: memref<10240x128xf32, #tpu.memory_space<hbm>>, %arg3: memref<10240x128xf32, #tpu.memory_space<hbm>>, %arg4: memref<320000xi32, #tpu.memory_space<hbm>>, %arg5: memref<320000xi32, #tpu.memory_space<hbm>>, %arg6: memref<320000x128xf32, #tpu.memory_space<hbm>>, %arg7: memref<10000xi32, #tpu.memory_space<vmem>>, %arg8: memref<10000xi32, #tpu.memory_space<vmem>>, %arg9: memref<40x128xf32, #tpu.memory_space<vmem>>, %arg10: memref<40x128xf32, #tpu.memory_space<vmem>>, %arg11: memref<40x128xf32, #tpu.memory_space<vmem>>, %arg12: memref<40x128xf32, #tpu.memory_space<vmem>>, %arg13: memref<40x128xf32, #tpu.memory_space<vmem>>, %arg14: memref<40x128xf32, #tpu.memory_space<vmem>>, %arg15: memref<!tpu.dma_semaphore, #tpu.memory_space<semaphore_mem>>, %arg16: memref<!tpu.dma_semaphore, #tpu.memory_space<semaphore_mem>>, %arg17: memref<!tpu.dma_semaphore, #tpu.memory_space<semaphore_mem>>, %arg18: memref<!tpu.dma_semaphore, #tpu.memory_space<semaphore_mem>>) attributes {dimension_semantics = [#tpu.dimension_semantics<core_parallel>, #tpu.dimension_semantics<subcore_parallel>], iteration_bounds = array<i64: 2, 16>, scalar_prefetch = 0 : i64, scratch_operands = 12 : i64, tpu.core_type = #tpu.core_type<sc_vector_subcore>, window_params = [{transform_indices = #map}, {transform_indices = #map}, {transform_indices = #map1}, {transform_indices = #map1}, {transform_indices = #map}]} {
    %mul3A = arith.constant 2 : i32
    %mul3A_0 = arith.muli %arg1, %mul3A : i32
    %add3A = arith.addi %mul3A_0, %arg0 : i32
    %mul3A_1 = arith.constant 10000 : i32
    %mul3A_2 = arith.muli %add3A, %mul3A_1 : i32
    "tpu.region"() ({
      %run_scoped3A = tpu.sem_alloc : memref<!tpu.dma_semaphore, #tpu.memory_space<semaphore_mem>>
      %dma_start3A_33 = tpu.memref_slice %arg4[%mul3A_2] : memref<320000xi32, #tpu.memory_space<hbm>> -> memref<10000xi32, #tpu.memory_space<hbm>>
      %dma_start3A_34 = tpu.memref_slice %arg4[%mul3A_2] : memref<320000xi32, #tpu.memory_space<hbm>> -> memref<10000xi32, #tpu.memory_space<hbm>>
      tpu.enqueue_dma source(%dma_start3A_34 : memref<10000xi32, #tpu.memory_space<hbm>>) target(%arg7 : memref<10000xi32, #tpu.memory_space<vmem>>) target_semaphore(%run_scoped3A : memref<!tpu.dma_semaphore, #tpu.memory_space<semaphore_mem>>)
      %dma_wait3A_35 = tpu.memref_slice %arg4[%mul3A_2] : memref<320000xi32, #tpu.memory_space<hbm>> -> memref<10000xi32, #tpu.memory_space<hbm>>
      %dma_wait3A_36 = tpu.memref_slice %arg4[%mul3A_2] : memref<320000xi32, #tpu.memory_space<hbm>> -> memref<10000xi32, #tpu.memory_space<hbm>>
      tpu.wait_dma2 semaphore(%run_scoped3A : memref<!tpu.dma_semaphore, #tpu.memory_space<semaphore_mem>>) src(%dma_wait3A_36 : memref<10000xi32, #tpu.memory_space<hbm>>) dst(%arg7 : memref<10000xi32, #tpu.memory_space<vmem>>)
      tpu.yield
    }) : () -> ()
    "tpu.region"() ({
      %run_scoped3A = tpu.sem_alloc : memref<!tpu.dma_semaphore, #tpu.memory_space<semaphore_mem>>
      %dma_start3A_33 = tpu.memref_slice %arg5[%mul3A_2] : memref<320000xi32, #tpu.memory_space<hbm>> -> memref<10000xi32, #tpu.memory_space<hbm>>
      %dma_start3A_34 = tpu.memref_slice %arg5[%mul3A_2] : memref<320000xi32, #tpu.memory_space<hbm>> -> memref<10000xi32, #tpu.memory_space<hbm>>
      tpu.enqueue_dma source(%dma_start3A_34 : memref<10000xi32, #tpu.memory_space<hbm>>) target(%arg8 : memref<10000xi32, #tpu.memory_space<vmem>>) target_semaphore(%run_scoped3A : memref<!tpu.dma_semaphore, #tpu.memory_space<semaphore_mem>>)
      %dma_wait3A_35 = tpu.memref_slice %arg5[%mul3A_2] : memref<320000xi32, #tpu.memory_space<hbm>> -> memref<10000xi32, #tpu.memory_space<hbm>>
      %dma_wait3A_36 = tpu.memref_slice %arg5[%mul3A_2] : memref<320000xi32, #tpu.memory_space<hbm>> -> memref<10000xi32, #tpu.memory_space<hbm>>
      tpu.wait_dma2 semaphore(%run_scoped3A : memref<!tpu.dma_semaphore, #tpu.memory_space<semaphore_mem>>) src(%dma_wait3A_36 : memref<10000xi32, #tpu.memory_space<hbm>>) dst(%arg8 : memref<10000xi32, #tpu.memory_space<vmem>>)
      tpu.yield
    }) : () -> ()
    %dma_start3A = arith.constant 0 : i32
    %dma_start3A_3 = tpu.memref_slice %arg7[%dma_start3A] : memref<10000xi32, #tpu.memory_space<vmem>> -> memref<40xi32, #tpu.memory_space<vmem>>
    %dma_start3A_4 = arith.constant 0 : i32
    %dma_start3A_5 = arith.constant 0 : i32
    %dma_start3A_6 = tpu.memref_slice %arg2[%dma_start3A_4, %dma_start3A_5] : memref<10240x128xf32, #tpu.memory_space<hbm>> -> memref<10240x128xf32, #tpu.memory_space<hbm>>
    tpu.enqueue_indirect_dma source(%dma_start3A_6 : memref<10240x128xf32, #tpu.memory_space<hbm>>) target(%arg9 : memref<40x128xf32, #tpu.memory_space<vmem>>) offsets(%dma_start3A_3 : memref<40xi32, #tpu.memory_space<vmem>>) semaphore(%arg15 : memref<!tpu.dma_semaphore, #tpu.memory_space<semaphore_mem>>)
    %dma_start3A_7 = arith.constant 0 : i32
    %dma_start3A_8 = tpu.memref_slice %arg8[%dma_start3A_7] : memref<10000xi32, #tpu.memory_space<vmem>> -> memref<40xi32, #tpu.memory_space<vmem>>
    %dma_start3A_9 = arith.constant 0 : i32
    %dma_start3A_10 = arith.constant 0 : i32
    %dma_start3A_11 = tpu.memref_slice %arg3[%dma_start3A_9, %dma_start3A_10] : memref<10240x128xf32, #tpu.memory_space<hbm>> -> memref<10240x128xf32, #tpu.memory_space<hbm>>
    tpu.enqueue_indirect_dma source(%dma_start3A_11 : memref<10240x128xf32, #tpu.memory_space<hbm>>) target(%arg11 : memref<40x128xf32, #tpu.memory_space<vmem>>) offsets(%dma_start3A_8 : memref<40xi32, #tpu.memory_space<vmem>>) semaphore(%arg15 : memref<!tpu.dma_semaphore, #tpu.memory_space<semaphore_mem>>)
    %dma_start3A_12 = arith.constant 40 : i32
    %dma_start3A_13 = tpu.memref_slice %arg7[%dma_start3A_12] : memref<10000xi32, #tpu.memory_space<vmem>> -> memref<40xi32, #tpu.memory_space<vmem>>
    %dma_start3A_14 = arith.constant 0 : i32
    %dma_start3A_15 = arith.constant 0 : i32
    %dma_start3A_16 = tpu.memref_slice %arg2[%dma_start3A_14, %dma_start3A_15] : memref<10240x128xf32, #tpu.memory_space<hbm>> -> memref<10240x128xf32, #tpu.memory_space<hbm>>
    tpu.enqueue_indirect_dma source(%dma_start3A_16 : memref<10240x128xf32, #tpu.memory_space<hbm>>) target(%arg10 : memref<40x128xf32, #tpu.memory_space<vmem>>) offsets(%dma_start3A_13 : memref<40xi32, #tpu.memory_space<vmem>>) semaphore(%arg16 : memref<!tpu.dma_semaphore, #tpu.memory_space<semaphore_mem>>)
    %dma_start3A_17 = arith.constant 40 : i32
    %dma_start3A_18 = tpu.memref_slice %arg8[%dma_start3A_17] : memref<10000xi32, #tpu.memory_space<vmem>> -> memref<40xi32, #tpu.memory_space<vmem>>
    %dma_start3A_19 = arith.constant 0 : i32
    %dma_start3A_20 = arith.constant 0 : i32
    %dma_start3A_21 = tpu.memref_slice %arg3[%dma_start3A_19, %dma_start3A_20] : memref<10240x128xf32, #tpu.memory_space<hbm>> -> memref<10240x128xf32, #tpu.memory_space<hbm>>
    tpu.enqueue_indirect_dma source(%dma_start3A_21 : memref<10240x128xf32, #tpu.memory_space<hbm>>) target(%arg12 : memref<40x128xf32, #tpu.memory_space<vmem>>) offsets(%dma_start3A_18 : memref<40xi32, #tpu.memory_space<vmem>>) semaphore(%arg16 : memref<!tpu.dma_semaphore, #tpu.memory_space<semaphore_mem>>)
    %scan3A = arith.constant 0 : i32
    %scan3A_22 = arith.constant 125 : i32
    %scan3A_23 = arith.addi %scan3A, %scan3A_22 : i32
    %scan3A_24 = arith.constant 1 : i32
    scf.for %scan3A_33 = %scan3A to %scan3A_23 step %scan3A_24  : i32 {
      %mul3A_34 = arith.constant 1 : i32
      %mul3A_35 = arith.muli %scan3A_33, %mul3A_34 : i32
      %add3A_36 = arith.constant 0 : i32
      %add3A_37 = arith.addi %add3A_36, %mul3A_35 : i32
      %mul3A_38 = arith.constant 2 : i32
      %mul3A_39 = arith.muli %mul3A_38, %add3A_37 : i32
      %add3A_40 = arith.constant 0 : i32
      %add3A_41 = arith.addi %mul3A_39, %add3A_40 : i32
      %dma_wait3A_42 = arith.constant 0 : i32
      %dma_wait3A_43 = arith.constant 0 : i32
      %dma_wait3A_44 = tpu.memref_slice %arg2[%dma_wait3A_42, %dma_wait3A_43] : memref<10240x128xf32, #tpu.memory_space<hbm>> -> memref<40x128xf32, #tpu.memory_space<hbm>>
      %dma_wait3A_45 = arith.constant 0 : i32
      %dma_wait3A_46 = arith.constant 0 : i32
      %dma_wait3A_47 = tpu.memref_slice %arg2[%dma_wait3A_45, %dma_wait3A_46] : memref<10240x128xf32, #tpu.memory_space<hbm>> -> memref<40x128xf32, #tpu.memory_space<hbm>>
      tpu.wait_dma2 semaphore(%arg15 : memref<!tpu.dma_semaphore, #tpu.memory_space<semaphore_mem>>) src(%dma_wait3A_47 : memref<40x128xf32, #tpu.memory_space<hbm>>) dst(%arg9 : memref<40x128xf32, #tpu.memory_space<vmem>>)
      %dma_wait3A_48 = arith.constant 0 : i32
      %dma_wait3A_49 = arith.constant 0 : i32
      %dma_wait3A_50 = tpu.memref_slice %arg3[%dma_wait3A_48, %dma_wait3A_49] : memref<10240x128xf32, #tpu.memory_space<hbm>> -> memref<40x128xf32, #tpu.memory_space<hbm>>
      %dma_wait3A_51 = arith.constant 0 : i32
      %dma_wait3A_52 = arith.constant 0 : i32
      %dma_wait3A_53 = tpu.memref_slice %arg3[%dma_wait3A_51, %dma_wait3A_52] : memref<10240x128xf32, #tpu.memory_space<hbm>> -> memref<40x128xf32, #tpu.memory_space<hbm>>
      tpu.wait_dma2 semaphore(%arg15 : memref<!tpu.dma_semaphore, #tpu.memory_space<semaphore_mem>>) src(%dma_wait3A_53 : memref<40x128xf32, #tpu.memory_space<hbm>>) dst(%arg11 : memref<40x128xf32, #tpu.memory_space<vmem>>)
      %gt3A = arith.constant 0 : i32
      %gt3A_54 = arith.cmpi sgt, %add3A_37, %gt3A : i32
      %convert_element_type3A = arith.extui %gt3A_54 : i1 to i32
      %cond3A = arith.constant 0 : i32
      %cond3A_55 = arith.cmpi ne, %convert_element_type3A, %cond3A : i32
      scf.if %cond3A_55 {
        %dma_wait3A_114 = arith.constant 0 : i32
        %dma_wait3A_115 = tpu.memref_slice %arg6[%mul3A_2, %dma_wait3A_114] : memref<320000x128xf32, #tpu.memory_space<hbm>> -> memref<40x128xf32, #tpu.memory_space<hbm>>
        %dma_wait3A_116 = arith.constant 0 : i32
        %dma_wait3A_117 = tpu.memref_slice %arg6[%mul3A_2, %dma_wait3A_116] : memref<320000x128xf32, #tpu.memory_space<hbm>> -> memref<40x128xf32, #tpu.memory_space<hbm>>
        tpu.wait_dma2 semaphore(%arg17 : memref<!tpu.dma_semaphore, #tpu.memory_space<semaphore_mem>>) src(%arg13 : memref<40x128xf32, #tpu.memory_space<vmem>>) dst(%dma_wait3A_117 : memref<40x128xf32, #tpu.memory_space<hbm>>)
      } else {
      }
      %scan3A_56 = arith.constant 0 : i32
      %scan3A_57 = arith.constant 40 : i32
      %scan3A_58 = arith.addi %scan3A_56, %scan3A_57 : i32
      %scan3A_59 = arith.constant 1 : i32
      scf.for %scan3A_114 = %scan3A_56 to %scan3A_58 step %scan3A_59  : i32 {
        %mul3A_115 = arith.constant 1 : i32
        %mul3A_116 = arith.muli %scan3A_114, %mul3A_115 : i32
        %add3A_117 = arith.constant 0 : i32
        %add3A_118 = arith.addi %add3A_117, %mul3A_116 : i32
        %get3A = arith.index_cast %add3A_118 : i32 to index
        %get3A_119 = arith.constant 0 : index
        %get3A_120 = tpu.vector_load %arg9[%get3A, %get3A_119] {strides = array<i32>} : memref<40x128xf32, #tpu.memory_space<vmem>>, vector<16xf32>,
        %get3A_121 = arith.index_cast %add3A_118 : i32 to index
        %get3A_122 = arith.constant 0 : index
        %get3A_123 = tpu.vector_load %arg11[%get3A_121, %get3A_122] {strides = array<i32>} : memref<40x128xf32, #tpu.memory_space<vmem>>, vector<16xf32>,
        %sub3A = arith.subf %get3A_120, %get3A_123 : vector<16xf32>
        %max3A = arith.constant 0.000000e+00 : f32
        %max3A_124 = vector.broadcast %max3A : f32 to vector<16xf32>
        %max3A_125 = arith.maximumf %sub3A, %max3A_124 : vector<16xf32>
        %swap3A = arith.index_cast %add3A_118 : i32 to index
        %swap3A_126 = arith.constant 0 : index
        %swap3A_127 = tpu.vector_load %arg13[%swap3A, %swap3A_126] {strides = array<i32>} : memref<40x128xf32, #tpu.memory_space<vmem>>, vector<16xf32>,
        tpu.vector_store %arg13[%swap3A, %swap3A_126], %max3A_125 {strides = array<i32>} : memref<40x128xf32, #tpu.memory_space<vmem>>, vector<16xf32>,
        %get3A_128 = arith.index_cast %add3A_118 : i32 to index
        %get3A_129 = arith.constant 16 : index
        %get3A_130 = tpu.vector_load %arg9[%get3A_128, %get3A_129] {strides = array<i32>} : memref<40x128xf32, #tpu.memory_space<vmem>>, vector<16xf32>,
        %get3A_131 = arith.index_cast %add3A_118 : i32 to index
        %get3A_132 = arith.constant 16 : index
        %get3A_133 = tpu.vector_load %arg11[%get3A_131, %get3A_132] {strides = array<i32>} : memref<40x128xf32, #tpu.memory_space<vmem>>, vector<16xf32>,
        %sub3A_134 = arith.subf %get3A_130, %get3A_133 : vector<16xf32>
        %max3A_135 = arith.constant 0.000000e+00 : f32
        %max3A_136 = vector.broadcast %max3A_135 : f32 to vector<16xf32>
        %max3A_137 = arith.maximumf %sub3A_134, %max3A_136 : vector<16xf32>
        %swap3A_138 = arith.index_cast %add3A_118 : i32 to index
        %swap3A_139 = arith.constant 16 : index
        %swap3A_140 = tpu.vector_load %arg13[%swap3A_138, %swap3A_139] {strides = array<i32>} : memref<40x128xf32, #tpu.memory_space<vmem>>, vector<16xf32>,
        tpu.vector_store %arg13[%swap3A_138, %swap3A_139], %max3A_137 {strides = array<i32>} : memref<40x128xf32, #tpu.memory_space<vmem>>, vector<16xf32>,
        %get3A_141 = arith.index_cast %add3A_118 : i32 to index
        %get3A_142 = arith.constant 32 : index
        %get3A_143 = tpu.vector_load %arg9[%get3A_141, %get3A_142] {strides = array<i32>} : memref<40x128xf32, #tpu.memory_space<vmem>>, vector<16xf32>,
        %get3A_144 = arith.index_cast %add3A_118 : i32 to index
        %get3A_145 = arith.constant 32 : index
        %get3A_146 = tpu.vector_load %arg11[%get3A_144, %get3A_145] {strides = array<i32>} : memref<40x128xf32, #tpu.memory_space<vmem>>, vector<16xf32>,
        %sub3A_147 = arith.subf %get3A_143, %get3A_146 : vector<16xf32>
        %max3A_148 = arith.constant 0.000000e+00 : f32
        %max3A_149 = vector.broadcast %max3A_148 : f32 to vector<16xf32>
        %max3A_150 = arith.maximumf %sub3A_147, %max3A_149 : vector<16xf32>
        %swap3A_151 = arith.index_cast %add3A_118 : i32 to index
        %swap3A_152 = arith.constant 32 : index
        %swap3A_153 = tpu.vector_load %arg13[%swap3A_151, %swap3A_152] {strides = array<i32>} : memref<40x128xf32, #tpu.memory_space<vmem>>, vector<16xf32>,
        tpu.vector_store %arg13[%swap3A_151, %swap3A_152], %max3A_150 {strides = array<i32>} : memref<40x128xf32, #tpu.memory_space<vmem>>, vector<16xf32>,
        %get3A_154 = arith.index_cast %add3A_118 : i32 to index
        %get3A_155 = arith.constant 48 : index
        %get3A_156 = tpu.vector_load %arg9[%get3A_154, %get3A_155] {strides = array<i32>} : memref<40x128xf32, #tpu.memory_space<vmem>>, vector<16xf32>,
        %get3A_157 = arith.index_cast %add3A_118 : i32 to index
        %get3A_158 = arith.constant 48 : index
        %get3A_159 = tpu.vector_load %arg11[%get3A_157, %get3A_158] {strides = array<i32>} : memref<40x128xf32, #tpu.memory_space<vmem>>, vector<16xf32>,
        %sub3A_160 = arith.subf %get3A_156, %get3A_159 : vector<16xf32>
        %max3A_161 = arith.constant 0.000000e+00 : f32
        %max3A_162 = vector.broadcast %max3A_161 : f32 to vector<16xf32>
        %max3A_163 = arith.maximumf %sub3A_160, %max3A_162 : vector<16xf32>
        %swap3A_164 = arith.index_cast %add3A_118 : i32 to index
        %swap3A_165 = arith.constant 48 : index
        %swap3A_166 = tpu.vector_load %arg13[%swap3A_164, %swap3A_165] {strides = array<i32>} : memref<40x128xf32, #tpu.memory_space<vmem>>, vector<16xf32>,
        tpu.vector_store %arg13[%swap3A_164, %swap3A_165], %max3A_163 {strides = array<i32>} : memref<40x128xf32, #tpu.memory_space<vmem>>, vector<16xf32>,
        %get3A_167 = arith.index_cast %add3A_118 : i32 to index
        %get3A_168 = arith.constant 64 : index
        %get3A_169 = tpu.vector_load %arg9[%get3A_167, %get3A_168] {strides = array<i32>} : memref<40x128xf32, #tpu.memory_space<vmem>>, vector<16xf32>,
        %get3A_170 = arith.index_cast %add3A_118 : i32 to index
        %get3A_171 = arith.constant 64 : index
        %get3A_172 = tpu.vector_load %arg11[%get3A_170, %get3A_171] {strides = array<i32>} : memref<40x128xf32, #tpu.memory_space<vmem>>, vector<16xf32>,
        %sub3A_173 = arith.subf %get3A_169, %get3A_172 : vector<16xf32>
        %max3A_174 = arith.constant 0.000000e+00 : f32
        %max3A_175 = vector.broadcast %max3A_174 : f32 to vector<16xf32>
        %max3A_176 = arith.maximumf %sub3A_173, %max3A_175 : vector<16xf32>
        %swap3A_177 = arith.index_cast %add3A_118 : i32 to index
        %swap3A_178 = arith.constant 64 : index
        %swap3A_179 = tpu.vector_load %arg13[%swap3A_177, %swap3A_178] {strides = array<i32>} : memref<40x128xf32, #tpu.memory_space<vmem>>, vector<16xf32>,
        tpu.vector_store %arg13[%swap3A_177, %swap3A_178], %max3A_176 {strides = array<i32>} : memref<40x128xf32, #tpu.memory_space<vmem>>, vector<16xf32>,
        %get3A_180 = arith.index_cast %add3A_118 : i32 to index
        %get3A_181 = arith.constant 80 : index
        %get3A_182 = tpu.vector_load %arg9[%get3A_180, %get3A_181] {strides = array<i32>} : memref<40x128xf32, #tpu.memory_space<vmem>>, vector<16xf32>,
        %get3A_183 = arith.index_cast %add3A_118 : i32 to index
        %get3A_184 = arith.constant 80 : index
        %get3A_185 = tpu.vector_load %arg11[%get3A_183, %get3A_184] {strides = array<i32>} : memref<40x128xf32, #tpu.memory_space<vmem>>, vector<16xf32>,
        %sub3A_186 = arith.subf %get3A_182, %get3A_185 : vector<16xf32>
        %max3A_187 = arith.constant 0.000000e+00 : f32
        %max3A_188 = vector.broadcast %max3A_187 : f32 to vector<16xf32>
        %max3A_189 = arith.maximumf %sub3A_186, %max3A_188 : vector<16xf32>
        %swap3A_190 = arith.index_cast %add3A_118 : i32 to index
        %swap3A_191 = arith.constant 80 : index
        %swap3A_192 = tpu.vector_load %arg13[%swap3A_190, %swap3A_191] {strides = array<i32>} : memref<40x128xf32, #tpu.memory_space<vmem>>, vector<16xf32>,
        tpu.vector_store %arg13[%swap3A_190, %swap3A_191], %max3A_189 {strides = array<i32>} : memref<40x128xf32, #tpu.memory_space<vmem>>, vector<16xf32>,
        %get3A_193 = arith.index_cast %add3A_118 : i32 to index
        %get3A_194 = arith.constant 96 : index
        %get3A_195 = tpu.vector_load %arg9[%get3A_193, %get3A_194] {strides = array<i32>} : memref<40x128xf32, #tpu.memory_space<vmem>>, vector<16xf32>,
        %get3A_196 = arith.index_cast %add3A_118 : i32 to index
        %get3A_197 = arith.constant 96 : index
        %get3A_198 = tpu.vector_load %arg11[%get3A_196, %get3A_197] {strides = array<i32>} : memref<40x128xf32, #tpu.memory_space<vmem>>, vector<16xf32>,
        %sub3A_199 = arith.subf %get3A_195, %get3A_198 : vector<16xf32>
        %max3A_200 = arith.constant 0.000000e+00 : f32
        %max3A_201 = vector.broadcast %max3A_200 : f32 to vector<16xf32>
        %max3A_202 = arith.maximumf %sub3A_199, %max3A_201 : vector<16xf32>
        %swap3A_203 = arith.index_cast %add3A_118 : i32 to index
        %swap3A_204 = arith.constant 96 : index
        %swap3A_205 = tpu.vector_load %arg13[%swap3A_203, %swap3A_204] {strides = array<i32>} : memref<40x128xf32, #tpu.memory_space<vmem>>, vector<16xf32>,
        tpu.vector_store %arg13[%swap3A_203, %swap3A_204], %max3A_202 {strides = array<i32>} : memref<40x128xf32, #tpu.memory_space<vmem>>, vector<16xf32>,
        %get3A_206 = arith.index_cast %add3A_118 : i32 to index
        %get3A_207 = arith.constant 112 : index
        %get3A_208 = tpu.vector_load %arg9[%get3A_206, %get3A_207] {strides = array<i32>} : memref<40x128xf32, #tpu.memory_space<vmem>>, vector<16xf32>,
        %get3A_209 = arith.index_cast %add3A_118 : i32 to index
        %get3A_210 = arith.constant 112 : index
        %get3A_211 = tpu.vector_load %arg11[%get3A_209, %get3A_210] {strides = array<i32>} : memref<40x128xf32, #tpu.memory_space<vmem>>, vector<16xf32>,
        %sub3A_212 = arith.subf %get3A_208, %get3A_211 : vector<16xf32>
        %max3A_213 = arith.constant 0.000000e+00 : f32
        %max3A_214 = vector.broadcast %max3A_213 : f32 to vector<16xf32>
        %max3A_215 = arith.maximumf %sub3A_212, %max3A_214 : vector<16xf32>
        %swap3A_216 = arith.index_cast %add3A_118 : i32 to index
        %swap3A_217 = arith.constant 112 : index
        %swap3A_218 = tpu.vector_load %arg13[%swap3A_216, %swap3A_217] {strides = array<i32>} : memref<40x128xf32, #tpu.memory_space<vmem>>, vector<16xf32>,
        tpu.vector_store %arg13[%swap3A_216, %swap3A_217], %max3A_215 {strides = array<i32>} : memref<40x128xf32, #tpu.memory_space<vmem>>, vector<16xf32>,
      }
      %scan3A_60 = arith.constant 40 : i32
      %add3A_61 = arith.constant 2 : i32
      %add3A_62 = arith.addi %add3A_41, %add3A_61 : i32
      %lt3A = arith.constant 250 : i32
      %lt3A_63 = arith.cmpi slt, %add3A_62, %lt3A : i32
      %convert_element_type3A_64 = arith.extui %lt3A_63 : i1 to i32
      %cond3A_65 = arith.constant 0 : i32
      %cond3A_66 = arith.cmpi ne, %convert_element_type3A_64, %cond3A_65 : i32
      scf.if %cond3A_66 {
        %add3A_114 = arith.constant 2 : i32
        %add3A_115 = arith.addi %add3A_41, %add3A_114 : i32
        %mul3A_116 = arith.constant 40 : i32
        %mul3A_117 = arith.muli %add3A_115, %mul3A_116 : i32
        %dma_start3A_118 = tpu.memref_slice %arg7[%mul3A_117] : memref<10000xi32, #tpu.memory_space<vmem>> -> memref<40xi32, #tpu.memory_space<vmem>>
        %dma_start3A_119 = arith.constant 0 : i32
        %dma_start3A_120 = arith.constant 0 : i32
        %dma_start3A_121 = tpu.memref_slice %arg2[%dma_start3A_119, %dma_start3A_120] : memref<10240x128xf32, #tpu.memory_space<hbm>> -> memref<10240x128xf32, #tpu.memory_space<hbm>>
        tpu.enqueue_indirect_dma source(%dma_start3A_121 : memref<10240x128xf32, #tpu.memory_space<hbm>>) target(%arg9 : memref<40x128xf32, #tpu.memory_space<vmem>>) offsets(%dma_start3A_118 : memref<40xi32, #tpu.memory_space<vmem>>) semaphore(%arg15 : memref<!tpu.dma_semaphore, #tpu.memory_space<semaphore_mem>>)
        %dma_start3A_122 = tpu.memref_slice %arg8[%mul3A_117] : memref<10000xi32, #tpu.memory_space<vmem>> -> memref<40xi32, #tpu.memory_space<vmem>>
        %dma_start3A_123 = arith.constant 0 : i32
        %dma_start3A_124 = arith.constant 0 : i32
        %dma_start3A_125 = tpu.memref_slice %arg3[%dma_start3A_123, %dma_start3A_124] : memref<10240x128xf32, #tpu.memory_space<hbm>> -> memref<10240x128xf32, #tpu.memory_space<hbm>>
        tpu.enqueue_indirect_dma source(%dma_start3A_125 : memref<10240x128xf32, #tpu.memory_space<hbm>>) target(%arg11 : memref<40x128xf32, #tpu.memory_space<vmem>>) offsets(%dma_start3A_122 : memref<40xi32, #tpu.memory_space<vmem>>) semaphore(%arg15 : memref<!tpu.dma_semaphore, #tpu.memory_space<semaphore_mem>>)
      } else {
      }
      %mul3A_67 = arith.constant 40 : i32
      %mul3A_68 = arith.muli %add3A_41, %mul3A_67 : i32
      %add3A_69 = arith.addi %mul3A_2, %mul3A_68 : i32
      %dma_start3A_70 = arith.constant 0 : i32
      %dma_start3A_71 = tpu.memref_slice %arg6[%add3A_69, %dma_start3A_70] : memref<320000x128xf32, #tpu.memory_space<hbm>> -> memref<40x128xf32, #tpu.memory_space<hbm>>
      %dma_start3A_72 = arith.constant 0 : i32
      %dma_start3A_73 = tpu.memref_slice %arg6[%add3A_69, %dma_start3A_72] : memref<320000x128xf32, #tpu.memory_space<hbm>> -> memref<40x128xf32, #tpu.memory_space<hbm>>
      tpu.enqueue_dma source(%arg13 : memref<40x128xf32, #tpu.memory_space<vmem>>) target(%dma_start3A_73 : memref<40x128xf32, #tpu.memory_space<hbm>>) target_semaphore(%arg17 : memref<!tpu.dma_semaphore, #tpu.memory_space<semaphore_mem>>)
      %mul3A_74 = arith.constant 2 : i32
      %mul3A_75 = arith.muli %mul3A_74, %add3A_37 : i32
      %add3A_76 = arith.constant 1 : i32
      %add3A_77 = arith.addi %mul3A_75, %add3A_76 : i32
      %dma_wait3A_78 = arith.constant 0 : i32
      %dma_wait3A_79 = arith.constant 0 : i32
      %dma_wait3A_80 = tpu.memref_slice %arg2[%dma_wait3A_78, %dma_wait3A_79] : memref<10240x128xf32, #tpu.memory_space<hbm>> -> memref<40x128xf32, #tpu.memory_space<hbm>>
      %dma_wait3A_81 = arith.constant 0 : i32
      %dma_wait3A_82 = arith.constant 0 : i32
      %dma_wait3A_83 = tpu.memref_slice %arg2[%dma_wait3A_81, %dma_wait3A_82] : memref<10240x128xf32, #tpu.memory_space<hbm>> -> memref<40x128xf32, #tpu.memory_space<hbm>>
      tpu.wait_dma2 semaphore(%arg16 : memref<!tpu.dma_semaphore, #tpu.memory_space<semaphore_mem>>) src(%dma_wait3A_83 : memref<40x128xf32, #tpu.memory_space<hbm>>) dst(%arg10 : memref<40x128xf32, #tpu.memory_space<vmem>>)
      %dma_wait3A_84 = arith.constant 0 : i32
      %dma_wait3A_85 = arith.constant 0 : i32
      %dma_wait3A_86 = tpu.memref_slice %arg3[%dma_wait3A_84, %dma_wait3A_85] : memref<10240x128xf32, #tpu.memory_space<hbm>> -> memref<40x128xf32, #tpu.memory_space<hbm>>
      %dma_wait3A_87 = arith.constant 0 : i32
      %dma_wait3A_88 = arith.constant 0 : i32
      %dma_wait3A_89 = tpu.memref_slice %arg3[%dma_wait3A_87, %dma_wait3A_88] : memref<10240x128xf32, #tpu.memory_space<hbm>> -> memref<40x128xf32, #tpu.memory_space<hbm>>
      tpu.wait_dma2 semaphore(%arg16 : memref<!tpu.dma_semaphore, #tpu.memory_space<semaphore_mem>>) src(%dma_wait3A_89 : memref<40x128xf32, #tpu.memory_space<hbm>>) dst(%arg12 : memref<40x128xf32, #tpu.memory_space<vmem>>)
      %gt3A_90 = arith.constant 0 : i32
      %gt3A_91 = arith.cmpi sgt, %add3A_37, %gt3A_90 : i32
      %convert_element_type3A_92 = arith.extui %gt3A_91 : i1 to i32
      %cond3A_93 = arith.constant 0 : i32
      %cond3A_94 = arith.cmpi ne, %convert_element_type3A_92, %cond3A_93 : i32
      scf.if %cond3A_94 {
        %dma_wait3A_114 = arith.constant 0 : i32
        %dma_wait3A_115 = tpu.memref_slice %arg6[%mul3A_2, %dma_wait3A_114] : memref<320000x128xf32, #tpu.memory_space<hbm>> -> memref<40x128xf32, #tpu.memory_space<hbm>>
        %dma_wait3A_116 = arith.constant 0 : i32
        %dma_wait3A_117 = tpu.memref_slice %arg6[%mul3A_2, %dma_wait3A_116] : memref<320000x128xf32, #tpu.memory_space<hbm>> -> memref<40x128xf32, #tpu.memory_space<hbm>>
        tpu.wait_dma2 semaphore(%arg18 : memref<!tpu.dma_semaphore, #tpu.memory_space<semaphore_mem>>) src(%arg14 : memref<40x128xf32, #tpu.memory_space<vmem>>) dst(%dma_wait3A_117 : memref<40x128xf32, #tpu.memory_space<hbm>>)
      } else {
      }
      %scan3A_95 = arith.constant 0 : i32
      %scan3A_96 = arith.constant 40 : i32
      %scan3A_97 = arith.addi %scan3A_95, %scan3A_96 : i32
      %scan3A_98 = arith.constant 1 : i32
      scf.for %scan3A_114 = %scan3A_95 to %scan3A_97 step %scan3A_98  : i32 {
        %mul3A_115 = arith.constant 1 : i32
        %mul3A_116 = arith.muli %scan3A_114, %mul3A_115 : i32
        %add3A_117 = arith.constant 0 : i32
        %add3A_118 = arith.addi %add3A_117, %mul3A_116 : i32
        %get3A = arith.index_cast %add3A_118 : i32 to index
        %get3A_119 = arith.constant 0 : index
        %get3A_120 = tpu.vector_load %arg10[%get3A, %get3A_119] {strides = array<i32>} : memref<40x128xf32, #tpu.memory_space<vmem>>, vector<16xf32>,
        %get3A_121 = arith.index_cast %add3A_118 : i32 to index
        %get3A_122 = arith.constant 0 : index
        %get3A_123 = tpu.vector_load %arg12[%get3A_121, %get3A_122] {strides = array<i32>} : memref<40x128xf32, #tpu.memory_space<vmem>>, vector<16xf32>,
        %sub3A = arith.subf %get3A_120, %get3A_123 : vector<16xf32>
        %max3A = arith.constant 0.000000e+00 : f32
        %max3A_124 = vector.broadcast %max3A : f32 to vector<16xf32>
        %max3A_125 = arith.maximumf %sub3A, %max3A_124 : vector<16xf32>
        %swap3A = arith.index_cast %add3A_118 : i32 to index
        %swap3A_126 = arith.constant 0 : index
        %swap3A_127 = tpu.vector_load %arg14[%swap3A, %swap3A_126] {strides = array<i32>} : memref<40x128xf32, #tpu.memory_space<vmem>>, vector<16xf32>,
        tpu.vector_store %arg14[%swap3A, %swap3A_126], %max3A_125 {strides = array<i32>} : memref<40x128xf32, #tpu.memory_space<vmem>>, vector<16xf32>,
        %get3A_128 = arith.index_cast %add3A_118 : i32 to index
        %get3A_129 = arith.constant 16 : index
        %get3A_130 = tpu.vector_load %arg10[%get3A_128, %get3A_129] {strides = array<i32>} : memref<40x128xf32, #tpu.memory_space<vmem>>, vector<16xf32>,
        %get3A_131 = arith.index_cast %add3A_118 : i32 to index
        %get3A_132 = arith.constant 16 : index
        %get3A_133 = tpu.vector_load %arg12[%get3A_131, %get3A_132] {strides = array<i32>} : memref<40x128xf32, #tpu.memory_space<vmem>>, vector<16xf32>,
        %sub3A_134 = arith.subf %get3A_130, %get3A_133 : vector<16xf32>
        %max3A_135 = arith.constant 0.000000e+00 : f32
        %max3A_136 = vector.broadcast %max3A_135 : f32 to vector<16xf32>
        %max3A_137 = arith.maximumf %sub3A_134, %max3A_136 : vector<16xf32>
        %swap3A_138 = arith.index_cast %add3A_118 : i32 to index
        %swap3A_139 = arith.constant 16 : index
        %swap3A_140 = tpu.vector_load %arg14[%swap3A_138, %swap3A_139] {strides = array<i32>} : memref<40x128xf32, #tpu.memory_space<vmem>>, vector<16xf32>,
        tpu.vector_store %arg14[%swap3A_138, %swap3A_139], %max3A_137 {strides = array<i32>} : memref<40x128xf32, #tpu.memory_space<vmem>>, vector<16xf32>,
        %get3A_141 = arith.index_cast %add3A_118 : i32 to index
        %get3A_142 = arith.constant 32 : index
        %get3A_143 = tpu.vector_load %arg10[%get3A_141, %get3A_142] {strides = array<i32>} : memref<40x128xf32, #tpu.memory_space<vmem>>, vector<16xf32>,
        %get3A_144 = arith.index_cast %add3A_118 : i32 to index
        %get3A_145 = arith.constant 32 : index
        %get3A_146 = tpu.vector_load %arg12[%get3A_144, %get3A_145] {strides = array<i32>} : memref<40x128xf32, #tpu.memory_space<vmem>>, vector<16xf32>,
        %sub3A_147 = arith.subf %get3A_143, %get3A_146 : vector<16xf32>
        %max3A_148 = arith.constant 0.000000e+00 : f32
        %max3A_149 = vector.broadcast %max3A_148 : f32 to vector<16xf32>
        %max3A_150 = arith.maximumf %sub3A_147, %max3A_149 : vector<16xf32>
        %swap3A_151 = arith.index_cast %add3A_118 : i32 to index
        %swap3A_152 = arith.constant 32 : index
        %swap3A_153 = tpu.vector_load %arg14[%swap3A_151, %swap3A_152] {strides = array<i32>} : memref<40x128xf32, #tpu.memory_space<vmem>>, vector<16xf32>,
        tpu.vector_store %arg14[%swap3A_151, %swap3A_152], %max3A_150 {strides = array<i32>} : memref<40x128xf32, #tpu.memory_space<vmem>>, vector<16xf32>,
        %get3A_154 = arith.index_cast %add3A_118 : i32 to index
        %get3A_155 = arith.constant 48 : index
        %get3A_156 = tpu.vector_load %arg10[%get3A_154, %get3A_155] {strides = array<i32>} : memref<40x128xf32, #tpu.memory_space<vmem>>, vector<16xf32>,
        %get3A_157 = arith.index_cast %add3A_118 : i32 to index
        %get3A_158 = arith.constant 48 : index
        %get3A_159 = tpu.vector_load %arg12[%get3A_157, %get3A_158] {strides = array<i32>} : memref<40x128xf32, #tpu.memory_space<vmem>>, vector<16xf32>,
        %sub3A_160 = arith.subf %get3A_156, %get3A_159 : vector<16xf32>
        %max3A_161 = arith.constant 0.000000e+00 : f32
        %max3A_162 = vector.broadcast %max3A_161 : f32 to vector<16xf32>
        %max3A_163 = arith.maximumf %sub3A_160, %max3A_162 : vector<16xf32>
        %swap3A_164 = arith.index_cast %add3A_118 : i32 to index
        %swap3A_165 = arith.constant 48 : index
        %swap3A_166 = tpu.vector_load %arg14[%swap3A_164, %swap3A_165] {strides = array<i32>} : memref<40x128xf32, #tpu.memory_space<vmem>>, vector<16xf32>,
        tpu.vector_store %arg14[%swap3A_164, %swap3A_165], %max3A_163 {strides = array<i32>} : memref<40x128xf32, #tpu.memory_space<vmem>>, vector<16xf32>,
        %get3A_167 = arith.index_cast %add3A_118 : i32 to index
        %get3A_168 = arith.constant 64 : index
        %get3A_169 = tpu.vector_load %arg10[%get3A_167, %get3A_168] {strides = array<i32>} : memref<40x128xf32, #tpu.memory_space<vmem>>, vector<16xf32>,
        %get3A_170 = arith.index_cast %add3A_118 : i32 to index
        %get3A_171 = arith.constant 64 : index
        %get3A_172 = tpu.vector_load %arg12[%get3A_170, %get3A_171] {strides = array<i32>} : memref<40x128xf32, #tpu.memory_space<vmem>>, vector<16xf32>,
        %sub3A_173 = arith.subf %get3A_169, %get3A_172 : vector<16xf32>
        %max3A_174 = arith.constant 0.000000e+00 : f32
        %max3A_175 = vector.broadcast %max3A_174 : f32 to vector<16xf32>
        %max3A_176 = arith.maximumf %sub3A_173, %max3A_175 : vector<16xf32>
        %swap3A_177 = arith.index_cast %add3A_118 : i32 to index
        %swap3A_178 = arith.constant 64 : index
        %swap3A_179 = tpu.vector_load %arg14[%swap3A_177, %swap3A_178] {strides = array<i32>} : memref<40x128xf32, #tpu.memory_space<vmem>>, vector<16xf32>,
        tpu.vector_store %arg14[%swap3A_177, %swap3A_178], %max3A_176 {strides = array<i32>} : memref<40x128xf32, #tpu.memory_space<vmem>>, vector<16xf32>,
        %get3A_180 = arith.index_cast %add3A_118 : i32 to index
        %get3A_181 = arith.constant 80 : index
        %get3A_182 = tpu.vector_load %arg10[%get3A_180, %get3A_181] {strides = array<i32>} : memref<40x128xf32, #tpu.memory_space<vmem>>, vector<16xf32>,
        %get3A_183 = arith.index_cast %add3A_118 : i32 to index
        %get3A_184 = arith.constant 80 : index
        %get3A_185 = tpu.vector_load %arg12[%get3A_183, %get3A_184] {strides = array<i32>} : memref<40x128xf32, #tpu.memory_space<vmem>>, vector<16xf32>,
        %sub3A_186 = arith.subf %get3A_182, %get3A_185 : vector<16xf32>
        %max3A_187 = arith.constant 0.000000e+00 : f32
        %max3A_188 = vector.broadcast %max3A_187 : f32 to vector<16xf32>
        %max3A_189 = arith.maximumf %sub3A_186, %max3A_188 : vector<16xf32>
        %swap3A_190 = arith.index_cast %add3A_118 : i32 to index
        %swap3A_191 = arith.constant 80 : index
        %swap3A_192 = tpu.vector_load %arg14[%swap3A_190, %swap3A_191] {strides = array<i32>} : memref<40x128xf32, #tpu.memory_space<vmem>>, vector<16xf32>,
        tpu.vector_store %arg14[%swap3A_190, %swap3A_191], %max3A_189 {strides = array<i32>} : memref<40x128xf32, #tpu.memory_space<vmem>>, vector<16xf32>,
        %get3A_193 = arith.index_cast %add3A_118 : i32 to index
        %get3A_194 = arith.constant 96 : index
        %get3A_195 = tpu.vector_load %arg10[%get3A_193, %get3A_194] {strides = array<i32>} : memref<40x128xf32, #tpu.memory_space<vmem>>, vector<16xf32>,
        %get3A_196 = arith.index_cast %add3A_118 : i32 to index
        %get3A_197 = arith.constant 96 : index
        %get3A_198 = tpu.vector_load %arg12[%get3A_196, %get3A_197] {strides = array<i32>} : memref<40x128xf32, #tpu.memory_space<vmem>>, vector<16xf32>,
        %sub3A_199 = arith.subf %get3A_195, %get3A_198 : vector<16xf32>
        %max3A_200 = arith.constant 0.000000e+00 : f32
        %max3A_201 = vector.broadcast %max3A_200 : f32 to vector<16xf32>
        %max3A_202 = arith.maximumf %sub3A_199, %max3A_201 : vector<16xf32>
        %swap3A_203 = arith.index_cast %add3A_118 : i32 to index
        %swap3A_204 = arith.constant 96 : index
        %swap3A_205 = tpu.vector_load %arg14[%swap3A_203, %swap3A_204] {strides = array<i32>} : memref<40x128xf32, #tpu.memory_space<vmem>>, vector<16xf32>,
        tpu.vector_store %arg14[%swap3A_203, %swap3A_204], %max3A_202 {strides = array<i32>} : memref<40x128xf32, #tpu.memory_space<vmem>>, vector<16xf32>,
        %get3A_206 = arith.index_cast %add3A_118 : i32 to index
        %get3A_207 = arith.constant 112 : index
        %get3A_208 = tpu.vector_load %arg10[%get3A_206, %get3A_207] {strides = array<i32>} : memref<40x128xf32, #tpu.memory_space<vmem>>, vector<16xf32>,
        %get3A_209 = arith.index_cast %add3A_118 : i32 to index
        %get3A_210 = arith.constant 112 : index
        %get3A_211 = tpu.vector_load %arg12[%get3A_209, %get3A_210] {strides = array<i32>} : memref<40x128xf32, #tpu.memory_space<vmem>>, vector<16xf32>,
        %sub3A_212 = arith.subf %get3A_208, %get3A_211 : vector<16xf32>
        %max3A_213 = arith.constant 0.000000e+00 : f32
        %max3A_214 = vector.broadcast %max3A_213 : f32 to vector<16xf32>
        %max3A_215 = arith.maximumf %sub3A_212, %max3A_214 : vector<16xf32>
        %swap3A_216 = arith.index_cast %add3A_118 : i32 to index
        %swap3A_217 = arith.constant 112 : index
        %swap3A_218 = tpu.vector_load %arg14[%swap3A_216, %swap3A_217] {strides = array<i32>} : memref<40x128xf32, #tpu.memory_space<vmem>>, vector<16xf32>,
        tpu.vector_store %arg14[%swap3A_216, %swap3A_217], %max3A_215 {strides = array<i32>} : memref<40x128xf32, #tpu.memory_space<vmem>>, vector<16xf32>,
      }
      %scan3A_99 = arith.constant 40 : i32
      %add3A_100 = arith.constant 2 : i32
      %add3A_101 = arith.addi %add3A_77, %add3A_100 : i32
      %lt3A_102 = arith.constant 250 : i32
      %lt3A_103 = arith.cmpi slt, %add3A_101, %lt3A_102 : i32
      %convert_element_type3A_104 = arith.extui %lt3A_103 : i1 to i32
      %cond3A_105 = arith.constant 0 : i32
      %cond3A_106 = arith.cmpi ne, %convert_element_type3A_104, %cond3A_105 : i32
      scf.if %cond3A_106 {
        %add3A_114 = arith.constant 2 : i32
        %add3A_115 = arith.addi %add3A_77, %add3A_114 : i32
        %mul3A_116 = arith.constant 40 : i32
        %mul3A_117 = arith.muli %add3A_115, %mul3A_116 : i32
        %dma_start3A_118 = tpu.memref_slice %arg7[%mul3A_117] : memref<10000xi32, #tpu.memory_space<vmem>> -> memref<40xi32, #tpu.memory_space<vmem>>
        %dma_start3A_119 = arith.constant 0 : i32
        %dma_start3A_120 = arith.constant 0 : i32
        %dma_start3A_121 = tpu.memref_slice %arg2[%dma_start3A_119, %dma_start3A_120] : memref<10240x128xf32, #tpu.memory_space<hbm>> -> memref<10240x128xf32, #tpu.memory_space<hbm>>
        tpu.enqueue_indirect_dma source(%dma_start3A_121 : memref<10240x128xf32, #tpu.memory_space<hbm>>) target(%arg10 : memref<40x128xf32, #tpu.memory_space<vmem>>) offsets(%dma_start3A_118 : memref<40xi32, #tpu.memory_space<vmem>>) semaphore(%arg16 : memref<!tpu.dma_semaphore, #tpu.memory_space<semaphore_mem>>)
        %dma_start3A_122 = tpu.memref_slice %arg8[%mul3A_117] : memref<10000xi32, #tpu.memory_space<vmem>> -> memref<40xi32, #tpu.memory_space<vmem>>
        %dma_start3A_123 = arith.constant 0 : i32
        %dma_start3A_124 = arith.constant 0 : i32
        %dma_start3A_125 = tpu.memref_slice %arg3[%dma_start3A_123, %dma_start3A_124] : memref<10240x128xf32, #tpu.memory_space<hbm>> -> memref<10240x128xf32, #tpu.memory_space<hbm>>
        tpu.enqueue_indirect_dma source(%dma_start3A_125 : memref<10240x128xf32, #tpu.memory_space<hbm>>) target(%arg12 : memref<40x128xf32, #tpu.memory_space<vmem>>) offsets(%dma_start3A_122 : memref<40xi32, #tpu.memory_space<vmem>>) semaphore(%arg16 : memref<!tpu.dma_semaphore, #tpu.memory_space<semaphore_mem>>)
      } else {
      }
      %mul3A_107 = arith.constant 40 : i32
      %mul3A_108 = arith.muli %add3A_77, %mul3A_107 : i32
      %add3A_109 = arith.addi %mul3A_2, %mul3A_108 : i32
      %dma_start3A_110 = arith.constant 0 : i32
      %dma_start3A_111 = tpu.memref_slice %arg6[%add3A_109, %dma_start3A_110] : memref<320000x128xf32, #tpu.memory_space<hbm>> -> memref<40x128xf32, #tpu.memory_space<hbm>>
      %dma_start3A_112 = arith.constant 0 : i32
      %dma_start3A_113 = tpu.memref_slice %arg6[%add3A_109, %dma_start3A_112] : memref<320000x128xf32, #tpu.memory_space<hbm>> -> memref<40x128xf32, #tpu.memory_space<hbm>>
      tpu.enqueue_dma source(%arg14 : memref<40x128xf32, #tpu.memory_space<vmem>>) target(%dma_start3A_113 : memref<40x128xf32, #tpu.memory_space<hbm>>) target_semaphore(%arg18 : memref<!tpu.dma_semaphore, #tpu.memory_space<semaphore_mem>>)
    }
    %scan3A_25 = arith.constant 125 : i32
    %dma_wait3A = arith.constant 0 : i32
    %dma_wait3A_26 = tpu.memref_slice %arg6[%mul3A_2, %dma_wait3A] : memref<320000x128xf32, #tpu.memory_space<hbm>> -> memref<40x128xf32, #tpu.memory_space<hbm>>
    %dma_wait3A_27 = arith.constant 0 : i32
    %dma_wait3A_28 = tpu.memref_slice %arg6[%mul3A_2, %dma_wait3A_27] : memref<320000x128xf32, #tpu.memory_space<hbm>> -> memref<40x128xf32, #tpu.memory_space<hbm>>
    tpu.wait_dma2 semaphore(%arg17 : memref<!tpu.dma_semaphore, #tpu.memory_space<semaphore_mem>>) src(%arg13 : memref<40x128xf32, #tpu.memory_space<vmem>>) dst(%dma_wait3A_28 : memref<40x128xf32, #tpu.memory_space<hbm>>)
    %dma_wait3A_29 = arith.constant 0 : i32
    %dma_wait3A_30 = tpu.memref_slice %arg6[%mul3A_2, %dma_wait3A_29] : memref<320000x128xf32, #tpu.memory_space<hbm>> -> memref<40x128xf32, #tpu.memory_space<hbm>>
    %dma_wait3A_31 = arith.constant 0 : i32
    %dma_wait3A_32 = tpu.memref_slice %arg6[%mul3A_2, %dma_wait3A_31] : memref<320000x128xf32, #tpu.memory_space<hbm>> -> memref<40x128xf32, #tpu.memory_space<hbm>>
    tpu.wait_dma2 semaphore(%arg18 : memref<!tpu.dma_semaphore, #tpu.memory_space<semaphore_mem>>) src(%arg14 : memref<40x128xf32, #tpu.memory_space<vmem>>) dst(%dma_wait3A_32 : memref<40x128xf32, #tpu.memory_space<hbm>>)
    return
  }
}

#map = affine_map<(d0, d1) -> (0, 0)>
#map1 = affine_map<(d0, d1) -> (0)>
#map2 = affine_map<(d0, d1) -> (0, 0, 0)>
module attributes {stable_mosaic.version = 14 : i64} {
  func.func @k(%arg0: i32, %arg1: i32, %arg2: memref<128x320000xf32, #tpu.memory_space<hbm>>, %arg3: memref<320000xi32, #tpu.memory_space<hbm>>, %arg4: memref<20480xi32, #tpu.memory_space<hbm>>, %arg5: memref<2x128x10240xf32, #tpu.memory_space<hbm>>, %arg6: memref<640xi32, #tpu.memory_space<vmem>>, %arg7: memref<640xi32, #tpu.memory_space<vmem>>, %arg8: memref<8x640xf32, #tpu.memory_space<vmem>>, %arg9: memref<8x640xf32, #tpu.memory_space<vmem>>, %arg10: memref<56xi32, #tpu.memory_space<vmem>>, %arg11: memref<56xi32, #tpu.memory_space<vmem>>, %arg12: memref<8x10240xf32, #tpu.memory_space<vmem>>, %arg13: memref<!tpu.dma_semaphore, #tpu.memory_space<semaphore_mem>>, %arg14: memref<!tpu.dma_semaphore, #tpu.memory_space<semaphore_mem>>) attributes {dimension_semantics = [#tpu.dimension_semantics<core_parallel>, #tpu.dimension_semantics<subcore_parallel>], iteration_bounds = array<i64: 2, 16>, scalar_prefetch = 0 : i64, scratch_operands = 9 : i64, tpu.core_type = #tpu.core_type<sc_vector_subcore>, window_params = [{transform_indices = #map}, {transform_indices = #map1}, {transform_indices = #map1}, {transform_indices = #map2}]} {
    %mul3A = arith.constant 8 : i32
    %mul3A_0 = arith.muli %arg1, %mul3A : i32
    %mul3A_1 = arith.constant 160000 : i32
    %mul3A_2 = arith.muli %arg0, %mul3A_1 : i32
    %mul3A_3 = arith.constant 10000 : i32
    %mul3A_4 = arith.muli %arg0, %mul3A_3 : i32
    %scan3A = arith.constant 0 : i32
    %scan3A_5 = arith.constant 640 : i32
    %scan3A_6 = arith.addi %scan3A, %scan3A_5 : i32
    %scan3A_7 = arith.constant 1 : i32
    scf.for %scan3A_75 = %scan3A to %scan3A_6 step %scan3A_7  : i32 {
      %mul3A_76 = arith.constant 1 : i32
      %mul3A_77 = arith.muli %scan3A_75, %mul3A_76 : i32
      %add3A_78 = arith.constant 0 : i32
      %add3A_79 = arith.addi %add3A_78, %mul3A_77 : i32
      %broadcast_in_dim3A = arith.constant 0.000000e+00 : f32
      %broadcast_in_dim3A_80 = vector.broadcast %broadcast_in_dim3A : f32 to vector<16xf32>
      %mul3A_81 = arith.constant 16 : i32
      %mul3A_82 = arith.muli %add3A_79, %mul3A_81 : i32
      %swap3A = arith.constant 0 : i32
      %swap3A_83 = arith.index_cast %swap3A : i32 to index
      %swap3A_84 = arith.index_cast %mul3A_82 : i32 to index
      %swap3A_85 = tpu.vector_load %arg12[%swap3A_83, %swap3A_84] {strides = array<i32>} : memref<8x10240xf32, #tpu.memory_space<vmem>>, vector<16xf32>,
      tpu.vector_store %arg12[%swap3A_83, %swap3A_84], %broadcast_in_dim3A_80 {strides = array<i32>} : memref<8x10240xf32, #tpu.memory_space<vmem>>, vector<16xf32>,
    }
    %scan3A_8 = arith.constant 640 : i32
    %scan3A_9 = arith.constant 0 : i32
    %scan3A_10 = arith.constant 640 : i32
    %scan3A_11 = arith.addi %scan3A_9, %scan3A_10 : i32
    %scan3A_12 = arith.constant 1 : i32
    scf.for %scan3A_75 = %scan3A_9 to %scan3A_11 step %scan3A_12  : i32 {
      %mul3A_76 = arith.constant 1 : i32
      %mul3A_77 = arith.muli %scan3A_75, %mul3A_76 : i32
      %add3A_78 = arith.constant 0 : i32
      %add3A_79 = arith.addi %add3A_78, %mul3A_77 : i32
      %broadcast_in_dim3A = arith.constant 0.000000e+00 : f32
      %broadcast_in_dim3A_80 = vector.broadcast %broadcast_in_dim3A : f32 to vector<16xf32>
      %mul3A_81 = arith.constant 16 : i32
      %mul3A_82 = arith.muli %add3A_79, %mul3A_81 : i32
      %swap3A = arith.constant 1 : i32
      %swap3A_83 = arith.index_cast %swap3A : i32 to index
      %swap3A_84 = arith.index_cast %mul3A_82 : i32 to index
      %swap3A_85 = tpu.vector_load %arg12[%swap3A_83, %swap3A_84] {strides = array<i32>} : memref<8x10240xf32, #tpu.memory_space<vmem>>, vector<16xf32>,
      tpu.vector_store %arg12[%swap3A_83, %swap3A_84], %broadcast_in_dim3A_80 {strides = array<i32>} : memref<8x10240xf32, #tpu.memory_space<vmem>>, vector<16xf32>,
    }
    %scan3A_13 = arith.constant 640 : i32
    %scan3A_14 = arith.constant 0 : i32
    %scan3A_15 = arith.constant 640 : i32
    %scan3A_16 = arith.addi %scan3A_14, %scan3A_15 : i32
    %scan3A_17 = arith.constant 1 : i32
    scf.for %scan3A_75 = %scan3A_14 to %scan3A_16 step %scan3A_17  : i32 {
      %mul3A_76 = arith.constant 1 : i32
      %mul3A_77 = arith.muli %scan3A_75, %mul3A_76 : i32
      %add3A_78 = arith.constant 0 : i32
      %add3A_79 = arith.addi %add3A_78, %mul3A_77 : i32
      %broadcast_in_dim3A = arith.constant 0.000000e+00 : f32
      %broadcast_in_dim3A_80 = vector.broadcast %broadcast_in_dim3A : f32 to vector<16xf32>
      %mul3A_81 = arith.constant 16 : i32
      %mul3A_82 = arith.muli %add3A_79, %mul3A_81 : i32
      %swap3A = arith.constant 2 : i32
      %swap3A_83 = arith.index_cast %swap3A : i32 to index
      %swap3A_84 = arith.index_cast %mul3A_82 : i32 to index
      %swap3A_85 = tpu.vector_load %arg12[%swap3A_83, %swap3A_84] {strides = array<i32>} : memref<8x10240xf32, #tpu.memory_space<vmem>>, vector<16xf32>,
      tpu.vector_store %arg12[%swap3A_83, %swap3A_84], %broadcast_in_dim3A_80 {strides = array<i32>} : memref<8x10240xf32, #tpu.memory_space<vmem>>, vector<16xf32>,
    }
    %scan3A_18 = arith.constant 640 : i32
    %scan3A_19 = arith.constant 0 : i32
    %scan3A_20 = arith.constant 640 : i32
    %scan3A_21 = arith.addi %scan3A_19, %scan3A_20 : i32
    %scan3A_22 = arith.constant 1 : i32
    scf.for %scan3A_75 = %scan3A_19 to %scan3A_21 step %scan3A_22  : i32 {
      %mul3A_76 = arith.constant 1 : i32
      %mul3A_77 = arith.muli %scan3A_75, %mul3A_76 : i32
      %add3A_78 = arith.constant 0 : i32
      %add3A_79 = arith.addi %add3A_78, %mul3A_77 : i32
      %broadcast_in_dim3A = arith.constant 0.000000e+00 : f32
      %broadcast_in_dim3A_80 = vector.broadcast %broadcast_in_dim3A : f32 to vector<16xf32>
      %mul3A_81 = arith.constant 16 : i32
      %mul3A_82 = arith.muli %add3A_79, %mul3A_81 : i32
      %swap3A = arith.constant 3 : i32
      %swap3A_83 = arith.index_cast %swap3A : i32 to index
      %swap3A_84 = arith.index_cast %mul3A_82 : i32 to index
      %swap3A_85 = tpu.vector_load %arg12[%swap3A_83, %swap3A_84] {strides = array<i32>} : memref<8x10240xf32, #tpu.memory_space<vmem>>, vector<16xf32>,
      tpu.vector_store %arg12[%swap3A_83, %swap3A_84], %broadcast_in_dim3A_80 {strides = array<i32>} : memref<8x10240xf32, #tpu.memory_space<vmem>>, vector<16xf32>,
    }
    %scan3A_23 = arith.constant 640 : i32
    %scan3A_24 = arith.constant 0 : i32
    %scan3A_25 = arith.constant 640 : i32
    %scan3A_26 = arith.addi %scan3A_24, %scan3A_25 : i32
    %scan3A_27 = arith.constant 1 : i32
    scf.for %scan3A_75 = %scan3A_24 to %scan3A_26 step %scan3A_27  : i32 {
      %mul3A_76 = arith.constant 1 : i32
      %mul3A_77 = arith.muli %scan3A_75, %mul3A_76 : i32
      %add3A_78 = arith.constant 0 : i32
      %add3A_79 = arith.addi %add3A_78, %mul3A_77 : i32
      %broadcast_in_dim3A = arith.constant 0.000000e+00 : f32
      %broadcast_in_dim3A_80 = vector.broadcast %broadcast_in_dim3A : f32 to vector<16xf32>
      %mul3A_81 = arith.constant 16 : i32
      %mul3A_82 = arith.muli %add3A_79, %mul3A_81 : i32
      %swap3A = arith.constant 4 : i32
      %swap3A_83 = arith.index_cast %swap3A : i32 to index
      %swap3A_84 = arith.index_cast %mul3A_82 : i32 to index
      %swap3A_85 = tpu.vector_load %arg12[%swap3A_83, %swap3A_84] {strides = array<i32>} : memref<8x10240xf32, #tpu.memory_space<vmem>>, vector<16xf32>,
      tpu.vector_store %arg12[%swap3A_83, %swap3A_84], %broadcast_in_dim3A_80 {strides = array<i32>} : memref<8x10240xf32, #tpu.memory_space<vmem>>, vector<16xf32>,
    }
    %scan3A_28 = arith.constant 640 : i32
    %scan3A_29 = arith.constant 0 : i32
    %scan3A_30 = arith.constant 640 : i32
    %scan3A_31 = arith.addi %scan3A_29, %scan3A_30 : i32
    %scan3A_32 = arith.constant 1 : i32
    scf.for %scan3A_75 = %scan3A_29 to %scan3A_31 step %scan3A_32  : i32 {
      %mul3A_76 = arith.constant 1 : i32
      %mul3A_77 = arith.muli %scan3A_75, %mul3A_76 : i32
      %add3A_78 = arith.constant 0 : i32
      %add3A_79 = arith.addi %add3A_78, %mul3A_77 : i32
      %broadcast_in_dim3A = arith.constant 0.000000e+00 : f32
      %broadcast_in_dim3A_80 = vector.broadcast %broadcast_in_dim3A : f32 to vector<16xf32>
      %mul3A_81 = arith.constant 16 : i32
      %mul3A_82 = arith.muli %add3A_79, %mul3A_81 : i32
      %swap3A = arith.constant 5 : i32
      %swap3A_83 = arith.index_cast %swap3A : i32 to index
      %swap3A_84 = arith.index_cast %mul3A_82 : i32 to index
      %swap3A_85 = tpu.vector_load %arg12[%swap3A_83, %swap3A_84] {strides = array<i32>} : memref<8x10240xf32, #tpu.memory_space<vmem>>, vector<16xf32>,
      tpu.vector_store %arg12[%swap3A_83, %swap3A_84], %broadcast_in_dim3A_80 {strides = array<i32>} : memref<8x10240xf32, #tpu.memory_space<vmem>>, vector<16xf32>,
    }
    %scan3A_33 = arith.constant 640 : i32
    %scan3A_34 = arith.constant 0 : i32
    %scan3A_35 = arith.constant 640 : i32
    %scan3A_36 = arith.addi %scan3A_34, %scan3A_35 : i32
    %scan3A_37 = arith.constant 1 : i32
    scf.for %scan3A_75 = %scan3A_34 to %scan3A_36 step %scan3A_37  : i32 {
      %mul3A_76 = arith.constant 1 : i32
      %mul3A_77 = arith.muli %scan3A_75, %mul3A_76 : i32
      %add3A_78 = arith.constant 0 : i32
      %add3A_79 = arith.addi %add3A_78, %mul3A_77 : i32
      %broadcast_in_dim3A = arith.constant 0.000000e+00 : f32
      %broadcast_in_dim3A_80 = vector.broadcast %broadcast_in_dim3A : f32 to vector<16xf32>
      %mul3A_81 = arith.constant 16 : i32
      %mul3A_82 = arith.muli %add3A_79, %mul3A_81 : i32
      %swap3A = arith.constant 6 : i32
      %swap3A_83 = arith.index_cast %swap3A : i32 to index
      %swap3A_84 = arith.index_cast %mul3A_82 : i32 to index
      %swap3A_85 = tpu.vector_load %arg12[%swap3A_83, %swap3A_84] {strides = array<i32>} : memref<8x10240xf32, #tpu.memory_space<vmem>>, vector<16xf32>,
      tpu.vector_store %arg12[%swap3A_83, %swap3A_84], %broadcast_in_dim3A_80 {strides = array<i32>} : memref<8x10240xf32, #tpu.memory_space<vmem>>, vector<16xf32>,
    }
    %scan3A_38 = arith.constant 640 : i32
    %scan3A_39 = arith.constant 0 : i32
    %scan3A_40 = arith.constant 640 : i32
    %scan3A_41 = arith.addi %scan3A_39, %scan3A_40 : i32
    %scan3A_42 = arith.constant 1 : i32
    scf.for %scan3A_75 = %scan3A_39 to %scan3A_41 step %scan3A_42  : i32 {
      %mul3A_76 = arith.constant 1 : i32
      %mul3A_77 = arith.muli %scan3A_75, %mul3A_76 : i32
      %add3A_78 = arith.constant 0 : i32
      %add3A_79 = arith.addi %add3A_78, %mul3A_77 : i32
      %broadcast_in_dim3A = arith.constant 0.000000e+00 : f32
      %broadcast_in_dim3A_80 = vector.broadcast %broadcast_in_dim3A : f32 to vector<16xf32>
      %mul3A_81 = arith.constant 16 : i32
      %mul3A_82 = arith.muli %add3A_79, %mul3A_81 : i32
      %swap3A = arith.constant 7 : i32
      %swap3A_83 = arith.index_cast %swap3A : i32 to index
      %swap3A_84 = arith.index_cast %mul3A_82 : i32 to index
      %swap3A_85 = tpu.vector_load %arg12[%swap3A_83, %swap3A_84] {strides = array<i32>} : memref<8x10240xf32, #tpu.memory_space<vmem>>, vector<16xf32>,
      tpu.vector_store %arg12[%swap3A_83, %swap3A_84], %broadcast_in_dim3A_80 {strides = array<i32>} : memref<8x10240xf32, #tpu.memory_space<vmem>>, vector<16xf32>,
    }
    %scan3A_43 = arith.constant 640 : i32
    %add3A = arith.constant 0 : i32
    %add3A_44 = arith.addi %mul3A_2, %add3A : i32
    %dma_start3A = tpu.memref_slice %arg3[%add3A_44] : memref<320000xi32, #tpu.memory_space<hbm>> -> memref<640xi32, #tpu.memory_space<hbm>>
    %dma_start3A_45 = tpu.memref_slice %arg3[%add3A_44] : memref<320000xi32, #tpu.memory_space<hbm>> -> memref<640xi32, #tpu.memory_space<hbm>>
    tpu.enqueue_dma source(%dma_start3A_45 : memref<640xi32, #tpu.memory_space<hbm>>) target(%arg6 : memref<640xi32, #tpu.memory_space<vmem>>) target_semaphore(%arg13 : memref<!tpu.dma_semaphore, #tpu.memory_space<semaphore_mem>>)
    %dma_start3A_46 = tpu.memref_slice %arg2[%mul3A_0, %add3A_44] : memref<128x320000xf32, #tpu.memory_space<hbm>> -> memref<8x640xf32, #tpu.memory_space<hbm>>
    %dma_start3A_47 = tpu.memref_slice %arg2[%mul3A_0, %add3A_44] : memref<128x320000xf32, #tpu.memory_space<hbm>> -> memref<8x640xf32, #tpu.memory_space<hbm>>
    tpu.enqueue_dma source(%dma_start3A_47 : memref<8x640xf32, #tpu.memory_space<hbm>>) target(%arg8 : memref<8x640xf32, #tpu.memory_space<vmem>>) target_semaphore(%arg13 : memref<!tpu.dma_semaphore, #tpu.memory_space<semaphore_mem>>)
    %add3A_48 = arith.constant 0 : i32
    %add3A_49 = arith.addi %mul3A_4, %add3A_48 : i32
    %dma_start3A_50 = arith.constant 0 : i32
    %dma_start3A_51 = tpu.memref_slice %arg10[%dma_start3A_50] : memref<56xi32, #tpu.memory_space<vmem>> -> memref<40xi32, #tpu.memory_space<vmem>>
    %dma_start3A_52 = tpu.memref_slice %arg4[%add3A_49] : memref<20480xi32, #tpu.memory_space<hbm>> -> memref<40xi32, #tpu.memory_space<hbm>>
    %dma_start3A_53 = arith.constant 0 : i32
    %dma_start3A_54 = tpu.memref_slice %arg10[%dma_start3A_53] : memref<56xi32, #tpu.memory_space<vmem>> -> memref<40xi32, #tpu.memory_space<vmem>>
    %dma_start3A_55 = tpu.memref_slice %arg4[%add3A_49] : memref<20480xi32, #tpu.memory_space<hbm>> -> memref<40xi32, #tpu.memory_space<hbm>>
    tpu.enqueue_dma source(%dma_start3A_55 : memref<40xi32, #tpu.memory_space<hbm>>) target(%dma_start3A_54 : memref<40xi32, #tpu.memory_space<vmem>>) target_semaphore(%arg13 : memref<!tpu.dma_semaphore, #tpu.memory_space<semaphore_mem>>)
    %add3A_56 = arith.constant 640 : i32
    %add3A_57 = arith.addi %mul3A_2, %add3A_56 : i32
    %dma_start3A_58 = tpu.memref_slice %arg3[%add3A_57] : memref<320000xi32, #tpu.memory_space<hbm>> -> memref<640xi32, #tpu.memory_space<hbm>>
    %dma_start3A_59 = tpu.memref_slice %arg3[%add3A_57] : memref<320000xi32, #tpu.memory_space<hbm>> -> memref<640xi32, #tpu.memory_space<hbm>>
    tpu.enqueue_dma source(%dma_start3A_59 : memref<640xi32, #tpu.memory_space<hbm>>) target(%arg7 : memref<640xi32, #tpu.memory_space<vmem>>) target_semaphore(%arg14 : memref<!tpu.dma_semaphore, #tpu.memory_space<semaphore_mem>>)
    %dma_start3A_60 = tpu.memref_slice %arg2[%mul3A_0, %add3A_57] : memref<128x320000xf32, #tpu.memory_space<hbm>> -> memref<8x640xf32, #tpu.memory_space<hbm>>
    %dma_start3A_61 = tpu.memref_slice %arg2[%mul3A_0, %add3A_57] : memref<128x320000xf32, #tpu.memory_space<hbm>> -> memref<8x640xf32, #tpu.memory_space<hbm>>
    tpu.enqueue_dma source(%dma_start3A_61 : memref<8x640xf32, #tpu.memory_space<hbm>>) target(%arg9 : memref<8x640xf32, #tpu.memory_space<vmem>>) target_semaphore(%arg14 : memref<!tpu.dma_semaphore, #tpu.memory_space<semaphore_mem>>)
    %add3A_62 = arith.constant 40 : i32
    %add3A_63 = arith.addi %mul3A_4, %add3A_62 : i32
    %dma_start3A_64 = arith.constant 0 : i32
    %dma_start3A_65 = tpu.memref_slice %arg11[%dma_start3A_64] : memref<56xi32, #tpu.memory_space<vmem>> -> memref<40xi32, #tpu.memory_space<vmem>>
    %dma_start3A_66 = tpu.memref_slice %arg4[%add3A_63] : memref<20480xi32, #tpu.memory_space<hbm>> -> memref<40xi32, #tpu.memory_space<hbm>>
    %dma_start3A_67 = arith.constant 0 : i32
    %dma_start3A_68 = tpu.memref_slice %arg11[%dma_start3A_67] : memref<56xi32, #tpu.memory_space<vmem>> -> memref<40xi32, #tpu.memory_space<vmem>>
    %dma_start3A_69 = tpu.memref_slice %arg4[%add3A_63] : memref<20480xi32, #tpu.memory_space<hbm>> -> memref<40xi32, #tpu.memory_space<hbm>>
    tpu.enqueue_dma source(%dma_start3A_69 : memref<40xi32, #tpu.memory_space<hbm>>) target(%dma_start3A_68 : memref<40xi32, #tpu.memory_space<vmem>>) target_semaphore(%arg14 : memref<!tpu.dma_semaphore, #tpu.memory_space<semaphore_mem>>)
    %scan3A_70 = arith.constant 0 : i32
    %scan3A_71 = arith.constant 125 : i32
    %scan3A_72 = arith.addi %scan3A_70, %scan3A_71 : i32
    %scan3A_73 = arith.constant 1 : i32
    scf.for %scan3A_75 = %scan3A_70 to %scan3A_72 step %scan3A_73  : i32 {
      %mul3A_76 = arith.constant 1 : i32
      %mul3A_77 = arith.muli %scan3A_75, %mul3A_76 : i32
      %add3A_78 = arith.constant 0 : i32
      %add3A_79 = arith.addi %add3A_78, %mul3A_77 : i32
      %mul3A_80 = arith.constant 2 : i32
      %mul3A_81 = arith.muli %mul3A_80, %add3A_79 : i32
      %add3A_82 = arith.constant 0 : i32
      %add3A_83 = arith.addi %mul3A_81, %add3A_82 : i32
      %dma_wait3A = arith.constant 0 : i32
      %dma_wait3A_84 = tpu.memref_slice %arg3[%dma_wait3A] : memref<320000xi32, #tpu.memory_space<hbm>> -> memref<640xi32, #tpu.memory_space<hbm>>
      %dma_wait3A_85 = arith.constant 0 : i32
      %dma_wait3A_86 = tpu.memref_slice %arg3[%dma_wait3A_85] : memref<320000xi32, #tpu.memory_space<hbm>> -> memref<640xi32, #tpu.memory_space<hbm>>
      tpu.wait_dma2 semaphore(%arg13 : memref<!tpu.dma_semaphore, #tpu.memory_space<semaphore_mem>>) src(%dma_wait3A_86 : memref<640xi32, #tpu.memory_space<hbm>>) dst(%arg6 : memref<640xi32, #tpu.memory_space<vmem>>)
      %dma_wait3A_87 = arith.constant 0 : i32
      %dma_wait3A_88 = arith.constant 0 : i32
      %dma_wait3A_89 = tpu.memref_slice %arg2[%dma_wait3A_87, %dma_wait3A_88] : memref<128x320000xf32, #tpu.memory_space<hbm>> -> memref<8x640xf32, #tpu.memory_space<hbm>>
      %dma_wait3A_90 = arith.constant 0 : i32
      %dma_wait3A_91 = arith.constant 0 : i32
      %dma_wait3A_92 = tpu.memref_slice %arg2[%dma_wait3A_90, %dma_wait3A_91] : memref<128x320000xf32, #tpu.memory_space<hbm>> -> memref<8x640xf32, #tpu.memory_space<hbm>>
      tpu.wait_dma2 semaphore(%arg13 : memref<!tpu.dma_semaphore, #tpu.memory_space<semaphore_mem>>) src(%dma_wait3A_92 : memref<8x640xf32, #tpu.memory_space<hbm>>) dst(%arg8 : memref<8x640xf32, #tpu.memory_space<vmem>>)
      %dma_wait3A_93 = arith.constant 0 : i32
      %dma_wait3A_94 = tpu.memref_slice %arg10[%dma_wait3A_93] : memref<56xi32, #tpu.memory_space<vmem>> -> memref<40xi32, #tpu.memory_space<vmem>>
      %dma_wait3A_95 = arith.constant 0 : i32
      %dma_wait3A_96 = tpu.memref_slice %arg4[%dma_wait3A_95] : memref<20480xi32, #tpu.memory_space<hbm>> -> memref<40xi32, #tpu.memory_space<hbm>>
      %dma_wait3A_97 = arith.constant 0 : i32
      %dma_wait3A_98 = tpu.memref_slice %arg10[%dma_wait3A_97] : memref<56xi32, #tpu.memory_space<vmem>> -> memref<40xi32, #tpu.memory_space<vmem>>
      %dma_wait3A_99 = arith.constant 0 : i32
      %dma_wait3A_100 = tpu.memref_slice %arg4[%dma_wait3A_99] : memref<20480xi32, #tpu.memory_space<hbm>> -> memref<40xi32, #tpu.memory_space<hbm>>
      tpu.wait_dma2 semaphore(%arg13 : memref<!tpu.dma_semaphore, #tpu.memory_space<semaphore_mem>>) src(%dma_wait3A_100 : memref<40xi32, #tpu.memory_space<hbm>>) dst(%dma_wait3A_98 : memref<40xi32, #tpu.memory_space<vmem>>)
      %scan3A_101 = arith.constant 0 : i32
      %scan3A_102 = arith.constant 40 : i32
      %scan3A_103 = arith.addi %scan3A_101, %scan3A_102 : i32
      %scan3A_104 = arith.constant 1 : i32
      scf.for %scan3A_144 = %scan3A_101 to %scan3A_103 step %scan3A_104  : i32 {
        %mul3A_145 = arith.constant 1 : i32
        %mul3A_146 = arith.muli %scan3A_144, %mul3A_145 : i32
        %add3A_147 = arith.constant 0 : i32
        %add3A_148 = arith.addi %add3A_147, %mul3A_146 : i32
        %get3A = arith.index_cast %add3A_148 : i32 to index
        %get3A_149 = tpu.vector_load %arg10[%get3A] {strides = array<i32>} : memref<56xi32, #tpu.memory_space<vmem>>, vector<16xi32>,
        %slice3A = vector.extract_strided_slice %get3A_149 {offsets = [0], sizes = [1], strides = [1]} : vector<16xi32> to vector<1xi32>
        %squeeze3A = vector.extract %slice3A[0] : i32 from vector<1xi32>
        %mul3A_150 = arith.constant 16 : i32
        %mul3A_151 = arith.muli %add3A_148, %mul3A_150 : i32
        %get3A_152 = arith.index_cast %mul3A_151 : i32 to index
        %get3A_153 = tpu.vector_load %arg6[%get3A_152] {strides = array<i32>} : memref<640xi32, #tpu.memory_space<vmem>>, vector<16xi32>,
        %broadcast_in_dim3A = arith.constant 0 : i32
        %broadcast_in_dim3A_154 = vector.broadcast %broadcast_in_dim3A : i32 to vector<16xi32>
        %get3A_155 = arith.constant 0 : i32
        %get3A_156 = arith.index_cast %get3A_155 : i32 to index
        %get3A_157 = arith.index_cast %mul3A_151 : i32 to index
        %get3A_158 = tpu.vector_load %arg8[%get3A_156, %get3A_157] {strides = array<i32>} : memref<8x640xf32, #tpu.memory_space<vmem>>, vector<16xf32>,
        %gather3A = tpu.vector_load_idx %arg12[%broadcast_in_dim3A_154, %get3A_153] : memref<8x10240xf32, #tpu.memory_space<vmem>>[vector<16xi32>, vector<16xi32>], vector<16xf32>,
        %gt3A = arith.cmpf ogt, %get3A_158, %gather3A : vector<16xf32>
        tpu.vector_store_idx %arg12[%broadcast_in_dim3A_154, %get3A_153], %get3A_158 masked %gt3A : memref<8x10240xf32, #tpu.memory_space<vmem>>[vector<16xi32>, vector<16xi32>], vector<16xf32>, vector<16xi1>
        %broadcast_in_dim3A_159 = arith.constant 1 : i32
        %broadcast_in_dim3A_160 = vector.broadcast %broadcast_in_dim3A_159 : i32 to vector<16xi32>
        %get3A_161 = arith.constant 1 : i32
        %get3A_162 = arith.index_cast %get3A_161 : i32 to index
        %get3A_163 = arith.index_cast %mul3A_151 : i32 to index
        %get3A_164 = tpu.vector_load %arg8[%get3A_162, %get3A_163] {strides = array<i32>} : memref<8x640xf32, #tpu.memory_space<vmem>>, vector<16xf32>,
        %gather3A_165 = tpu.vector_load_idx %arg12[%broadcast_in_dim3A_160, %get3A_153] : memref<8x10240xf32, #tpu.memory_space<vmem>>[vector<16xi32>, vector<16xi32>], vector<16xf32>,
        %gt3A_166 = arith.cmpf ogt, %get3A_164, %gather3A_165 : vector<16xf32>
        tpu.vector_store_idx %arg12[%broadcast_in_dim3A_160, %get3A_153], %get3A_164 masked %gt3A_166 : memref<8x10240xf32, #tpu.memory_space<vmem>>[vector<16xi32>, vector<16xi32>], vector<16xf32>, vector<16xi1>
        %broadcast_in_dim3A_167 = arith.constant 2 : i32
        %broadcast_in_dim3A_168 = vector.broadcast %broadcast_in_dim3A_167 : i32 to vector<16xi32>
        %get3A_169 = arith.constant 2 : i32
        %get3A_170 = arith.index_cast %get3A_169 : i32 to index
        %get3A_171 = arith.index_cast %mul3A_151 : i32 to index
        %get3A_172 = tpu.vector_load %arg8[%get3A_170, %get3A_171] {strides = array<i32>} : memref<8x640xf32, #tpu.memory_space<vmem>>, vector<16xf32>,
        %gather3A_173 = tpu.vector_load_idx %arg12[%broadcast_in_dim3A_168, %get3A_153] : memref<8x10240xf32, #tpu.memory_space<vmem>>[vector<16xi32>, vector<16xi32>], vector<16xf32>,
        %gt3A_174 = arith.cmpf ogt, %get3A_172, %gather3A_173 : vector<16xf32>
        tpu.vector_store_idx %arg12[%broadcast_in_dim3A_168, %get3A_153], %get3A_172 masked %gt3A_174 : memref<8x10240xf32, #tpu.memory_space<vmem>>[vector<16xi32>, vector<16xi32>], vector<16xf32>, vector<16xi1>
        %broadcast_in_dim3A_175 = arith.constant 3 : i32
        %broadcast_in_dim3A_176 = vector.broadcast %broadcast_in_dim3A_175 : i32 to vector<16xi32>
        %get3A_177 = arith.constant 3 : i32
        %get3A_178 = arith.index_cast %get3A_177 : i32 to index
        %get3A_179 = arith.index_cast %mul3A_151 : i32 to index
        %get3A_180 = tpu.vector_load %arg8[%get3A_178, %get3A_179] {strides = array<i32>} : memref<8x640xf32, #tpu.memory_space<vmem>>, vector<16xf32>,
        %gather3A_181 = tpu.vector_load_idx %arg12[%broadcast_in_dim3A_176, %get3A_153] : memref<8x10240xf32, #tpu.memory_space<vmem>>[vector<16xi32>, vector<16xi32>], vector<16xf32>,
        %gt3A_182 = arith.cmpf ogt, %get3A_180, %gather3A_181 : vector<16xf32>
        tpu.vector_store_idx %arg12[%broadcast_in_dim3A_176, %get3A_153], %get3A_180 masked %gt3A_182 : memref<8x10240xf32, #tpu.memory_space<vmem>>[vector<16xi32>, vector<16xi32>], vector<16xf32>, vector<16xi1>
        %broadcast_in_dim3A_183 = arith.constant 4 : i32
        %broadcast_in_dim3A_184 = vector.broadcast %broadcast_in_dim3A_183 : i32 to vector<16xi32>
        %get3A_185 = arith.constant 4 : i32
        %get3A_186 = arith.index_cast %get3A_185 : i32 to index
        %get3A_187 = arith.index_cast %mul3A_151 : i32 to index
        %get3A_188 = tpu.vector_load %arg8[%get3A_186, %get3A_187] {strides = array<i32>} : memref<8x640xf32, #tpu.memory_space<vmem>>, vector<16xf32>,
        %gather3A_189 = tpu.vector_load_idx %arg12[%broadcast_in_dim3A_184, %get3A_153] : memref<8x10240xf32, #tpu.memory_space<vmem>>[vector<16xi32>, vector<16xi32>], vector<16xf32>,
        %gt3A_190 = arith.cmpf ogt, %get3A_188, %gather3A_189 : vector<16xf32>
        tpu.vector_store_idx %arg12[%broadcast_in_dim3A_184, %get3A_153], %get3A_188 masked %gt3A_190 : memref<8x10240xf32, #tpu.memory_space<vmem>>[vector<16xi32>, vector<16xi32>], vector<16xf32>, vector<16xi1>
        %broadcast_in_dim3A_191 = arith.constant 5 : i32
        %broadcast_in_dim3A_192 = vector.broadcast %broadcast_in_dim3A_191 : i32 to vector<16xi32>
        %get3A_193 = arith.constant 5 : i32
        %get3A_194 = arith.index_cast %get3A_193 : i32 to index
        %get3A_195 = arith.index_cast %mul3A_151 : i32 to index
        %get3A_196 = tpu.vector_load %arg8[%get3A_194, %get3A_195] {strides = array<i32>} : memref<8x640xf32, #tpu.memory_space<vmem>>, vector<16xf32>,
        %gather3A_197 = tpu.vector_load_idx %arg12[%broadcast_in_dim3A_192, %get3A_153] : memref<8x10240xf32, #tpu.memory_space<vmem>>[vector<16xi32>, vector<16xi32>], vector<16xf32>,
        %gt3A_198 = arith.cmpf ogt, %get3A_196, %gather3A_197 : vector<16xf32>
        tpu.vector_store_idx %arg12[%broadcast_in_dim3A_192, %get3A_153], %get3A_196 masked %gt3A_198 : memref<8x10240xf32, #tpu.memory_space<vmem>>[vector<16xi32>, vector<16xi32>], vector<16xf32>, vector<16xi1>
        %broadcast_in_dim3A_199 = arith.constant 6 : i32
        %broadcast_in_dim3A_200 = vector.broadcast %broadcast_in_dim3A_199 : i32 to vector<16xi32>
        %get3A_201 = arith.constant 6 : i32
        %get3A_202 = arith.index_cast %get3A_201 : i32 to index
        %get3A_203 = arith.index_cast %mul3A_151 : i32 to index
        %get3A_204 = tpu.vector_load %arg8[%get3A_202, %get3A_203] {strides = array<i32>} : memref<8x640xf32, #tpu.memory_space<vmem>>, vector<16xf32>,
        %gather3A_205 = tpu.vector_load_idx %arg12[%broadcast_in_dim3A_200, %get3A_153] : memref<8x10240xf32, #tpu.memory_space<vmem>>[vector<16xi32>, vector<16xi32>], vector<16xf32>,
        %gt3A_206 = arith.cmpf ogt, %get3A_204, %gather3A_205 : vector<16xf32>
        tpu.vector_store_idx %arg12[%broadcast_in_dim3A_200, %get3A_153], %get3A_204 masked %gt3A_206 : memref<8x10240xf32, #tpu.memory_space<vmem>>[vector<16xi32>, vector<16xi32>], vector<16xf32>, vector<16xi1>
        %broadcast_in_dim3A_207 = arith.constant 7 : i32
        %broadcast_in_dim3A_208 = vector.broadcast %broadcast_in_dim3A_207 : i32 to vector<16xi32>
        %get3A_209 = arith.constant 7 : i32
        %get3A_210 = arith.index_cast %get3A_209 : i32 to index
        %get3A_211 = arith.index_cast %mul3A_151 : i32 to index
        %get3A_212 = tpu.vector_load %arg8[%get3A_210, %get3A_211] {strides = array<i32>} : memref<8x640xf32, #tpu.memory_space<vmem>>, vector<16xf32>,
        %gather3A_213 = tpu.vector_load_idx %arg12[%broadcast_in_dim3A_208, %get3A_153] : memref<8x10240xf32, #tpu.memory_space<vmem>>[vector<16xi32>, vector<16xi32>], vector<16xf32>,
        %gt3A_214 = arith.cmpf ogt, %get3A_212, %gather3A_213 : vector<16xf32>
        tpu.vector_store_idx %arg12[%broadcast_in_dim3A_208, %get3A_153], %get3A_212 masked %gt3A_214 : memref<8x10240xf32, #tpu.memory_space<vmem>>[vector<16xi32>, vector<16xi32>], vector<16xf32>, vector<16xi1>
        %gt3A_215 = arith.constant 0 : i32
        %gt3A_216 = arith.cmpi sgt, %squeeze3A, %gt3A_215 : i32
        %convert_element_type3A_217 = arith.extui %gt3A_216 : i1 to i32
        %cond3A_218 = arith.constant 0 : i32
        %cond3A_219 = arith.cmpi ne, %convert_element_type3A_217, %cond3A_218 : i32
        scf.if %cond3A_219 {
          %scan3A_220 = arith.constant 0 : i32
          %scan3A_221 = arith.constant 15 : i32
          %scan3A_222 = arith.addi %scan3A_220, %scan3A_221 : i32
          %scan3A_223 = arith.constant 1 : i32
          scf.for %scan3A_225 = %scan3A_220 to %scan3A_222 step %scan3A_223  : i32 {
            %mul3A_226 = arith.constant 1 : i32
            %mul3A_227 = arith.muli %scan3A_225, %mul3A_226 : i32
            %add3A_228 = arith.constant 0 : i32
            %add3A_229 = arith.addi %add3A_228, %mul3A_227 : i32
            %mul3A_230 = arith.constant 16 : i32
            %mul3A_231 = arith.muli %add3A_148, %mul3A_230 : i32
            %get3A_232 = arith.index_cast %mul3A_231 : i32 to index
            %get3A_233 = tpu.vector_load %arg6[%get3A_232] {strides = array<i32>} : memref<640xi32, #tpu.memory_space<vmem>>, vector<16xi32>,
            %broadcast_in_dim3A_234 = arith.constant 0 : i32
            %broadcast_in_dim3A_235 = vector.broadcast %broadcast_in_dim3A_234 : i32 to vector<16xi32>
            %get3A_236 = arith.constant 0 : i32
            %get3A_237 = arith.index_cast %get3A_236 : i32 to index
            %get3A_238 = arith.index_cast %mul3A_231 : i32 to index
            %get3A_239 = tpu.vector_load %arg8[%get3A_237, %get3A_238] {strides = array<i32>} : memref<8x640xf32, #tpu.memory_space<vmem>>, vector<16xf32>,
            %gather3A_240 = tpu.vector_load_idx %arg12[%broadcast_in_dim3A_235, %get3A_233] : memref<8x10240xf32, #tpu.memory_space<vmem>>[vector<16xi32>, vector<16xi32>], vector<16xf32>,
            %gt3A_241 = arith.cmpf ogt, %get3A_239, %gather3A_240 : vector<16xf32>
            tpu.vector_store_idx %arg12[%broadcast_in_dim3A_235, %get3A_233], %get3A_239 masked %gt3A_241 : memref<8x10240xf32, #tpu.memory_space<vmem>>[vector<16xi32>, vector<16xi32>], vector<16xf32>, vector<16xi1>
            %broadcast_in_dim3A_242 = arith.constant 1 : i32
            %broadcast_in_dim3A_243 = vector.broadcast %broadcast_in_dim3A_242 : i32 to vector<16xi32>
            %get3A_244 = arith.constant 1 : i32
            %get3A_245 = arith.index_cast %get3A_244 : i32 to index
            %get3A_246 = arith.index_cast %mul3A_231 : i32 to index
            %get3A_247 = tpu.vector_load %arg8[%get3A_245, %get3A_246] {strides = array<i32>} : memref<8x640xf32, #tpu.memory_space<vmem>>, vector<16xf32>,
            %gather3A_248 = tpu.vector_load_idx %arg12[%broadcast_in_dim3A_243, %get3A_233] : memref<8x10240xf32, #tpu.memory_space<vmem>>[vector<16xi32>, vector<16xi32>], vector<16xf32>,
            %gt3A_249 = arith.cmpf ogt, %get3A_247, %gather3A_248 : vector<16xf32>
            tpu.vector_store_idx %arg12[%broadcast_in_dim3A_243, %get3A_233], %get3A_247 masked %gt3A_249 : memref<8x10240xf32, #tpu.memory_space<vmem>>[vector<16xi32>, vector<16xi32>], vector<16xf32>, vector<16xi1>
            %broadcast_in_dim3A_250 = arith.constant 2 : i32
            %broadcast_in_dim3A_251 = vector.broadcast %broadcast_in_dim3A_250 : i32 to vector<16xi32>
            %get3A_252 = arith.constant 2 : i32
            %get3A_253 = arith.index_cast %get3A_252 : i32 to index
            %get3A_254 = arith.index_cast %mul3A_231 : i32 to index
            %get3A_255 = tpu.vector_load %arg8[%get3A_253, %get3A_254] {strides = array<i32>} : memref<8x640xf32, #tpu.memory_space<vmem>>, vector<16xf32>,
            %gather3A_256 = tpu.vector_load_idx %arg12[%broadcast_in_dim3A_251, %get3A_233] : memref<8x10240xf32, #tpu.memory_space<vmem>>[vector<16xi32>, vector<16xi32>], vector<16xf32>,
            %gt3A_257 = arith.cmpf ogt, %get3A_255, %gather3A_256 : vector<16xf32>
            tpu.vector_store_idx %arg12[%broadcast_in_dim3A_251, %get3A_233], %get3A_255 masked %gt3A_257 : memref<8x10240xf32, #tpu.memory_space<vmem>>[vector<16xi32>, vector<16xi32>], vector<16xf32>, vector<16xi1>
            %broadcast_in_dim3A_258 = arith.constant 3 : i32
            %broadcast_in_dim3A_259 = vector.broadcast %broadcast_in_dim3A_258 : i32 to vector<16xi32>
            %get3A_260 = arith.constant 3 : i32
            %get3A_261 = arith.index_cast %get3A_260 : i32 to index
            %get3A_262 = arith.index_cast %mul3A_231 : i32 to index
            %get3A_263 = tpu.vector_load %arg8[%get3A_261, %get3A_262] {strides = array<i32>} : memref<8x640xf32, #tpu.memory_space<vmem>>, vector<16xf32>,
            %gather3A_264 = tpu.vector_load_idx %arg12[%broadcast_in_dim3A_259, %get3A_233] : memref<8x10240xf32, #tpu.memory_space<vmem>>[vector<16xi32>, vector<16xi32>], vector<16xf32>,
            %gt3A_265 = arith.cmpf ogt, %get3A_263, %gather3A_264 : vector<16xf32>
            tpu.vector_store_idx %arg12[%broadcast_in_dim3A_259, %get3A_233], %get3A_263 masked %gt3A_265 : memref<8x10240xf32, #tpu.memory_space<vmem>>[vector<16xi32>, vector<16xi32>], vector<16xf32>, vector<16xi1>
            %broadcast_in_dim3A_266 = arith.constant 4 : i32
            %broadcast_in_dim3A_267 = vector.broadcast %broadcast_in_dim3A_266 : i32 to vector<16xi32>
            %get3A_268 = arith.constant 4 : i32
            %get3A_269 = arith.index_cast %get3A_268 : i32 to index
            %get3A_270 = arith.index_cast %mul3A_231 : i32 to index
            %get3A_271 = tpu.vector_load %arg8[%get3A_269, %get3A_270] {strides = array<i32>} : memref<8x640xf32, #tpu.memory_space<vmem>>, vector<16xf32>,
            %gather3A_272 = tpu.vector_load_idx %arg12[%broadcast_in_dim3A_267, %get3A_233] : memref<8x10240xf32, #tpu.memory_space<vmem>>[vector<16xi32>, vector<16xi32>], vector<16xf32>,
            %gt3A_273 = arith.cmpf ogt, %get3A_271, %gather3A_272 : vector<16xf32>
            tpu.vector_store_idx %arg12[%broadcast_in_dim3A_267, %get3A_233], %get3A_271 masked %gt3A_273 : memref<8x10240xf32, #tpu.memory_space<vmem>>[vector<16xi32>, vector<16xi32>], vector<16xf32>, vector<16xi1>
            %broadcast_in_dim3A_274 = arith.constant 5 : i32
            %broadcast_in_dim3A_275 = vector.broadcast %broadcast_in_dim3A_274 : i32 to vector<16xi32>
            %get3A_276 = arith.constant 5 : i32
            %get3A_277 = arith.index_cast %get3A_276 : i32 to index
            %get3A_278 = arith.index_cast %mul3A_231 : i32 to index
            %get3A_279 = tpu.vector_load %arg8[%get3A_277, %get3A_278] {strides = array<i32>} : memref<8x640xf32, #tpu.memory_space<vmem>>, vector<16xf32>,
            %gather3A_280 = tpu.vector_load_idx %arg12[%broadcast_in_dim3A_275, %get3A_233] : memref<8x10240xf32, #tpu.memory_space<vmem>>[vector<16xi32>, vector<16xi32>], vector<16xf32>,
            %gt3A_281 = arith.cmpf ogt, %get3A_279, %gather3A_280 : vector<16xf32>
            tpu.vector_store_idx %arg12[%broadcast_in_dim3A_275, %get3A_233], %get3A_279 masked %gt3A_281 : memref<8x10240xf32, #tpu.memory_space<vmem>>[vector<16xi32>, vector<16xi32>], vector<16xf32>, vector<16xi1>
            %broadcast_in_dim3A_282 = arith.constant 6 : i32
            %broadcast_in_dim3A_283 = vector.broadcast %broadcast_in_dim3A_282 : i32 to vector<16xi32>
            %get3A_284 = arith.constant 6 : i32
            %get3A_285 = arith.index_cast %get3A_284 : i32 to index
            %get3A_286 = arith.index_cast %mul3A_231 : i32 to index
            %get3A_287 = tpu.vector_load %arg8[%get3A_285, %get3A_286] {strides = array<i32>} : memref<8x640xf32, #tpu.memory_space<vmem>>, vector<16xf32>,
            %gather3A_288 = tpu.vector_load_idx %arg12[%broadcast_in_dim3A_283, %get3A_233] : memref<8x10240xf32, #tpu.memory_space<vmem>>[vector<16xi32>, vector<16xi32>], vector<16xf32>,
            %gt3A_289 = arith.cmpf ogt, %get3A_287, %gather3A_288 : vector<16xf32>
            tpu.vector_store_idx %arg12[%broadcast_in_dim3A_283, %get3A_233], %get3A_287 masked %gt3A_289 : memref<8x10240xf32, #tpu.memory_space<vmem>>[vector<16xi32>, vector<16xi32>], vector<16xf32>, vector<16xi1>
            %broadcast_in_dim3A_290 = arith.constant 7 : i32
            %broadcast_in_dim3A_291 = vector.broadcast %broadcast_in_dim3A_290 : i32 to vector<16xi32>
            %get3A_292 = arith.constant 7 : i32
            %get3A_293 = arith.index_cast %get3A_292 : i32 to index
            %get3A_294 = arith.index_cast %mul3A_231 : i32 to index
            %get3A_295 = tpu.vector_load %arg8[%get3A_293, %get3A_294] {strides = array<i32>} : memref<8x640xf32, #tpu.memory_space<vmem>>, vector<16xf32>,
            %gather3A_296 = tpu.vector_load_idx %arg12[%broadcast_in_dim3A_291, %get3A_233] : memref<8x10240xf32, #tpu.memory_space<vmem>>[vector<16xi32>, vector<16xi32>], vector<16xf32>,
            %gt3A_297 = arith.cmpf ogt, %get3A_295, %gather3A_296 : vector<16xf32>
            tpu.vector_store_idx %arg12[%broadcast_in_dim3A_291, %get3A_233], %get3A_295 masked %gt3A_297 : memref<8x10240xf32, #tpu.memory_space<vmem>>[vector<16xi32>, vector<16xi32>], vector<16xf32>, vector<16xi1>
          }
          %scan3A_224 = arith.constant 15 : i32
        } else {
        }
      }
      %scan3A_105 = arith.constant 40 : i32
      %add3A_106 = arith.constant 2 : i32
      %add3A_107 = arith.addi %add3A_83, %add3A_106 : i32
      %lt3A = arith.constant 250 : i32
      %lt3A_108 = arith.cmpi slt, %add3A_107, %lt3A : i32
      %convert_element_type3A = arith.extui %lt3A_108 : i1 to i32
      %cond3A = arith.constant 0 : i32
      %cond3A_109 = arith.cmpi ne, %convert_element_type3A, %cond3A : i32
      scf.if %cond3A_109 {
        %add3A_144 = arith.constant 2 : i32
        %add3A_145 = arith.addi %add3A_83, %add3A_144 : i32
        %mul3A_146 = arith.constant 640 : i32
        %mul3A_147 = arith.muli %add3A_145, %mul3A_146 : i32
        %add3A_148 = arith.addi %mul3A_2, %mul3A_147 : i32
        %dma_start3A_149 = tpu.memref_slice %arg3[%add3A_148] : memref<320000xi32, #tpu.memory_space<hbm>> -> memref<640xi32, #tpu.memory_space<hbm>>
        %dma_start3A_150 = tpu.memref_slice %arg3[%add3A_148] : memref<320000xi32, #tpu.memory_space<hbm>> -> memref<640xi32, #tpu.memory_space<hbm>>
        tpu.enqueue_dma source(%dma_start3A_150 : memref<640xi32, #tpu.memory_space<hbm>>) target(%arg6 : memref<640xi32, #tpu.memory_space<vmem>>) target_semaphore(%arg13 : memref<!tpu.dma_semaphore, #tpu.memory_space<semaphore_mem>>)
        %dma_start3A_151 = tpu.memref_slice %arg2[%mul3A_0, %add3A_148] : memref<128x320000xf32, #tpu.memory_space<hbm>> -> memref<8x640xf32, #tpu.memory_space<hbm>>
        %dma_start3A_152 = tpu.memref_slice %arg2[%mul3A_0, %add3A_148] : memref<128x320000xf32, #tpu.memory_space<hbm>> -> memref<8x640xf32, #tpu.memory_space<hbm>>
        tpu.enqueue_dma source(%dma_start3A_152 : memref<8x640xf32, #tpu.memory_space<hbm>>) target(%arg8 : memref<8x640xf32, #tpu.memory_space<vmem>>) target_semaphore(%arg13 : memref<!tpu.dma_semaphore, #tpu.memory_space<semaphore_mem>>)
        %mul3A_153 = arith.constant 40 : i32
        %mul3A_154 = arith.muli %add3A_145, %mul3A_153 : i32
        %add3A_155 = arith.addi %mul3A_4, %mul3A_154 : i32
        %dma_start3A_156 = arith.constant 0 : i32
        %dma_start3A_157 = tpu.memref_slice %arg10[%dma_start3A_156] : memref<56xi32, #tpu.memory_space<vmem>> -> memref<40xi32, #tpu.memory_space<vmem>>
        %dma_start3A_158 = tpu.memref_slice %arg4[%add3A_155] : memref<20480xi32, #tpu.memory_space<hbm>> -> memref<40xi32, #tpu.memory_space<hbm>>
        %dma_start3A_159 = arith.constant 0 : i32
        %dma_start3A_160 = tpu.memref_slice %arg10[%dma_start3A_159] : memref<56xi32, #tpu.memory_space<vmem>> -> memref<40xi32, #tpu.memory_space<vmem>>
        %dma_start3A_161 = tpu.memref_slice %arg4[%add3A_155] : memref<20480xi32, #tpu.memory_space<hbm>> -> memref<40xi32, #tpu.memory_space<hbm>>
        tpu.enqueue_dma source(%dma_start3A_161 : memref<40xi32, #tpu.memory_space<hbm>>) target(%dma_start3A_160 : memref<40xi32, #tpu.memory_space<vmem>>) target_semaphore(%arg13 : memref<!tpu.dma_semaphore, #tpu.memory_space<semaphore_mem>>)
      } else {
      }
      %mul3A_110 = arith.constant 2 : i32
      %mul3A_111 = arith.muli %mul3A_110, %add3A_79 : i32
      %add3A_112 = arith.constant 1 : i32
      %add3A_113 = arith.addi %mul3A_111, %add3A_112 : i32
      %dma_wait3A_114 = arith.constant 0 : i32
      %dma_wait3A_115 = tpu.memref_slice %arg3[%dma_wait3A_114] : memref<320000xi32, #tpu.memory_space<hbm>> -> memref<640xi32, #tpu.memory_space<hbm>>
      %dma_wait3A_116 = arith.constant 0 : i32
      %dma_wait3A_117 = tpu.memref_slice %arg3[%dma_wait3A_116] : memref<320000xi32, #tpu.memory_space<hbm>> -> memref<640xi32, #tpu.memory_space<hbm>>
      tpu.wait_dma2 semaphore(%arg14 : memref<!tpu.dma_semaphore, #tpu.memory_space<semaphore_mem>>) src(%dma_wait3A_117 : memref<640xi32, #tpu.memory_space<hbm>>) dst(%arg7 : memref<640xi32, #tpu.memory_space<vmem>>)
      %dma_wait3A_118 = arith.constant 0 : i32
      %dma_wait3A_119 = arith.constant 0 : i32
      %dma_wait3A_120 = tpu.memref_slice %arg2[%dma_wait3A_118, %dma_wait3A_119] : memref<128x320000xf32, #tpu.memory_space<hbm>> -> memref<8x640xf32, #tpu.memory_space<hbm>>
      %dma_wait3A_121 = arith.constant 0 : i32
      %dma_wait3A_122 = arith.constant 0 : i32
      %dma_wait3A_123 = tpu.memref_slice %arg2[%dma_wait3A_121, %dma_wait3A_122] : memref<128x320000xf32, #tpu.memory_space<hbm>> -> memref<8x640xf32, #tpu.memory_space<hbm>>
      tpu.wait_dma2 semaphore(%arg14 : memref<!tpu.dma_semaphore, #tpu.memory_space<semaphore_mem>>) src(%dma_wait3A_123 : memref<8x640xf32, #tpu.memory_space<hbm>>) dst(%arg9 : memref<8x640xf32, #tpu.memory_space<vmem>>)
      %dma_wait3A_124 = arith.constant 0 : i32
      %dma_wait3A_125 = tpu.memref_slice %arg11[%dma_wait3A_124] : memref<56xi32, #tpu.memory_space<vmem>> -> memref<40xi32, #tpu.memory_space<vmem>>
      %dma_wait3A_126 = arith.constant 0 : i32
      %dma_wait3A_127 = tpu.memref_slice %arg4[%dma_wait3A_126] : memref<20480xi32, #tpu.memory_space<hbm>> -> memref<40xi32, #tpu.memory_space<hbm>>
      %dma_wait3A_128 = arith.constant 0 : i32
      %dma_wait3A_129 = tpu.memref_slice %arg11[%dma_wait3A_128] : memref<56xi32, #tpu.memory_space<vmem>> -> memref<40xi32, #tpu.memory_space<vmem>>
      %dma_wait3A_130 = arith.constant 0 : i32
      %dma_wait3A_131 = tpu.memref_slice %arg4[%dma_wait3A_130] : memref<20480xi32, #tpu.memory_space<hbm>> -> memref<40xi32, #tpu.memory_space<hbm>>
      tpu.wait_dma2 semaphore(%arg14 : memref<!tpu.dma_semaphore, #tpu.memory_space<semaphore_mem>>) src(%dma_wait3A_131 : memref<40xi32, #tpu.memory_space<hbm>>) dst(%dma_wait3A_129 : memref<40xi32, #tpu.memory_space<vmem>>)
      %scan3A_132 = arith.constant 0 : i32
      %scan3A_133 = arith.constant 40 : i32
      %scan3A_134 = arith.addi %scan3A_132, %scan3A_133 : i32
      %scan3A_135 = arith.constant 1 : i32
      scf.for %scan3A_144 = %scan3A_132 to %scan3A_134 step %scan3A_135  : i32 {
        %mul3A_145 = arith.constant 1 : i32
        %mul3A_146 = arith.muli %scan3A_144, %mul3A_145 : i32
        %add3A_147 = arith.constant 0 : i32
        %add3A_148 = arith.addi %add3A_147, %mul3A_146 : i32
        %get3A = arith.index_cast %add3A_148 : i32 to index
        %get3A_149 = tpu.vector_load %arg11[%get3A] {strides = array<i32>} : memref<56xi32, #tpu.memory_space<vmem>>, vector<16xi32>,
        %slice3A = vector.extract_strided_slice %get3A_149 {offsets = [0], sizes = [1], strides = [1]} : vector<16xi32> to vector<1xi32>
        %squeeze3A = vector.extract %slice3A[0] : i32 from vector<1xi32>
        %mul3A_150 = arith.constant 16 : i32
        %mul3A_151 = arith.muli %add3A_148, %mul3A_150 : i32
        %get3A_152 = arith.index_cast %mul3A_151 : i32 to index
        %get3A_153 = tpu.vector_load %arg7[%get3A_152] {strides = array<i32>} : memref<640xi32, #tpu.memory_space<vmem>>, vector<16xi32>,
        %broadcast_in_dim3A = arith.constant 0 : i32
        %broadcast_in_dim3A_154 = vector.broadcast %broadcast_in_dim3A : i32 to vector<16xi32>
        %get3A_155 = arith.constant 0 : i32
        %get3A_156 = arith.index_cast %get3A_155 : i32 to index
        %get3A_157 = arith.index_cast %mul3A_151 : i32 to index
        %get3A_158 = tpu.vector_load %arg9[%get3A_156, %get3A_157] {strides = array<i32>} : memref<8x640xf32, #tpu.memory_space<vmem>>, vector<16xf32>,
        %gather3A = tpu.vector_load_idx %arg12[%broadcast_in_dim3A_154, %get3A_153] : memref<8x10240xf32, #tpu.memory_space<vmem>>[vector<16xi32>, vector<16xi32>], vector<16xf32>,
        %gt3A = arith.cmpf ogt, %get3A_158, %gather3A : vector<16xf32>
        tpu.vector_store_idx %arg12[%broadcast_in_dim3A_154, %get3A_153], %get3A_158 masked %gt3A : memref<8x10240xf32, #tpu.memory_space<vmem>>[vector<16xi32>, vector<16xi32>], vector<16xf32>, vector<16xi1>
        %broadcast_in_dim3A_159 = arith.constant 1 : i32
        %broadcast_in_dim3A_160 = vector.broadcast %broadcast_in_dim3A_159 : i32 to vector<16xi32>
        %get3A_161 = arith.constant 1 : i32
        %get3A_162 = arith.index_cast %get3A_161 : i32 to index
        %get3A_163 = arith.index_cast %mul3A_151 : i32 to index
        %get3A_164 = tpu.vector_load %arg9[%get3A_162, %get3A_163] {strides = array<i32>} : memref<8x640xf32, #tpu.memory_space<vmem>>, vector<16xf32>,
        %gather3A_165 = tpu.vector_load_idx %arg12[%broadcast_in_dim3A_160, %get3A_153] : memref<8x10240xf32, #tpu.memory_space<vmem>>[vector<16xi32>, vector<16xi32>], vector<16xf32>,
        %gt3A_166 = arith.cmpf ogt, %get3A_164, %gather3A_165 : vector<16xf32>
        tpu.vector_store_idx %arg12[%broadcast_in_dim3A_160, %get3A_153], %get3A_164 masked %gt3A_166 : memref<8x10240xf32, #tpu.memory_space<vmem>>[vector<16xi32>, vector<16xi32>], vector<16xf32>, vector<16xi1>
        %broadcast_in_dim3A_167 = arith.constant 2 : i32
        %broadcast_in_dim3A_168 = vector.broadcast %broadcast_in_dim3A_167 : i32 to vector<16xi32>
        %get3A_169 = arith.constant 2 : i32
        %get3A_170 = arith.index_cast %get3A_169 : i32 to index
        %get3A_171 = arith.index_cast %mul3A_151 : i32 to index
        %get3A_172 = tpu.vector_load %arg9[%get3A_170, %get3A_171] {strides = array<i32>} : memref<8x640xf32, #tpu.memory_space<vmem>>, vector<16xf32>,
        %gather3A_173 = tpu.vector_load_idx %arg12[%broadcast_in_dim3A_168, %get3A_153] : memref<8x10240xf32, #tpu.memory_space<vmem>>[vector<16xi32>, vector<16xi32>], vector<16xf32>,
        %gt3A_174 = arith.cmpf ogt, %get3A_172, %gather3A_173 : vector<16xf32>
        tpu.vector_store_idx %arg12[%broadcast_in_dim3A_168, %get3A_153], %get3A_172 masked %gt3A_174 : memref<8x10240xf32, #tpu.memory_space<vmem>>[vector<16xi32>, vector<16xi32>], vector<16xf32>, vector<16xi1>
        %broadcast_in_dim3A_175 = arith.constant 3 : i32
        %broadcast_in_dim3A_176 = vector.broadcast %broadcast_in_dim3A_175 : i32 to vector<16xi32>
        %get3A_177 = arith.constant 3 : i32
        %get3A_178 = arith.index_cast %get3A_177 : i32 to index
        %get3A_179 = arith.index_cast %mul3A_151 : i32 to index
        %get3A_180 = tpu.vector_load %arg9[%get3A_178, %get3A_179] {strides = array<i32>} : memref<8x640xf32, #tpu.memory_space<vmem>>, vector<16xf32>,
        %gather3A_181 = tpu.vector_load_idx %arg12[%broadcast_in_dim3A_176, %get3A_153] : memref<8x10240xf32, #tpu.memory_space<vmem>>[vector<16xi32>, vector<16xi32>], vector<16xf32>,
        %gt3A_182 = arith.cmpf ogt, %get3A_180, %gather3A_181 : vector<16xf32>
        tpu.vector_store_idx %arg12[%broadcast_in_dim3A_176, %get3A_153], %get3A_180 masked %gt3A_182 : memref<8x10240xf32, #tpu.memory_space<vmem>>[vector<16xi32>, vector<16xi32>], vector<16xf32>, vector<16xi1>
        %broadcast_in_dim3A_183 = arith.constant 4 : i32
        %broadcast_in_dim3A_184 = vector.broadcast %broadcast_in_dim3A_183 : i32 to vector<16xi32>
        %get3A_185 = arith.constant 4 : i32
        %get3A_186 = arith.index_cast %get3A_185 : i32 to index
        %get3A_187 = arith.index_cast %mul3A_151 : i32 to index
        %get3A_188 = tpu.vector_load %arg9[%get3A_186, %get3A_187] {strides = array<i32>} : memref<8x640xf32, #tpu.memory_space<vmem>>, vector<16xf32>,
        %gather3A_189 = tpu.vector_load_idx %arg12[%broadcast_in_dim3A_184, %get3A_153] : memref<8x10240xf32, #tpu.memory_space<vmem>>[vector<16xi32>, vector<16xi32>], vector<16xf32>,
        %gt3A_190 = arith.cmpf ogt, %get3A_188, %gather3A_189 : vector<16xf32>
        tpu.vector_store_idx %arg12[%broadcast_in_dim3A_184, %get3A_153], %get3A_188 masked %gt3A_190 : memref<8x10240xf32, #tpu.memory_space<vmem>>[vector<16xi32>, vector<16xi32>], vector<16xf32>, vector<16xi1>
        %broadcast_in_dim3A_191 = arith.constant 5 : i32
        %broadcast_in_dim3A_192 = vector.broadcast %broadcast_in_dim3A_191 : i32 to vector<16xi32>
        %get3A_193 = arith.constant 5 : i32
        %get3A_194 = arith.index_cast %get3A_193 : i32 to index
        %get3A_195 = arith.index_cast %mul3A_151 : i32 to index
        %get3A_196 = tpu.vector_load %arg9[%get3A_194, %get3A_195] {strides = array<i32>} : memref<8x640xf32, #tpu.memory_space<vmem>>, vector<16xf32>,
        %gather3A_197 = tpu.vector_load_idx %arg12[%broadcast_in_dim3A_192, %get3A_153] : memref<8x10240xf32, #tpu.memory_space<vmem>>[vector<16xi32>, vector<16xi32>], vector<16xf32>,
        %gt3A_198 = arith.cmpf ogt, %get3A_196, %gather3A_197 : vector<16xf32>
        tpu.vector_store_idx %arg12[%broadcast_in_dim3A_192, %get3A_153], %get3A_196 masked %gt3A_198 : memref<8x10240xf32, #tpu.memory_space<vmem>>[vector<16xi32>, vector<16xi32>], vector<16xf32>, vector<16xi1>
        %broadcast_in_dim3A_199 = arith.constant 6 : i32
        %broadcast_in_dim3A_200 = vector.broadcast %broadcast_in_dim3A_199 : i32 to vector<16xi32>
        %get3A_201 = arith.constant 6 : i32
        %get3A_202 = arith.index_cast %get3A_201 : i32 to index
        %get3A_203 = arith.index_cast %mul3A_151 : i32 to index
        %get3A_204 = tpu.vector_load %arg9[%get3A_202, %get3A_203] {strides = array<i32>} : memref<8x640xf32, #tpu.memory_space<vmem>>, vector<16xf32>,
        %gather3A_205 = tpu.vector_load_idx %arg12[%broadcast_in_dim3A_200, %get3A_153] : memref<8x10240xf32, #tpu.memory_space<vmem>>[vector<16xi32>, vector<16xi32>], vector<16xf32>,
        %gt3A_206 = arith.cmpf ogt, %get3A_204, %gather3A_205 : vector<16xf32>
        tpu.vector_store_idx %arg12[%broadcast_in_dim3A_200, %get3A_153], %get3A_204 masked %gt3A_206 : memref<8x10240xf32, #tpu.memory_space<vmem>>[vector<16xi32>, vector<16xi32>], vector<16xf32>, vector<16xi1>
        %broadcast_in_dim3A_207 = arith.constant 7 : i32
        %broadcast_in_dim3A_208 = vector.broadcast %broadcast_in_dim3A_207 : i32 to vector<16xi32>
        %get3A_209 = arith.constant 7 : i32
        %get3A_210 = arith.index_cast %get3A_209 : i32 to index
        %get3A_211 = arith.index_cast %mul3A_151 : i32 to index
        %get3A_212 = tpu.vector_load %arg9[%get3A_210, %get3A_211] {strides = array<i32>} : memref<8x640xf32, #tpu.memory_space<vmem>>, vector<16xf32>,
        %gather3A_213 = tpu.vector_load_idx %arg12[%broadcast_in_dim3A_208, %get3A_153] : memref<8x10240xf32, #tpu.memory_space<vmem>>[vector<16xi32>, vector<16xi32>], vector<16xf32>,
        %gt3A_214 = arith.cmpf ogt, %get3A_212, %gather3A_213 : vector<16xf32>
        tpu.vector_store_idx %arg12[%broadcast_in_dim3A_208, %get3A_153], %get3A_212 masked %gt3A_214 : memref<8x10240xf32, #tpu.memory_space<vmem>>[vector<16xi32>, vector<16xi32>], vector<16xf32>, vector<16xi1>
        %gt3A_215 = arith.constant 0 : i32
        %gt3A_216 = arith.cmpi sgt, %squeeze3A, %gt3A_215 : i32
        %convert_element_type3A_217 = arith.extui %gt3A_216 : i1 to i32
        %cond3A_218 = arith.constant 0 : i32
        %cond3A_219 = arith.cmpi ne, %convert_element_type3A_217, %cond3A_218 : i32
        scf.if %cond3A_219 {
          %scan3A_220 = arith.constant 0 : i32
          %scan3A_221 = arith.constant 15 : i32
          %scan3A_222 = arith.addi %scan3A_220, %scan3A_221 : i32
          %scan3A_223 = arith.constant 1 : i32
          scf.for %scan3A_225 = %scan3A_220 to %scan3A_222 step %scan3A_223  : i32 {
            %mul3A_226 = arith.constant 1 : i32
            %mul3A_227 = arith.muli %scan3A_225, %mul3A_226 : i32
            %add3A_228 = arith.constant 0 : i32
            %add3A_229 = arith.addi %add3A_228, %mul3A_227 : i32
            %mul3A_230 = arith.constant 16 : i32
            %mul3A_231 = arith.muli %add3A_148, %mul3A_230 : i32
            %get3A_232 = arith.index_cast %mul3A_231 : i32 to index
            %get3A_233 = tpu.vector_load %arg7[%get3A_232] {strides = array<i32>} : memref<640xi32, #tpu.memory_space<vmem>>, vector<16xi32>,
            %broadcast_in_dim3A_234 = arith.constant 0 : i32
            %broadcast_in_dim3A_235 = vector.broadcast %broadcast_in_dim3A_234 : i32 to vector<16xi32>
            %get3A_236 = arith.constant 0 : i32
            %get3A_237 = arith.index_cast %get3A_236 : i32 to index
            %get3A_238 = arith.index_cast %mul3A_231 : i32 to index
            %get3A_239 = tpu.vector_load %arg9[%get3A_237, %get3A_238] {strides = array<i32>} : memref<8x640xf32, #tpu.memory_space<vmem>>, vector<16xf32>,
            %gather3A_240 = tpu.vector_load_idx %arg12[%broadcast_in_dim3A_235, %get3A_233] : memref<8x10240xf32, #tpu.memory_space<vmem>>[vector<16xi32>, vector<16xi32>], vector<16xf32>,
            %gt3A_241 = arith.cmpf ogt, %get3A_239, %gather3A_240 : vector<16xf32>
            tpu.vector_store_idx %arg12[%broadcast_in_dim3A_235, %get3A_233], %get3A_239 masked %gt3A_241 : memref<8x10240xf32, #tpu.memory_space<vmem>>[vector<16xi32>, vector<16xi32>], vector<16xf32>, vector<16xi1>
            %broadcast_in_dim3A_242 = arith.constant 1 : i32
            %broadcast_in_dim3A_243 = vector.broadcast %broadcast_in_dim3A_242 : i32 to vector<16xi32>
            %get3A_244 = arith.constant 1 : i32
            %get3A_245 = arith.index_cast %get3A_244 : i32 to index
            %get3A_246 = arith.index_cast %mul3A_231 : i32 to index
            %get3A_247 = tpu.vector_load %arg9[%get3A_245, %get3A_246] {strides = array<i32>} : memref<8x640xf32, #tpu.memory_space<vmem>>, vector<16xf32>,
            %gather3A_248 = tpu.vector_load_idx %arg12[%broadcast_in_dim3A_243, %get3A_233] : memref<8x10240xf32, #tpu.memory_space<vmem>>[vector<16xi32>, vector<16xi32>], vector<16xf32>,
            %gt3A_249 = arith.cmpf ogt, %get3A_247, %gather3A_248 : vector<16xf32>
            tpu.vector_store_idx %arg12[%broadcast_in_dim3A_243, %get3A_233], %get3A_247 masked %gt3A_249 : memref<8x10240xf32, #tpu.memory_space<vmem>>[vector<16xi32>, vector<16xi32>], vector<16xf32>, vector<16xi1>
            %broadcast_in_dim3A_250 = arith.constant 2 : i32
            %broadcast_in_dim3A_251 = vector.broadcast %broadcast_in_dim3A_250 : i32 to vector<16xi32>
            %get3A_252 = arith.constant 2 : i32
            %get3A_253 = arith.index_cast %get3A_252 : i32 to index
            %get3A_254 = arith.index_cast %mul3A_231 : i32 to index
            %get3A_255 = tpu.vector_load %arg9[%get3A_253, %get3A_254] {strides = array<i32>} : memref<8x640xf32, #tpu.memory_space<vmem>>, vector<16xf32>,
            %gather3A_256 = tpu.vector_load_idx %arg12[%broadcast_in_dim3A_251, %get3A_233] : memref<8x10240xf32, #tpu.memory_space<vmem>>[vector<16xi32>, vector<16xi32>], vector<16xf32>,
            %gt3A_257 = arith.cmpf ogt, %get3A_255, %gather3A_256 : vector<16xf32>
            tpu.vector_store_idx %arg12[%broadcast_in_dim3A_251, %get3A_233], %get3A_255 masked %gt3A_257 : memref<8x10240xf32, #tpu.memory_space<vmem>>[vector<16xi32>, vector<16xi32>], vector<16xf32>, vector<16xi1>
            %broadcast_in_dim3A_258 = arith.constant 3 : i32
            %broadcast_in_dim3A_259 = vector.broadcast %broadcast_in_dim3A_258 : i32 to vector<16xi32>
            %get3A_260 = arith.constant 3 : i32
            %get3A_261 = arith.index_cast %get3A_260 : i32 to index
            %get3A_262 = arith.index_cast %mul3A_231 : i32 to index
            %get3A_263 = tpu.vector_load %arg9[%get3A_261, %get3A_262] {strides = array<i32>} : memref<8x640xf32, #tpu.memory_space<vmem>>, vector<16xf32>,
            %gather3A_264 = tpu.vector_load_idx %arg12[%broadcast_in_dim3A_259, %get3A_233] : memref<8x10240xf32, #tpu.memory_space<vmem>>[vector<16xi32>, vector<16xi32>], vector<16xf32>,
            %gt3A_265 = arith.cmpf ogt, %get3A_263, %gather3A_264 : vector<16xf32>
            tpu.vector_store_idx %arg12[%broadcast_in_dim3A_259, %get3A_233], %get3A_263 masked %gt3A_265 : memref<8x10240xf32, #tpu.memory_space<vmem>>[vector<16xi32>, vector<16xi32>], vector<16xf32>, vector<16xi1>
            %broadcast_in_dim3A_266 = arith.constant 4 : i32
            %broadcast_in_dim3A_267 = vector.broadcast %broadcast_in_dim3A_266 : i32 to vector<16xi32>
            %get3A_268 = arith.constant 4 : i32
            %get3A_269 = arith.index_cast %get3A_268 : i32 to index
            %get3A_270 = arith.index_cast %mul3A_231 : i32 to index
            %get3A_271 = tpu.vector_load %arg9[%get3A_269, %get3A_270] {strides = array<i32>} : memref<8x640xf32, #tpu.memory_space<vmem>>, vector<16xf32>,
            %gather3A_272 = tpu.vector_load_idx %arg12[%broadcast_in_dim3A_267, %get3A_233] : memref<8x10240xf32, #tpu.memory_space<vmem>>[vector<16xi32>, vector<16xi32>], vector<16xf32>,
            %gt3A_273 = arith.cmpf ogt, %get3A_271, %gather3A_272 : vector<16xf32>
            tpu.vector_store_idx %arg12[%broadcast_in_dim3A_267, %get3A_233], %get3A_271 masked %gt3A_273 : memref<8x10240xf32, #tpu.memory_space<vmem>>[vector<16xi32>, vector<16xi32>], vector<16xf32>, vector<16xi1>
            %broadcast_in_dim3A_274 = arith.constant 5 : i32
            %broadcast_in_dim3A_275 = vector.broadcast %broadcast_in_dim3A_274 : i32 to vector<16xi32>
            %get3A_276 = arith.constant 5 : i32
            %get3A_277 = arith.index_cast %get3A_276 : i32 to index
            %get3A_278 = arith.index_cast %mul3A_231 : i32 to index
            %get3A_279 = tpu.vector_load %arg9[%get3A_277, %get3A_278] {strides = array<i32>} : memref<8x640xf32, #tpu.memory_space<vmem>>, vector<16xf32>,
            %gather3A_280 = tpu.vector_load_idx %arg12[%broadcast_in_dim3A_275, %get3A_233] : memref<8x10240xf32, #tpu.memory_space<vmem>>[vector<16xi32>, vector<16xi32>], vector<16xf32>,
            %gt3A_281 = arith.cmpf ogt, %get3A_279, %gather3A_280 : vector<16xf32>
            tpu.vector_store_idx %arg12[%broadcast_in_dim3A_275, %get3A_233], %get3A_279 masked %gt3A_281 : memref<8x10240xf32, #tpu.memory_space<vmem>>[vector<16xi32>, vector<16xi32>], vector<16xf32>, vector<16xi1>
            %broadcast_in_dim3A_282 = arith.constant 6 : i32
            %broadcast_in_dim3A_283 = vector.broadcast %broadcast_in_dim3A_282 : i32 to vector<16xi32>
            %get3A_284 = arith.constant 6 : i32
            %get3A_285 = arith.index_cast %get3A_284 : i32 to index
            %get3A_286 = arith.index_cast %mul3A_231 : i32 to index
            %get3A_287 = tpu.vector_load %arg9[%get3A_285, %get3A_286] {strides = array<i32>} : memref<8x640xf32, #tpu.memory_space<vmem>>, vector<16xf32>,
            %gather3A_288 = tpu.vector_load_idx %arg12[%broadcast_in_dim3A_283, %get3A_233] : memref<8x10240xf32, #tpu.memory_space<vmem>>[vector<16xi32>, vector<16xi32>], vector<16xf32>,
            %gt3A_289 = arith.cmpf ogt, %get3A_287, %gather3A_288 : vector<16xf32>
            tpu.vector_store_idx %arg12[%broadcast_in_dim3A_283, %get3A_233], %get3A_287 masked %gt3A_289 : memref<8x10240xf32, #tpu.memory_space<vmem>>[vector<16xi32>, vector<16xi32>], vector<16xf32>, vector<16xi1>
            %broadcast_in_dim3A_290 = arith.constant 7 : i32
            %broadcast_in_dim3A_291 = vector.broadcast %broadcast_in_dim3A_290 : i32 to vector<16xi32>
            %get3A_292 = arith.constant 7 : i32
            %get3A_293 = arith.index_cast %get3A_292 : i32 to index
            %get3A_294 = arith.index_cast %mul3A_231 : i32 to index
            %get3A_295 = tpu.vector_load %arg9[%get3A_293, %get3A_294] {strides = array<i32>} : memref<8x640xf32, #tpu.memory_space<vmem>>, vector<16xf32>,
            %gather3A_296 = tpu.vector_load_idx %arg12[%broadcast_in_dim3A_291, %get3A_233] : memref<8x10240xf32, #tpu.memory_space<vmem>>[vector<16xi32>, vector<16xi32>], vector<16xf32>,
            %gt3A_297 = arith.cmpf ogt, %get3A_295, %gather3A_296 : vector<16xf32>
            tpu.vector_store_idx %arg12[%broadcast_in_dim3A_291, %get3A_233], %get3A_295 masked %gt3A_297 : memref<8x10240xf32, #tpu.memory_space<vmem>>[vector<16xi32>, vector<16xi32>], vector<16xf32>, vector<16xi1>
          }
          %scan3A_224 = arith.constant 15 : i32
        } else {
        }
      }
      %scan3A_136 = arith.constant 40 : i32
      %add3A_137 = arith.constant 2 : i32
      %add3A_138 = arith.addi %add3A_113, %add3A_137 : i32
      %lt3A_139 = arith.constant 250 : i32
      %lt3A_140 = arith.cmpi slt, %add3A_138, %lt3A_139 : i32
      %convert_element_type3A_141 = arith.extui %lt3A_140 : i1 to i32
      %cond3A_142 = arith.constant 0 : i32
      %cond3A_143 = arith.cmpi ne, %convert_element_type3A_141, %cond3A_142 : i32
      scf.if %cond3A_143 {
        %add3A_144 = arith.constant 2 : i32
        %add3A_145 = arith.addi %add3A_113, %add3A_144 : i32
        %mul3A_146 = arith.constant 640 : i32
        %mul3A_147 = arith.muli %add3A_145, %mul3A_146 : i32
        %add3A_148 = arith.addi %mul3A_2, %mul3A_147 : i32
        %dma_start3A_149 = tpu.memref_slice %arg3[%add3A_148] : memref<320000xi32, #tpu.memory_space<hbm>> -> memref<640xi32, #tpu.memory_space<hbm>>
        %dma_start3A_150 = tpu.memref_slice %arg3[%add3A_148] : memref<320000xi32, #tpu.memory_space<hbm>> -> memref<640xi32, #tpu.memory_space<hbm>>
        tpu.enqueue_dma source(%dma_start3A_150 : memref<640xi32, #tpu.memory_space<hbm>>) target(%arg7 : memref<640xi32, #tpu.memory_space<vmem>>) target_semaphore(%arg14 : memref<!tpu.dma_semaphore, #tpu.memory_space<semaphore_mem>>)
        %dma_start3A_151 = tpu.memref_slice %arg2[%mul3A_0, %add3A_148] : memref<128x320000xf32, #tpu.memory_space<hbm>> -> memref<8x640xf32, #tpu.memory_space<hbm>>
        %dma_start3A_152 = tpu.memref_slice %arg2[%mul3A_0, %add3A_148] : memref<128x320000xf32, #tpu.memory_space<hbm>> -> memref<8x640xf32, #tpu.memory_space<hbm>>
        tpu.enqueue_dma source(%dma_start3A_152 : memref<8x640xf32, #tpu.memory_space<hbm>>) target(%arg9 : memref<8x640xf32, #tpu.memory_space<vmem>>) target_semaphore(%arg14 : memref<!tpu.dma_semaphore, #tpu.memory_space<semaphore_mem>>)
        %mul3A_153 = arith.constant 40 : i32
        %mul3A_154 = arith.muli %add3A_145, %mul3A_153 : i32
        %add3A_155 = arith.addi %mul3A_4, %mul3A_154 : i32
        %dma_start3A_156 = arith.constant 0 : i32
        %dma_start3A_157 = tpu.memref_slice %arg11[%dma_start3A_156] : memref<56xi32, #tpu.memory_space<vmem>> -> memref<40xi32, #tpu.memory_space<vmem>>
        %dma_start3A_158 = tpu.memref_slice %arg4[%add3A_155] : memref<20480xi32, #tpu.memory_space<hbm>> -> memref<40xi32, #tpu.memory_space<hbm>>
        %dma_start3A_159 = arith.constant 0 : i32
        %dma_start3A_160 = tpu.memref_slice %arg11[%dma_start3A_159] : memref<56xi32, #tpu.memory_space<vmem>> -> memref<40xi32, #tpu.memory_space<vmem>>
        %dma_start3A_161 = tpu.memref_slice %arg4[%add3A_155] : memref<20480xi32, #tpu.memory_space<hbm>> -> memref<40xi32, #tpu.memory_space<hbm>>
        tpu.enqueue_dma source(%dma_start3A_161 : memref<40xi32, #tpu.memory_space<hbm>>) target(%dma_start3A_160 : memref<40xi32, #tpu.memory_space<vmem>>) target_semaphore(%arg14 : memref<!tpu.dma_semaphore, #tpu.memory_space<semaphore_mem>>)
      } else {
      }
    }
    %scan3A_74 = arith.constant 125 : i32
    "tpu.region"() ({
      %run_scoped3A = tpu.sem_alloc : memref<!tpu.dma_semaphore, #tpu.memory_space<semaphore_mem>>
      %dma_start3A_75 = arith.constant 0 : i32
      %dma_start3A_76 = tpu.memref_slice %arg5[%arg0, %mul3A_0, %dma_start3A_75] : memref<2x128x10240xf32, #tpu.memory_space<hbm>> -> memref<1x8x10240xf32, #tpu.memory_space<hbm>>
      %dma_start3A_77 = tpu.memref_squeeze %dma_start3A_76 : memref<1x8x10240xf32, #tpu.memory_space<hbm>> -> memref<8x10240xf32, #tpu.memory_space<hbm>>
      %dma_start3A_78 = arith.constant 0 : i32
      %dma_start3A_79 = tpu.memref_slice %arg5[%arg0, %mul3A_0, %dma_start3A_78] : memref<2x128x10240xf32, #tpu.memory_space<hbm>> -> memref<1x8x10240xf32, #tpu.memory_space<hbm>>
      %dma_start3A_80 = tpu.memref_squeeze %dma_start3A_79 : memref<1x8x10240xf32, #tpu.memory_space<hbm>> -> memref<8x10240xf32, #tpu.memory_space<hbm>>
      tpu.enqueue_dma source(%arg12 : memref<8x10240xf32, #tpu.memory_space<vmem>>) target(%dma_start3A_80 : memref<8x10240xf32, #tpu.memory_space<hbm>>) target_semaphore(%run_scoped3A : memref<!tpu.dma_semaphore, #tpu.memory_space<semaphore_mem>>)
      %dma_wait3A = arith.constant 0 : i32
      %dma_wait3A_81 = tpu.memref_slice %arg5[%arg0, %mul3A_0, %dma_wait3A] : memref<2x128x10240xf32, #tpu.memory_space<hbm>> -> memref<1x8x10240xf32, #tpu.memory_space<hbm>>
      %dma_wait3A_82 = tpu.memref_squeeze %dma_wait3A_81 : memref<1x8x10240xf32, #tpu.memory_space<hbm>> -> memref<8x10240xf32, #tpu.memory_space<hbm>>
      %dma_wait3A_83 = arith.constant 0 : i32
      %dma_wait3A_84 = tpu.memref_slice %arg5[%arg0, %mul3A_0, %dma_wait3A_83] : memref<2x128x10240xf32, #tpu.memory_space<hbm>> -> memref<1x8x10240xf32, #tpu.memory_space<hbm>>
      %dma_wait3A_85 = tpu.memref_squeeze %dma_wait3A_84 : memref<1x8x10240xf32, #tpu.memory_space<hbm>> -> memref<8x10240xf32, #tpu.memory_space<hbm>>
      tpu.wait_dma2 semaphore(%run_scoped3A : memref<!tpu.dma_semaphore, #tpu.memory_space<semaphore_mem>>) src(%arg12 : memref<8x10240xf32, #tpu.memory_space<vmem>>) dst(%dma_wait3A_85 : memref<8x10240xf32, #tpu.memory_space<hbm>>)
      tpu.yield
    }) : () -> ()
    return
  }
}

#map = affine_map<(d0, d1) -> (0)>
module attributes {stable_mosaic.version = 14 : i64} {
  func.func @k(%arg0: i32, %arg1: i32, %arg2: memref<327680xi32, #tpu.memory_space<hbm>>, %arg3: memref<20480xi32, #tpu.memory_space<hbm>>, %arg4: memref<10240xi32, #tpu.memory_space<vmem>>, %arg5: memref<10240xi32, #tpu.memory_space<vmem>>, %arg6: memref<640xi32, #tpu.memory_space<vmem>>) attributes {dimension_semantics = [#tpu.dimension_semantics<core_parallel>, #tpu.dimension_semantics<subcore_parallel>], iteration_bounds = array<i64: 2, 16>, scalar_prefetch = 0 : i64, scratch_operands = 3 : i64, tpu.core_type = #tpu.core_type<sc_vector_subcore>, window_params = [{transform_indices = #map}, {transform_indices = #map}]} {
    %mul3A = arith.constant 2 : i32
    %mul3A_0 = arith.muli %arg1, %mul3A : i32
    %add3A = arith.addi %mul3A_0, %arg0 : i32
    %mul3A_1 = arith.constant 40 : i32
    %mul3A_2 = arith.muli %add3A, %mul3A_1 : i32
    %mul3A_3 = arith.constant 256 : i32
    %mul3A_4 = arith.muli %mul3A_2, %mul3A_3 : i32
    "tpu.region"() ({
      %run_scoped3A = tpu.sem_alloc : memref<!tpu.dma_semaphore, #tpu.memory_space<semaphore_mem>>
      %dma_start3A = tpu.memref_slice %arg2[%mul3A_4] : memref<327680xi32, #tpu.memory_space<hbm>> -> memref<10240xi32, #tpu.memory_space<hbm>>
      %dma_start3A_13 = tpu.memref_slice %arg2[%mul3A_4] : memref<327680xi32, #tpu.memory_space<hbm>> -> memref<10240xi32, #tpu.memory_space<hbm>>
      tpu.enqueue_dma source(%dma_start3A_13 : memref<10240xi32, #tpu.memory_space<hbm>>) target(%arg4 : memref<10240xi32, #tpu.memory_space<vmem>>) target_semaphore(%run_scoped3A : memref<!tpu.dma_semaphore, #tpu.memory_space<semaphore_mem>>)
      %dma_wait3A = tpu.memref_slice %arg2[%mul3A_4] : memref<327680xi32, #tpu.memory_space<hbm>> -> memref<10240xi32, #tpu.memory_space<hbm>>
      %dma_wait3A_14 = tpu.memref_slice %arg2[%mul3A_4] : memref<327680xi32, #tpu.memory_space<hbm>> -> memref<10240xi32, #tpu.memory_space<hbm>>
      tpu.wait_dma2 semaphore(%run_scoped3A : memref<!tpu.dma_semaphore, #tpu.memory_space<semaphore_mem>>) src(%dma_wait3A_14 : memref<10240xi32, #tpu.memory_space<hbm>>) dst(%arg4 : memref<10240xi32, #tpu.memory_space<vmem>>)
      tpu.yield
    }) : () -> ()
    %iota3A = tpu.iota {dimensions = array<i32: 0>} : vector<16xi32>
    %scan3A = arith.constant 0 : i32
    %scan3A_5 = arith.constant 40 : i32
    %scan3A_6 = arith.addi %scan3A, %scan3A_5 : i32
    %scan3A_7 = arith.constant 1 : i32
    scf.for %scan3A_13 = %scan3A to %scan3A_6 step %scan3A_7  : i32 {
      %mul3A_14 = arith.constant 1 : i32
      %mul3A_15 = arith.muli %scan3A_13, %mul3A_14 : i32
      %add3A_16 = arith.constant 0 : i32
      %add3A_17 = arith.addi %add3A_16, %mul3A_15 : i32
      %broadcast_in_dim3A = arith.constant 0 : i32
      %broadcast_in_dim3A_18 = vector.broadcast %broadcast_in_dim3A : i32 to vector<16xi32>
      %mul3A_19 = arith.constant 256 : i32
      %mul3A_20 = arith.muli %add3A_17, %mul3A_19 : i32
      %add3A_21 = arith.constant 0 : i32
      %add3A_22 = arith.addi %mul3A_20, %add3A_21 : i32
      %get3A = arith.index_cast %add3A_22 : i32 to index
      %get3A_23 = tpu.vector_load %arg4[%get3A] {strides = array<i32>} : memref<10240xi32, #tpu.memory_space<vmem>>, vector<16xi32>,
      tpu.vector_store_idx %arg5[%get3A_23], %iota3A : memref<10240xi32, #tpu.memory_space<vmem>>[vector<16xi32>], vector<16xi32>,
      %gather3A = tpu.vector_load_idx %arg5[%get3A_23] : memref<10240xi32, #tpu.memory_space<vmem>>[vector<16xi32>], vector<16xi32>,
      %ne3A = arith.cmpi ne, %gather3A, %iota3A : vector<16xi32>
      %convert_element_type3A = arith.extui %ne3A : vector<16xi1> to vector<16xi32>
      %reduce_max3A = arith.constant true
      %reduce_max3A_24 = vector.broadcast %reduce_max3A : i1 to vector<16xi1>
      %reduce_max3A_25 = arith.constant -2147483648 : i32
      %reduce_max3A_26 = vector.broadcast %reduce_max3A_25 : i32 to vector<16xi32>
      %reduce_max3A_27 = arith.xori %convert_element_type3A, %reduce_max3A_26 : vector<16xi32>
      %reduce_max3A_28 = tpu.scan <max>, %reduce_max3A_27 masked %reduce_max3A_24 : vector<16xi32>, vector<16xi1> -> vector<16xi32>
      %reduce_max3A_29 = arith.xori %reduce_max3A_28, %reduce_max3A_26 : vector<16xi32>
      %reduce_max3A_30 = vector.extract %reduce_max3A_29[15] : i32 from vector<16xi32>
      %eq3A = arith.constant 0 : i32
      %eq3A_31 = vector.broadcast %eq3A : i32 to vector<16xi32>
      %eq3A_32 = arith.cmpi eq, %iota3A, %eq3A_31 : vector<16xi32>
      %broadcast_in_dim3A_33 = vector.broadcast %reduce_max3A_30 : i32 to vector<16xi32>
      %select_n3A = arith.select %eq3A_32, %broadcast_in_dim3A_33, %broadcast_in_dim3A_18 : vector<16xi1>, vector<16xi32>
      %mul3A_34 = arith.constant 256 : i32
      %mul3A_35 = arith.muli %add3A_17, %mul3A_34 : i32
      %add3A_36 = arith.constant 16 : i32
      %add3A_37 = arith.addi %mul3A_35, %add3A_36 : i32
      %get3A_38 = arith.index_cast %add3A_37 : i32 to index
      %get3A_39 = tpu.vector_load %arg4[%get3A_38] {strides = array<i32>} : memref<10240xi32, #tpu.memory_space<vmem>>, vector<16xi32>,
      tpu.vector_store_idx %arg5[%get3A_39], %iota3A : memref<10240xi32, #tpu.memory_space<vmem>>[vector<16xi32>], vector<16xi32>,
      %gather3A_40 = tpu.vector_load_idx %arg5[%get3A_39] : memref<10240xi32, #tpu.memory_space<vmem>>[vector<16xi32>], vector<16xi32>,
      %ne3A_41 = arith.cmpi ne, %gather3A_40, %iota3A : vector<16xi32>
      %convert_element_type3A_42 = arith.extui %ne3A_41 : vector<16xi1> to vector<16xi32>
      %reduce_max3A_43 = arith.constant true
      %reduce_max3A_44 = vector.broadcast %reduce_max3A_43 : i1 to vector<16xi1>
      %reduce_max3A_45 = arith.constant -2147483648 : i32
      %reduce_max3A_46 = vector.broadcast %reduce_max3A_45 : i32 to vector<16xi32>
      %reduce_max3A_47 = arith.xori %convert_element_type3A_42, %reduce_max3A_46 : vector<16xi32>
      %reduce_max3A_48 = tpu.scan <max>, %reduce_max3A_47 masked %reduce_max3A_44 : vector<16xi32>, vector<16xi1> -> vector<16xi32>
      %reduce_max3A_49 = arith.xori %reduce_max3A_48, %reduce_max3A_46 : vector<16xi32>
      %reduce_max3A_50 = vector.extract %reduce_max3A_49[15] : i32 from vector<16xi32>
      %eq3A_51 = arith.constant 1 : i32
      %eq3A_52 = vector.broadcast %eq3A_51 : i32 to vector<16xi32>
      %eq3A_53 = arith.cmpi eq, %iota3A, %eq3A_52 : vector<16xi32>
      %broadcast_in_dim3A_54 = vector.broadcast %reduce_max3A_50 : i32 to vector<16xi32>
      %select_n3A_55 = arith.select %eq3A_53, %broadcast_in_dim3A_54, %select_n3A : vector<16xi1>, vector<16xi32>
      %mul3A_56 = arith.constant 256 : i32
      %mul3A_57 = arith.muli %add3A_17, %mul3A_56 : i32
      %add3A_58 = arith.constant 32 : i32
      %add3A_59 = arith.addi %mul3A_57, %add3A_58 : i32
      %get3A_60 = arith.index_cast %add3A_59 : i32 to index
      %get3A_61 = tpu.vector_load %arg4[%get3A_60] {strides = array<i32>} : memref<10240xi32, #tpu.memory_space<vmem>>, vector<16xi32>,
      tpu.vector_store_idx %arg5[%get3A_61], %iota3A : memref<10240xi32, #tpu.memory_space<vmem>>[vector<16xi32>], vector<16xi32>,
      %gather3A_62 = tpu.vector_load_idx %arg5[%get3A_61] : memref<10240xi32, #tpu.memory_space<vmem>>[vector<16xi32>], vector<16xi32>,
      %ne3A_63 = arith.cmpi ne, %gather3A_62, %iota3A : vector<16xi32>
      %convert_element_type3A_64 = arith.extui %ne3A_63 : vector<16xi1> to vector<16xi32>
      %reduce_max3A_65 = arith.constant true
      %reduce_max3A_66 = vector.broadcast %reduce_max3A_65 : i1 to vector<16xi1>
      %reduce_max3A_67 = arith.constant -2147483648 : i32
      %reduce_max3A_68 = vector.broadcast %reduce_max3A_67 : i32 to vector<16xi32>
      %reduce_max3A_69 = arith.xori %convert_element_type3A_64, %reduce_max3A_68 : vector<16xi32>
      %reduce_max3A_70 = tpu.scan <max>, %reduce_max3A_69 masked %reduce_max3A_66 : vector<16xi32>, vector<16xi1> -> vector<16xi32>
      %reduce_max3A_71 = arith.xori %reduce_max3A_70, %reduce_max3A_68 : vector<16xi32>
      %reduce_max3A_72 = vector.extract %reduce_max3A_71[15] : i32 from vector<16xi32>
      %eq3A_73 = arith.constant 2 : i32
      %eq3A_74 = vector.broadcast %eq3A_73 : i32 to vector<16xi32>
      %eq3A_75 = arith.cmpi eq, %iota3A, %eq3A_74 : vector<16xi32>
      %broadcast_in_dim3A_76 = vector.broadcast %reduce_max3A_72 : i32 to vector<16xi32>
      %select_n3A_77 = arith.select %eq3A_75, %broadcast_in_dim3A_76, %select_n3A_55 : vector<16xi1>, vector<16xi32>
      %mul3A_78 = arith.constant 256 : i32
      %mul3A_79 = arith.muli %add3A_17, %mul3A_78 : i32
      %add3A_80 = arith.constant 48 : i32
      %add3A_81 = arith.addi %mul3A_79, %add3A_80 : i32
      %get3A_82 = arith.index_cast %add3A_81 : i32 to index
      %get3A_83 = tpu.vector_load %arg4[%get3A_82] {strides = array<i32>} : memref<10240xi32, #tpu.memory_space<vmem>>, vector<16xi32>,
      tpu.vector_store_idx %arg5[%get3A_83], %iota3A : memref<10240xi32, #tpu.memory_space<vmem>>[vector<16xi32>], vector<16xi32>,
      %gather3A_84 = tpu.vector_load_idx %arg5[%get3A_83] : memref<10240xi32, #tpu.memory_space<vmem>>[vector<16xi32>], vector<16xi32>,
      %ne3A_85 = arith.cmpi ne, %gather3A_84, %iota3A : vector<16xi32>
      %convert_element_type3A_86 = arith.extui %ne3A_85 : vector<16xi1> to vector<16xi32>
      %reduce_max3A_87 = arith.constant true
      %reduce_max3A_88 = vector.broadcast %reduce_max3A_87 : i1 to vector<16xi1>
      %reduce_max3A_89 = arith.constant -2147483648 : i32
      %reduce_max3A_90 = vector.broadcast %reduce_max3A_89 : i32 to vector<16xi32>
      %reduce_max3A_91 = arith.xori %convert_element_type3A_86, %reduce_max3A_90 : vector<16xi32>
      %reduce_max3A_92 = tpu.scan <max>, %reduce_max3A_91 masked %reduce_max3A_88 : vector<16xi32>, vector<16xi1> -> vector<16xi32>
      %reduce_max3A_93 = arith.xori %reduce_max3A_92, %reduce_max3A_90 : vector<16xi32>
      %reduce_max3A_94 = vector.extract %reduce_max3A_93[15] : i32 from vector<16xi32>
      %eq3A_95 = arith.constant 3 : i32
      %eq3A_96 = vector.broadcast %eq3A_95 : i32 to vector<16xi32>
      %eq3A_97 = arith.cmpi eq, %iota3A, %eq3A_96 : vector<16xi32>
      %broadcast_in_dim3A_98 = vector.broadcast %reduce_max3A_94 : i32 to vector<16xi32>
      %select_n3A_99 = arith.select %eq3A_97, %broadcast_in_dim3A_98, %select_n3A_77 : vector<16xi1>, vector<16xi32>
      %mul3A_100 = arith.constant 256 : i32
      %mul3A_101 = arith.muli %add3A_17, %mul3A_100 : i32
      %add3A_102 = arith.constant 64 : i32
      %add3A_103 = arith.addi %mul3A_101, %add3A_102 : i32
      %get3A_104 = arith.index_cast %add3A_103 : i32 to index
      %get3A_105 = tpu.vector_load %arg4[%get3A_104] {strides = array<i32>} : memref<10240xi32, #tpu.memory_space<vmem>>, vector<16xi32>,
      tpu.vector_store_idx %arg5[%get3A_105], %iota3A : memref<10240xi32, #tpu.memory_space<vmem>>[vector<16xi32>], vector<16xi32>,
      %gather3A_106 = tpu.vector_load_idx %arg5[%get3A_105] : memref<10240xi32, #tpu.memory_space<vmem>>[vector<16xi32>], vector<16xi32>,
      %ne3A_107 = arith.cmpi ne, %gather3A_106, %iota3A : vector<16xi32>
      %convert_element_type3A_108 = arith.extui %ne3A_107 : vector<16xi1> to vector<16xi32>
      %reduce_max3A_109 = arith.constant true
      %reduce_max3A_110 = vector.broadcast %reduce_max3A_109 : i1 to vector<16xi1>
      %reduce_max3A_111 = arith.constant -2147483648 : i32
      %reduce_max3A_112 = vector.broadcast %reduce_max3A_111 : i32 to vector<16xi32>
      %reduce_max3A_113 = arith.xori %convert_element_type3A_108, %reduce_max3A_112 : vector<16xi32>
      %reduce_max3A_114 = tpu.scan <max>, %reduce_max3A_113 masked %reduce_max3A_110 : vector<16xi32>, vector<16xi1> -> vector<16xi32>
      %reduce_max3A_115 = arith.xori %reduce_max3A_114, %reduce_max3A_112 : vector<16xi32>
      %reduce_max3A_116 = vector.extract %reduce_max3A_115[15] : i32 from vector<16xi32>
      %eq3A_117 = arith.constant 4 : i32
      %eq3A_118 = vector.broadcast %eq3A_117 : i32 to vector<16xi32>
      %eq3A_119 = arith.cmpi eq, %iota3A, %eq3A_118 : vector<16xi32>
      %broadcast_in_dim3A_120 = vector.broadcast %reduce_max3A_116 : i32 to vector<16xi32>
      %select_n3A_121 = arith.select %eq3A_119, %broadcast_in_dim3A_120, %select_n3A_99 : vector<16xi1>, vector<16xi32>
      %mul3A_122 = arith.constant 256 : i32
      %mul3A_123 = arith.muli %add3A_17, %mul3A_122 : i32
      %add3A_124 = arith.constant 80 : i32
      %add3A_125 = arith.addi %mul3A_123, %add3A_124 : i32
      %get3A_126 = arith.index_cast %add3A_125 : i32 to index
      %get3A_127 = tpu.vector_load %arg4[%get3A_126] {strides = array<i32>} : memref<10240xi32, #tpu.memory_space<vmem>>, vector<16xi32>,
      tpu.vector_store_idx %arg5[%get3A_127], %iota3A : memref<10240xi32, #tpu.memory_space<vmem>>[vector<16xi32>], vector<16xi32>,
      %gather3A_128 = tpu.vector_load_idx %arg5[%get3A_127] : memref<10240xi32, #tpu.memory_space<vmem>>[vector<16xi32>], vector<16xi32>,
      %ne3A_129 = arith.cmpi ne, %gather3A_128, %iota3A : vector<16xi32>
      %convert_element_type3A_130 = arith.extui %ne3A_129 : vector<16xi1> to vector<16xi32>
      %reduce_max3A_131 = arith.constant true
      %reduce_max3A_132 = vector.broadcast %reduce_max3A_131 : i1 to vector<16xi1>
      %reduce_max3A_133 = arith.constant -2147483648 : i32
      %reduce_max3A_134 = vector.broadcast %reduce_max3A_133 : i32 to vector<16xi32>
      %reduce_max3A_135 = arith.xori %convert_element_type3A_130, %reduce_max3A_134 : vector<16xi32>
      %reduce_max3A_136 = tpu.scan <max>, %reduce_max3A_135 masked %reduce_max3A_132 : vector<16xi32>, vector<16xi1> -> vector<16xi32>
      %reduce_max3A_137 = arith.xori %reduce_max3A_136, %reduce_max3A_134 : vector<16xi32>
      %reduce_max3A_138 = vector.extract %reduce_max3A_137[15] : i32 from vector<16xi32>
      %eq3A_139 = arith.constant 5 : i32
      %eq3A_140 = vector.broadcast %eq3A_139 : i32 to vector<16xi32>
      %eq3A_141 = arith.cmpi eq, %iota3A, %eq3A_140 : vector<16xi32>
      %broadcast_in_dim3A_142 = vector.broadcast %reduce_max3A_138 : i32 to vector<16xi32>
      %select_n3A_143 = arith.select %eq3A_141, %broadcast_in_dim3A_142, %select_n3A_121 : vector<16xi1>, vector<16xi32>
      %mul3A_144 = arith.constant 256 : i32
      %mul3A_145 = arith.muli %add3A_17, %mul3A_144 : i32
      %add3A_146 = arith.constant 96 : i32
      %add3A_147 = arith.addi %mul3A_145, %add3A_146 : i32
      %get3A_148 = arith.index_cast %add3A_147 : i32 to index
      %get3A_149 = tpu.vector_load %arg4[%get3A_148] {strides = array<i32>} : memref<10240xi32, #tpu.memory_space<vmem>>, vector<16xi32>,
      tpu.vector_store_idx %arg5[%get3A_149], %iota3A : memref<10240xi32, #tpu.memory_space<vmem>>[vector<16xi32>], vector<16xi32>,
      %gather3A_150 = tpu.vector_load_idx %arg5[%get3A_149] : memref<10240xi32, #tpu.memory_space<vmem>>[vector<16xi32>], vector<16xi32>,
      %ne3A_151 = arith.cmpi ne, %gather3A_150, %iota3A : vector<16xi32>
      %convert_element_type3A_152 = arith.extui %ne3A_151 : vector<16xi1> to vector<16xi32>
      %reduce_max3A_153 = arith.constant true
      %reduce_max3A_154 = vector.broadcast %reduce_max3A_153 : i1 to vector<16xi1>
      %reduce_max3A_155 = arith.constant -2147483648 : i32
      %reduce_max3A_156 = vector.broadcast %reduce_max3A_155 : i32 to vector<16xi32>
      %reduce_max3A_157 = arith.xori %convert_element_type3A_152, %reduce_max3A_156 : vector<16xi32>
      %reduce_max3A_158 = tpu.scan <max>, %reduce_max3A_157 masked %reduce_max3A_154 : vector<16xi32>, vector<16xi1> -> vector<16xi32>
      %reduce_max3A_159 = arith.xori %reduce_max3A_158, %reduce_max3A_156 : vector<16xi32>
      %reduce_max3A_160 = vector.extract %reduce_max3A_159[15] : i32 from vector<16xi32>
      %eq3A_161 = arith.constant 6 : i32
      %eq3A_162 = vector.broadcast %eq3A_161 : i32 to vector<16xi32>
      %eq3A_163 = arith.cmpi eq, %iota3A, %eq3A_162 : vector<16xi32>
      %broadcast_in_dim3A_164 = vector.broadcast %reduce_max3A_160 : i32 to vector<16xi32>
      %select_n3A_165 = arith.select %eq3A_163, %broadcast_in_dim3A_164, %select_n3A_143 : vector<16xi1>, vector<16xi32>
      %mul3A_166 = arith.constant 256 : i32
      %mul3A_167 = arith.muli %add3A_17, %mul3A_166 : i32
      %add3A_168 = arith.constant 112 : i32
      %add3A_169 = arith.addi %mul3A_167, %add3A_168 : i32
      %get3A_170 = arith.index_cast %add3A_169 : i32 to index
      %get3A_171 = tpu.vector_load %arg4[%get3A_170] {strides = array<i32>} : memref<10240xi32, #tpu.memory_space<vmem>>, vector<16xi32>,
      tpu.vector_store_idx %arg5[%get3A_171], %iota3A : memref<10240xi32, #tpu.memory_space<vmem>>[vector<16xi32>], vector<16xi32>,
      %gather3A_172 = tpu.vector_load_idx %arg5[%get3A_171] : memref<10240xi32, #tpu.memory_space<vmem>>[vector<16xi32>], vector<16xi32>,
      %ne3A_173 = arith.cmpi ne, %gather3A_172, %iota3A : vector<16xi32>
      %convert_element_type3A_174 = arith.extui %ne3A_173 : vector<16xi1> to vector<16xi32>
      %reduce_max3A_175 = arith.constant true
      %reduce_max3A_176 = vector.broadcast %reduce_max3A_175 : i1 to vector<16xi1>
      %reduce_max3A_177 = arith.constant -2147483648 : i32
      %reduce_max3A_178 = vector.broadcast %reduce_max3A_177 : i32 to vector<16xi32>
      %reduce_max3A_179 = arith.xori %convert_element_type3A_174, %reduce_max3A_178 : vector<16xi32>
      %reduce_max3A_180 = tpu.scan <max>, %reduce_max3A_179 masked %reduce_max3A_176 : vector<16xi32>, vector<16xi1> -> vector<16xi32>
      %reduce_max3A_181 = arith.xori %reduce_max3A_180, %reduce_max3A_178 : vector<16xi32>
      %reduce_max3A_182 = vector.extract %reduce_max3A_181[15] : i32 from vector<16xi32>
      %eq3A_183 = arith.constant 7 : i32
      %eq3A_184 = vector.broadcast %eq3A_183 : i32 to vector<16xi32>
      %eq3A_185 = arith.cmpi eq, %iota3A, %eq3A_184 : vector<16xi32>
      %broadcast_in_dim3A_186 = vector.broadcast %reduce_max3A_182 : i32 to vector<16xi32>
      %select_n3A_187 = arith.select %eq3A_185, %broadcast_in_dim3A_186, %select_n3A_165 : vector<16xi1>, vector<16xi32>
      %mul3A_188 = arith.constant 256 : i32
      %mul3A_189 = arith.muli %add3A_17, %mul3A_188 : i32
      %add3A_190 = arith.constant 128 : i32
      %add3A_191 = arith.addi %mul3A_189, %add3A_190 : i32
      %get3A_192 = arith.index_cast %add3A_191 : i32 to index
      %get3A_193 = tpu.vector_load %arg4[%get3A_192] {strides = array<i32>} : memref<10240xi32, #tpu.memory_space<vmem>>, vector<16xi32>,
      tpu.vector_store_idx %arg5[%get3A_193], %iota3A : memref<10240xi32, #tpu.memory_space<vmem>>[vector<16xi32>], vector<16xi32>,
      %gather3A_194 = tpu.vector_load_idx %arg5[%get3A_193] : memref<10240xi32, #tpu.memory_space<vmem>>[vector<16xi32>], vector<16xi32>,
      %ne3A_195 = arith.cmpi ne, %gather3A_194, %iota3A : vector<16xi32>
      %convert_element_type3A_196 = arith.extui %ne3A_195 : vector<16xi1> to vector<16xi32>
      %reduce_max3A_197 = arith.constant true
      %reduce_max3A_198 = vector.broadcast %reduce_max3A_197 : i1 to vector<16xi1>
      %reduce_max3A_199 = arith.constant -2147483648 : i32
      %reduce_max3A_200 = vector.broadcast %reduce_max3A_199 : i32 to vector<16xi32>
      %reduce_max3A_201 = arith.xori %convert_element_type3A_196, %reduce_max3A_200 : vector<16xi32>
      %reduce_max3A_202 = tpu.scan <max>, %reduce_max3A_201 masked %reduce_max3A_198 : vector<16xi32>, vector<16xi1> -> vector<16xi32>
      %reduce_max3A_203 = arith.xori %reduce_max3A_202, %reduce_max3A_200 : vector<16xi32>
      %reduce_max3A_204 = vector.extract %reduce_max3A_203[15] : i32 from vector<16xi32>
      %eq3A_205 = arith.constant 8 : i32
      %eq3A_206 = vector.broadcast %eq3A_205 : i32 to vector<16xi32>
      %eq3A_207 = arith.cmpi eq, %iota3A, %eq3A_206 : vector<16xi32>
      %broadcast_in_dim3A_208 = vector.broadcast %reduce_max3A_204 : i32 to vector<16xi32>
      %select_n3A_209 = arith.select %eq3A_207, %broadcast_in_dim3A_208, %select_n3A_187 : vector<16xi1>, vector<16xi32>
      %mul3A_210 = arith.constant 256 : i32
      %mul3A_211 = arith.muli %add3A_17, %mul3A_210 : i32
      %add3A_212 = arith.constant 144 : i32
      %add3A_213 = arith.addi %mul3A_211, %add3A_212 : i32
      %get3A_214 = arith.index_cast %add3A_213 : i32 to index
      %get3A_215 = tpu.vector_load %arg4[%get3A_214] {strides = array<i32>} : memref<10240xi32, #tpu.memory_space<vmem>>, vector<16xi32>,
      tpu.vector_store_idx %arg5[%get3A_215], %iota3A : memref<10240xi32, #tpu.memory_space<vmem>>[vector<16xi32>], vector<16xi32>,
      %gather3A_216 = tpu.vector_load_idx %arg5[%get3A_215] : memref<10240xi32, #tpu.memory_space<vmem>>[vector<16xi32>], vector<16xi32>,
      %ne3A_217 = arith.cmpi ne, %gather3A_216, %iota3A : vector<16xi32>
      %convert_element_type3A_218 = arith.extui %ne3A_217 : vector<16xi1> to vector<16xi32>
      %reduce_max3A_219 = arith.constant true
      %reduce_max3A_220 = vector.broadcast %reduce_max3A_219 : i1 to vector<16xi1>
      %reduce_max3A_221 = arith.constant -2147483648 : i32
      %reduce_max3A_222 = vector.broadcast %reduce_max3A_221 : i32 to vector<16xi32>
      %reduce_max3A_223 = arith.xori %convert_element_type3A_218, %reduce_max3A_222 : vector<16xi32>
      %reduce_max3A_224 = tpu.scan <max>, %reduce_max3A_223 masked %reduce_max3A_220 : vector<16xi32>, vector<16xi1> -> vector<16xi32>
      %reduce_max3A_225 = arith.xori %reduce_max3A_224, %reduce_max3A_222 : vector<16xi32>
      %reduce_max3A_226 = vector.extract %reduce_max3A_225[15] : i32 from vector<16xi32>
      %eq3A_227 = arith.constant 9 : i32
      %eq3A_228 = vector.broadcast %eq3A_227 : i32 to vector<16xi32>
      %eq3A_229 = arith.cmpi eq, %iota3A, %eq3A_228 : vector<16xi32>
      %broadcast_in_dim3A_230 = vector.broadcast %reduce_max3A_226 : i32 to vector<16xi32>
      %select_n3A_231 = arith.select %eq3A_229, %broadcast_in_dim3A_230, %select_n3A_209 : vector<16xi1>, vector<16xi32>
      %mul3A_232 = arith.constant 256 : i32
      %mul3A_233 = arith.muli %add3A_17, %mul3A_232 : i32
      %add3A_234 = arith.constant 160 : i32
      %add3A_235 = arith.addi %mul3A_233, %add3A_234 : i32
      %get3A_236 = arith.index_cast %add3A_235 : i32 to index
      %get3A_237 = tpu.vector_load %arg4[%get3A_236] {strides = array<i32>} : memref<10240xi32, #tpu.memory_space<vmem>>, vector<16xi32>,
      tpu.vector_store_idx %arg5[%get3A_237], %iota3A : memref<10240xi32, #tpu.memory_space<vmem>>[vector<16xi32>], vector<16xi32>,
      %gather3A_238 = tpu.vector_load_idx %arg5[%get3A_237] : memref<10240xi32, #tpu.memory_space<vmem>>[vector<16xi32>], vector<16xi32>,
      %ne3A_239 = arith.cmpi ne, %gather3A_238, %iota3A : vector<16xi32>
      %convert_element_type3A_240 = arith.extui %ne3A_239 : vector<16xi1> to vector<16xi32>
      %reduce_max3A_241 = arith.constant true
      %reduce_max3A_242 = vector.broadcast %reduce_max3A_241 : i1 to vector<16xi1>
      %reduce_max3A_243 = arith.constant -2147483648 : i32
      %reduce_max3A_244 = vector.broadcast %reduce_max3A_243 : i32 to vector<16xi32>
      %reduce_max3A_245 = arith.xori %convert_element_type3A_240, %reduce_max3A_244 : vector<16xi32>
      %reduce_max3A_246 = tpu.scan <max>, %reduce_max3A_245 masked %reduce_max3A_242 : vector<16xi32>, vector<16xi1> -> vector<16xi32>
      %reduce_max3A_247 = arith.xori %reduce_max3A_246, %reduce_max3A_244 : vector<16xi32>
      %reduce_max3A_248 = vector.extract %reduce_max3A_247[15] : i32 from vector<16xi32>
      %eq3A_249 = arith.constant 10 : i32
      %eq3A_250 = vector.broadcast %eq3A_249 : i32 to vector<16xi32>
      %eq3A_251 = arith.cmpi eq, %iota3A, %eq3A_250 : vector<16xi32>
      %broadcast_in_dim3A_252 = vector.broadcast %reduce_max3A_248 : i32 to vector<16xi32>
      %select_n3A_253 = arith.select %eq3A_251, %broadcast_in_dim3A_252, %select_n3A_231 : vector<16xi1>, vector<16xi32>
      %mul3A_254 = arith.constant 256 : i32
      %mul3A_255 = arith.muli %add3A_17, %mul3A_254 : i32
      %add3A_256 = arith.constant 176 : i32
      %add3A_257 = arith.addi %mul3A_255, %add3A_256 : i32
      %get3A_258 = arith.index_cast %add3A_257 : i32 to index
      %get3A_259 = tpu.vector_load %arg4[%get3A_258] {strides = array<i32>} : memref<10240xi32, #tpu.memory_space<vmem>>, vector<16xi32>,
      tpu.vector_store_idx %arg5[%get3A_259], %iota3A : memref<10240xi32, #tpu.memory_space<vmem>>[vector<16xi32>], vector<16xi32>,
      %gather3A_260 = tpu.vector_load_idx %arg5[%get3A_259] : memref<10240xi32, #tpu.memory_space<vmem>>[vector<16xi32>], vector<16xi32>,
      %ne3A_261 = arith.cmpi ne, %gather3A_260, %iota3A : vector<16xi32>
      %convert_element_type3A_262 = arith.extui %ne3A_261 : vector<16xi1> to vector<16xi32>
      %reduce_max3A_263 = arith.constant true
      %reduce_max3A_264 = vector.broadcast %reduce_max3A_263 : i1 to vector<16xi1>
      %reduce_max3A_265 = arith.constant -2147483648 : i32
      %reduce_max3A_266 = vector.broadcast %reduce_max3A_265 : i32 to vector<16xi32>
      %reduce_max3A_267 = arith.xori %convert_element_type3A_262, %reduce_max3A_266 : vector<16xi32>
      %reduce_max3A_268 = tpu.scan <max>, %reduce_max3A_267 masked %reduce_max3A_264 : vector<16xi32>, vector<16xi1> -> vector<16xi32>
      %reduce_max3A_269 = arith.xori %reduce_max3A_268, %reduce_max3A_266 : vector<16xi32>
      %reduce_max3A_270 = vector.extract %reduce_max3A_269[15] : i32 from vector<16xi32>
      %eq3A_271 = arith.constant 11 : i32
      %eq3A_272 = vector.broadcast %eq3A_271 : i32 to vector<16xi32>
      %eq3A_273 = arith.cmpi eq, %iota3A, %eq3A_272 : vector<16xi32>
      %broadcast_in_dim3A_274 = vector.broadcast %reduce_max3A_270 : i32 to vector<16xi32>
      %select_n3A_275 = arith.select %eq3A_273, %broadcast_in_dim3A_274, %select_n3A_253 : vector<16xi1>, vector<16xi32>
      %mul3A_276 = arith.constant 256 : i32
      %mul3A_277 = arith.muli %add3A_17, %mul3A_276 : i32
      %add3A_278 = arith.constant 192 : i32
      %add3A_279 = arith.addi %mul3A_277, %add3A_278 : i32
      %get3A_280 = arith.index_cast %add3A_279 : i32 to index
      %get3A_281 = tpu.vector_load %arg4[%get3A_280] {strides = array<i32>} : memref<10240xi32, #tpu.memory_space<vmem>>, vector<16xi32>,
      tpu.vector_store_idx %arg5[%get3A_281], %iota3A : memref<10240xi32, #tpu.memory_space<vmem>>[vector<16xi32>], vector<16xi32>,
      %gather3A_282 = tpu.vector_load_idx %arg5[%get3A_281] : memref<10240xi32, #tpu.memory_space<vmem>>[vector<16xi32>], vector<16xi32>,
      %ne3A_283 = arith.cmpi ne, %gather3A_282, %iota3A : vector<16xi32>
      %convert_element_type3A_284 = arith.extui %ne3A_283 : vector<16xi1> to vector<16xi32>
      %reduce_max3A_285 = arith.constant true
      %reduce_max3A_286 = vector.broadcast %reduce_max3A_285 : i1 to vector<16xi1>
      %reduce_max3A_287 = arith.constant -2147483648 : i32
      %reduce_max3A_288 = vector.broadcast %reduce_max3A_287 : i32 to vector<16xi32>
      %reduce_max3A_289 = arith.xori %convert_element_type3A_284, %reduce_max3A_288 : vector<16xi32>
      %reduce_max3A_290 = tpu.scan <max>, %reduce_max3A_289 masked %reduce_max3A_286 : vector<16xi32>, vector<16xi1> -> vector<16xi32>
      %reduce_max3A_291 = arith.xori %reduce_max3A_290, %reduce_max3A_288 : vector<16xi32>
      %reduce_max3A_292 = vector.extract %reduce_max3A_291[15] : i32 from vector<16xi32>
      %eq3A_293 = arith.constant 12 : i32
      %eq3A_294 = vector.broadcast %eq3A_293 : i32 to vector<16xi32>
      %eq3A_295 = arith.cmpi eq, %iota3A, %eq3A_294 : vector<16xi32>
      %broadcast_in_dim3A_296 = vector.broadcast %reduce_max3A_292 : i32 to vector<16xi32>
      %select_n3A_297 = arith.select %eq3A_295, %broadcast_in_dim3A_296, %select_n3A_275 : vector<16xi1>, vector<16xi32>
      %mul3A_298 = arith.constant 256 : i32
      %mul3A_299 = arith.muli %add3A_17, %mul3A_298 : i32
      %add3A_300 = arith.constant 208 : i32
      %add3A_301 = arith.addi %mul3A_299, %add3A_300 : i32
      %get3A_302 = arith.index_cast %add3A_301 : i32 to index
      %get3A_303 = tpu.vector_load %arg4[%get3A_302] {strides = array<i32>} : memref<10240xi32, #tpu.memory_space<vmem>>, vector<16xi32>,
      tpu.vector_store_idx %arg5[%get3A_303], %iota3A : memref<10240xi32, #tpu.memory_space<vmem>>[vector<16xi32>], vector<16xi32>,
      %gather3A_304 = tpu.vector_load_idx %arg5[%get3A_303] : memref<10240xi32, #tpu.memory_space<vmem>>[vector<16xi32>], vector<16xi32>,
      %ne3A_305 = arith.cmpi ne, %gather3A_304, %iota3A : vector<16xi32>
      %convert_element_type3A_306 = arith.extui %ne3A_305 : vector<16xi1> to vector<16xi32>
      %reduce_max3A_307 = arith.constant true
      %reduce_max3A_308 = vector.broadcast %reduce_max3A_307 : i1 to vector<16xi1>
      %reduce_max3A_309 = arith.constant -2147483648 : i32
      %reduce_max3A_310 = vector.broadcast %reduce_max3A_309 : i32 to vector<16xi32>
      %reduce_max3A_311 = arith.xori %convert_element_type3A_306, %reduce_max3A_310 : vector<16xi32>
      %reduce_max3A_312 = tpu.scan <max>, %reduce_max3A_311 masked %reduce_max3A_308 : vector<16xi32>, vector<16xi1> -> vector<16xi32>
      %reduce_max3A_313 = arith.xori %reduce_max3A_312, %reduce_max3A_310 : vector<16xi32>
      %reduce_max3A_314 = vector.extract %reduce_max3A_313[15] : i32 from vector<16xi32>
      %eq3A_315 = arith.constant 13 : i32
      %eq3A_316 = vector.broadcast %eq3A_315 : i32 to vector<16xi32>
      %eq3A_317 = arith.cmpi eq, %iota3A, %eq3A_316 : vector<16xi32>
      %broadcast_in_dim3A_318 = vector.broadcast %reduce_max3A_314 : i32 to vector<16xi32>
      %select_n3A_319 = arith.select %eq3A_317, %broadcast_in_dim3A_318, %select_n3A_297 : vector<16xi1>, vector<16xi32>
      %mul3A_320 = arith.constant 256 : i32
      %mul3A_321 = arith.muli %add3A_17, %mul3A_320 : i32
      %add3A_322 = arith.constant 224 : i32
      %add3A_323 = arith.addi %mul3A_321, %add3A_322 : i32
      %get3A_324 = arith.index_cast %add3A_323 : i32 to index
      %get3A_325 = tpu.vector_load %arg4[%get3A_324] {strides = array<i32>} : memref<10240xi32, #tpu.memory_space<vmem>>, vector<16xi32>,
      tpu.vector_store_idx %arg5[%get3A_325], %iota3A : memref<10240xi32, #tpu.memory_space<vmem>>[vector<16xi32>], vector<16xi32>,
      %gather3A_326 = tpu.vector_load_idx %arg5[%get3A_325] : memref<10240xi32, #tpu.memory_space<vmem>>[vector<16xi32>], vector<16xi32>,
      %ne3A_327 = arith.cmpi ne, %gather3A_326, %iota3A : vector<16xi32>
      %convert_element_type3A_328 = arith.extui %ne3A_327 : vector<16xi1> to vector<16xi32>
      %reduce_max3A_329 = arith.constant true
      %reduce_max3A_330 = vector.broadcast %reduce_max3A_329 : i1 to vector<16xi1>
      %reduce_max3A_331 = arith.constant -2147483648 : i32
      %reduce_max3A_332 = vector.broadcast %reduce_max3A_331 : i32 to vector<16xi32>
      %reduce_max3A_333 = arith.xori %convert_element_type3A_328, %reduce_max3A_332 : vector<16xi32>
      %reduce_max3A_334 = tpu.scan <max>, %reduce_max3A_333 masked %reduce_max3A_330 : vector<16xi32>, vector<16xi1> -> vector<16xi32>
      %reduce_max3A_335 = arith.xori %reduce_max3A_334, %reduce_max3A_332 : vector<16xi32>
      %reduce_max3A_336 = vector.extract %reduce_max3A_335[15] : i32 from vector<16xi32>
      %eq3A_337 = arith.constant 14 : i32
      %eq3A_338 = vector.broadcast %eq3A_337 : i32 to vector<16xi32>
      %eq3A_339 = arith.cmpi eq, %iota3A, %eq3A_338 : vector<16xi32>
      %broadcast_in_dim3A_340 = vector.broadcast %reduce_max3A_336 : i32 to vector<16xi32>
      %select_n3A_341 = arith.select %eq3A_339, %broadcast_in_dim3A_340, %select_n3A_319 : vector<16xi1>, vector<16xi32>
      %mul3A_342 = arith.constant 256 : i32
      %mul3A_343 = arith.muli %add3A_17, %mul3A_342 : i32
      %add3A_344 = arith.constant 240 : i32
      %add3A_345 = arith.addi %mul3A_343, %add3A_344 : i32
      %get3A_346 = arith.index_cast %add3A_345 : i32 to index
      %get3A_347 = tpu.vector_load %arg4[%get3A_346] {strides = array<i32>} : memref<10240xi32, #tpu.memory_space<vmem>>, vector<16xi32>,
      tpu.vector_store_idx %arg5[%get3A_347], %iota3A : memref<10240xi32, #tpu.memory_space<vmem>>[vector<16xi32>], vector<16xi32>,
      %gather3A_348 = tpu.vector_load_idx %arg5[%get3A_347] : memref<10240xi32, #tpu.memory_space<vmem>>[vector<16xi32>], vector<16xi32>,
      %ne3A_349 = arith.cmpi ne, %gather3A_348, %iota3A : vector<16xi32>
      %convert_element_type3A_350 = arith.extui %ne3A_349 : vector<16xi1> to vector<16xi32>
      %reduce_max3A_351 = arith.constant true
      %reduce_max3A_352 = vector.broadcast %reduce_max3A_351 : i1 to vector<16xi1>
      %reduce_max3A_353 = arith.constant -2147483648 : i32
      %reduce_max3A_354 = vector.broadcast %reduce_max3A_353 : i32 to vector<16xi32>
      %reduce_max3A_355 = arith.xori %convert_element_type3A_350, %reduce_max3A_354 : vector<16xi32>
      %reduce_max3A_356 = tpu.scan <max>, %reduce_max3A_355 masked %reduce_max3A_352 : vector<16xi32>, vector<16xi1> -> vector<16xi32>
      %reduce_max3A_357 = arith.xori %reduce_max3A_356, %reduce_max3A_354 : vector<16xi32>
      %reduce_max3A_358 = vector.extract %reduce_max3A_357[15] : i32 from vector<16xi32>
      %eq3A_359 = arith.constant 15 : i32
      %eq3A_360 = vector.broadcast %eq3A_359 : i32 to vector<16xi32>
      %eq3A_361 = arith.cmpi eq, %iota3A, %eq3A_360 : vector<16xi32>
      %broadcast_in_dim3A_362 = vector.broadcast %reduce_max3A_358 : i32 to vector<16xi32>
      %select_n3A_363 = arith.select %eq3A_361, %broadcast_in_dim3A_362, %select_n3A_341 : vector<16xi1>, vector<16xi32>
      %mul3A_364 = arith.constant 16 : i32
      %mul3A_365 = arith.muli %add3A_17, %mul3A_364 : i32
      %swap3A = arith.index_cast %mul3A_365 : i32 to index
      %swap3A_366 = tpu.vector_load %arg6[%swap3A] {strides = array<i32>} : memref<640xi32, #tpu.memory_space<vmem>>, vector<16xi32>,
      tpu.vector_store %arg6[%swap3A], %select_n3A_363 {strides = array<i32>} : memref<640xi32, #tpu.memory_space<vmem>>, vector<16xi32>,
    }
    %scan3A_8 = arith.constant 40 : i32
    %mul3A_9 = arith.constant 40 : i32
    %mul3A_10 = arith.muli %add3A, %mul3A_9 : i32
    %mul3A_11 = arith.constant 16 : i32
    %mul3A_12 = arith.muli %mul3A_10, %mul3A_11 : i32
    "tpu.region"() ({
      %run_scoped3A = tpu.sem_alloc : memref<!tpu.dma_semaphore, #tpu.memory_space<semaphore_mem>>
      %dma_start3A = tpu.memref_slice %arg3[%mul3A_12] : memref<20480xi32, #tpu.memory_space<hbm>> -> memref<640xi32, #tpu.memory_space<hbm>>
      %dma_start3A_13 = tpu.memref_slice %arg3[%mul3A_12] : memref<20480xi32, #tpu.memory_space<hbm>> -> memref<640xi32, #tpu.memory_space<hbm>>
      tpu.enqueue_dma source(%arg6 : memref<640xi32, #tpu.memory_space<vmem>>) target(%dma_start3A_13 : memref<640xi32, #tpu.memory_space<hbm>>) target_semaphore(%run_scoped3A : memref<!tpu.dma_semaphore, #tpu.memory_space<semaphore_mem>>)
      %dma_wait3A = tpu.memref_slice %arg3[%mul3A_12] : memref<20480xi32, #tpu.memory_space<hbm>> -> memref<640xi32, #tpu.memory_space<hbm>>
      %dma_wait3A_14 = tpu.memref_slice %arg3[%mul3A_12] : memref<20480xi32, #tpu.memory_space<hbm>> -> memref<640xi32, #tpu.memory_space<hbm>>
      tpu.wait_dma2 semaphore(%run_scoped3A : memref<!tpu.dma_semaphore, #tpu.memory_space<semaphore_mem>>) src(%arg6 : memref<640xi32, #tpu.memory_space<vmem>>) dst(%dma_wait3A_14 : memref<640xi32, #tpu.memory_space<hbm>>)
      tpu.yield
    }) : () -> ()
    return
  }
}

#map = affine_map<(d0, d1) -> (0, 0)>
#map1 = affine_map<(d0, d1) -> (0)>
#map2 = affine_map<(d0, d1) -> (0, 0, 0)>
module attributes {stable_mosaic.version = 14 : i64} {
  func.func @k(%arg0: i32, %arg1: i32, %arg2: memref<128x320000xf32, #tpu.memory_space<hbm>>, %arg3: memref<320000xi32, #tpu.memory_space<hbm>>, %arg4: memref<20480xi32, #tpu.memory_space<hbm>>, %arg5: memref<2x128x10240xf32, #tpu.memory_space<hbm>>, %arg6: memref<640xi32, #tpu.memory_space<vmem>>, %arg7: memref<640xi32, #tpu.memory_space<vmem>>, %arg8: memref<8x640xf32, #tpu.memory_space<vmem>>, %arg9: memref<8x640xf32, #tpu.memory_space<vmem>>, %arg10: memref<56xi32, #tpu.memory_space<vmem>>, %arg11: memref<56xi32, #tpu.memory_space<vmem>>, %arg12: memref<8x10240xf32, #tpu.memory_space<vmem>>, %arg13: memref<!tpu.dma_semaphore, #tpu.memory_space<semaphore_mem>>, %arg14: memref<!tpu.dma_semaphore, #tpu.memory_space<semaphore_mem>>) attributes {dimension_semantics = [#tpu.dimension_semantics<core_parallel>, #tpu.dimension_semantics<subcore_parallel>], iteration_bounds = array<i64: 2, 16>, scalar_prefetch = 0 : i64, scratch_operands = 9 : i64, tpu.core_type = #tpu.core_type<sc_vector_subcore>, window_params = [{transform_indices = #map}, {transform_indices = #map1}, {transform_indices = #map1}, {transform_indices = #map2}]} {
    %mul3A = arith.constant 8 : i32
    %mul3A_0 = arith.muli %arg1, %mul3A : i32
    %mul3A_1 = arith.constant 160000 : i32
    %mul3A_2 = arith.muli %arg0, %mul3A_1 : i32
    %mul3A_3 = arith.constant 10000 : i32
    %mul3A_4 = arith.muli %arg0, %mul3A_3 : i32
    %scan3A = arith.constant 0 : i32
    %scan3A_5 = arith.constant 640 : i32
    %scan3A_6 = arith.addi %scan3A, %scan3A_5 : i32
    %scan3A_7 = arith.constant 1 : i32
    scf.for %scan3A_75 = %scan3A to %scan3A_6 step %scan3A_7  : i32 {
      %mul3A_76 = arith.constant 1 : i32
      %mul3A_77 = arith.muli %scan3A_75, %mul3A_76 : i32
      %add3A_78 = arith.constant 0 : i32
      %add3A_79 = arith.addi %add3A_78, %mul3A_77 : i32
      %broadcast_in_dim3A = arith.constant 0.000000e+00 : f32
      %broadcast_in_dim3A_80 = vector.broadcast %broadcast_in_dim3A : f32 to vector<16xf32>
      %mul3A_81 = arith.constant 16 : i32
      %mul3A_82 = arith.muli %add3A_79, %mul3A_81 : i32
      %swap3A = arith.constant 0 : i32
      %swap3A_83 = arith.index_cast %swap3A : i32 to index
      %swap3A_84 = arith.index_cast %mul3A_82 : i32 to index
      %swap3A_85 = tpu.vector_load %arg12[%swap3A_83, %swap3A_84] {strides = array<i32>} : memref<8x10240xf32, #tpu.memory_space<vmem>>, vector<16xf32>,
      tpu.vector_store %arg12[%swap3A_83, %swap3A_84], %broadcast_in_dim3A_80 {strides = array<i32>} : memref<8x10240xf32, #tpu.memory_space<vmem>>, vector<16xf32>,
    }
    %scan3A_8 = arith.constant 640 : i32
    %scan3A_9 = arith.constant 0 : i32
    %scan3A_10 = arith.constant 640 : i32
    %scan3A_11 = arith.addi %scan3A_9, %scan3A_10 : i32
    %scan3A_12 = arith.constant 1 : i32
    scf.for %scan3A_75 = %scan3A_9 to %scan3A_11 step %scan3A_12  : i32 {
      %mul3A_76 = arith.constant 1 : i32
      %mul3A_77 = arith.muli %scan3A_75, %mul3A_76 : i32
      %add3A_78 = arith.constant 0 : i32
      %add3A_79 = arith.addi %add3A_78, %mul3A_77 : i32
      %broadcast_in_dim3A = arith.constant 0.000000e+00 : f32
      %broadcast_in_dim3A_80 = vector.broadcast %broadcast_in_dim3A : f32 to vector<16xf32>
      %mul3A_81 = arith.constant 16 : i32
      %mul3A_82 = arith.muli %add3A_79, %mul3A_81 : i32
      %swap3A = arith.constant 1 : i32
      %swap3A_83 = arith.index_cast %swap3A : i32 to index
      %swap3A_84 = arith.index_cast %mul3A_82 : i32 to index
      %swap3A_85 = tpu.vector_load %arg12[%swap3A_83, %swap3A_84] {strides = array<i32>} : memref<8x10240xf32, #tpu.memory_space<vmem>>, vector<16xf32>,
      tpu.vector_store %arg12[%swap3A_83, %swap3A_84], %broadcast_in_dim3A_80 {strides = array<i32>} : memref<8x10240xf32, #tpu.memory_space<vmem>>, vector<16xf32>,
    }
    %scan3A_13 = arith.constant 640 : i32
    %scan3A_14 = arith.constant 0 : i32
    %scan3A_15 = arith.constant 640 : i32
    %scan3A_16 = arith.addi %scan3A_14, %scan3A_15 : i32
    %scan3A_17 = arith.constant 1 : i32
    scf.for %scan3A_75 = %scan3A_14 to %scan3A_16 step %scan3A_17  : i32 {
      %mul3A_76 = arith.constant 1 : i32
      %mul3A_77 = arith.muli %scan3A_75, %mul3A_76 : i32
      %add3A_78 = arith.constant 0 : i32
      %add3A_79 = arith.addi %add3A_78, %mul3A_77 : i32
      %broadcast_in_dim3A = arith.constant 0.000000e+00 : f32
      %broadcast_in_dim3A_80 = vector.broadcast %broadcast_in_dim3A : f32 to vector<16xf32>
      %mul3A_81 = arith.constant 16 : i32
      %mul3A_82 = arith.muli %add3A_79, %mul3A_81 : i32
      %swap3A = arith.constant 2 : i32
      %swap3A_83 = arith.index_cast %swap3A : i32 to index
      %swap3A_84 = arith.index_cast %mul3A_82 : i32 to index
      %swap3A_85 = tpu.vector_load %arg12[%swap3A_83, %swap3A_84] {strides = array<i32>} : memref<8x10240xf32, #tpu.memory_space<vmem>>, vector<16xf32>,
      tpu.vector_store %arg12[%swap3A_83, %swap3A_84], %broadcast_in_dim3A_80 {strides = array<i32>} : memref<8x10240xf32, #tpu.memory_space<vmem>>, vector<16xf32>,
    }
    %scan3A_18 = arith.constant 640 : i32
    %scan3A_19 = arith.constant 0 : i32
    %scan3A_20 = arith.constant 640 : i32
    %scan3A_21 = arith.addi %scan3A_19, %scan3A_20 : i32
    %scan3A_22 = arith.constant 1 : i32
    scf.for %scan3A_75 = %scan3A_19 to %scan3A_21 step %scan3A_22  : i32 {
      %mul3A_76 = arith.constant 1 : i32
      %mul3A_77 = arith.muli %scan3A_75, %mul3A_76 : i32
      %add3A_78 = arith.constant 0 : i32
      %add3A_79 = arith.addi %add3A_78, %mul3A_77 : i32
      %broadcast_in_dim3A = arith.constant 0.000000e+00 : f32
      %broadcast_in_dim3A_80 = vector.broadcast %broadcast_in_dim3A : f32 to vector<16xf32>
      %mul3A_81 = arith.constant 16 : i32
      %mul3A_82 = arith.muli %add3A_79, %mul3A_81 : i32
      %swap3A = arith.constant 3 : i32
      %swap3A_83 = arith.index_cast %swap3A : i32 to index
      %swap3A_84 = arith.index_cast %mul3A_82 : i32 to index
      %swap3A_85 = tpu.vector_load %arg12[%swap3A_83, %swap3A_84] {strides = array<i32>} : memref<8x10240xf32, #tpu.memory_space<vmem>>, vector<16xf32>,
      tpu.vector_store %arg12[%swap3A_83, %swap3A_84], %broadcast_in_dim3A_80 {strides = array<i32>} : memref<8x10240xf32, #tpu.memory_space<vmem>>, vector<16xf32>,
    }
    %scan3A_23 = arith.constant 640 : i32
    %scan3A_24 = arith.constant 0 : i32
    %scan3A_25 = arith.constant 640 : i32
    %scan3A_26 = arith.addi %scan3A_24, %scan3A_25 : i32
    %scan3A_27 = arith.constant 1 : i32
    scf.for %scan3A_75 = %scan3A_24 to %scan3A_26 step %scan3A_27  : i32 {
      %mul3A_76 = arith.constant 1 : i32
      %mul3A_77 = arith.muli %scan3A_75, %mul3A_76 : i32
      %add3A_78 = arith.constant 0 : i32
      %add3A_79 = arith.addi %add3A_78, %mul3A_77 : i32
      %broadcast_in_dim3A = arith.constant 0.000000e+00 : f32
      %broadcast_in_dim3A_80 = vector.broadcast %broadcast_in_dim3A : f32 to vector<16xf32>
      %mul3A_81 = arith.constant 16 : i32
      %mul3A_82 = arith.muli %add3A_79, %mul3A_81 : i32
      %swap3A = arith.constant 4 : i32
      %swap3A_83 = arith.index_cast %swap3A : i32 to index
      %swap3A_84 = arith.index_cast %mul3A_82 : i32 to index
      %swap3A_85 = tpu.vector_load %arg12[%swap3A_83, %swap3A_84] {strides = array<i32>} : memref<8x10240xf32, #tpu.memory_space<vmem>>, vector<16xf32>,
      tpu.vector_store %arg12[%swap3A_83, %swap3A_84], %broadcast_in_dim3A_80 {strides = array<i32>} : memref<8x10240xf32, #tpu.memory_space<vmem>>, vector<16xf32>,
    }
    %scan3A_28 = arith.constant 640 : i32
    %scan3A_29 = arith.constant 0 : i32
    %scan3A_30 = arith.constant 640 : i32
    %scan3A_31 = arith.addi %scan3A_29, %scan3A_30 : i32
    %scan3A_32 = arith.constant 1 : i32
    scf.for %scan3A_75 = %scan3A_29 to %scan3A_31 step %scan3A_32  : i32 {
      %mul3A_76 = arith.constant 1 : i32
      %mul3A_77 = arith.muli %scan3A_75, %mul3A_76 : i32
      %add3A_78 = arith.constant 0 : i32
      %add3A_79 = arith.addi %add3A_78, %mul3A_77 : i32
      %broadcast_in_dim3A = arith.constant 0.000000e+00 : f32
      %broadcast_in_dim3A_80 = vector.broadcast %broadcast_in_dim3A : f32 to vector<16xf32>
      %mul3A_81 = arith.constant 16 : i32
      %mul3A_82 = arith.muli %add3A_79, %mul3A_81 : i32
      %swap3A = arith.constant 5 : i32
      %swap3A_83 = arith.index_cast %swap3A : i32 to index
      %swap3A_84 = arith.index_cast %mul3A_82 : i32 to index
      %swap3A_85 = tpu.vector_load %arg12[%swap3A_83, %swap3A_84] {strides = array<i32>} : memref<8x10240xf32, #tpu.memory_space<vmem>>, vector<16xf32>,
      tpu.vector_store %arg12[%swap3A_83, %swap3A_84], %broadcast_in_dim3A_80 {strides = array<i32>} : memref<8x10240xf32, #tpu.memory_space<vmem>>, vector<16xf32>,
    }
    %scan3A_33 = arith.constant 640 : i32
    %scan3A_34 = arith.constant 0 : i32
    %scan3A_35 = arith.constant 640 : i32
    %scan3A_36 = arith.addi %scan3A_34, %scan3A_35 : i32
    %scan3A_37 = arith.constant 1 : i32
    scf.for %scan3A_75 = %scan3A_34 to %scan3A_36 step %scan3A_37  : i32 {
      %mul3A_76 = arith.constant 1 : i32
      %mul3A_77 = arith.muli %scan3A_75, %mul3A_76 : i32
      %add3A_78 = arith.constant 0 : i32
      %add3A_79 = arith.addi %add3A_78, %mul3A_77 : i32
      %broadcast_in_dim3A = arith.constant 0.000000e+00 : f32
      %broadcast_in_dim3A_80 = vector.broadcast %broadcast_in_dim3A : f32 to vector<16xf32>
      %mul3A_81 = arith.constant 16 : i32
      %mul3A_82 = arith.muli %add3A_79, %mul3A_81 : i32
      %swap3A = arith.constant 6 : i32
      %swap3A_83 = arith.index_cast %swap3A : i32 to index
      %swap3A_84 = arith.index_cast %mul3A_82 : i32 to index
      %swap3A_85 = tpu.vector_load %arg12[%swap3A_83, %swap3A_84] {strides = array<i32>} : memref<8x10240xf32, #tpu.memory_space<vmem>>, vector<16xf32>,
      tpu.vector_store %arg12[%swap3A_83, %swap3A_84], %broadcast_in_dim3A_80 {strides = array<i32>} : memref<8x10240xf32, #tpu.memory_space<vmem>>, vector<16xf32>,
    }
    %scan3A_38 = arith.constant 640 : i32
    %scan3A_39 = arith.constant 0 : i32
    %scan3A_40 = arith.constant 640 : i32
    %scan3A_41 = arith.addi %scan3A_39, %scan3A_40 : i32
    %scan3A_42 = arith.constant 1 : i32
    scf.for %scan3A_75 = %scan3A_39 to %scan3A_41 step %scan3A_42  : i32 {
      %mul3A_76 = arith.constant 1 : i32
      %mul3A_77 = arith.muli %scan3A_75, %mul3A_76 : i32
      %add3A_78 = arith.constant 0 : i32
      %add3A_79 = arith.addi %add3A_78, %mul3A_77 : i32
      %broadcast_in_dim3A = arith.constant 0.000000e+00 : f32
      %broadcast_in_dim3A_80 = vector.broadcast %broadcast_in_dim3A : f32 to vector<16xf32>
      %mul3A_81 = arith.constant 16 : i32
      %mul3A_82 = arith.muli %add3A_79, %mul3A_81 : i32
      %swap3A = arith.constant 7 : i32
      %swap3A_83 = arith.index_cast %swap3A : i32 to index
      %swap3A_84 = arith.index_cast %mul3A_82 : i32 to index
      %swap3A_85 = tpu.vector_load %arg12[%swap3A_83, %swap3A_84] {strides = array<i32>} : memref<8x10240xf32, #tpu.memory_space<vmem>>, vector<16xf32>,
      tpu.vector_store %arg12[%swap3A_83, %swap3A_84], %broadcast_in_dim3A_80 {strides = array<i32>} : memref<8x10240xf32, #tpu.memory_space<vmem>>, vector<16xf32>,
    }
    %scan3A_43 = arith.constant 640 : i32
    %add3A = arith.constant 0 : i32
    %add3A_44 = arith.addi %mul3A_2, %add3A : i32
    %dma_start3A = tpu.memref_slice %arg3[%add3A_44] : memref<320000xi32, #tpu.memory_space<hbm>> -> memref<640xi32, #tpu.memory_space<hbm>>
    %dma_start3A_45 = tpu.memref_slice %arg3[%add3A_44] : memref<320000xi32, #tpu.memory_space<hbm>> -> memref<640xi32, #tpu.memory_space<hbm>>
    tpu.enqueue_dma source(%dma_start3A_45 : memref<640xi32, #tpu.memory_space<hbm>>) target(%arg6 : memref<640xi32, #tpu.memory_space<vmem>>) target_semaphore(%arg13 : memref<!tpu.dma_semaphore, #tpu.memory_space<semaphore_mem>>)
    %dma_start3A_46 = tpu.memref_slice %arg2[%mul3A_0, %add3A_44] : memref<128x320000xf32, #tpu.memory_space<hbm>> -> memref<8x640xf32, #tpu.memory_space<hbm>>
    %dma_start3A_47 = tpu.memref_slice %arg2[%mul3A_0, %add3A_44] : memref<128x320000xf32, #tpu.memory_space<hbm>> -> memref<8x640xf32, #tpu.memory_space<hbm>>
    tpu.enqueue_dma source(%dma_start3A_47 : memref<8x640xf32, #tpu.memory_space<hbm>>) target(%arg8 : memref<8x640xf32, #tpu.memory_space<vmem>>) target_semaphore(%arg13 : memref<!tpu.dma_semaphore, #tpu.memory_space<semaphore_mem>>)
    %add3A_48 = arith.constant 0 : i32
    %add3A_49 = arith.addi %mul3A_4, %add3A_48 : i32
    %dma_start3A_50 = arith.constant 0 : i32
    %dma_start3A_51 = tpu.memref_slice %arg10[%dma_start3A_50] : memref<56xi32, #tpu.memory_space<vmem>> -> memref<40xi32, #tpu.memory_space<vmem>>
    %dma_start3A_52 = tpu.memref_slice %arg4[%add3A_49] : memref<20480xi32, #tpu.memory_space<hbm>> -> memref<40xi32, #tpu.memory_space<hbm>>
    %dma_start3A_53 = arith.constant 0 : i32
    %dma_start3A_54 = tpu.memref_slice %arg10[%dma_start3A_53] : memref<56xi32, #tpu.memory_space<vmem>> -> memref<40xi32, #tpu.memory_space<vmem>>
    %dma_start3A_55 = tpu.memref_slice %arg4[%add3A_49] : memref<20480xi32, #tpu.memory_space<hbm>> -> memref<40xi32, #tpu.memory_space<hbm>>
    tpu.enqueue_dma source(%dma_start3A_55 : memref<40xi32, #tpu.memory_space<hbm>>) target(%dma_start3A_54 : memref<40xi32, #tpu.memory_space<vmem>>) target_semaphore(%arg13 : memref<!tpu.dma_semaphore, #tpu.memory_space<semaphore_mem>>)
    %add3A_56 = arith.constant 640 : i32
    %add3A_57 = arith.addi %mul3A_2, %add3A_56 : i32
    %dma_start3A_58 = tpu.memref_slice %arg3[%add3A_57] : memref<320000xi32, #tpu.memory_space<hbm>> -> memref<640xi32, #tpu.memory_space<hbm>>
    %dma_start3A_59 = tpu.memref_slice %arg3[%add3A_57] : memref<320000xi32, #tpu.memory_space<hbm>> -> memref<640xi32, #tpu.memory_space<hbm>>
    tpu.enqueue_dma source(%dma_start3A_59 : memref<640xi32, #tpu.memory_space<hbm>>) target(%arg7 : memref<640xi32, #tpu.memory_space<vmem>>) target_semaphore(%arg14 : memref<!tpu.dma_semaphore, #tpu.memory_space<semaphore_mem>>)
    %dma_start3A_60 = tpu.memref_slice %arg2[%mul3A_0, %add3A_57] : memref<128x320000xf32, #tpu.memory_space<hbm>> -> memref<8x640xf32, #tpu.memory_space<hbm>>
    %dma_start3A_61 = tpu.memref_slice %arg2[%mul3A_0, %add3A_57] : memref<128x320000xf32, #tpu.memory_space<hbm>> -> memref<8x640xf32, #tpu.memory_space<hbm>>
    tpu.enqueue_dma source(%dma_start3A_61 : memref<8x640xf32, #tpu.memory_space<hbm>>) target(%arg9 : memref<8x640xf32, #tpu.memory_space<vmem>>) target_semaphore(%arg14 : memref<!tpu.dma_semaphore, #tpu.memory_space<semaphore_mem>>)
    %add3A_62 = arith.constant 40 : i32
    %add3A_63 = arith.addi %mul3A_4, %add3A_62 : i32
    %dma_start3A_64 = arith.constant 0 : i32
    %dma_start3A_65 = tpu.memref_slice %arg11[%dma_start3A_64] : memref<56xi32, #tpu.memory_space<vmem>> -> memref<40xi32, #tpu.memory_space<vmem>>
    %dma_start3A_66 = tpu.memref_slice %arg4[%add3A_63] : memref<20480xi32, #tpu.memory_space<hbm>> -> memref<40xi32, #tpu.memory_space<hbm>>
    %dma_start3A_67 = arith.constant 0 : i32
    %dma_start3A_68 = tpu.memref_slice %arg11[%dma_start3A_67] : memref<56xi32, #tpu.memory_space<vmem>> -> memref<40xi32, #tpu.memory_space<vmem>>
    %dma_start3A_69 = tpu.memref_slice %arg4[%add3A_63] : memref<20480xi32, #tpu.memory_space<hbm>> -> memref<40xi32, #tpu.memory_space<hbm>>
    tpu.enqueue_dma source(%dma_start3A_69 : memref<40xi32, #tpu.memory_space<hbm>>) target(%dma_start3A_68 : memref<40xi32, #tpu.memory_space<vmem>>) target_semaphore(%arg14 : memref<!tpu.dma_semaphore, #tpu.memory_space<semaphore_mem>>)
    %scan3A_70 = arith.constant 0 : i32
    %scan3A_71 = arith.constant 125 : i32
    %scan3A_72 = arith.addi %scan3A_70, %scan3A_71 : i32
    %scan3A_73 = arith.constant 1 : i32
    scf.for %scan3A_75 = %scan3A_70 to %scan3A_72 step %scan3A_73  : i32 {
      %mul3A_76 = arith.constant 1 : i32
      %mul3A_77 = arith.muli %scan3A_75, %mul3A_76 : i32
      %add3A_78 = arith.constant 0 : i32
      %add3A_79 = arith.addi %add3A_78, %mul3A_77 : i32
      %mul3A_80 = arith.constant 2 : i32
      %mul3A_81 = arith.muli %mul3A_80, %add3A_79 : i32
      %add3A_82 = arith.constant 0 : i32
      %add3A_83 = arith.addi %mul3A_81, %add3A_82 : i32
      %dma_wait3A = arith.constant 0 : i32
      %dma_wait3A_84 = tpu.memref_slice %arg3[%dma_wait3A] : memref<320000xi32, #tpu.memory_space<hbm>> -> memref<640xi32, #tpu.memory_space<hbm>>
      %dma_wait3A_85 = arith.constant 0 : i32
      %dma_wait3A_86 = tpu.memref_slice %arg3[%dma_wait3A_85] : memref<320000xi32, #tpu.memory_space<hbm>> -> memref<640xi32, #tpu.memory_space<hbm>>
      tpu.wait_dma2 semaphore(%arg13 : memref<!tpu.dma_semaphore, #tpu.memory_space<semaphore_mem>>) src(%dma_wait3A_86 : memref<640xi32, #tpu.memory_space<hbm>>) dst(%arg6 : memref<640xi32, #tpu.memory_space<vmem>>)
      %dma_wait3A_87 = arith.constant 0 : i32
      %dma_wait3A_88 = arith.constant 0 : i32
      %dma_wait3A_89 = tpu.memref_slice %arg2[%dma_wait3A_87, %dma_wait3A_88] : memref<128x320000xf32, #tpu.memory_space<hbm>> -> memref<8x640xf32, #tpu.memory_space<hbm>>
      %dma_wait3A_90 = arith.constant 0 : i32
      %dma_wait3A_91 = arith.constant 0 : i32
      %dma_wait3A_92 = tpu.memref_slice %arg2[%dma_wait3A_90, %dma_wait3A_91] : memref<128x320000xf32, #tpu.memory_space<hbm>> -> memref<8x640xf32, #tpu.memory_space<hbm>>
      tpu.wait_dma2 semaphore(%arg13 : memref<!tpu.dma_semaphore, #tpu.memory_space<semaphore_mem>>) src(%dma_wait3A_92 : memref<8x640xf32, #tpu.memory_space<hbm>>) dst(%arg8 : memref<8x640xf32, #tpu.memory_space<vmem>>)
      %dma_wait3A_93 = arith.constant 0 : i32
      %dma_wait3A_94 = tpu.memref_slice %arg10[%dma_wait3A_93] : memref<56xi32, #tpu.memory_space<vmem>> -> memref<40xi32, #tpu.memory_space<vmem>>
      %dma_wait3A_95 = arith.constant 0 : i32
      %dma_wait3A_96 = tpu.memref_slice %arg4[%dma_wait3A_95] : memref<20480xi32, #tpu.memory_space<hbm>> -> memref<40xi32, #tpu.memory_space<hbm>>
      %dma_wait3A_97 = arith.constant 0 : i32
      %dma_wait3A_98 = tpu.memref_slice %arg10[%dma_wait3A_97] : memref<56xi32, #tpu.memory_space<vmem>> -> memref<40xi32, #tpu.memory_space<vmem>>
      %dma_wait3A_99 = arith.constant 0 : i32
      %dma_wait3A_100 = tpu.memref_slice %arg4[%dma_wait3A_99] : memref<20480xi32, #tpu.memory_space<hbm>> -> memref<40xi32, #tpu.memory_space<hbm>>
      tpu.wait_dma2 semaphore(%arg13 : memref<!tpu.dma_semaphore, #tpu.memory_space<semaphore_mem>>) src(%dma_wait3A_100 : memref<40xi32, #tpu.memory_space<hbm>>) dst(%dma_wait3A_98 : memref<40xi32, #tpu.memory_space<vmem>>)
      %scan3A_101 = arith.constant 0 : i32
      %scan3A_102 = arith.constant 40 : i32
      %scan3A_103 = arith.addi %scan3A_101, %scan3A_102 : i32
      %scan3A_104 = arith.constant 1 : i32
      scf.for %scan3A_144 = %scan3A_101 to %scan3A_103 step %scan3A_104  : i32 {
        %mul3A_145 = arith.constant 1 : i32
        %mul3A_146 = arith.muli %scan3A_144, %mul3A_145 : i32
        %add3A_147 = arith.constant 0 : i32
        %add3A_148 = arith.addi %add3A_147, %mul3A_146 : i32
        %get3A = arith.index_cast %add3A_148 : i32 to index
        %get3A_149 = tpu.vector_load %arg10[%get3A] {strides = array<i32>} : memref<56xi32, #tpu.memory_space<vmem>>, vector<16xi32>,
        %slice3A = vector.extract_strided_slice %get3A_149 {offsets = [0], sizes = [1], strides = [1]} : vector<16xi32> to vector<1xi32>
        %squeeze3A = vector.extract %slice3A[0] : i32 from vector<1xi32>
        %mul3A_150 = arith.constant 16 : i32
        %mul3A_151 = arith.muli %add3A_148, %mul3A_150 : i32
        %get3A_152 = arith.index_cast %mul3A_151 : i32 to index
        %get3A_153 = tpu.vector_load %arg6[%get3A_152] {strides = array<i32>} : memref<640xi32, #tpu.memory_space<vmem>>, vector<16xi32>,
        %broadcast_in_dim3A = arith.constant 0 : i32
        %broadcast_in_dim3A_154 = vector.broadcast %broadcast_in_dim3A : i32 to vector<16xi32>
        %get3A_155 = arith.constant 0 : i32
        %get3A_156 = arith.index_cast %get3A_155 : i32 to index
        %get3A_157 = arith.index_cast %mul3A_151 : i32 to index
        %get3A_158 = tpu.vector_load %arg8[%get3A_156, %get3A_157] {strides = array<i32>} : memref<8x640xf32, #tpu.memory_space<vmem>>, vector<16xf32>,
        %gather3A = tpu.vector_load_idx %arg12[%broadcast_in_dim3A_154, %get3A_153] : memref<8x10240xf32, #tpu.memory_space<vmem>>[vector<16xi32>, vector<16xi32>], vector<16xf32>,
        %gt3A = arith.cmpf ogt, %get3A_158, %gather3A : vector<16xf32>
        tpu.vector_store_idx %arg12[%broadcast_in_dim3A_154, %get3A_153], %get3A_158 masked %gt3A : memref<8x10240xf32, #tpu.memory_space<vmem>>[vector<16xi32>, vector<16xi32>], vector<16xf32>, vector<16xi1>
        %broadcast_in_dim3A_159 = arith.constant 1 : i32
        %broadcast_in_dim3A_160 = vector.broadcast %broadcast_in_dim3A_159 : i32 to vector<16xi32>
        %get3A_161 = arith.constant 1 : i32
        %get3A_162 = arith.index_cast %get3A_161 : i32 to index
        %get3A_163 = arith.index_cast %mul3A_151 : i32 to index
        %get3A_164 = tpu.vector_load %arg8[%get3A_162, %get3A_163] {strides = array<i32>} : memref<8x640xf32, #tpu.memory_space<vmem>>, vector<16xf32>,
        %gather3A_165 = tpu.vector_load_idx %arg12[%broadcast_in_dim3A_160, %get3A_153] : memref<8x10240xf32, #tpu.memory_space<vmem>>[vector<16xi32>, vector<16xi32>], vector<16xf32>,
        %gt3A_166 = arith.cmpf ogt, %get3A_164, %gather3A_165 : vector<16xf32>
        tpu.vector_store_idx %arg12[%broadcast_in_dim3A_160, %get3A_153], %get3A_164 masked %gt3A_166 : memref<8x10240xf32, #tpu.memory_space<vmem>>[vector<16xi32>, vector<16xi32>], vector<16xf32>, vector<16xi1>
        %broadcast_in_dim3A_167 = arith.constant 2 : i32
        %broadcast_in_dim3A_168 = vector.broadcast %broadcast_in_dim3A_167 : i32 to vector<16xi32>
        %get3A_169 = arith.constant 2 : i32
        %get3A_170 = arith.index_cast %get3A_169 : i32 to index
        %get3A_171 = arith.index_cast %mul3A_151 : i32 to index
        %get3A_172 = tpu.vector_load %arg8[%get3A_170, %get3A_171] {strides = array<i32>} : memref<8x640xf32, #tpu.memory_space<vmem>>, vector<16xf32>,
        %gather3A_173 = tpu.vector_load_idx %arg12[%broadcast_in_dim3A_168, %get3A_153] : memref<8x10240xf32, #tpu.memory_space<vmem>>[vector<16xi32>, vector<16xi32>], vector<16xf32>,
        %gt3A_174 = arith.cmpf ogt, %get3A_172, %gather3A_173 : vector<16xf32>
        tpu.vector_store_idx %arg12[%broadcast_in_dim3A_168, %get3A_153], %get3A_172 masked %gt3A_174 : memref<8x10240xf32, #tpu.memory_space<vmem>>[vector<16xi32>, vector<16xi32>], vector<16xf32>, vector<16xi1>
        %broadcast_in_dim3A_175 = arith.constant 3 : i32
        %broadcast_in_dim3A_176 = vector.broadcast %broadcast_in_dim3A_175 : i32 to vector<16xi32>
        %get3A_177 = arith.constant 3 : i32
        %get3A_178 = arith.index_cast %get3A_177 : i32 to index
        %get3A_179 = arith.index_cast %mul3A_151 : i32 to index
        %get3A_180 = tpu.vector_load %arg8[%get3A_178, %get3A_179] {strides = array<i32>} : memref<8x640xf32, #tpu.memory_space<vmem>>, vector<16xf32>,
        %gather3A_181 = tpu.vector_load_idx %arg12[%broadcast_in_dim3A_176, %get3A_153] : memref<8x10240xf32, #tpu.memory_space<vmem>>[vector<16xi32>, vector<16xi32>], vector<16xf32>,
        %gt3A_182 = arith.cmpf ogt, %get3A_180, %gather3A_181 : vector<16xf32>
        tpu.vector_store_idx %arg12[%broadcast_in_dim3A_176, %get3A_153], %get3A_180 masked %gt3A_182 : memref<8x10240xf32, #tpu.memory_space<vmem>>[vector<16xi32>, vector<16xi32>], vector<16xf32>, vector<16xi1>
        %broadcast_in_dim3A_183 = arith.constant 4 : i32
        %broadcast_in_dim3A_184 = vector.broadcast %broadcast_in_dim3A_183 : i32 to vector<16xi32>
        %get3A_185 = arith.constant 4 : i32
        %get3A_186 = arith.index_cast %get3A_185 : i32 to index
        %get3A_187 = arith.index_cast %mul3A_151 : i32 to index
        %get3A_188 = tpu.vector_load %arg8[%get3A_186, %get3A_187] {strides = array<i32>} : memref<8x640xf32, #tpu.memory_space<vmem>>, vector<16xf32>,
        %gather3A_189 = tpu.vector_load_idx %arg12[%broadcast_in_dim3A_184, %get3A_153] : memref<8x10240xf32, #tpu.memory_space<vmem>>[vector<16xi32>, vector<16xi32>], vector<16xf32>,
        %gt3A_190 = arith.cmpf ogt, %get3A_188, %gather3A_189 : vector<16xf32>
        tpu.vector_store_idx %arg12[%broadcast_in_dim3A_184, %get3A_153], %get3A_188 masked %gt3A_190 : memref<8x10240xf32, #tpu.memory_space<vmem>>[vector<16xi32>, vector<16xi32>], vector<16xf32>, vector<16xi1>
        %broadcast_in_dim3A_191 = arith.constant 5 : i32
        %broadcast_in_dim3A_192 = vector.broadcast %broadcast_in_dim3A_191 : i32 to vector<16xi32>
        %get3A_193 = arith.constant 5 : i32
        %get3A_194 = arith.index_cast %get3A_193 : i32 to index
        %get3A_195 = arith.index_cast %mul3A_151 : i32 to index
        %get3A_196 = tpu.vector_load %arg8[%get3A_194, %get3A_195] {strides = array<i32>} : memref<8x640xf32, #tpu.memory_space<vmem>>, vector<16xf32>,
        %gather3A_197 = tpu.vector_load_idx %arg12[%broadcast_in_dim3A_192, %get3A_153] : memref<8x10240xf32, #tpu.memory_space<vmem>>[vector<16xi32>, vector<16xi32>], vector<16xf32>,
        %gt3A_198 = arith.cmpf ogt, %get3A_196, %gather3A_197 : vector<16xf32>
        tpu.vector_store_idx %arg12[%broadcast_in_dim3A_192, %get3A_153], %get3A_196 masked %gt3A_198 : memref<8x10240xf32, #tpu.memory_space<vmem>>[vector<16xi32>, vector<16xi32>], vector<16xf32>, vector<16xi1>
        %broadcast_in_dim3A_199 = arith.constant 6 : i32
        %broadcast_in_dim3A_200 = vector.broadcast %broadcast_in_dim3A_199 : i32 to vector<16xi32>
        %get3A_201 = arith.constant 6 : i32
        %get3A_202 = arith.index_cast %get3A_201 : i32 to index
        %get3A_203 = arith.index_cast %mul3A_151 : i32 to index
        %get3A_204 = tpu.vector_load %arg8[%get3A_202, %get3A_203] {strides = array<i32>} : memref<8x640xf32, #tpu.memory_space<vmem>>, vector<16xf32>,
        %gather3A_205 = tpu.vector_load_idx %arg12[%broadcast_in_dim3A_200, %get3A_153] : memref<8x10240xf32, #tpu.memory_space<vmem>>[vector<16xi32>, vector<16xi32>], vector<16xf32>,
        %gt3A_206 = arith.cmpf ogt, %get3A_204, %gather3A_205 : vector<16xf32>
        tpu.vector_store_idx %arg12[%broadcast_in_dim3A_200, %get3A_153], %get3A_204 masked %gt3A_206 : memref<8x10240xf32, #tpu.memory_space<vmem>>[vector<16xi32>, vector<16xi32>], vector<16xf32>, vector<16xi1>
        %broadcast_in_dim3A_207 = arith.constant 7 : i32
        %broadcast_in_dim3A_208 = vector.broadcast %broadcast_in_dim3A_207 : i32 to vector<16xi32>
        %get3A_209 = arith.constant 7 : i32
        %get3A_210 = arith.index_cast %get3A_209 : i32 to index
        %get3A_211 = arith.index_cast %mul3A_151 : i32 to index
        %get3A_212 = tpu.vector_load %arg8[%get3A_210, %get3A_211] {strides = array<i32>} : memref<8x640xf32, #tpu.memory_space<vmem>>, vector<16xf32>,
        %gather3A_213 = tpu.vector_load_idx %arg12[%broadcast_in_dim3A_208, %get3A_153] : memref<8x10240xf32, #tpu.memory_space<vmem>>[vector<16xi32>, vector<16xi32>], vector<16xf32>,
        %gt3A_214 = arith.cmpf ogt, %get3A_212, %gather3A_213 : vector<16xf32>
        tpu.vector_store_idx %arg12[%broadcast_in_dim3A_208, %get3A_153], %get3A_212 masked %gt3A_214 : memref<8x10240xf32, #tpu.memory_space<vmem>>[vector<16xi32>, vector<16xi32>], vector<16xf32>, vector<16xi1>
        %gt3A_215 = arith.constant 0 : i32
        %gt3A_216 = arith.cmpi sgt, %squeeze3A, %gt3A_215 : i32
        %convert_element_type3A_217 = arith.extui %gt3A_216 : i1 to i32
        %cond3A_218 = arith.constant 0 : i32
        %cond3A_219 = arith.cmpi ne, %convert_element_type3A_217, %cond3A_218 : i32
        scf.if %cond3A_219 {
          %scan3A_220 = arith.constant 0 : i32
          %scan3A_221 = arith.constant 15 : i32
          %scan3A_222 = arith.addi %scan3A_220, %scan3A_221 : i32
          %scan3A_223 = arith.constant 1 : i32
          scf.for %scan3A_225 = %scan3A_220 to %scan3A_222 step %scan3A_223  : i32 {
            %mul3A_226 = arith.constant 1 : i32
            %mul3A_227 = arith.muli %scan3A_225, %mul3A_226 : i32
            %add3A_228 = arith.constant 0 : i32
            %add3A_229 = arith.addi %add3A_228, %mul3A_227 : i32
            %mul3A_230 = arith.constant 16 : i32
            %mul3A_231 = arith.muli %add3A_148, %mul3A_230 : i32
            %get3A_232 = arith.index_cast %mul3A_231 : i32 to index
            %get3A_233 = tpu.vector_load %arg6[%get3A_232] {strides = array<i32>} : memref<640xi32, #tpu.memory_space<vmem>>, vector<16xi32>,
            %broadcast_in_dim3A_234 = arith.constant 0 : i32
            %broadcast_in_dim3A_235 = vector.broadcast %broadcast_in_dim3A_234 : i32 to vector<16xi32>
            %get3A_236 = arith.constant 0 : i32
            %get3A_237 = arith.index_cast %get3A_236 : i32 to index
            %get3A_238 = arith.index_cast %mul3A_231 : i32 to index
            %get3A_239 = tpu.vector_load %arg8[%get3A_237, %get3A_238] {strides = array<i32>} : memref<8x640xf32, #tpu.memory_space<vmem>>, vector<16xf32>,
            %gather3A_240 = tpu.vector_load_idx %arg12[%broadcast_in_dim3A_235, %get3A_233] : memref<8x10240xf32, #tpu.memory_space<vmem>>[vector<16xi32>, vector<16xi32>], vector<16xf32>,
            %gt3A_241 = arith.cmpf ogt, %get3A_239, %gather3A_240 : vector<16xf32>
            tpu.vector_store_idx %arg12[%broadcast_in_dim3A_235, %get3A_233], %get3A_239 masked %gt3A_241 : memref<8x10240xf32, #tpu.memory_space<vmem>>[vector<16xi32>, vector<16xi32>], vector<16xf32>, vector<16xi1>
            %broadcast_in_dim3A_242 = arith.constant 1 : i32
            %broadcast_in_dim3A_243 = vector.broadcast %broadcast_in_dim3A_242 : i32 to vector<16xi32>
            %get3A_244 = arith.constant 1 : i32
            %get3A_245 = arith.index_cast %get3A_244 : i32 to index
            %get3A_246 = arith.index_cast %mul3A_231 : i32 to index
            %get3A_247 = tpu.vector_load %arg8[%get3A_245, %get3A_246] {strides = array<i32>} : memref<8x640xf32, #tpu.memory_space<vmem>>, vector<16xf32>,
            %gather3A_248 = tpu.vector_load_idx %arg12[%broadcast_in_dim3A_243, %get3A_233] : memref<8x10240xf32, #tpu.memory_space<vmem>>[vector<16xi32>, vector<16xi32>], vector<16xf32>,
            %gt3A_249 = arith.cmpf ogt, %get3A_247, %gather3A_248 : vector<16xf32>
            tpu.vector_store_idx %arg12[%broadcast_in_dim3A_243, %get3A_233], %get3A_247 masked %gt3A_249 : memref<8x10240xf32, #tpu.memory_space<vmem>>[vector<16xi32>, vector<16xi32>], vector<16xf32>, vector<16xi1>
            %broadcast_in_dim3A_250 = arith.constant 2 : i32
            %broadcast_in_dim3A_251 = vector.broadcast %broadcast_in_dim3A_250 : i32 to vector<16xi32>
            %get3A_252 = arith.constant 2 : i32
            %get3A_253 = arith.index_cast %get3A_252 : i32 to index
            %get3A_254 = arith.index_cast %mul3A_231 : i32 to index
            %get3A_255 = tpu.vector_load %arg8[%get3A_253, %get3A_254] {strides = array<i32>} : memref<8x640xf32, #tpu.memory_space<vmem>>, vector<16xf32>,
            %gather3A_256 = tpu.vector_load_idx %arg12[%broadcast_in_dim3A_251, %get3A_233] : memref<8x10240xf32, #tpu.memory_space<vmem>>[vector<16xi32>, vector<16xi32>], vector<16xf32>,
            %gt3A_257 = arith.cmpf ogt, %get3A_255, %gather3A_256 : vector<16xf32>
            tpu.vector_store_idx %arg12[%broadcast_in_dim3A_251, %get3A_233], %get3A_255 masked %gt3A_257 : memref<8x10240xf32, #tpu.memory_space<vmem>>[vector<16xi32>, vector<16xi32>], vector<16xf32>, vector<16xi1>
            %broadcast_in_dim3A_258 = arith.constant 3 : i32
            %broadcast_in_dim3A_259 = vector.broadcast %broadcast_in_dim3A_258 : i32 to vector<16xi32>
            %get3A_260 = arith.constant 3 : i32
            %get3A_261 = arith.index_cast %get3A_260 : i32 to index
            %get3A_262 = arith.index_cast %mul3A_231 : i32 to index
            %get3A_263 = tpu.vector_load %arg8[%get3A_261, %get3A_262] {strides = array<i32>} : memref<8x640xf32, #tpu.memory_space<vmem>>, vector<16xf32>,
            %gather3A_264 = tpu.vector_load_idx %arg12[%broadcast_in_dim3A_259, %get3A_233] : memref<8x10240xf32, #tpu.memory_space<vmem>>[vector<16xi32>, vector<16xi32>], vector<16xf32>,
            %gt3A_265 = arith.cmpf ogt, %get3A_263, %gather3A_264 : vector<16xf32>
            tpu.vector_store_idx %arg12[%broadcast_in_dim3A_259, %get3A_233], %get3A_263 masked %gt3A_265 : memref<8x10240xf32, #tpu.memory_space<vmem>>[vector<16xi32>, vector<16xi32>], vector<16xf32>, vector<16xi1>
            %broadcast_in_dim3A_266 = arith.constant 4 : i32
            %broadcast_in_dim3A_267 = vector.broadcast %broadcast_in_dim3A_266 : i32 to vector<16xi32>
            %get3A_268 = arith.constant 4 : i32
            %get3A_269 = arith.index_cast %get3A_268 : i32 to index
            %get3A_270 = arith.index_cast %mul3A_231 : i32 to index
            %get3A_271 = tpu.vector_load %arg8[%get3A_269, %get3A_270] {strides = array<i32>} : memref<8x640xf32, #tpu.memory_space<vmem>>, vector<16xf32>,
            %gather3A_272 = tpu.vector_load_idx %arg12[%broadcast_in_dim3A_267, %get3A_233] : memref<8x10240xf32, #tpu.memory_space<vmem>>[vector<16xi32>, vector<16xi32>], vector<16xf32>,
            %gt3A_273 = arith.cmpf ogt, %get3A_271, %gather3A_272 : vector<16xf32>
            tpu.vector_store_idx %arg12[%broadcast_in_dim3A_267, %get3A_233], %get3A_271 masked %gt3A_273 : memref<8x10240xf32, #tpu.memory_space<vmem>>[vector<16xi32>, vector<16xi32>], vector<16xf32>, vector<16xi1>
            %broadcast_in_dim3A_274 = arith.constant 5 : i32
            %broadcast_in_dim3A_275 = vector.broadcast %broadcast_in_dim3A_274 : i32 to vector<16xi32>
            %get3A_276 = arith.constant 5 : i32
            %get3A_277 = arith.index_cast %get3A_276 : i32 to index
            %get3A_278 = arith.index_cast %mul3A_231 : i32 to index
            %get3A_279 = tpu.vector_load %arg8[%get3A_277, %get3A_278] {strides = array<i32>} : memref<8x640xf32, #tpu.memory_space<vmem>>, vector<16xf32>,
            %gather3A_280 = tpu.vector_load_idx %arg12[%broadcast_in_dim3A_275, %get3A_233] : memref<8x10240xf32, #tpu.memory_space<vmem>>[vector<16xi32>, vector<16xi32>], vector<16xf32>,
            %gt3A_281 = arith.cmpf ogt, %get3A_279, %gather3A_280 : vector<16xf32>
            tpu.vector_store_idx %arg12[%broadcast_in_dim3A_275, %get3A_233], %get3A_279 masked %gt3A_281 : memref<8x10240xf32, #tpu.memory_space<vmem>>[vector<16xi32>, vector<16xi32>], vector<16xf32>, vector<16xi1>
            %broadcast_in_dim3A_282 = arith.constant 6 : i32
            %broadcast_in_dim3A_283 = vector.broadcast %broadcast_in_dim3A_282 : i32 to vector<16xi32>
            %get3A_284 = arith.constant 6 : i32
            %get3A_285 = arith.index_cast %get3A_284 : i32 to index
            %get3A_286 = arith.index_cast %mul3A_231 : i32 to index
            %get3A_287 = tpu.vector_load %arg8[%get3A_285, %get3A_286] {strides = array<i32>} : memref<8x640xf32, #tpu.memory_space<vmem>>, vector<16xf32>,
            %gather3A_288 = tpu.vector_load_idx %arg12[%broadcast_in_dim3A_283, %get3A_233] : memref<8x10240xf32, #tpu.memory_space<vmem>>[vector<16xi32>, vector<16xi32>], vector<16xf32>,
            %gt3A_289 = arith.cmpf ogt, %get3A_287, %gather3A_288 : vector<16xf32>
            tpu.vector_store_idx %arg12[%broadcast_in_dim3A_283, %get3A_233], %get3A_287 masked %gt3A_289 : memref<8x10240xf32, #tpu.memory_space<vmem>>[vector<16xi32>, vector<16xi32>], vector<16xf32>, vector<16xi1>
            %broadcast_in_dim3A_290 = arith.constant 7 : i32
            %broadcast_in_dim3A_291 = vector.broadcast %broadcast_in_dim3A_290 : i32 to vector<16xi32>
            %get3A_292 = arith.constant 7 : i32
            %get3A_293 = arith.index_cast %get3A_292 : i32 to index
            %get3A_294 = arith.index_cast %mul3A_231 : i32 to index
            %get3A_295 = tpu.vector_load %arg8[%get3A_293, %get3A_294] {strides = array<i32>} : memref<8x640xf32, #tpu.memory_space<vmem>>, vector<16xf32>,
            %gather3A_296 = tpu.vector_load_idx %arg12[%broadcast_in_dim3A_291, %get3A_233] : memref<8x10240xf32, #tpu.memory_space<vmem>>[vector<16xi32>, vector<16xi32>], vector<16xf32>,
            %gt3A_297 = arith.cmpf ogt, %get3A_295, %gather3A_296 : vector<16xf32>
            tpu.vector_store_idx %arg12[%broadcast_in_dim3A_291, %get3A_233], %get3A_295 masked %gt3A_297 : memref<8x10240xf32, #tpu.memory_space<vmem>>[vector<16xi32>, vector<16xi32>], vector<16xf32>, vector<16xi1>
          }
          %scan3A_224 = arith.constant 15 : i32
        } else {
        }
      }
      %scan3A_105 = arith.constant 40 : i32
      %add3A_106 = arith.constant 2 : i32
      %add3A_107 = arith.addi %add3A_83, %add3A_106 : i32
      %lt3A = arith.constant 250 : i32
      %lt3A_108 = arith.cmpi slt, %add3A_107, %lt3A : i32
      %convert_element_type3A = arith.extui %lt3A_108 : i1 to i32
      %cond3A = arith.constant 0 : i32
      %cond3A_109 = arith.cmpi ne, %convert_element_type3A, %cond3A : i32
      scf.if %cond3A_109 {
        %add3A_144 = arith.constant 2 : i32
        %add3A_145 = arith.addi %add3A_83, %add3A_144 : i32
        %mul3A_146 = arith.constant 640 : i32
        %mul3A_147 = arith.muli %add3A_145, %mul3A_146 : i32
        %add3A_148 = arith.addi %mul3A_2, %mul3A_147 : i32
        %dma_start3A_149 = tpu.memref_slice %arg3[%add3A_148] : memref<320000xi32, #tpu.memory_space<hbm>> -> memref<640xi32, #tpu.memory_space<hbm>>
        %dma_start3A_150 = tpu.memref_slice %arg3[%add3A_148] : memref<320000xi32, #tpu.memory_space<hbm>> -> memref<640xi32, #tpu.memory_space<hbm>>
        tpu.enqueue_dma source(%dma_start3A_150 : memref<640xi32, #tpu.memory_space<hbm>>) target(%arg6 : memref<640xi32, #tpu.memory_space<vmem>>) target_semaphore(%arg13 : memref<!tpu.dma_semaphore, #tpu.memory_space<semaphore_mem>>)
        %dma_start3A_151 = tpu.memref_slice %arg2[%mul3A_0, %add3A_148] : memref<128x320000xf32, #tpu.memory_space<hbm>> -> memref<8x640xf32, #tpu.memory_space<hbm>>
        %dma_start3A_152 = tpu.memref_slice %arg2[%mul3A_0, %add3A_148] : memref<128x320000xf32, #tpu.memory_space<hbm>> -> memref<8x640xf32, #tpu.memory_space<hbm>>
        tpu.enqueue_dma source(%dma_start3A_152 : memref<8x640xf32, #tpu.memory_space<hbm>>) target(%arg8 : memref<8x640xf32, #tpu.memory_space<vmem>>) target_semaphore(%arg13 : memref<!tpu.dma_semaphore, #tpu.memory_space<semaphore_mem>>)
        %mul3A_153 = arith.constant 40 : i32
        %mul3A_154 = arith.muli %add3A_145, %mul3A_153 : i32
        %add3A_155 = arith.addi %mul3A_4, %mul3A_154 : i32
        %dma_start3A_156 = arith.constant 0 : i32
        %dma_start3A_157 = tpu.memref_slice %arg10[%dma_start3A_156] : memref<56xi32, #tpu.memory_space<vmem>> -> memref<40xi32, #tpu.memory_space<vmem>>
        %dma_start3A_158 = tpu.memref_slice %arg4[%add3A_155] : memref<20480xi32, #tpu.memory_space<hbm>> -> memref<40xi32, #tpu.memory_space<hbm>>
        %dma_start3A_159 = arith.constant 0 : i32
        %dma_start3A_160 = tpu.memref_slice %arg10[%dma_start3A_159] : memref<56xi32, #tpu.memory_space<vmem>> -> memref<40xi32, #tpu.memory_space<vmem>>
        %dma_start3A_161 = tpu.memref_slice %arg4[%add3A_155] : memref<20480xi32, #tpu.memory_space<hbm>> -> memref<40xi32, #tpu.memory_space<hbm>>
        tpu.enqueue_dma source(%dma_start3A_161 : memref<40xi32, #tpu.memory_space<hbm>>) target(%dma_start3A_160 : memref<40xi32, #tpu.memory_space<vmem>>) target_semaphore(%arg13 : memref<!tpu.dma_semaphore, #tpu.memory_space<semaphore_mem>>)
      } else {
      }
      %mul3A_110 = arith.constant 2 : i32
      %mul3A_111 = arith.muli %mul3A_110, %add3A_79 : i32
      %add3A_112 = arith.constant 1 : i32
      %add3A_113 = arith.addi %mul3A_111, %add3A_112 : i32
      %dma_wait3A_114 = arith.constant 0 : i32
      %dma_wait3A_115 = tpu.memref_slice %arg3[%dma_wait3A_114] : memref<320000xi32, #tpu.memory_space<hbm>> -> memref<640xi32, #tpu.memory_space<hbm>>
      %dma_wait3A_116 = arith.constant 0 : i32
      %dma_wait3A_117 = tpu.memref_slice %arg3[%dma_wait3A_116] : memref<320000xi32, #tpu.memory_space<hbm>> -> memref<640xi32, #tpu.memory_space<hbm>>
      tpu.wait_dma2 semaphore(%arg14 : memref<!tpu.dma_semaphore, #tpu.memory_space<semaphore_mem>>) src(%dma_wait3A_117 : memref<640xi32, #tpu.memory_space<hbm>>) dst(%arg7 : memref<640xi32, #tpu.memory_space<vmem>>)
      %dma_wait3A_118 = arith.constant 0 : i32
      %dma_wait3A_119 = arith.constant 0 : i32
      %dma_wait3A_120 = tpu.memref_slice %arg2[%dma_wait3A_118, %dma_wait3A_119] : memref<128x320000xf32, #tpu.memory_space<hbm>> -> memref<8x640xf32, #tpu.memory_space<hbm>>
      %dma_wait3A_121 = arith.constant 0 : i32
      %dma_wait3A_122 = arith.constant 0 : i32
      %dma_wait3A_123 = tpu.memref_slice %arg2[%dma_wait3A_121, %dma_wait3A_122] : memref<128x320000xf32, #tpu.memory_space<hbm>> -> memref<8x640xf32, #tpu.memory_space<hbm>>
      tpu.wait_dma2 semaphore(%arg14 : memref<!tpu.dma_semaphore, #tpu.memory_space<semaphore_mem>>) src(%dma_wait3A_123 : memref<8x640xf32, #tpu.memory_space<hbm>>) dst(%arg9 : memref<8x640xf32, #tpu.memory_space<vmem>>)
      %dma_wait3A_124 = arith.constant 0 : i32
      %dma_wait3A_125 = tpu.memref_slice %arg11[%dma_wait3A_124] : memref<56xi32, #tpu.memory_space<vmem>> -> memref<40xi32, #tpu.memory_space<vmem>>
      %dma_wait3A_126 = arith.constant 0 : i32
      %dma_wait3A_127 = tpu.memref_slice %arg4[%dma_wait3A_126] : memref<20480xi32, #tpu.memory_space<hbm>> -> memref<40xi32, #tpu.memory_space<hbm>>
      %dma_wait3A_128 = arith.constant 0 : i32
      %dma_wait3A_129 = tpu.memref_slice %arg11[%dma_wait3A_128] : memref<56xi32, #tpu.memory_space<vmem>> -> memref<40xi32, #tpu.memory_space<vmem>>
      %dma_wait3A_130 = arith.constant 0 : i32
      %dma_wait3A_131 = tpu.memref_slice %arg4[%dma_wait3A_130] : memref<20480xi32, #tpu.memory_space<hbm>> -> memref<40xi32, #tpu.memory_space<hbm>>
      tpu.wait_dma2 semaphore(%arg14 : memref<!tpu.dma_semaphore, #tpu.memory_space<semaphore_mem>>) src(%dma_wait3A_131 : memref<40xi32, #tpu.memory_space<hbm>>) dst(%dma_wait3A_129 : memref<40xi32, #tpu.memory_space<vmem>>)
      %scan3A_132 = arith.constant 0 : i32
      %scan3A_133 = arith.constant 40 : i32
      %scan3A_134 = arith.addi %scan3A_132, %scan3A_133 : i32
      %scan3A_135 = arith.constant 1 : i32
      scf.for %scan3A_144 = %scan3A_132 to %scan3A_134 step %scan3A_135  : i32 {
        %mul3A_145 = arith.constant 1 : i32
        %mul3A_146 = arith.muli %scan3A_144, %mul3A_145 : i32
        %add3A_147 = arith.constant 0 : i32
        %add3A_148 = arith.addi %add3A_147, %mul3A_146 : i32
        %get3A = arith.index_cast %add3A_148 : i32 to index
        %get3A_149 = tpu.vector_load %arg11[%get3A] {strides = array<i32>} : memref<56xi32, #tpu.memory_space<vmem>>, vector<16xi32>,
        %slice3A = vector.extract_strided_slice %get3A_149 {offsets = [0], sizes = [1], strides = [1]} : vector<16xi32> to vector<1xi32>
        %squeeze3A = vector.extract %slice3A[0] : i32 from vector<1xi32>
        %mul3A_150 = arith.constant 16 : i32
        %mul3A_151 = arith.muli %add3A_148, %mul3A_150 : i32
        %get3A_152 = arith.index_cast %mul3A_151 : i32 to index
        %get3A_153 = tpu.vector_load %arg7[%get3A_152] {strides = array<i32>} : memref<640xi32, #tpu.memory_space<vmem>>, vector<16xi32>,
        %broadcast_in_dim3A = arith.constant 0 : i32
        %broadcast_in_dim3A_154 = vector.broadcast %broadcast_in_dim3A : i32 to vector<16xi32>
        %get3A_155 = arith.constant 0 : i32
        %get3A_156 = arith.index_cast %get3A_155 : i32 to index
        %get3A_157 = arith.index_cast %mul3A_151 : i32 to index
        %get3A_158 = tpu.vector_load %arg9[%get3A_156, %get3A_157] {strides = array<i32>} : memref<8x640xf32, #tpu.memory_space<vmem>>, vector<16xf32>,
        %gather3A = tpu.vector_load_idx %arg12[%broadcast_in_dim3A_154, %get3A_153] : memref<8x10240xf32, #tpu.memory_space<vmem>>[vector<16xi32>, vector<16xi32>], vector<16xf32>,
        %gt3A = arith.cmpf ogt, %get3A_158, %gather3A : vector<16xf32>
        tpu.vector_store_idx %arg12[%broadcast_in_dim3A_154, %get3A_153], %get3A_158 masked %gt3A : memref<8x10240xf32, #tpu.memory_space<vmem>>[vector<16xi32>, vector<16xi32>], vector<16xf32>, vector<16xi1>
        %broadcast_in_dim3A_159 = arith.constant 1 : i32
        %broadcast_in_dim3A_160 = vector.broadcast %broadcast_in_dim3A_159 : i32 to vector<16xi32>
        %get3A_161 = arith.constant 1 : i32
        %get3A_162 = arith.index_cast %get3A_161 : i32 to index
        %get3A_163 = arith.index_cast %mul3A_151 : i32 to index
        %get3A_164 = tpu.vector_load %arg9[%get3A_162, %get3A_163] {strides = array<i32>} : memref<8x640xf32, #tpu.memory_space<vmem>>, vector<16xf32>,
        %gather3A_165 = tpu.vector_load_idx %arg12[%broadcast_in_dim3A_160, %get3A_153] : memref<8x10240xf32, #tpu.memory_space<vmem>>[vector<16xi32>, vector<16xi32>], vector<16xf32>,
        %gt3A_166 = arith.cmpf ogt, %get3A_164, %gather3A_165 : vector<16xf32>
        tpu.vector_store_idx %arg12[%broadcast_in_dim3A_160, %get3A_153], %get3A_164 masked %gt3A_166 : memref<8x10240xf32, #tpu.memory_space<vmem>>[vector<16xi32>, vector<16xi32>], vector<16xf32>, vector<16xi1>
        %broadcast_in_dim3A_167 = arith.constant 2 : i32
        %broadcast_in_dim3A_168 = vector.broadcast %broadcast_in_dim3A_167 : i32 to vector<16xi32>
        %get3A_169 = arith.constant 2 : i32
        %get3A_170 = arith.index_cast %get3A_169 : i32 to index
        %get3A_171 = arith.index_cast %mul3A_151 : i32 to index
        %get3A_172 = tpu.vector_load %arg9[%get3A_170, %get3A_171] {strides = array<i32>} : memref<8x640xf32, #tpu.memory_space<vmem>>, vector<16xf32>,
        %gather3A_173 = tpu.vector_load_idx %arg12[%broadcast_in_dim3A_168, %get3A_153] : memref<8x10240xf32, #tpu.memory_space<vmem>>[vector<16xi32>, vector<16xi32>], vector<16xf32>,
        %gt3A_174 = arith.cmpf ogt, %get3A_172, %gather3A_173 : vector<16xf32>
        tpu.vector_store_idx %arg12[%broadcast_in_dim3A_168, %get3A_153], %get3A_172 masked %gt3A_174 : memref<8x10240xf32, #tpu.memory_space<vmem>>[vector<16xi32>, vector<16xi32>], vector<16xf32>, vector<16xi1>
        %broadcast_in_dim3A_175 = arith.constant 3 : i32
        %broadcast_in_dim3A_176 = vector.broadcast %broadcast_in_dim3A_175 : i32 to vector<16xi32>
        %get3A_177 = arith.constant 3 : i32
        %get3A_178 = arith.index_cast %get3A_177 : i32 to index
        %get3A_179 = arith.index_cast %mul3A_151 : i32 to index
        %get3A_180 = tpu.vector_load %arg9[%get3A_178, %get3A_179] {strides = array<i32>} : memref<8x640xf32, #tpu.memory_space<vmem>>, vector<16xf32>,
        %gather3A_181 = tpu.vector_load_idx %arg12[%broadcast_in_dim3A_176, %get3A_153] : memref<8x10240xf32, #tpu.memory_space<vmem>>[vector<16xi32>, vector<16xi32>], vector<16xf32>,
        %gt3A_182 = arith.cmpf ogt, %get3A_180, %gather3A_181 : vector<16xf32>
        tpu.vector_store_idx %arg12[%broadcast_in_dim3A_176, %get3A_153], %get3A_180 masked %gt3A_182 : memref<8x10240xf32, #tpu.memory_space<vmem>>[vector<16xi32>, vector<16xi32>], vector<16xf32>, vector<16xi1>
        %broadcast_in_dim3A_183 = arith.constant 4 : i32
        %broadcast_in_dim3A_184 = vector.broadcast %broadcast_in_dim3A_183 : i32 to vector<16xi32>
        %get3A_185 = arith.constant 4 : i32
        %get3A_186 = arith.index_cast %get3A_185 : i32 to index
        %get3A_187 = arith.index_cast %mul3A_151 : i32 to index
        %get3A_188 = tpu.vector_load %arg9[%get3A_186, %get3A_187] {strides = array<i32>} : memref<8x640xf32, #tpu.memory_space<vmem>>, vector<16xf32>,
        %gather3A_189 = tpu.vector_load_idx %arg12[%broadcast_in_dim3A_184, %get3A_153] : memref<8x10240xf32, #tpu.memory_space<vmem>>[vector<16xi32>, vector<16xi32>], vector<16xf32>,
        %gt3A_190 = arith.cmpf ogt, %get3A_188, %gather3A_189 : vector<16xf32>
        tpu.vector_store_idx %arg12[%broadcast_in_dim3A_184, %get3A_153], %get3A_188 masked %gt3A_190 : memref<8x10240xf32, #tpu.memory_space<vmem>>[vector<16xi32>, vector<16xi32>], vector<16xf32>, vector<16xi1>
        %broadcast_in_dim3A_191 = arith.constant 5 : i32
        %broadcast_in_dim3A_192 = vector.broadcast %broadcast_in_dim3A_191 : i32 to vector<16xi32>
        %get3A_193 = arith.constant 5 : i32
        %get3A_194 = arith.index_cast %get3A_193 : i32 to index
        %get3A_195 = arith.index_cast %mul3A_151 : i32 to index
        %get3A_196 = tpu.vector_load %arg9[%get3A_194, %get3A_195] {strides = array<i32>} : memref<8x640xf32, #tpu.memory_space<vmem>>, vector<16xf32>,
        %gather3A_197 = tpu.vector_load_idx %arg12[%broadcast_in_dim3A_192, %get3A_153] : memref<8x10240xf32, #tpu.memory_space<vmem>>[vector<16xi32>, vector<16xi32>], vector<16xf32>,
        %gt3A_198 = arith.cmpf ogt, %get3A_196, %gather3A_197 : vector<16xf32>
        tpu.vector_store_idx %arg12[%broadcast_in_dim3A_192, %get3A_153], %get3A_196 masked %gt3A_198 : memref<8x10240xf32, #tpu.memory_space<vmem>>[vector<16xi32>, vector<16xi32>], vector<16xf32>, vector<16xi1>
        %broadcast_in_dim3A_199 = arith.constant 6 : i32
        %broadcast_in_dim3A_200 = vector.broadcast %broadcast_in_dim3A_199 : i32 to vector<16xi32>
        %get3A_201 = arith.constant 6 : i32
        %get3A_202 = arith.index_cast %get3A_201 : i32 to index
        %get3A_203 = arith.index_cast %mul3A_151 : i32 to index
        %get3A_204 = tpu.vector_load %arg9[%get3A_202, %get3A_203] {strides = array<i32>} : memref<8x640xf32, #tpu.memory_space<vmem>>, vector<16xf32>,
        %gather3A_205 = tpu.vector_load_idx %arg12[%broadcast_in_dim3A_200, %get3A_153] : memref<8x10240xf32, #tpu.memory_space<vmem>>[vector<16xi32>, vector<16xi32>], vector<16xf32>,
        %gt3A_206 = arith.cmpf ogt, %get3A_204, %gather3A_205 : vector<16xf32>
        tpu.vector_store_idx %arg12[%broadcast_in_dim3A_200, %get3A_153], %get3A_204 masked %gt3A_206 : memref<8x10240xf32, #tpu.memory_space<vmem>>[vector<16xi32>, vector<16xi32>], vector<16xf32>, vector<16xi1>
        %broadcast_in_dim3A_207 = arith.constant 7 : i32
        %broadcast_in_dim3A_208 = vector.broadcast %broadcast_in_dim3A_207 : i32 to vector<16xi32>
        %get3A_209 = arith.constant 7 : i32
        %get3A_210 = arith.index_cast %get3A_209 : i32 to index
        %get3A_211 = arith.index_cast %mul3A_151 : i32 to index
        %get3A_212 = tpu.vector_load %arg9[%get3A_210, %get3A_211] {strides = array<i32>} : memref<8x640xf32, #tpu.memory_space<vmem>>, vector<16xf32>,
        %gather3A_213 = tpu.vector_load_idx %arg12[%broadcast_in_dim3A_208, %get3A_153] : memref<8x10240xf32, #tpu.memory_space<vmem>>[vector<16xi32>, vector<16xi32>], vector<16xf32>,
        %gt3A_214 = arith.cmpf ogt, %get3A_212, %gather3A_213 : vector<16xf32>
        tpu.vector_store_idx %arg12[%broadcast_in_dim3A_208, %get3A_153], %get3A_212 masked %gt3A_214 : memref<8x10240xf32, #tpu.memory_space<vmem>>[vector<16xi32>, vector<16xi32>], vector<16xf32>, vector<16xi1>
        %gt3A_215 = arith.constant 0 : i32
        %gt3A_216 = arith.cmpi sgt, %squeeze3A, %gt3A_215 : i32
        %convert_element_type3A_217 = arith.extui %gt3A_216 : i1 to i32
        %cond3A_218 = arith.constant 0 : i32
        %cond3A_219 = arith.cmpi ne, %convert_element_type3A_217, %cond3A_218 : i32
        scf.if %cond3A_219 {
          %scan3A_220 = arith.constant 0 : i32
          %scan3A_221 = arith.constant 15 : i32
          %scan3A_222 = arith.addi %scan3A_220, %scan3A_221 : i32
          %scan3A_223 = arith.constant 1 : i32
          scf.for %scan3A_225 = %scan3A_220 to %scan3A_222 step %scan3A_223  : i32 {
            %mul3A_226 = arith.constant 1 : i32
            %mul3A_227 = arith.muli %scan3A_225, %mul3A_226 : i32
            %add3A_228 = arith.constant 0 : i32
            %add3A_229 = arith.addi %add3A_228, %mul3A_227 : i32
            %mul3A_230 = arith.constant 16 : i32
            %mul3A_231 = arith.muli %add3A_148, %mul3A_230 : i32
            %get3A_232 = arith.index_cast %mul3A_231 : i32 to index
            %get3A_233 = tpu.vector_load %arg7[%get3A_232] {strides = array<i32>} : memref<640xi32, #tpu.memory_space<vmem>>, vector<16xi32>,
            %broadcast_in_dim3A_234 = arith.constant 0 : i32
            %broadcast_in_dim3A_235 = vector.broadcast %broadcast_in_dim3A_234 : i32 to vector<16xi32>
            %get3A_236 = arith.constant 0 : i32
            %get3A_237 = arith.index_cast %get3A_236 : i32 to index
            %get3A_238 = arith.index_cast %mul3A_231 : i32 to index
            %get3A_239 = tpu.vector_load %arg9[%get3A_237, %get3A_238] {strides = array<i32>} : memref<8x640xf32, #tpu.memory_space<vmem>>, vector<16xf32>,
            %gather3A_240 = tpu.vector_load_idx %arg12[%broadcast_in_dim3A_235, %get3A_233] : memref<8x10240xf32, #tpu.memory_space<vmem>>[vector<16xi32>, vector<16xi32>], vector<16xf32>,
            %gt3A_241 = arith.cmpf ogt, %get3A_239, %gather3A_240 : vector<16xf32>
            tpu.vector_store_idx %arg12[%broadcast_in_dim3A_235, %get3A_233], %get3A_239 masked %gt3A_241 : memref<8x10240xf32, #tpu.memory_space<vmem>>[vector<16xi32>, vector<16xi32>], vector<16xf32>, vector<16xi1>
            %broadcast_in_dim3A_242 = arith.constant 1 : i32
            %broadcast_in_dim3A_243 = vector.broadcast %broadcast_in_dim3A_242 : i32 to vector<16xi32>
            %get3A_244 = arith.constant 1 : i32
            %get3A_245 = arith.index_cast %get3A_244 : i32 to index
            %get3A_246 = arith.index_cast %mul3A_231 : i32 to index
            %get3A_247 = tpu.vector_load %arg9[%get3A_245, %get3A_246] {strides = array<i32>} : memref<8x640xf32, #tpu.memory_space<vmem>>, vector<16xf32>,
            %gather3A_248 = tpu.vector_load_idx %arg12[%broadcast_in_dim3A_243, %get3A_233] : memref<8x10240xf32, #tpu.memory_space<vmem>>[vector<16xi32>, vector<16xi32>], vector<16xf32>,
            %gt3A_249 = arith.cmpf ogt, %get3A_247, %gather3A_248 : vector<16xf32>
            tpu.vector_store_idx %arg12[%broadcast_in_dim3A_243, %get3A_233], %get3A_247 masked %gt3A_249 : memref<8x10240xf32, #tpu.memory_space<vmem>>[vector<16xi32>, vector<16xi32>], vector<16xf32>, vector<16xi1>
            %broadcast_in_dim3A_250 = arith.constant 2 : i32
            %broadcast_in_dim3A_251 = vector.broadcast %broadcast_in_dim3A_250 : i32 to vector<16xi32>
            %get3A_252 = arith.constant 2 : i32
            %get3A_253 = arith.index_cast %get3A_252 : i32 to index
            %get3A_254 = arith.index_cast %mul3A_231 : i32 to index
            %get3A_255 = tpu.vector_load %arg9[%get3A_253, %get3A_254] {strides = array<i32>} : memref<8x640xf32, #tpu.memory_space<vmem>>, vector<16xf32>,
            %gather3A_256 = tpu.vector_load_idx %arg12[%broadcast_in_dim3A_251, %get3A_233] : memref<8x10240xf32, #tpu.memory_space<vmem>>[vector<16xi32>, vector<16xi32>], vector<16xf32>,
            %gt3A_257 = arith.cmpf ogt, %get3A_255, %gather3A_256 : vector<16xf32>
            tpu.vector_store_idx %arg12[%broadcast_in_dim3A_251, %get3A_233], %get3A_255 masked %gt3A_257 : memref<8x10240xf32, #tpu.memory_space<vmem>>[vector<16xi32>, vector<16xi32>], vector<16xf32>, vector<16xi1>
            %broadcast_in_dim3A_258 = arith.constant 3 : i32
            %broadcast_in_dim3A_259 = vector.broadcast %broadcast_in_dim3A_258 : i32 to vector<16xi32>
            %get3A_260 = arith.constant 3 : i32
            %get3A_261 = arith.index_cast %get3A_260 : i32 to index
            %get3A_262 = arith.index_cast %mul3A_231 : i32 to index
            %get3A_263 = tpu.vector_load %arg9[%get3A_261, %get3A_262] {strides = array<i32>} : memref<8x640xf32, #tpu.memory_space<vmem>>, vector<16xf32>,
            %gather3A_264 = tpu.vector_load_idx %arg12[%broadcast_in_dim3A_259, %get3A_233] : memref<8x10240xf32, #tpu.memory_space<vmem>>[vector<16xi32>, vector<16xi32>], vector<16xf32>,
            %gt3A_265 = arith.cmpf ogt, %get3A_263, %gather3A_264 : vector<16xf32>
            tpu.vector_store_idx %arg12[%broadcast_in_dim3A_259, %get3A_233], %get3A_263 masked %gt3A_265 : memref<8x10240xf32, #tpu.memory_space<vmem>>[vector<16xi32>, vector<16xi32>], vector<16xf32>, vector<16xi1>
            %broadcast_in_dim3A_266 = arith.constant 4 : i32
            %broadcast_in_dim3A_267 = vector.broadcast %broadcast_in_dim3A_266 : i32 to vector<16xi32>
            %get3A_268 = arith.constant 4 : i32
            %get3A_269 = arith.index_cast %get3A_268 : i32 to index
            %get3A_270 = arith.index_cast %mul3A_231 : i32 to index
            %get3A_271 = tpu.vector_load %arg9[%get3A_269, %get3A_270] {strides = array<i32>} : memref<8x640xf32, #tpu.memory_space<vmem>>, vector<16xf32>,
            %gather3A_272 = tpu.vector_load_idx %arg12[%broadcast_in_dim3A_267, %get3A_233] : memref<8x10240xf32, #tpu.memory_space<vmem>>[vector<16xi32>, vector<16xi32>], vector<16xf32>,
            %gt3A_273 = arith.cmpf ogt, %get3A_271, %gather3A_272 : vector<16xf32>
            tpu.vector_store_idx %arg12[%broadcast_in_dim3A_267, %get3A_233], %get3A_271 masked %gt3A_273 : memref<8x10240xf32, #tpu.memory_space<vmem>>[vector<16xi32>, vector<16xi32>], vector<16xf32>, vector<16xi1>
            %broadcast_in_dim3A_274 = arith.constant 5 : i32
            %broadcast_in_dim3A_275 = vector.broadcast %broadcast_in_dim3A_274 : i32 to vector<16xi32>
            %get3A_276 = arith.constant 5 : i32
            %get3A_277 = arith.index_cast %get3A_276 : i32 to index
            %get3A_278 = arith.index_cast %mul3A_231 : i32 to index
            %get3A_279 = tpu.vector_load %arg9[%get3A_277, %get3A_278] {strides = array<i32>} : memref<8x640xf32, #tpu.memory_space<vmem>>, vector<16xf32>,
            %gather3A_280 = tpu.vector_load_idx %arg12[%broadcast_in_dim3A_275, %get3A_233] : memref<8x10240xf32, #tpu.memory_space<vmem>>[vector<16xi32>, vector<16xi32>], vector<16xf32>,
            %gt3A_281 = arith.cmpf ogt, %get3A_279, %gather3A_280 : vector<16xf32>
            tpu.vector_store_idx %arg12[%broadcast_in_dim3A_275, %get3A_233], %get3A_279 masked %gt3A_281 : memref<8x10240xf32, #tpu.memory_space<vmem>>[vector<16xi32>, vector<16xi32>], vector<16xf32>, vector<16xi1>
            %broadcast_in_dim3A_282 = arith.constant 6 : i32
            %broadcast_in_dim3A_283 = vector.broadcast %broadcast_in_dim3A_282 : i32 to vector<16xi32>
            %get3A_284 = arith.constant 6 : i32
            %get3A_285 = arith.index_cast %get3A_284 : i32 to index
            %get3A_286 = arith.index_cast %mul3A_231 : i32 to index
            %get3A_287 = tpu.vector_load %arg9[%get3A_285, %get3A_286] {strides = array<i32>} : memref<8x640xf32, #tpu.memory_space<vmem>>, vector<16xf32>,
            %gather3A_288 = tpu.vector_load_idx %arg12[%broadcast_in_dim3A_283, %get3A_233] : memref<8x10240xf32, #tpu.memory_space<vmem>>[vector<16xi32>, vector<16xi32>], vector<16xf32>,
            %gt3A_289 = arith.cmpf ogt, %get3A_287, %gather3A_288 : vector<16xf32>
            tpu.vector_store_idx %arg12[%broadcast_in_dim3A_283, %get3A_233], %get3A_287 masked %gt3A_289 : memref<8x10240xf32, #tpu.memory_space<vmem>>[vector<16xi32>, vector<16xi32>], vector<16xf32>, vector<16xi1>
            %broadcast_in_dim3A_290 = arith.constant 7 : i32
            %broadcast_in_dim3A_291 = vector.broadcast %broadcast_in_dim3A_290 : i32 to vector<16xi32>
            %get3A_292 = arith.constant 7 : i32
            %get3A_293 = arith.index_cast %get3A_292 : i32 to index
            %get3A_294 = arith.index_cast %mul3A_231 : i32 to index
            %get3A_295 = tpu.vector_load %arg9[%get3A_293, %get3A_294] {strides = array<i32>} : memref<8x640xf32, #tpu.memory_space<vmem>>, vector<16xf32>,
            %gather3A_296 = tpu.vector_load_idx %arg12[%broadcast_in_dim3A_291, %get3A_233] : memref<8x10240xf32, #tpu.memory_space<vmem>>[vector<16xi32>, vector<16xi32>], vector<16xf32>,
            %gt3A_297 = arith.cmpf ogt, %get3A_295, %gather3A_296 : vector<16xf32>
            tpu.vector_store_idx %arg12[%broadcast_in_dim3A_291, %get3A_233], %get3A_295 masked %gt3A_297 : memref<8x10240xf32, #tpu.memory_space<vmem>>[vector<16xi32>, vector<16xi32>], vector<16xf32>, vector<16xi1>
          }
          %scan3A_224 = arith.constant 15 : i32
        } else {
        }
      }
      %scan3A_136 = arith.constant 40 : i32
      %add3A_137 = arith.constant 2 : i32
      %add3A_138 = arith.addi %add3A_113, %add3A_137 : i32
      %lt3A_139 = arith.constant 250 : i32
      %lt3A_140 = arith.cmpi slt, %add3A_138, %lt3A_139 : i32
      %convert_element_type3A_141 = arith.extui %lt3A_140 : i1 to i32
      %cond3A_142 = arith.constant 0 : i32
      %cond3A_143 = arith.cmpi ne, %convert_element_type3A_141, %cond3A_142 : i32
      scf.if %cond3A_143 {
        %add3A_144 = arith.constant 2 : i32
        %add3A_145 = arith.addi %add3A_113, %add3A_144 : i32
        %mul3A_146 = arith.constant 640 : i32
        %mul3A_147 = arith.muli %add3A_145, %mul3A_146 : i32
        %add3A_148 = arith.addi %mul3A_2, %mul3A_147 : i32
        %dma_start3A_149 = tpu.memref_slice %arg3[%add3A_148] : memref<320000xi32, #tpu.memory_space<hbm>> -> memref<640xi32, #tpu.memory_space<hbm>>
        %dma_start3A_150 = tpu.memref_slice %arg3[%add3A_148] : memref<320000xi32, #tpu.memory_space<hbm>> -> memref<640xi32, #tpu.memory_space<hbm>>
        tpu.enqueue_dma source(%dma_start3A_150 : memref<640xi32, #tpu.memory_space<hbm>>) target(%arg7 : memref<640xi32, #tpu.memory_space<vmem>>) target_semaphore(%arg14 : memref<!tpu.dma_semaphore, #tpu.memory_space<semaphore_mem>>)
        %dma_start3A_151 = tpu.memref_slice %arg2[%mul3A_0, %add3A_148] : memref<128x320000xf32, #tpu.memory_space<hbm>> -> memref<8x640xf32, #tpu.memory_space<hbm>>
        %dma_start3A_152 = tpu.memref_slice %arg2[%mul3A_0, %add3A_148] : memref<128x320000xf32, #tpu.memory_space<hbm>> -> memref<8x640xf32, #tpu.memory_space<hbm>>
        tpu.enqueue_dma source(%dma_start3A_152 : memref<8x640xf32, #tpu.memory_space<hbm>>) target(%arg9 : memref<8x640xf32, #tpu.memory_space<vmem>>) target_semaphore(%arg14 : memref<!tpu.dma_semaphore, #tpu.memory_space<semaphore_mem>>)
        %mul3A_153 = arith.constant 40 : i32
        %mul3A_154 = arith.muli %add3A_145, %mul3A_153 : i32
        %add3A_155 = arith.addi %mul3A_4, %mul3A_154 : i32
        %dma_start3A_156 = arith.constant 0 : i32
        %dma_start3A_157 = tpu.memref_slice %arg11[%dma_start3A_156] : memref<56xi32, #tpu.memory_space<vmem>> -> memref<40xi32, #tpu.memory_space<vmem>>
        %dma_start3A_158 = tpu.memref_slice %arg4[%add3A_155] : memref<20480xi32, #tpu.memory_space<hbm>> -> memref<40xi32, #tpu.memory_space<hbm>>
        %dma_start3A_159 = arith.constant 0 : i32
        %dma_start3A_160 = tpu.memref_slice %arg11[%dma_start3A_159] : memref<56xi32, #tpu.memory_space<vmem>> -> memref<40xi32, #tpu.memory_space<vmem>>
        %dma_start3A_161 = tpu.memref_slice %arg4[%add3A_155] : memref<20480xi32, #tpu.memory_space<hbm>> -> memref<40xi32, #tpu.memory_space<hbm>>
        tpu.enqueue_dma source(%dma_start3A_161 : memref<40xi32, #tpu.memory_space<hbm>>) target(%dma_start3A_160 : memref<40xi32, #tpu.memory_space<vmem>>) target_semaphore(%arg14 : memref<!tpu.dma_semaphore, #tpu.memory_space<semaphore_mem>>)
      } else {
      }
    }
    %scan3A_74 = arith.constant 125 : i32
    "tpu.region"() ({
      %run_scoped3A = tpu.sem_alloc : memref<!tpu.dma_semaphore, #tpu.memory_space<semaphore_mem>>
      %dma_start3A_75 = arith.constant 0 : i32
      %dma_start3A_76 = tpu.memref_slice %arg5[%arg0, %mul3A_0, %dma_start3A_75] : memref<2x128x10240xf32, #tpu.memory_space<hbm>> -> memref<1x8x10240xf32, #tpu.memory_space<hbm>>
      %dma_start3A_77 = tpu.memref_squeeze %dma_start3A_76 : memref<1x8x10240xf32, #tpu.memory_space<hbm>> -> memref<8x10240xf32, #tpu.memory_space<hbm>>
      %dma_start3A_78 = arith.constant 0 : i32
      %dma_start3A_79 = tpu.memref_slice %arg5[%arg0, %mul3A_0, %dma_start3A_78] : memref<2x128x10240xf32, #tpu.memory_space<hbm>> -> memref<1x8x10240xf32, #tpu.memory_space<hbm>>
      %dma_start3A_80 = tpu.memref_squeeze %dma_start3A_79 : memref<1x8x10240xf32, #tpu.memory_space<hbm>> -> memref<8x10240xf32, #tpu.memory_space<hbm>>
      tpu.enqueue_dma source(%arg12 : memref<8x10240xf32, #tpu.memory_space<vmem>>) target(%dma_start3A_80 : memref<8x10240xf32, #tpu.memory_space<hbm>>) target_semaphore(%run_scoped3A : memref<!tpu.dma_semaphore, #tpu.memory_space<semaphore_mem>>)
      %dma_wait3A = arith.constant 0 : i32
      %dma_wait3A_81 = tpu.memref_slice %arg5[%arg0, %mul3A_0, %dma_wait3A] : memref<2x128x10240xf32, #tpu.memory_space<hbm>> -> memref<1x8x10240xf32, #tpu.memory_space<hbm>>
      %dma_wait3A_82 = tpu.memref_squeeze %dma_wait3A_81 : memref<1x8x10240xf32, #tpu.memory_space<hbm>> -> memref<8x10240xf32, #tpu.memory_space<hbm>>
      %dma_wait3A_83 = arith.constant 0 : i32
      %dma_wait3A_84 = tpu.memref_slice %arg5[%arg0, %mul3A_0, %dma_wait3A_83] : memref<2x128x10240xf32, #tpu.memory_space<hbm>> -> memref<1x8x10240xf32, #tpu.memory_space<hbm>>
      %dma_wait3A_85 = tpu.memref_squeeze %dma_wait3A_84 : memref<1x8x10240xf32, #tpu.memory_space<hbm>> -> memref<8x10240xf32, #tpu.memory_space<hbm>>
      tpu.wait_dma2 semaphore(%run_scoped3A : memref<!tpu.dma_semaphore, #tpu.memory_space<semaphore_mem>>) src(%arg12 : memref<8x10240xf32, #tpu.memory_space<vmem>>) dst(%dma_wait3A_85 : memref<8x10240xf32, #tpu.memory_space<hbm>>)
      tpu.yield
    }) : () -> ()
    return
  }
}

module attributes {stable_mosaic.version = 14 : i64} {
  func.func @body(%arg0: i32, %arg1: memref<256x256xf32, #tpu.memory_space<vmem>>, %arg2: memref<256x128xf32, #tpu.memory_space<vmem>>, %arg3: memref<256x128xf32, #tpu.memory_space<vmem>>, %arg4: memref<128x128xf32, #tpu.memory_space<vmem>>, %arg5: memref<1x128xf32, #tpu.memory_space<vmem>>, %arg6: memref<256x128xf32, #tpu.memory_space<vmem>>, %arg7: memref<256x128xf32, #tpu.memory_space<vmem>>) attributes {dimension_semantics = [#tpu.dimension_semantics<arbitrary>], iteration_bounds = array<i64: 40>, scalar_prefetch = 0 : i64, scratch_operands = 0 : i64, tpu.core_type = #tpu.core_type<tc>, window_params = [{transform_indices = @transform_0, window_bounds = array<i64: 256, 256>}, {transform_indices = @transform_1, window_bounds = array<i64: 256, 128>}, {pipeline_mode = #tpu.pipeline_mode<synchronous>, transform_indices = @transform_2, window_bounds = array<i64: 256, 128>}, {pipeline_mode = #tpu.pipeline_mode<synchronous>, transform_indices = @transform_3, window_bounds = array<i64: 128, 128>}, {pipeline_mode = #tpu.pipeline_mode<synchronous>, transform_indices = @transform_4, window_bounds = array<i64: 1, 128>}, {transform_indices = @transform_5, window_bounds = array<i64: 256, 128>}, {transform_indices = @transform_6, window_bounds = array<i64: 256, 128>}]} {
    %get3A = arith.constant 0 : index
    %get3A_0 = arith.constant 0 : index
    %get3A_1 = vector.load %arg2[%get3A, %get3A_0] : memref<256x128xf32, #tpu.memory_space<vmem>>, vector<256x128xf32>
    %get3A_2 = arith.constant 0 : index
    %get3A_3 = arith.constant 0 : index
    %get3A_4 = vector.load %arg4[%get3A_2, %get3A_3] : memref<128x128xf32, #tpu.memory_space<vmem>>, vector<128x128xf32>
    %dot_general3A = arith.constant dense<0.000000e+00> : vector<256x128xf32>
    %dot_general3A_5 = tpu.matmul %get3A_1, %get3A_4, %dot_general3A {dimension_numbers = #tpu.dot_dimension_numbers<[1], [0], [0], [1], [0, 0, 1, 1], [], []>, transpose_lhs_hint = false} : vector<256x128xf32>, vector<128x128xf32>, vector<256x128xf32> -> vector<256x128xf32>
    %get3A_6 = arith.constant 0 : index
    %get3A_7 = arith.constant 0 : index
    %get3A_8 = vector.load %arg1[%get3A_6, %get3A_7] : memref<256x256xf32, #tpu.memory_space<vmem>>, vector<256x256xf32>
    %get3A_9 = arith.constant 0 : index
    %get3A_10 = arith.constant 0 : index
    %get3A_11 = vector.load %arg3[%get3A_9, %get3A_10] : memref<256x128xf32, #tpu.memory_space<vmem>>, vector<256x128xf32>
    %dot_general3A_12 = arith.constant dense<0.000000e+00> : vector<256x128xf32>
    %dot_general3A_13 = tpu.matmul %get3A_8, %get3A_11, %dot_general3A_12 {dimension_numbers = #tpu.dot_dimension_numbers<[1], [0], [0], [1], [0, 0, 1, 1], [], []>, transpose_lhs_hint = false} : vector<256x256xf32>, vector<256x128xf32>, vector<256x128xf32> -> vector<256x128xf32>
    %add3A = arith.addf %dot_general3A_13, %dot_general3A_5 : vector<256x128xf32>
    %get3A_14 = arith.constant 0 : index
    %get3A_15 = arith.constant 0 : index
    %get3A_16 = vector.load %arg5[%get3A_14, %get3A_15] : memref<1x128xf32, #tpu.memory_space<vmem>>, vector<1x128xf32>
    %add3A_17 = vector.broadcast %get3A_16 : vector<1x128xf32> to vector<256x128xf32>
    %add3A_18 = arith.addf %add3A, %add3A_17 : vector<256x128xf32>
    %swap3A = arith.constant 0 : index
    %swap3A_19 = arith.constant 0 : index
    %swap3A_20 = vector.load %arg6[%swap3A, %swap3A_19] : memref<256x128xf32, #tpu.memory_space<vmem>>, vector<256x128xf32>
    tpu.vector_store %arg6[%swap3A, %swap3A_19], %add3A_18 {strides = array<i32>} : memref<256x128xf32, #tpu.memory_space<vmem>>, vector<256x128xf32>,
    %swap3A_21 = arith.constant 0 : index
    %swap3A_22 = arith.constant 0 : index
    %swap3A_23 = vector.load %arg7[%swap3A_21, %swap3A_22] : memref<256x128xf32, #tpu.memory_space<vmem>>, vector<256x128xf32>
    tpu.vector_store %arg7[%swap3A_21, %swap3A_22], %dot_general3A_5 {strides = array<i32>} : memref<256x128xf32, #tpu.memory_space<vmem>>, vector<256x128xf32>,
    return
  }
  func.func @transform_0(%arg0: i32) -> (i32, i32) {
    %c0_i32 = arith.constant 0 : i32
    %c0_i32_0 = arith.constant 0 : i32
    return %arg0, %c0_i32 : i32, i32
  }
  func.func @transform_1(%arg0: i32) -> (i32, i32) {
    %c0_i32 = arith.constant 0 : i32
    %c0_i32_0 = arith.constant 0 : i32
    return %arg0, %c0_i32 : i32, i32
  }
  func.func @transform_2(%arg0: i32) -> (i32, i32) {
    %c0_i32 = arith.constant 0 : i32
    %c0_i32_0 = arith.constant 0 : i32
    %c0_i32_1 = arith.constant 0 : i32
    return %c0_i32, %c0_i32_0 : i32, i32
  }
  func.func @transform_3(%arg0: i32) -> (i32, i32) {
    %c0_i32 = arith.constant 0 : i32
    %c0_i32_0 = arith.constant 0 : i32
    %c0_i32_1 = arith.constant 0 : i32
    return %c0_i32, %c0_i32_0 : i32, i32
  }
  func.func @transform_4(%arg0: i32) -> (i32, i32) {
    %c0_i32 = arith.constant 0 : i32
    %c0_i32_0 = arith.constant 0 : i32
    %c0_i32_1 = arith.constant 0 : i32
    return %c0_i32, %c0_i32_0 : i32, i32
  }
  func.func @transform_5(%arg0: i32) -> (i32, i32) {
    %c0_i32 = arith.constant 0 : i32
    %c0_i32_0 = arith.constant 0 : i32
    return %arg0, %c0_i32 : i32, i32
  }
  func.func @transform_6(%arg0: i32) -> (i32, i32) {
    %c0_i32 = arith.constant 0 : i32
    %c0_i32_0 = arith.constant 0 : i32
    return %arg0, %c0_i32 : i32, i32
  }
}

module attributes {stable_mosaic.version = 14 : i64} {
  func.func @body(%arg0: i32, %arg1: memref<640x128xf32, #tpu.memory_space<vmem>>, %arg2: memref<128x128xf32, #tpu.memory_space<vmem>>, %arg3: memref<128x1xf32, #tpu.memory_space<vmem>>, %arg4: memref<128x640xf32, #tpu.memory_space<vmem>>) attributes {dimension_semantics = [#tpu.dimension_semantics<arbitrary>], iteration_bounds = array<i64: 500>, scalar_prefetch = 0 : i64, scratch_operands = 0 : i64, tpu.core_type = #tpu.core_type<tc>, window_params = [{transform_indices = @transform_0, window_bounds = array<i64: 640, 128>}, {pipeline_mode = #tpu.pipeline_mode<synchronous>, transform_indices = @transform_1, window_bounds = array<i64: 128, 128>}, {pipeline_mode = #tpu.pipeline_mode<synchronous>, transform_indices = @transform_2, window_bounds = array<i64: 128, 1>}, {transform_indices = @transform_3, window_bounds = array<i64: 128, 640>}]} {
    %get3A = arith.constant 0 : index
    %get3A_0 = arith.constant 0 : index
    %get3A_1 = vector.load %arg2[%get3A, %get3A_0] : memref<128x128xf32, #tpu.memory_space<vmem>>, vector<128x128xf32>
    %get3A_2 = arith.constant 0 : index
    %get3A_3 = arith.constant 0 : index
    %get3A_4 = vector.load %arg1[%get3A_2, %get3A_3] : memref<640x128xf32, #tpu.memory_space<vmem>>, vector<640x128xf32>
    %dot_general3A = arith.constant dense<0.000000e+00> : vector<128x640xf32>
    %dot_general3A_5 = tpu.matmul %get3A_1, %get3A_4, %dot_general3A {dimension_numbers = #tpu.dot_dimension_numbers<[0], [1], [1], [0], [0, 1, 1, 0], [], []>, transpose_lhs_hint = false} : vector<128x128xf32>, vector<640x128xf32>, vector<128x640xf32> -> vector<128x640xf32>
    %get3A_6 = arith.constant 0 : index
    %get3A_7 = arith.constant 0 : index
    %get3A_8 = vector.load %arg3[%get3A_6, %get3A_7] : memref<128x1xf32, #tpu.memory_space<vmem>>, vector<128x1xf32>
    %add3A = vector.broadcast %get3A_8 : vector<128x1xf32> to vector<128x640xf32>
    %add3A_9 = arith.addf %dot_general3A_5, %add3A : vector<128x640xf32>
    %swap3A = arith.constant 0 : index
    %swap3A_10 = arith.constant 0 : index
    %swap3A_11 = vector.load %arg4[%swap3A, %swap3A_10] : memref<128x640xf32, #tpu.memory_space<vmem>>, vector<128x640xf32>
    tpu.vector_store %arg4[%swap3A, %swap3A_10], %add3A_9 {strides = array<i32>} : memref<128x640xf32, #tpu.memory_space<vmem>>, vector<128x640xf32>,
    return
  }
  func.func @transform_0(%arg0: i32) -> (i32, i32) {
    %c0_i32 = arith.constant 0 : i32
    %c0_i32_0 = arith.constant 0 : i32
    return %arg0, %c0_i32 : i32, i32
  }
  func.func @transform_1(%arg0: i32) -> (i32, i32) {
    %c0_i32 = arith.constant 0 : i32
    %c0_i32_0 = arith.constant 0 : i32
    %c0_i32_1 = arith.constant 0 : i32
    return %c0_i32, %c0_i32_0 : i32, i32
  }
  func.func @transform_2(%arg0: i32) -> (i32, i32) {
    %c0_i32 = arith.constant 0 : i32
    %c0_i32_0 = arith.constant 0 : i32
    %c0_i32_1 = arith.constant 0 : i32
    return %c0_i32, %c0_i32_0 : i32, i32
  }
  func.func @transform_3(%arg0: i32) -> (i32, i32) {
    %c0_i32 = arith.constant 0 : i32
    %c0_i32_0 = arith.constant 0 : i32
    return %c0_i32, %arg0 : i32, i32
  }
}

module attributes {stable_mosaic.version = 14 : i64} {
  func.func @body(%arg0: i32, %arg1: memref<2x128x256xf32, #tpu.memory_space<vmem>>, %arg2: memref<256x128xf32, #tpu.memory_space<vmem>>, %arg3: memref<128x128xf32, #tpu.memory_space<vmem>>, %arg4: memref<128x128xf32, #tpu.memory_space<vmem>>, %arg5: memref<1x128xf32, #tpu.memory_space<vmem>>, %arg6: memref<256x128xf32, #tpu.memory_space<vmem>>, %arg7: memref<256x128xf32, #tpu.memory_space<vmem>>) attributes {dimension_semantics = [#tpu.dimension_semantics<arbitrary>], iteration_bounds = array<i64: 40>, scalar_prefetch = 0 : i64, scratch_operands = 0 : i64, tpu.core_type = #tpu.core_type<tc>, window_params = [{transform_indices = @transform_0, window_bounds = array<i64: 2, 128, 256>}, {transform_indices = @transform_1, window_bounds = array<i64: 256, 128>}, {pipeline_mode = #tpu.pipeline_mode<synchronous>, transform_indices = @transform_2, window_bounds = array<i64: 128, 128>}, {pipeline_mode = #tpu.pipeline_mode<synchronous>, transform_indices = @transform_3, window_bounds = array<i64: 128, 128>}, {pipeline_mode = #tpu.pipeline_mode<synchronous>, transform_indices = @transform_4, window_bounds = array<i64: 1, 128>}, {transform_indices = @transform_5, window_bounds = array<i64: 256, 128>}, {transform_indices = @transform_6, window_bounds = array<i64: 256, 128>}]} {
    %get3A = arith.constant 0 : index
    %get3A_0 = arith.constant 0 : index
    %get3A_1 = arith.constant 0 : index
    %get3A_2 = vector.load %arg1[%get3A, %get3A_0, %get3A_1] : memref<2x128x256xf32, #tpu.memory_space<vmem>>, vector<1x128x256xf32>
    %get3A_3 = vector.shape_cast %get3A_2 : vector<1x128x256xf32> to vector<128x256xf32>
    %get3A_4 = arith.constant 1 : index
    %get3A_5 = arith.constant 0 : index
    %get3A_6 = arith.constant 0 : index
    %get3A_7 = vector.load %arg1[%get3A_4, %get3A_5, %get3A_6] : memref<2x128x256xf32, #tpu.memory_space<vmem>>, vector<1x128x256xf32>
    %get3A_8 = vector.shape_cast %get3A_7 : vector<1x128x256xf32> to vector<128x256xf32>
    %max3A = arith.maximumf %get3A_3, %get3A_8 : vector<128x256xf32>
    %max3A_9 = arith.constant 0.000000e+00 : f32
    %max3A_10 = vector.broadcast %max3A_9 : f32 to vector<128x256xf32>
    %max3A_11 = arith.maximumf %max3A, %max3A_10 : vector<128x256xf32>
    %get3A_12 = arith.constant 0 : index
    %get3A_13 = arith.constant 0 : index
    %get3A_14 = vector.load %arg2[%get3A_12, %get3A_13] : memref<256x128xf32, #tpu.memory_space<vmem>>, vector<256x128xf32>
    %get3A_15 = arith.constant 0 : index
    %get3A_16 = arith.constant 0 : index
    %get3A_17 = vector.load %arg4[%get3A_15, %get3A_16] : memref<128x128xf32, #tpu.memory_space<vmem>>, vector<128x128xf32>
    %dot_general3A = arith.constant dense<0.000000e+00> : vector<256x128xf32>
    %dot_general3A_18 = tpu.matmul %get3A_14, %get3A_17, %dot_general3A {dimension_numbers = #tpu.dot_dimension_numbers<[1], [0], [0], [1], [0, 0, 1, 1], [], []>, transpose_lhs_hint = false} : vector<256x128xf32>, vector<128x128xf32>, vector<256x128xf32> -> vector<256x128xf32>
    %get3A_19 = arith.constant 0 : index
    %get3A_20 = arith.constant 0 : index
    %get3A_21 = vector.load %arg3[%get3A_19, %get3A_20] : memref<128x128xf32, #tpu.memory_space<vmem>>, vector<128x128xf32>
    %dot_general3A_22 = arith.constant dense<0.000000e+00> : vector<256x128xf32>
    %dot_general3A_23 = tpu.matmul %max3A_11, %get3A_21, %dot_general3A_22 {dimension_numbers = #tpu.dot_dimension_numbers<[0], [0], [1], [1], [0, 1, 1, 1], [], []>, transpose_lhs_hint = false} : vector<128x256xf32>, vector<128x128xf32>, vector<256x128xf32> -> vector<256x128xf32>
    %add3A = arith.addf %dot_general3A_23, %dot_general3A_18 : vector<256x128xf32>
    %get3A_24 = arith.constant 0 : index
    %get3A_25 = arith.constant 0 : index
    %get3A_26 = vector.load %arg5[%get3A_24, %get3A_25] : memref<1x128xf32, #tpu.memory_space<vmem>>, vector<1x128xf32>
    %add3A_27 = vector.broadcast %get3A_26 : vector<1x128xf32> to vector<256x128xf32>
    %add3A_28 = arith.addf %add3A, %add3A_27 : vector<256x128xf32>
    %swap3A = arith.constant 0 : index
    %swap3A_29 = arith.constant 0 : index
    %swap3A_30 = vector.load %arg6[%swap3A, %swap3A_29] : memref<256x128xf32, #tpu.memory_space<vmem>>, vector<256x128xf32>
    tpu.vector_store %arg6[%swap3A, %swap3A_29], %add3A_28 {strides = array<i32>} : memref<256x128xf32, #tpu.memory_space<vmem>>, vector<256x128xf32>,
    %swap3A_31 = arith.constant 0 : index
    %swap3A_32 = arith.constant 0 : index
    %swap3A_33 = vector.load %arg7[%swap3A_31, %swap3A_32] : memref<256x128xf32, #tpu.memory_space<vmem>>, vector<256x128xf32>
    tpu.vector_store %arg7[%swap3A_31, %swap3A_32], %dot_general3A_18 {strides = array<i32>} : memref<256x128xf32, #tpu.memory_space<vmem>>, vector<256x128xf32>,
    return
  }
  func.func @transform_0(%arg0: i32) -> (i32, i32, i32) {
    %c0_i32 = arith.constant 0 : i32
    %c0_i32_0 = arith.constant 0 : i32
    %c0_i32_1 = arith.constant 0 : i32
    return %c0_i32, %c0_i32_0, %arg0 : i32, i32, i32
  }
  func.func @transform_1(%arg0: i32) -> (i32, i32) {
    %c0_i32 = arith.constant 0 : i32
    %c0_i32_0 = arith.constant 0 : i32
    return %arg0, %c0_i32 : i32, i32
  }
  func.func @transform_2(%arg0: i32) -> (i32, i32) {
    %c0_i32 = arith.constant 0 : i32
    %c0_i32_0 = arith.constant 0 : i32
    %c0_i32_1 = arith.constant 0 : i32
    return %c0_i32, %c0_i32_0 : i32, i32
  }
  func.func @transform_3(%arg0: i32) -> (i32, i32) {
    %c0_i32 = arith.constant 0 : i32
    %c0_i32_0 = arith.constant 0 : i32
    %c0_i32_1 = arith.constant 0 : i32
    return %c0_i32, %c0_i32_0 : i32, i32
  }
  func.func @transform_4(%arg0: i32) -> (i32, i32) {
    %c0_i32 = arith.constant 0 : i32
    %c0_i32_0 = arith.constant 0 : i32
    %c0_i32_1 = arith.constant 0 : i32
    return %c0_i32, %c0_i32_0 : i32, i32
  }
  func.func @transform_5(%arg0: i32) -> (i32, i32) {
    %c0_i32 = arith.constant 0 : i32
    %c0_i32_0 = arith.constant 0 : i32
    return %arg0, %c0_i32 : i32, i32
  }
  func.func @transform_6(%arg0: i32) -> (i32, i32) {
    %c0_i32 = arith.constant 0 : i32
    %c0_i32_0 = arith.constant 0 : i32
    return %arg0, %c0_i32 : i32, i32
  }
}

module attributes {stable_mosaic.version = 14 : i64} {
  func.func @body(%arg0: i32, %arg1: memref<2x128x256xf32, #tpu.memory_space<vmem>>, %arg2: memref<128x256xf32, #tpu.memory_space<vmem>>, %arg3: memref<1x256xf32, #tpu.memory_space<vmem>>, %arg4: memref<256x256xf32, #tpu.memory_space<vmem>>, %arg5: memref<1x256xf32, #tpu.memory_space<vmem>>, %arg6: memref<256x256xf32, #tpu.memory_space<vmem>>) attributes {dimension_semantics = [#tpu.dimension_semantics<arbitrary>], iteration_bounds = array<i64: 40>, scalar_prefetch = 0 : i64, scratch_operands = 0 : i64, tpu.core_type = #tpu.core_type<tc>, window_params = [{transform_indices = @transform_0, window_bounds = array<i64: 2, 128, 256>}, {pipeline_mode = #tpu.pipeline_mode<synchronous>, transform_indices = @transform_1, window_bounds = array<i64: 128, 256>}, {pipeline_mode = #tpu.pipeline_mode<synchronous>, transform_indices = @transform_2, window_bounds = array<i64: 1, 256>}, {pipeline_mode = #tpu.pipeline_mode<synchronous>, transform_indices = @transform_3, window_bounds = array<i64: 256, 256>}, {pipeline_mode = #tpu.pipeline_mode<synchronous>, transform_indices = @transform_4, window_bounds = array<i64: 1, 256>}, {transform_indices = @transform_5, window_bounds = array<i64: 256, 256>}]} {
    %get3A = arith.constant 0 : index
    %get3A_0 = arith.constant 0 : index
    %get3A_1 = arith.constant 0 : index
    %get3A_2 = vector.load %arg1[%get3A, %get3A_0, %get3A_1] : memref<2x128x256xf32, #tpu.memory_space<vmem>>, vector<1x128x256xf32>
    %get3A_3 = vector.shape_cast %get3A_2 : vector<1x128x256xf32> to vector<128x256xf32>
    %get3A_4 = arith.constant 1 : index
    %get3A_5 = arith.constant 0 : index
    %get3A_6 = arith.constant 0 : index
    %get3A_7 = vector.load %arg1[%get3A_4, %get3A_5, %get3A_6] : memref<2x128x256xf32, #tpu.memory_space<vmem>>, vector<1x128x256xf32>
    %get3A_8 = vector.shape_cast %get3A_7 : vector<1x128x256xf32> to vector<128x256xf32>
    %max3A = arith.maximumf %get3A_3, %get3A_8 : vector<128x256xf32>
    %max3A_9 = arith.constant 0.000000e+00 : f32
    %max3A_10 = vector.broadcast %max3A_9 : f32 to vector<128x256xf32>
    %max3A_11 = arith.maximumf %max3A, %max3A_10 : vector<128x256xf32>
    %get3A_12 = arith.constant 0 : index
    %get3A_13 = arith.constant 0 : index
    %get3A_14 = vector.load %arg2[%get3A_12, %get3A_13] : memref<128x256xf32, #tpu.memory_space<vmem>>, vector<128x256xf32>
    %dot_general3A = arith.constant dense<0.000000e+00> : vector<256x256xf32>
    %dot_general3A_15 = tpu.matmul %max3A_11, %get3A_14, %dot_general3A {dimension_numbers = #tpu.dot_dimension_numbers<[0], [0], [1], [1], [0, 1, 1, 1], [], []>, transpose_lhs_hint = false} : vector<128x256xf32>, vector<128x256xf32>, vector<256x256xf32> -> vector<256x256xf32>
    %get3A_16 = arith.constant 0 : index
    %get3A_17 = arith.constant 0 : index
    %get3A_18 = vector.load %arg3[%get3A_16, %get3A_17] : memref<1x256xf32, #tpu.memory_space<vmem>>, vector<1x256xf32>
    %add3A = vector.broadcast %get3A_18 : vector<1x256xf32> to vector<256x256xf32>
    %add3A_19 = arith.addf %dot_general3A_15, %add3A : vector<256x256xf32>
    %max3A_20 = arith.constant 0.000000e+00 : f32
    %max3A_21 = vector.broadcast %max3A_20 : f32 to vector<256x256xf32>
    %max3A_22 = arith.maximumf %add3A_19, %max3A_21 : vector<256x256xf32>
    %get3A_23 = arith.constant 0 : index
    %get3A_24 = arith.constant 0 : index
    %get3A_25 = vector.load %arg4[%get3A_23, %get3A_24] : memref<256x256xf32, #tpu.memory_space<vmem>>, vector<256x256xf32>
    %dot_general3A_26 = arith.constant dense<0.000000e+00> : vector<256x256xf32>
    %dot_general3A_27 = tpu.matmul %max3A_22, %get3A_25, %dot_general3A_26 {dimension_numbers = #tpu.dot_dimension_numbers<[1], [0], [0], [1], [0, 0, 1, 1], [], []>, transpose_lhs_hint = false} : vector<256x256xf32>, vector<256x256xf32>, vector<256x256xf32> -> vector<256x256xf32>
    %get3A_28 = arith.constant 0 : index
    %get3A_29 = arith.constant 0 : index
    %get3A_30 = vector.load %arg5[%get3A_28, %get3A_29] : memref<1x256xf32, #tpu.memory_space<vmem>>, vector<1x256xf32>
    %add3A_31 = vector.broadcast %get3A_30 : vector<1x256xf32> to vector<256x256xf32>
    %add3A_32 = arith.addf %dot_general3A_27, %add3A_31 : vector<256x256xf32>
    %swap3A = arith.constant 0 : index
    %swap3A_33 = arith.constant 0 : index
    %swap3A_34 = vector.load %arg6[%swap3A, %swap3A_33] : memref<256x256xf32, #tpu.memory_space<vmem>>, vector<256x256xf32>
    tpu.vector_store %arg6[%swap3A, %swap3A_33], %add3A_32 {strides = array<i32>} : memref<256x256xf32, #tpu.memory_space<vmem>>, vector<256x256xf32>,
    return
  }
  func.func @transform_0(%arg0: i32) -> (i32, i32, i32) {
    %c0_i32 = arith.constant 0 : i32
    %c0_i32_0 = arith.constant 0 : i32
    %c0_i32_1 = arith.constant 0 : i32
    return %c0_i32, %c0_i32_0, %arg0 : i32, i32, i32
  }
  func.func @transform_1(%arg0: i32) -> (i32, i32) {
    %c0_i32 = arith.constant 0 : i32
    %c0_i32_0 = arith.constant 0 : i32
    %c0_i32_1 = arith.constant 0 : i32
    return %c0_i32, %c0_i32_0 : i32, i32
  }
  func.func @transform_2(%arg0: i32) -> (i32, i32) {
    %c0_i32 = arith.constant 0 : i32
    %c0_i32_0 = arith.constant 0 : i32
    %c0_i32_1 = arith.constant 0 : i32
    return %c0_i32, %c0_i32_0 : i32, i32
  }
  func.func @transform_3(%arg0: i32) -> (i32, i32) {
    %c0_i32 = arith.constant 0 : i32
    %c0_i32_0 = arith.constant 0 : i32
    %c0_i32_1 = arith.constant 0 : i32
    return %c0_i32, %c0_i32_0 : i32, i32
  }
  func.func @transform_4(%arg0: i32) -> (i32, i32) {
    %c0_i32 = arith.constant 0 : i32
    %c0_i32_0 = arith.constant 0 : i32
    %c0_i32_1 = arith.constant 0 : i32
    return %c0_i32, %c0_i32_0 : i32, i32
  }
  func.func @transform_5(%arg0: i32) -> (i32, i32) {
    %c0_i32 = arith.constant 0 : i32
    %c0_i32_0 = arith.constant 0 : i32
    return %arg0, %c0_i32 : i32, i32
  }
}

</mosaic_0001>

<sc_bundles>
// kernel: kernel.12.cloned.1.call-start
scs
__scs_entry_jumppad:
0x0: {  	(pc) =	sbr.rel $0x88, $3  }
0x1: {  	(tag) =	ssettag $0x0;
	lr =	simm.s32 $0x1  }
0x2: {  	[smem:$0x3F92] =	sst lr;
	_ =	strace $0xD0000000  }
0x3: {  	_ = 	snop  }
0x4: {  	_ = 	snop  }
0x5: {  	_ = 	snop  }
0x6: {  	_ = 	snop  }
0x7: {  	_ = 	snop  }
__scs_overlays_trampoline_lowered:
0x8: {  	[smem:$0x3FA1] =	sst s0  }
0x9: {  	[smem:$0x3FA2] =	sst s1  }
0xa: {  	[smem:$0x3FA3] =	sst s2  }
0xb: {  	[smem:$0x3FA4] =	sst s3  }
0xc: {  	[smem:$0x3FA5] =	sst s4  }
0xd: {  	[smem:$0x3FA6] =	sst s5  }
0xe: {  	[smem:$0x3FA7] =	sst s6  }
0xf: {  	[smem:$0x3FA8] =	sst s7  }
0x10: {  	[smem:$0x3FA9] =	sst s8  }
0x11: {  	[smem:$0x3FAA] =	sst s9;
	s0 =	simm.s32 @!p0 $0x0  }
0x12: {  	s1 =	sld [smem:$0x3F90];
	s0 =	simm.s32 @p0 $0x1  }
0x13: {  	[smem:$0x3FAB] =	sst s0;
	s0 =	simm.s32 @!p1 $0x0  }
0x14: {  	s2 =	sld [smem:$0x3F8F];
	s0 =	simm.s32 @p1 $0x1  }
0x15: {  	[smem:$0x3FAC] =	sst s0;
	s0 =	simm.s32 @!p2 $0x0  }
0x16: {  	s3 =	sld [smem:$0x3FDB];
	s0 =	simm.s32 @p2 $0x1  }
0x17: {  	s4 =	simm.s32 $0x1BF5;
	[smem:$0x3FAE] =	sst s0  }
0x18: {  	s0 =	sld [smem:$0x3F91];
	_ =	swait.ge [sflag:s4], $0x0  }
0x19: {  	s7 =	sld [smem:$0x3F92]  }
0x1a: {  	s8 =	sadd.s32 $0xFFFFE003, lr  }
0x1b: {  	s9 =	sadd.s32 $0xFFFFFEF7, lr;
	s5 =	simm.s32 $0xFFFFFFFF;
	p2 =	slt.u32 s8, $0xFFFFF086  }
0x1c: {  	p1 =	slt.u32 s9, $0xF7A;
	s5 =	simm.s32 @!p2 $0x0  }
0x1d: {  	s5 =	simm.s32 @p1 $0x1;
	p0 =	seq.s32 s7, s2  }
0x1e: {  	s7 =	smul.u32 @!p0 $0xF7A, s2;
	p2 =	seq.s32 @!p0 s5, $0x0  }
0x1f: {  	s9 =	smul.u32 $0xF7A, s1;
	s8 =	simm.s32 @!p0 $0x1BF5;
	p2 =	por !p2, p0  }
0x20: {  	[sflag:s8] =	ssyncset.s32 @!p0 $0xFFFFF086;
	s6 =	sadd.s32 @!p0 s3, s7;
	s7 =	simm.s32 @!p0 $0x108  }
0x21: {  	s3 =	sadd.s32 s3, s9;
	s6 =	sadd.s32 @!p0 $0x88, s6;
	s7 =	simm.s32 @p2 $0x1082  }
0x22: {  	[simem:s7], [sflag:s8] =	dma.local @!p0 [hbm:s6], $0xF7A  }
0x23: {  	s9 =	sor.u32 $0xD0000000, s2;
	s6 =	simm.s32 $0x108;
	_ =	swait.ge @!p0 [sflag:s8], $0x0  }
0x24: {  	s3 =	sadd.s32 $0x88, s3;
	s6 =	simm.s32 @!p1 $0x1082;
	[sflag:s4] =	ssyncset.s32 $0xFFFFF086  }
0x25: {  	[simem:s6], [sflag:s4] =	dma.local [hbm:s3], $0xF7A  }
0x26: {  	[smem:$0x3F92] =	sst s1;
	(tag) =	ssettag s2;
	_ =	strace s9  }
0x27: {  	s1 =	sld [smem:$0x3FA2]  }
0x28: {  	s2 =	sld [smem:$0x3FA3]  }
0x29: {  	s4 =	sld [smem:$0x3FA5]  }
0x2a: {  	p0 =	seq.s32 s5, $0x0;
	s5 =	sld [smem:$0x3FA6]  }
0x2b: {  	s6 =	sld [smem:$0x3FA7]  }
0x2c: {  	s7 =	sld [smem:$0x3FA8]  }
0x2d: {  	s3 =	simm.s32 $0x108;
	s8 =	sld [smem:$0x3FA9]  }
0x2e: {  	s3 =	simm.s32 @!p0 $0x1082;
	s9 =	sld [smem:$0x3FAA]  }
0x2f: {  	lr =	sadd.s32 s0, s3;
	s0 =	sld [smem:$0x3FA1]  }
0x30: {  	s3 =	sld [smem:$0x3FA4]  }
0x31: {  	[smem:$0x3FAD] =	sst s10  }
0x32: {  	s10 =	sld [smem:$0x3FAB];
	_ =	sdelay $0x3  }
0x33: {  	p0 =	seq.s32 s10, $0x1;
	s10 =	sld [smem:$0x3FAD];
	_ =	sdelay $0x3  }
0x34: {  	[smem:$0x3FAD] =	sst s10  }
0x35: {  	s10 =	sld [smem:$0x3FAC];
	_ =	sdelay $0x3  }
0x36: {  	p1 =	seq.s32 s10, $0x1;
	s10 =	sld [smem:$0x3FAD];
	_ =	sdelay $0x3  }
0x37: {  	[smem:$0x3FAD] =	sst s10  }
0x38: {  	s10 =	sld [smem:$0x3FAE]  }
0x39: {  	_ = 	snop;
	(pc) =	sbr.ind lr, $3  }
0x3a: {  	_ = 	snop  }
0x3b: {  	_ = 	snop  }
0x3c: {  	p2 =	seq.s32 s10, $0x1;
	s10 =	sld [smem:$0x3FAD]  }
0x3d: {  	_ =	shalt  }
0x3e: {  	_ =	shalt  }
0x3f: {  	_ =	shalt  }
0x40: {  	_ =	shalt  }
0x41: {  	_ =	shalt  }
0x42: {  	_ =	shalt  }
0x43: {  	_ =	shalt  }
0x44: {  	_ =	shalt  }
0x45: {  	_ =	shalt  }
0x46: {  	_ =	shalt  }
0x47: {  	_ =	shalt  }
0x48: {  	_ =	shalt  }
0x49: {  	_ =	shalt  }
0x4a: {  	_ =	shalt  }
0x4b: {  	_ =	shalt  }
0x4c: {  	_ =	shalt  }
0x4d: {  	_ =	shalt  }
0x4e: {  	_ =	shalt  }
0x4f: {  	_ =	shalt  }
0x50: {  	_ =	shalt  }
0x51: {  	_ =	shalt  }
0x52: {  	_ =	shalt  }
0x53: {  	_ =	shalt  }
0x54: {  	_ =	shalt  }
0x55: {  	_ =	shalt  }
0x56: {  	_ =	shalt  }
0x57: {  	_ =	shalt  }
0x58: {  	_ =	shalt  }
0x59: {  	_ =	shalt  }
0x5a: {  	_ =	shalt  }
0x5b: {  	_ =	shalt  }
0x5c: {  	_ =	shalt  }
0x5d: {  	_ =	shalt  }
0x5e: {  	_ =	shalt  }
0x5f: {  	_ =	shalt  }
0x60: {  	_ =	shalt  }
0x61: {  	_ =	shalt  }
0x62: {  	_ =	shalt  }
0x63: {  	_ =	shalt  }
0x64: {  	_ =	shalt  }
0x65: {  	_ =	shalt  }
0x66: {  	_ =	shalt  }
0x67: {  	_ =	shalt  }
0x68: {  	_ =	shalt  }
0x69: {  	_ =	shalt  }
0x6a: {  	_ =	shalt  }
0x6b: {  	_ =	shalt  }
0x6c: {  	_ =	shalt  }
0x6d: {  	_ =	shalt  }
0x6e: {  	_ =	shalt  }
0x6f: {  	_ =	shalt  }
0x70: {  	_ =	shalt  }
0x71: {  	_ =	shalt  }
0x72: {  	_ =	shalt  }
0x73: {  	_ =	shalt  }
0x74: {  	_ =	shalt  }
0x75: {  	_ =	shalt  }
0x76: {  	_ =	shalt  }
0x77: {  	_ =	shalt  }
0x78: {  	_ =	shalt  }
0x79: {  	_ =	shalt  }
0x7a: {  	_ =	shalt  }
0x7b: {  	_ =	shalt  }
0x7c: {  	_ =	shalt  }
0x7d: {  	_ =	shalt  }
0x7e: {  	_ =	shalt  }
0x7f: {  	_ =	shalt  }
0x80: {  	_ =	shalt  }
0x81: {  	_ =	shalt  }
0x82: {  	_ =	shalt  }
0x83: {  	_ =	shalt  }
0x84: {  	_ =	shalt  }
0x85: {  	_ =	shalt  }
0x86: {  	_ =	shalt  }
0x87: {  	_ =	shalt  }
.Lfunc_end0:
.L_simem_size_0:
called_computation_lowered:
.L_overlay_start_0:
0x88: {  	s2 =	sld [smem:$0x3FD9]  }
0x89: {  	s3 =	sld [smem:$0x3FFE];
	_ =	sdelay $0x1  }
0x8a: {  	s1 =	srdreg.scid  }
0x8b: {  	s0 =	sand.u32 $0x1, s1  }
0x8c: {  	s17 =	sshll.u32 s0, $0xA;
	s2 =	sadd.s32 s3, s2  }
0x8d: {  	s2 =	sadd.s32 s2, s17  }
0x8e: {  	[smem:$0x3FB9] =	sst s2  }
0x8f: {  	_ = 	snop  }
0x90: {  	(tm) =	ssettm $0x1  }
0x91: {  	s18 =	sld [smem:$0x3FFB];
	_ =	sdelay $0x3  }
0x92: {  	_ =	strace s18  }
0x93: {  	s2 =	sld [smem:$0x3FFC];
	_ =	sdelay $0x3  }
0x94: {  	_ =	strace s2  }
0x95: {  	s2 =	sld [smem:$0x3FFD];
	_ =	sdelay $0x3  }
0x96: {  	_ =	strace s2  }
0x97: {  	_ =	strace $0x8FFFFFFF  }
0x98: {  	s19 =	sld [smem:$0x3FDB];
	_ =	sdelay $0x1  }
0x99: {  	s20 =	simm.s32 $_scs_section_size  }
0x9a: {  	s4 =	simm.s32 $_size__tile_overlayer_lowered;
	s5 =	simm.s32 $_tile_overlayer_lowered  }
0x9b: {  	s6 =	simm.s32 $0x1BFF;
	s21 =	sshll.u32 s5, $0x1;
	s3 =	sadd.s32 s20, s19  }
0x9c: {  	s22 =	simm.s32 $0x0;
	s4 =	sshll.u32 s4, $0x1;
	s5 =	sadd.s32 s21, s3  }
0x9d: {  	[timem:s22], [sflag:s6] =	dma.local [hbm:s5], s4  }
0x9e: {  	_ =	swait.ge [sflag:s6], s4  }
0x9f: {  	s4 =	ssub.s32 $0x0, s4;
	[sflag:s6] =	ssyncset.done $0x0  }
0xa0: {  	[sflag:s6] =	ssyncadd.s32 s4;
	_ =	sdelay $0x1  }
0xa1: {  	s23 =	simm.s32 $0x1B8B  }
0xa2: {  	_ =	swait.ge [sflag:s23], $0x1  }
0xa3: {  	[sflag:s23] =	ssyncset.done $0x0  }
0xa4: {  	[sflag:s23] =	ssyncadd.s32 $0xFFFFFFFF  }
0xa5: {  	s4 =	sld [smem:$0x0]  }
0xa6: {  	s5 =	sand.u32 $0xFFFFFFFE, s1  }
0xa7: {  	p0 =	sne.s32 s1, s5  }
0xa8: {  	s5 =	sshll.u32 @p0 s5, $0xE  }
0xa9: {  	s5 =	sadd.s32 @p0 $0x11B8D, s5;
	s6 =	sshll.u32 @p0 s4, $0x11  }
0xaa: {  	s5 =	sor.u32 @p0 s6, s5  }
0xab: {  	[sflag:s5] =	ssyncadd.remote.s32 @p0 $0x1;
	_ =	sdelay $0x1  }
0xac: {  	s5 =	simm.s32 @p0 $0x1B8D  }
0xad: {  	_ =	swait.eq @p0 [sflag:s5], $0x1  }
0xae: {  	[sflag:s5] =	ssyncadd.s32 @p0 $0xFFFFFFFF  }
0xaf: {  	s6 =	sshll.u32 @!p0 s1, $0xE  }
0xb0: {  	s6 =	sor.u32 @!p0 $0x4000, s6;
	s5 =	simm.s32 @!p0 $0x1B8D  }
0xb1: {  	s4 =	sshll.u32 @!p0 s4, $0x11;
	s6 =	sadd.s32 @!p0 $0x11B8D, s6;
	_ =	swait.eq @!p0 [sflag:s5], $0x1  }
0xb2: {  	s4 =	sor.u32 @!p0 s4, s6;
	[sflag:s5] =	ssyncadd.s32 @!p0 $0xFFFFFFFF  }
0xb3: {  	s25 =	simm.s32 $0x1B8E;
	s24 =	sld [smem:$0x3FFE];
	[sflag:s4] =	ssyncadd.remote.s32 @!p0 $0x1  }
0xb4: {  	s26 =	simm.s32 $execute0_lowered;
	[smem:$0x3FD2] =	sst s25  }
0xb5: {  	s5 =	sshll.u32 s26, $0x1;
	_ =	strace $0x80000049;
	[dreg:$0x1] =	wrdreg $0xFFFFFFFF  }
0xb6: {  	s28 =	simm.s32 $_size_execute0_lowered;
	s3 =	sadd.s32 s3, s5;
	[dreg:$0x0] =	wrdreg $0x0  }
0xb7: {  	s5 =	sshll.u32 s28, $0x1;
	[dreg:$0x2] =	wrdreg s3  }
0xb8: {  	[dreg:$0x3] =	wrdreg s5  }
0xb9: {  	[dreg:$0x4] =	wrdreg $0xC0  }
0xba: {  	_ =	task [dreg:s22], $0x5FFFF  }
0xbb: {  	[dreg:$0x1] =	wrdreg $0xFFFFFFFF  }
0xbc: {  	[dreg:$0x0] =	wrdreg $0x60  }
0xbd: {  	[dreg:$0x2] =	wrdreg s24  }
0xbe: {  	[dreg:$0x3] =	wrdreg $0x9  }
0xbf: {  	_ =	task.clear_ibuf [dreg:s22], $0x4FFFF;
	_ =	strace $0x90000049  }
0xc0: {  	s29 =	simm.s32 $0x9;
	_ =	strace $0x8000004B  }
0xc1: {  	_ =	swait.ge [sflag:s29], $0x1  }
0xc2: {  	[sflag:s29] =	ssyncadd.s32 $0xFFFFFFFF  }
0xc3: {  	_ =	strace $0x9000004B  }
0xc4: {  	_ =	sfence  }
0xc5: {  	s30 =	sld [smem:$0x0];
	_ =	sdelay $0x2  }
0xc6: {  	s31 =	sshll.u32 s1, $0xD;
	s1 =	sshrl.u32 s1, $0x2  }
0xc7: {  	s4 =	sand.u32 $0x4000, s31;
	s1 =	sadd.s32 s1, s30  }
0xc8: {  	s0 =	sor.u32 s4, s0;
	s1 =	sshll.u32 s1, $0x11  }
0xc9: {  	s0 =	sor.u32 s1, s0  }
0xca: {  	s0 =	sadd.s32 $0x8F2B, s0  }
0xcb: {  	[sflag:s0] =	ssyncadd.remote.s32 $0x1  }
0xcc: {  	_ =	sfence.sel $0xFFFF  }
0xcd: {  	[dreg:$0x0] =	wrdreg $0xFFFFFFFF;
	(pc) =	sbr.abs _section_cstart, $3  }
0xce: {  	[dreg:$0x1] =	wrdreg $0xFFFFFFFF  }
0xcf: {  	_ =	task.clear_ibuf [dreg:s22], $0x2FFFF;
	_ =	strace $0x9FFFFFFF  }
0xd0: {  	(tm) =	ssettm $0x7FFFFFFF  }
0xd1: {  	_ =	shalt  }
tec
execute0_lowered:
.L_overlay_start_1:
0x0: {  	(tag) =	ssettag $0x1  }
0x1: {  	s1 =	srdreg.scid  }
0x2: {  	s0 =	stileid.u32;
	s4 =	rddreg [dreg:$0x0]  }
0x3: {  	s2 =	simm.s32 $0x0;
	s3 =	sand.u32 $0x1, s1;
	s30 =	sshll.u32 s0, $0x1  }
0x4: {  	v0 =	vlaneseq.u32;
	vm0 =	vcmask $0x300;
	s8 =	simm.s32 $0x5000;
	s9 =	simm.s32 $0x0;
	s5 =	sor.u32 s3, s30  }
0x5: {  	vm1 =	vcmask $0x704;
	vm2 =	vcmask $0xB08;
	vm3 =	vcmask $0xF0C;
	s1 =	rddreg [dreg:$0x1];
	s3 =	ssub.s32 $0x2, s3;
	s6 =	smul.u32 $0x500, s5  }
0x6: {  	vm4 =	vcmask $0x1310;
	vm5 =	vcmask $0x1714;
	vm6 =	vcmask $0x1B18;
	[smem:$0x7FF] =	sst s2;
	s5 =	smul.u32 $0x50, s5;
	s7 =	sshrl.u32 s3, $0x1  }
0x7: {  	vm7 =	vcmask $0x1F1C;
	vm8 =	vcmask $0x2320;
	vm9 =	vcmask $0x2724;
	_ =	strace $0x8000004A;
	s31 =	ssub.s32 s3, s7;
	s7 =	simm.s32 $0x2800  }
0x8: {  	vm10 =	vcmask $0x2B28;
	vm11 =	vcmask $0x2F2C;
	vm12 =	vcmask $0x3330;
	s6 =	sadd.s32 s6, s4;
	s4 =	sadd.s32 s5, s4;
	s5 =	smax.u32 s31, $0x1  }
0x9: {  	v1 =	vimm.s32 $0x0;
	vm13 =	vcmask $0x3734;
	vm14 =	vcmask $0x3B38;
	s3 =	sadd.s32 $0x54A800, s6;
	s4 =	sadd.s32 $0x554800, s4;
	s6 =	simm.s32 $0x1  }
.LBB2_1:
0xa: {  	[tilespmem:s2], [sflag:$0x1] =	stream.linear.gather [hbm4b:s3+s2], $0x2800, $0x38;
	[tilespmem:$0x5280] =	vst v63  }
0xb: {  	_ =	swait.ge [sflag:s6], $0x2800  }
0xc: {  	[sflag:s6] =	ssyncset.done $0x0  }
0xd: {  	s10 =	simm.s32 $0x80;
	s11 =	simm.s32 $0x0;
	[sflag:s6] =	ssyncadd.s32 $0xFFFFD800  }
.LBB2_2:
0xe: {  	v2 =	vld [tilespmem:s10+$0xFFFFFF80];
	_ =	sdelay $0x7  }
0xf: {  	[tilespmem:v2+s7+$0x0] =	vst.idx.msk $0xffff, v0  }
0x10: {  	v3 =	vld [tilespmem:s10+$0xFFFFFF90];
	_ =	sdelay $0x7  }
0x11: {  	v2 =	vld.idx.msk [tilespmem:v2+s7+$0x0], $0xffff;
	[tilespmem:v3+s7+$0x0] =	vst.idx.msk $0xffff, v0  }
0x12: {  	v4 =	vld [tilespmem:s10+$0xFFFFFFA0];
	_ =	sdelay $0x7  }
0x13: {  	v3 =	vld.idx.msk [tilespmem:v3+s7+$0x0], $0xffff;
	[tilespmem:v4+s7+$0x0] =	vst.idx.msk $0xffff, v0  }
0x14: {  	v5 =	vld [tilespmem:s10+$0xFFFFFFB0];
	_ =	sdelay $0x7  }
0x15: {  	v4 =	vld.idx.msk [tilespmem:v4+s7+$0x0], $0xffff;
	[tilespmem:v5+s7+$0x0] =	vst.idx.msk $0xffff, v0  }
0x16: {  	v6 =	vld [tilespmem:s10+$0xFFFFFFC0];
	_ =	sdelay $0x7  }
0x17: {  	v5 =	vld.idx.msk [tilespmem:v5+s7+$0x0], $0xffff;
	[tilespmem:v6+s7+$0x0] =	vst.idx.msk $0xffff, v0  }
0x18: {  	v7 =	vld [tilespmem:s10+$0xFFFFFFD0];
	_ =	sdelay $0x7  }
0x19: {  	v6 =	vld.idx.msk [tilespmem:v6+s7+$0x0], $0xffff;
	[tilespmem:v7+s7+$0x0] =	vst.idx.msk $0xffff, v0  }
0x1a: {  	v8 =	vld [tilespmem:s10+$0xFFFFFFE0];
	_ =	sdelay $0x7  }
0x1b: {  	v7 =	vld.idx.msk [tilespmem:v7+s7+$0x0], $0xffff;
	[tilespmem:v8+s7+$0x0] =	vst.idx.msk $0xffff, v0  }
0x1c: {  	v9 =	vld [tilespmem:s10+$0xFFFFFFF0];
	_ =	sdelay $0x7  }
0x1d: {  	v8 =	vld.idx.msk [tilespmem:v8+s7+$0x0], $0xffff;
	[tilespmem:v9+s7+$0x0] =	vst.idx.msk $0xffff, v0  }
0x1e: {  	v10 =	vld [tilespmem:s10+$0x0];
	_ =	sdelay $0x7  }
0x1f: {  	v9 =	vld.idx.msk [tilespmem:v9+s7+$0x0], $0xffff;
	[tilespmem:v10+s7+$0x0] =	vst.idx.msk $0xffff, v0  }
0x20: {  	v11 =	vld [tilespmem:s10+$0x10];
	_ =	sdelay $0x7  }
0x21: {  	v10 =	vld.idx.msk [tilespmem:v10+s7+$0x0], $0xffff;
	[tilespmem:v11+s7+$0x0] =	vst.idx.msk $0xffff, v0  }
0x22: {  	v12 =	vld [tilespmem:s10+$0x20];
	_ =	sdelay $0x7  }
0x23: {  	v11 =	vld.idx.msk [tilespmem:v11+s7+$0x0], $0xffff;
	[tilespmem:v12+s7+$0x0] =	vst.idx.msk $0xffff, v0  }
0x24: {  	v13 =	vld [tilespmem:s10+$0x30];
	_ =	sdelay $0x7  }
0x25: {  	v12 =	vld.idx.msk [tilespmem:v12+s7+$0x0], $0xffff;
	[tilespmem:v13+s7+$0x0] =	vst.idx.msk $0xffff, v0  }
0x26: {  	v14 =	vld [tilespmem:s10+$0x40];
	_ =	sdelay $0x7  }
0x27: {  	v13 =	vld.idx.msk [tilespmem:v13+s7+$0x0], $0xffff;
	[tilespmem:v14+s7+$0x0] =	vst.idx.msk $0xffff, v0  }
0x28: {  	v15 =	vld [tilespmem:s10+$0x50];
	_ =	sdelay $0x7  }
0x29: {  	v14 =	vld.idx.msk [tilespmem:v14+s7+$0x0], $0xffff;
	[tilespmem:v15+s7+$0x0] =	vst.idx.msk $0xffff, v0  }
0x2a: {  	v16 =	vld [tilespmem:s10+$0x60]  }
0x2b: {  	vm15 =	vne.s32 v2, v0  }
0x2c: {  	v2 =	vsel vm15, $0x1, v1;
	vm15 =	vne.s32 v3, v0  }
0x2d: {  	v2 =	vor.u32 $0x80000000, v2;
	v3 =	vsel vm15, $0x1, v1;
	vm15 =	vne.s32 v4, v0  }
0x2e: {  	(xrf0) =	vmax.scan.msk.u32 $0xffff, v2;
	v3 =	vor.u32 $0x80000000, v3;
	v2 =	vsel vm15, $0x1, v1;
	vm15 =	vne.s32 v5, v0  }
0x2f: {  	(xrf0) =	vmax.scan.msk.u32 $0xffff, v3;
	v2 =	vor.u32 $0x80000000, v2;
	v3 =	vsel vm15, $0x1, v1;
	vm15 =	vne.s32 v6, v0  }
0x30: {  	(xrf0) =	vmax.scan.msk.u32 $0xffff, v2;
	v3 =	vor.u32 $0x80000000, v3;
	v2 =	vsel vm15, $0x1, v1;
	vm15 =	vne.s32 v7, v0  }
0x31: {  	(xrf0) =	vmax.scan.msk.u32 $0xffff, v3;
	v2 =	vor.u32 $0x80000000, v2;
	v3 =	vsel vm15, $0x1, v1  }
0x32: {  	(xrf0) =	vmax.scan.msk.u32 $0xffff, v2;
	v2 =	vor.u32 $0x80000000, v3;
	v55 =	vld.idx.msk [tilespmem:v15+s7+$0x0], $0xffff;
	[tilespmem:v16+s7+$0x0] =	vst.idx.msk $0xffff, v0  }
0x33: {  	(xrf0) =	vmax.scan.msk.u32 $0xffff, v2;
	v2 =	vld [tilespmem:s10+$0x70]  }
0x34: {  	v3, _, _ =	vpop (xrf0)  }
0x35: {  	(v2sf) =	vpush v3, $0xF;
	v3, _, _ =	vpop (xrf0)  }
0x36: {  	(v2sf) =	vpush v3, $0xF;
	v3, _, _ =	vpop (xrf0)  }
0x37: {  	(v2sf) =	vpush v3, $0xF;
	v3, _, _ =	vpop (xrf0);
	vm15 =	vne.s32 v8, v0  }
0x38: {  	(v2sf) =	vpush v3, $0xF;
	v3, _, _ =	vpop (xrf0);
	v56 =	vsel vm15, $0x1, v1  }
0x39: {  	(v2sf) =	vpush v3, $0xF;
	v3, _, _ =	vpop (xrf0);
	v5 =	vor.u32 $0x80000000, v56;
	vm15 =	vne.s32 v9, v0  }
0x3a: {  	(v2sf) =	vpush v3, $0xF;
	(xrf0) =	vmax.scan.msk.u32 $0xffff, v5;
	v3 =	vsel vm15, $0x1, v1;
	vm15 =	vne.s32 v10, v0  }
0x3b: {  	v3 =	vor.u32 $0x80000000, v3;
	v58 =	vsel vm15, $0x1, v1;
	vm15 =	vne.s32 v11, v0;
	v57 =	vld.idx.msk [tilespmem:v16+s7+$0x0], $0xffff;
	[tilespmem:v2+s7+$0x0] =	vst.idx.msk $0xffff, v0  }
0x3c: {  	(xrf0) =	vmax.scan.msk.u32 $0xffff, v3;
	v6 =	vor.u32 $0x80000000, v58;
	v3 =	vsel vm15, $0x1, v1;
	vm15 =	vne.s32 v12, v0;
	v2 =	vld.idx.msk [tilespmem:v2+s7+$0x0], $0xffff  }
0x3d: {  	(xrf0) =	vmax.scan.msk.u32 $0xffff, v6;
	v3 =	vor.u32 $0x80000000, v3;
	v59 =	vsel vm15, $0x1, v1;
	vm15 =	vne.s32 v13, v0  }
0x3e: {  	(xrf0) =	vmax.scan.msk.u32 $0xffff, v3;
	v6 =	vor.u32 $0x80000000, v59;
	v3 =	vsel vm15, $0x1, v1;
	vm15 =	vne.s32 v14, v0  }
0x3f: {  	(xrf0) =	vmax.scan.msk.u32 $0xffff, v6;
	v3 =	vor.u32 $0x80000000, v3;
	v60 =	vsel vm15, $0x1, v1;
	vm15 =	vne.s32 v55, v0  }
0x40: {  	(xrf0) =	vmax.scan.msk.u32 $0xffff, v3;
	v3 =	vor.u32 $0x80000000, v60;
	v4 =	vsel vm15, $0x1, v1;
	vm15 =	vne.s32 v57, v0  }
0x41: {  	v61, _, _ =	vpop (xrf0);
	(xrf0) =	vmax.scan.msk.u32 $0xffff, v3;
	v3 =	vsel vm15, $0x1, v1;
	vm15 =	vne.s32 v2, v0;
	v2 =	vor.u32 $0x80000000, v4  }
0x42: {  	v62, _, _ =	vpop (xrf0);
	(xrf0) =	vmax.scan.msk.u32 $0xffff, v2;
	v2 =	vor.u32 $0x80000000, v3;
	v3 =	vsel vm15, $0x1, v1  }
0x43: {  	(v2sf) =	vpush v61, $0xF;
	v63, _, _ =	vpop (xrf0);
	(xrf0) =	vmax.scan.msk.u32 $0xffff, v2;
	v2 =	vor.u32 $0x80000000, v3  }
0x44: {  	(v2sf) =	vpush v62, $0xF  }
0x45: {  	(v2sf) =	vpush v63, $0xF;
	v3, _, _ =	vpop (xrf0);
	(xrf0) =	vmax.scan.msk.u32 $0xffff, v2  }
0x46: {  	v2, _, _ =	vpop (xrf0);
	(v2sf) =	vpush v3, $0xF  }
0x47: {  	v3, _, _ =	vpop (xrf0);
	(v2sf) =	vpush v2, $0xF  }
0x48: {  	v2, _, _ =	vpop (xrf0);
	(v2sf) =	vpush v3, $0xF  }
0x49: {  	v3, _, _ =	vpop (xrf0);
	(v2sf) =	vpush v2, $0xF  }
0x4a: {  	v2, _, _ =	vpop (xrf0);
	(v2sf) =	vpush v3, $0xF  }
0x4b: {  	(v2sf) =	vpush v2, $0xF;
	v2, _, _ =	vpop (xrf0)  }
0x4c: {  	s12 =	spop (v2sf);
	(v2sf) =	vpush v2, $0xF  }
0x4d: {  	s13 =	spop (v2sf)  }
0x4e: {  	s14 =	spop (v2sf)  }
0x4f: {  	s15 =	spop (v2sf)  }
0x50: {  	s16 =	spop (v2sf)  }
0x51: {  	s17 =	spop (v2sf)  }
0x52: {  	s18 =	spop (v2sf)  }
0x53: {  	s19 =	spop (v2sf)  }
0x54: {  	s20 =	spop (v2sf)  }
0x55: {  	s21 =	spop (v2sf)  }
0x56: {  	s22 =	spop (v2sf)  }
0x57: {  	s23 =	spop (v2sf)  }
0x58: {  	s24 =	spop (v2sf)  }
0x59: {  	s25 =	spop (v2sf)  }
0x5a: {  	s26 =	spop (v2sf)  }
0x5b: {  	s28 =	spop (v2sf)  }
0x5c: {  	s28 =	sxor.u32 $0x80000000, s28  }
0x5d: {  	s12 =	sxor.u32 $0x80000000, s12;
	v2 =	vmov s28  }
0x5e: {  	s13 =	sxor.u32 $0x80000000, s13;
	v2 =	vsel vm0, s12, v2  }
0x5f: {  	s14 =	sxor.u32 $0x80000000, s14;
	v2 =	vsel vm1, s13, v2  }
0x60: {  	s15 =	sxor.u32 $0x80000000, s15;
	v2 =	vsel vm2, s14, v2  }
0x61: {  	s16 =	sxor.u32 $0x80000000, s16;
	v2 =	vsel vm3, s15, v2  }
0x62: {  	s17 =	sxor.u32 $0x80000000, s17;
	v2 =	vsel vm4, s16, v2  }
0x63: {  	s18 =	sxor.u32 $0x80000000, s18;
	v2 =	vsel vm5, s17, v2  }
0x64: {  	s19 =	sxor.u32 $0x80000000, s19;
	v2 =	vsel vm6, s18, v2  }
0x65: {  	s20 =	sxor.u32 $0x80000000, s20;
	v2 =	vsel vm7, s19, v2  }
0x66: {  	s21 =	sxor.u32 $0x80000000, s21;
	v2 =	vsel vm8, s20, v2  }
0x67: {  	s22 =	sxor.u32 $0x80000000, s22;
	v2 =	vsel vm9, s21, v2  }
0x68: {  	p0 =	sne.s32 s11, $0x9C0;
	s23 =	sxor.u32 $0x80000000, s23;
	v2 =	vsel vm10, s22, v2  }
.Ltmp0:
0x69: {  	s28 =	sxor.u32 $0x80000000, s24;
	v2 =	vsel vm11, s23, v2;
	(pc) =	sbr.rel @p0 .LBB2_2-.Ltmp0, $4  }
0x6a: {  	s29 =	sxor.u32 $0x80000000, s25;
	v2 =	vsel vm12, s28, v2  }
0x6b: {  	s30 =	sxor.u32 $0x80000000, s26;
	v2 =	vsel vm13, s29, v2  }
0x6c: {  	s31 =	sshra.s32 s11, $0x2;
	v2 =	vsel vm14, s30, v2  }
0x6d: {  	s11 =	sadd.s32 $0x40, s11;
	s10 =	sadd.s32 $0x100, s10;
	[tilespmem:s31+$0x5000] =	vst v2  }
0x6e: {  	s9 =	sadd.s32 $0x1, s9  }
0x6f: {  	p0 =	sne.s32 s9, s5  }
.Ltmp1:
0x70: {  	_ = 	snop;
	(pc) =	sbr.rel @p0 .LBB2_1-.Ltmp1, $4  }
0x71: {  	[hbm4b:s4+s2] =	stream.linear.scatter [tilespmem:s8], [sflag:$0x1], $0x280, $0x38;
	[tilespmem:$0x5280] =	vst v63  }
0x72: {  	_ =	swait.ge [sflag:s6], $0x280  }
0x73: {  	[sflag:s6] =	ssyncset.done $0x0  }
0x74: {  	[sflag:s6] =	ssyncadd.s32 $0xFFFFFD80  }
0x75: {  	_ =	sfence.sel $0x180000  }
0x76: {  	[bflag:$0x0] =	sbarrier.arrive $0xFFFF  }
0x77: {  	p0 =	sne.s32 s0, $0x0;
	_ =	strace $0x9000004A  }
0x78: {  	s0 =	sadd.s32 @!p0 $0x100000, s1;
	[bflag:$0x2] =	sbarrier.arrive $0xFFFF  }
0x79: {  	[sflag:s0] =	ssyncadd.tile.s32 @!p0 $0x1;
	_ =	shalt  }
.Lfunc_end2:
_tile_overlayer_lowered:
.L_overlay_start_2:
0x7a: {  	(tag) =	ssettag $0x2  }
0x7b: {  	s0 =	rddreg [dreg:$0x0];
	s2 =	stileid.u32  }
0x7c: {  	s1 =	rddreg [dreg:$0x1];
	p0 =	sne.s32 s2, $0x0  }
0x7d: {  	s3 =	rddreg [dreg:$0x2];
	[bflag:$0x3] =	sbarrier.arrive $0xFFFF;
	s2 =	simm.s32 @!p0 $0x1C01  }
0x7e: {  	[timem:s3], [sflag:s2] =	dma.local @!p0 [hbm:s0], s1  }
0x7f: {  	s0 =	simm.s32 @!p0 $0x1  }
0x80: {  	_ =	swait.ge @!p0 [sflag:s0], s1  }
0x81: {  	s1 =	ssub.s32 @!p0 $0x0, s1;
	[sflag:s0] =	ssyncset.done @!p0 $0x0  }
0x82: {  	[sflag:s0] =	ssyncadd.s32 @!p0 s1  }
0x83: {  	[bflag:$0x3] =	sbarrier.arrive $0xFFFF  }
0x84: {  	_ =	shalt  }

// kernel: kernel.15.cloned.1.call-start
scs
__scs_entry_jumppad:
0x0: {  	(pc) =	sbr.rel $0x88, $3  }
0x1: {  	(tag) =	ssettag $0x0;
	lr =	simm.s32 $0x1  }
0x2: {  	[smem:$0x3F92] =	sst lr;
	_ =	strace $0xD0000000  }
0x3: {  	_ = 	snop  }
0x4: {  	_ = 	snop  }
0x5: {  	_ = 	snop  }
0x6: {  	_ = 	snop  }
0x7: {  	_ = 	snop  }
__scs_overlays_trampoline_lowered:
0x8: {  	[smem:$0x3FA1] =	sst s0  }
0x9: {  	[smem:$0x3FA2] =	sst s1  }
0xa: {  	[smem:$0x3FA3] =	sst s2  }
0xb: {  	[smem:$0x3FA4] =	sst s3  }
0xc: {  	[smem:$0x3FA5] =	sst s4  }
0xd: {  	[smem:$0x3FA6] =	sst s5  }
0xe: {  	[smem:$0x3FA7] =	sst s6  }
0xf: {  	[smem:$0x3FA8] =	sst s7  }
0x10: {  	[smem:$0x3FA9] =	sst s8  }
0x11: {  	[smem:$0x3FAA] =	sst s9;
	s0 =	simm.s32 @!p0 $0x0  }
0x12: {  	s1 =	sld [smem:$0x3F90];
	s0 =	simm.s32 @p0 $0x1  }
0x13: {  	[smem:$0x3FAB] =	sst s0;
	s0 =	simm.s32 @!p1 $0x0  }
0x14: {  	s2 =	sld [smem:$0x3F8F];
	s0 =	simm.s32 @p1 $0x1  }
0x15: {  	[smem:$0x3FAC] =	sst s0;
	s0 =	simm.s32 @!p2 $0x0  }
0x16: {  	s3 =	sld [smem:$0x3FDB];
	s0 =	simm.s32 @p2 $0x1  }
0x17: {  	s4 =	simm.s32 $0x1BF5;
	[smem:$0x3FAE] =	sst s0  }
0x18: {  	s0 =	sld [smem:$0x3F91];
	_ =	swait.ge [sflag:s4], $0x0  }
0x19: {  	s7 =	sld [smem:$0x3F92]  }
0x1a: {  	s8 =	sadd.s32 $0xFFFFE003, lr  }
0x1b: {  	s9 =	sadd.s32 $0xFFFFFEF7, lr;
	s5 =	simm.s32 $0xFFFFFFFF;
	p2 =	slt.u32 s8, $0xFFFFF086  }
0x1c: {  	p1 =	slt.u32 s9, $0xF7A;
	s5 =	simm.s32 @!p2 $0x0  }
0x1d: {  	s5 =	simm.s32 @p1 $0x1;
	p0 =	seq.s32 s7, s2  }
0x1e: {  	s7 =	smul.u32 @!p0 $0xF7A, s2;
	p2 =	seq.s32 @!p0 s5, $0x0  }
0x1f: {  	s9 =	smul.u32 $0xF7A, s1;
	s8 =	simm.s32 @!p0 $0x1BF5;
	p2 =	por !p2, p0  }
0x20: {  	[sflag:s8] =	ssyncset.s32 @!p0 $0xFFFFF086;
	s6 =	sadd.s32 @!p0 s3, s7;
	s7 =	simm.s32 @!p0 $0x108  }
0x21: {  	s3 =	sadd.s32 s3, s9;
	s6 =	sadd.s32 @!p0 $0x88, s6;
	s7 =	simm.s32 @p2 $0x1082  }
0x22: {  	[simem:s7], [sflag:s8] =	dma.local @!p0 [hbm:s6], $0xF7A  }
0x23: {  	s9 =	sor.u32 $0xD0000000, s2;
	s6 =	simm.s32 $0x108;
	_ =	swait.ge @!p0 [sflag:s8], $0x0  }
0x24: {  	s3 =	sadd.s32 $0x88, s3;
	s6 =	simm.s32 @!p1 $0x1082;
	[sflag:s4] =	ssyncset.s32 $0xFFFFF086  }
0x25: {  	[simem:s6], [sflag:s4] =	dma.local [hbm:s3], $0xF7A  }
0x26: {  	[smem:$0x3F92] =	sst s1;
	(tag) =	ssettag s2;
	_ =	strace s9  }
0x27: {  	s1 =	sld [smem:$0x3FA2]  }
0x28: {  	s2 =	sld [smem:$0x3FA3]  }
0x29: {  	s4 =	sld [smem:$0x3FA5]  }
0x2a: {  	p0 =	seq.s32 s5, $0x0;
	s5 =	sld [smem:$0x3FA6]  }
0x2b: {  	s6 =	sld [smem:$0x3FA7]  }
0x2c: {  	s7 =	sld [smem:$0x3FA8]  }
0x2d: {  	s3 =	simm.s32 $0x108;
	s8 =	sld [smem:$0x3FA9]  }
0x2e: {  	s3 =	simm.s32 @!p0 $0x1082;
	s9 =	sld [smem:$0x3FAA]  }
0x2f: {  	lr =	sadd.s32 s0, s3;
	s0 =	sld [smem:$0x3FA1]  }
0x30: {  	s3 =	sld [smem:$0x3FA4]  }
0x31: {  	[smem:$0x3FAD] =	sst s10  }
0x32: {  	s10 =	sld [smem:$0x3FAB];
	_ =	sdelay $0x3  }
0x33: {  	p0 =	seq.s32 s10, $0x1;
	s10 =	sld [smem:$0x3FAD];
	_ =	sdelay $0x3  }
0x34: {  	[smem:$0x3FAD] =	sst s10  }
0x35: {  	s10 =	sld [smem:$0x3FAC];
	_ =	sdelay $0x3  }
0x36: {  	p1 =	seq.s32 s10, $0x1;
	s10 =	sld [smem:$0x3FAD];
	_ =	sdelay $0x3  }
0x37: {  	[smem:$0x3FAD] =	sst s10  }
0x38: {  	s10 =	sld [smem:$0x3FAE]  }
0x39: {  	_ = 	snop;
	(pc) =	sbr.ind lr, $3  }
0x3a: {  	_ = 	snop  }
0x3b: {  	_ = 	snop  }
0x3c: {  	p2 =	seq.s32 s10, $0x1;
	s10 =	sld [smem:$0x3FAD]  }
0x3d: {  	_ =	shalt  }
0x3e: {  	_ =	shalt  }
0x3f: {  	_ =	shalt  }
0x40: {  	_ =	shalt  }
0x41: {  	_ =	shalt  }
0x42: {  	_ =	shalt  }
0x43: {  	_ =	shalt  }
0x44: {  	_ =	shalt  }
0x45: {  	_ =	shalt  }
0x46: {  	_ =	shalt  }
0x47: {  	_ =	shalt  }
0x48: {  	_ =	shalt  }
0x49: {  	_ =	shalt  }
0x4a: {  	_ =	shalt  }
0x4b: {  	_ =	shalt  }
0x4c: {  	_ =	shalt  }
0x4d: {  	_ =	shalt  }
0x4e: {  	_ =	shalt  }
0x4f: {  	_ =	shalt  }
0x50: {  	_ =	shalt  }
0x51: {  	_ =	shalt  }
0x52: {  	_ =	shalt  }
0x53: {  	_ =	shalt  }
0x54: {  	_ =	shalt  }
0x55: {  	_ =	shalt  }
0x56: {  	_ =	shalt  }
0x57: {  	_ =	shalt  }
0x58: {  	_ =	shalt  }
0x59: {  	_ =	shalt  }
0x5a: {  	_ =	shalt  }
0x5b: {  	_ =	shalt  }
0x5c: {  	_ =	shalt  }
0x5d: {  	_ =	shalt  }
0x5e: {  	_ =	shalt  }
0x5f: {  	_ =	shalt  }
0x60: {  	_ =	shalt  }
0x61: {  	_ =	shalt  }
0x62: {  	_ =	shalt  }
0x63: {  	_ =	shalt  }
0x64: {  	_ =	shalt  }
0x65: {  	_ =	shalt  }
0x66: {  	_ =	shalt  }
0x67: {  	_ =	shalt  }
0x68: {  	_ =	shalt  }
0x69: {  	_ =	shalt  }
0x6a: {  	_ =	shalt  }
0x6b: {  	_ =	shalt  }
0x6c: {  	_ =	shalt  }
0x6d: {  	_ =	shalt  }
0x6e: {  	_ =	shalt  }
0x6f: {  	_ =	shalt  }
0x70: {  	_ =	shalt  }
0x71: {  	_ =	shalt  }
0x72: {  	_ =	shalt  }
0x73: {  	_ =	shalt  }
0x74: {  	_ =	shalt  }
0x75: {  	_ =	shalt  }
0x76: {  	_ =	shalt  }
0x77: {  	_ =	shalt  }
0x78: {  	_ =	shalt  }
0x79: {  	_ =	shalt  }
0x7a: {  	_ =	shalt  }
0x7b: {  	_ =	shalt  }
0x7c: {  	_ =	shalt  }
0x7d: {  	_ =	shalt  }
0x7e: {  	_ =	shalt  }
0x7f: {  	_ =	shalt  }
0x80: {  	_ =	shalt  }
0x81: {  	_ =	shalt  }
0x82: {  	_ =	shalt  }
0x83: {  	_ =	shalt  }
0x84: {  	_ =	shalt  }
0x85: {  	_ =	shalt  }
0x86: {  	_ =	shalt  }
0x87: {  	_ =	shalt  }
.Lfunc_end0:
.L_simem_size_0:
called_computation.1_lowered:
.L_overlay_start_0:
0x88: {  	s2 =	sld [smem:$0x3FD9]  }
0x89: {  	s3 =	sld [smem:$0x3FFE];
	_ =	sdelay $0x1  }
0x8a: {  	s1 =	srdreg.scid  }
0x8b: {  	s0 =	sand.u32 $0x1, s1  }
0x8c: {  	s17 =	sshll.u32 s0, $0xA;
	s2 =	sadd.s32 s3, s2  }
0x8d: {  	s2 =	sadd.s32 s2, s17  }
0x8e: {  	[smem:$0x3FB9] =	sst s2  }
0x8f: {  	_ = 	snop  }
0x90: {  	s2 =	sld [smem:$0x3FD0];
	(tm) =	ssettm $0x1  }
0x91: {  	s18 =	sld [smem:$0x3FFB];
	_ =	sdelay $0x3  }
0x92: {  	_ =	strace s18  }
0x93: {  	s3 =	sld [smem:$0x3FFC];
	_ =	sdelay $0x3  }
0x94: {  	_ =	strace s3  }
0x95: {  	s3 =	sld [smem:$0x3FFD];
	_ =	sdelay $0x3  }
0x96: {  	_ =	strace s3  }
0x97: {  	_ =	strace $0x8FFFFFFF  }
0x98: {  	s19 =	sld [smem:$0x3FDB];
	_ =	sdelay $0x1  }
0x99: {  	s4 =	simm.s32 $_scs_section_size  }
0x9a: {  	s5 =	simm.s32 $_size__tile_overlayer_lowered;
	s6 =	simm.s32 $_tile_overlayer_lowered  }
0x9b: {  	s22 =	simm.s32 $0x1BFF;
	s21 =	sshll.u32 s6, $0x1;
	s3 =	sadd.s32 s4, s19  }
0x9c: {  	s7 =	simm.s32 $0x0;
	s20 =	sshll.u32 s5, $0x1;
	s5 =	sadd.s32 s21, s3  }
0x9d: {  	[timem:s7], [sflag:s22] =	dma.local [hbm:s5], s20  }
0x9e: {  	_ =	swait.ge [sflag:s22], s20  }
0x9f: {  	s4 =	ssub.s32 $0x0, s20;
	[sflag:s22] =	ssyncset.done $0x0  }
0xa0: {  	[sflag:s22] =	ssyncadd.s32 s4;
	_ =	sdelay $0x1  }
0xa1: {  	s23 =	simm.s32 $0x1B8B  }
0xa2: {  	_ =	swait.ge [sflag:s23], $0x1  }
0xa3: {  	[sflag:s23] =	ssyncset.done $0x0  }
0xa4: {  	s25 =	simm.s32 $0x1B8E;
	s24 =	sld [smem:$0x3FFE];
	[sflag:s23] =	ssyncadd.s32 $0xFFFFFFFF  }
0xa5: {  	s26 =	simm.s32 $execute0_lowered;
	[smem:$0x3FD2] =	sst s25  }
0xa6: {  	s5 =	sshll.u32 s26, $0x1;
	_ =	strace $0x80000046;
	[dreg:$0x1] =	wrdreg $0xFFFFFFFF  }
0xa7: {  	s28 =	simm.s32 $_size_execute0_lowered;
	s3 =	sadd.s32 s3, s5;
	[dreg:$0x0] =	wrdreg $0x0  }
0xa8: {  	s5 =	sshll.u32 s28, $0x1;
	[dreg:$0x2] =	wrdreg s3  }
0xa9: {  	[dreg:$0x3] =	wrdreg s5  }
0xaa: {  	[dreg:$0x4] =	wrdreg $0xC0  }
0xab: {  	_ =	task [dreg:s7], $0x5FFFF  }
0xac: {  	[dreg:$0x1] =	wrdreg $0xFFFFFFFF  }
0xad: {  	[dreg:$0x0] =	wrdreg $0x60  }
0xae: {  	[dreg:$0x2] =	wrdreg s2  }
0xaf: {  	[dreg:$0x3] =	wrdreg s24  }
0xb0: {  	[dreg:$0x4] =	wrdreg $0xA  }
0xb1: {  	_ =	task.clear_ibuf [dreg:s7], $0x5FFFF;
	_ =	strace $0x90000046  }
0xb2: {  	s29 =	simm.s32 $0xA;
	_ =	strace $0x80000048  }
0xb3: {  	_ =	swait.ge [sflag:s29], $0x1  }
0xb4: {  	[sflag:s29] =	ssyncadd.s32 $0xFFFFFFFF  }
0xb5: {  	_ =	strace $0x90000048  }
0xb6: {  	_ =	sfence  }
0xb7: {  	s30 =	sld [smem:$0x0];
	_ =	sdelay $0x2  }
0xb8: {  	s31 =	sshll.u32 s1, $0xD;
	s1 =	sshrl.u32 s1, $0x2  }
0xb9: {  	s3 =	sand.u32 $0x4000, s31;
	s1 =	sadd.s32 s1, s30  }
0xba: {  	s0 =	sor.u32 s3, s0;
	s1 =	sshll.u32 s1, $0x11  }
0xbb: {  	s0 =	sor.u32 s1, s0  }
0xbc: {  	s0 =	sadd.s32 $0x8F2B, s0  }
0xbd: {  	[sflag:s0] =	ssyncadd.remote.s32 $0x1  }
0xbe: {  	_ =	sfence.sel $0xFFFF  }
0xbf: {  	[dreg:$0x0] =	wrdreg $0xFFFFFFFF;
	(pc) =	sbr.abs _section_cstart, $3  }
0xc0: {  	[dreg:$0x1] =	wrdreg $0xFFFFFFFF  }
0xc1: {  	_ =	task.clear_ibuf [dreg:s7], $0x2FFFF;
	_ =	strace $0x9FFFFFFF  }
0xc2: {  	(tm) =	ssettm $0x7FFFFFFF  }
0xc3: {  	_ =	shalt  }
tec
execute0_lowered:
.L_overlay_start_1:
0x0: {  	(tag) =	ssettag $0x1  }
0x1: {  	s1 =	srdreg.scid;
	s2 =	rddreg [dreg:$0x0]  }
0x2: {  	s0 =	stileid.u32;
	s6 =	rddreg [dreg:$0x1];
	s3 =	simm.s32 $0x0  }
0x3: {  	s11 =	simm.s32 $0x5;
	s12 =	simm.s32 $0x2780;
	s13 =	simm.s32 $0x28  }
0x4: {  	s14 =	simm.s32 $0x4F00;
	s15 =	simm.s32 $0x7700;
	s16 =	simm.s32 $0x6300  }
0x5: {  	s17 =	simm.s32 $0x27A8;
	s18 =	simm.s32 $0x8B00;
	s19 =	simm.s32 $0x1  }
0x6: {  	s20 =	simm.s32 $0x9F00;
	s21 =	simm.s32 $0x2;
	s22 =	simm.s32 $0xB300  }
0x7: {  	s23 =	simm.s32 $0x3;
	s5 =	sand.u32 $0x1, s1;
	s30 =	sshll.u32 s0, $0x1  }
0x8: {  	s24 =	simm.s32 $0x4;
	s25 =	simm.s32 $0x0;
	s4 =	sor.u32 s5, s30  }
0x9: {  	[smem:$0x7FF] =	sst s3;
	s8 =	ssub.s32 $0x2, s5;
	s4 =	smul.u32 $0x2710, s4  }
0xa: {  	s1 =	rddreg [dreg:$0x2];
	_ =	strace $0x80000047;
	s31 =	sshrl.u32 s8, $0x1  }
0xb: {  	s5 =	sadd.s32 $0x40800, s6;
	s10 =	ssub.s32 s8, s31;
	s7 =	sshrl.u32 s4, $0x3  }
0xc: {  	s10 =	smax.u32 s10, $0x1;
	s9 =	sadd.s32 s7, s6;
	s6 =	sadd.s32 $0x68800, s6  }
0xd: {  	s7 =	sadd.s32 $0x4C00, s9;
	s8 =	sadd.s32 $0xEA00, s9;
	s9 =	sadd.s32 $0x28, s4  }
.LBB2_1:
0xe: {  	[tilespmem:s3], [sflag:$0x5] =	stream.linear.gather [hbm4b:s7+s3], $0x2710, $0x38;
	[tilespmem:$0xC700] =	vst v63  }
0xf: {  	_ =	swait.ge [sflag:s11], $0x2710  }
0x10: {  	[sflag:s11] =	ssyncset.done $0x0  }
0x11: {  	[sflag:s11] =	ssyncadd.s32 $0xFFFFD8F0  }
0x12: {  	[tilespmem:s12], [sflag:$0x5] =	stream.linear.gather [hbm4b:s8+s3], $0x2710, $0x38;
	[tilespmem:$0xC700] =	vst v63  }
0x13: {  	_ =	swait.ge [sflag:s11], $0x2710  }
0x14: {  	[sflag:s11] =	ssyncset.done $0x0  }
0x15: {  	[sflag:s11] =	ssyncadd.s32 $0xFFFFD8F0  }
0x16: {  	[tilespmem:s14], [sflag:$0x1] =	stream.indirect.gather [hbm4b:s2+s13], $0x80, s3, s13, $0xb8;
	[tilespmem:$0xC700] =	vst v63  }
0x17: {  	_ = 	snop  }
0x18: {  	[tilespmem:s15], [sflag:$0x1] =	stream.indirect.gather [hbm4b:s5+s13], $0x80, s12, s13, $0xb8;
	[tilespmem:$0xC700] =	vst v63  }
0x19: {  	_ = 	snop  }
0x1a: {  	[tilespmem:s16], [sflag:$0x2] =	stream.indirect.gather [hbm4b:s2+s13], $0x80, s13, s13, $0xb8;
	[tilespmem:$0xC700] =	vst v63  }
0x1b: {  	s26 =	simm.s32 $0x0  }
0x1c: {  	[tilespmem:s18], [sflag:$0x2] =	stream.indirect.gather [hbm4b:s5+s13], $0x80, s17, s13, $0xb8;
	[tilespmem:$0xC700] =	vst v63  }
.LBB2_2:
0x1d: {  	_ =	swait.ge [sflag:s19], $0x1400  }
0x1e: {  	[sflag:s19] =	ssyncset.done $0x0  }
0x1f: {  	[sflag:s19] =	ssyncadd.s32 $0xFFFFEC00  }
0x20: {  	_ =	swait.ge [sflag:s19], $0x1400  }
0x21: {  	p1 =	seq.s32 s26, $0x0;
	[sflag:s19] =	ssyncset.done $0x0  }
0x22: {  	s28 =	simm.s32 @!p1 $0x3;
	[sflag:s19] =	ssyncadd.s32 $0xFFFFEC00  }
0x23: {  	_ =	swait.ge @!p1 [sflag:s28], $0x1400  }
0x24: {  	[sflag:s28] =	ssyncset.done @!p1 $0x0  }
0x25: {  	[sflag:s28] =	ssyncadd.s32 @!p1 $0xFFFFEC00;
	s28 =	simm.s32 $0x0  }
0x26: {  	v0 =	vld [tilespmem:s28+$0x4F70]  }
0x27: {  	v1 =	vld [tilespmem:s28+$0x7770]  }
0x28: {  	v2 =	vld [tilespmem:s28+$0x4F00]  }
0x29: {  	v3 =	vld [tilespmem:s28+$0x7700]  }
0x2a: {  	v4 =	vld [tilespmem:s28+$0x4F10]  }
0x2b: {  	v5 =	vld [tilespmem:s28+$0x7710]  }
0x2c: {  	v6 =	vld [tilespmem:s28+$0x4F20]  }
0x2d: {  	v0 =	vsub.f32 v0, v1;
	v1 =	vld [tilespmem:s28+$0x7720]  }
0x2e: {  	v7 =	vld [tilespmem:s28+$0x4F30]  }
0x2f: {  	v8 =	vld [tilespmem:s28+$0x7730];
	v2 =	vsub.f32 v2, v3  }
0x30: {  	v9 =	vld [tilespmem:s28+$0x4F40];
	v0 =	vmax.f32 v0, $0.0e+00  }
0x31: {  	[tilespmem:s28+$0x9F70] =	vst v0;
	v0 =	vmax.f32 v2, $0.0e+00;
	v2 =	vsub.f32 v4, v5;
	v5 =	vld [tilespmem:s28+$0x7740]  }
0x32: {  	v3 =	vld [tilespmem:s28+$0x7750];
	v1 =	vsub.f32 v6, v1  }
0x33: {  	[tilespmem:s28+$0x9F00] =	vst v0;
	v0 =	vld [tilespmem:s28+$0x4F50];
	v2 =	vmax.f32 v2, $0.0e+00  }
0x34: {  	v4 =	vld [tilespmem:s28+$0x7760];
	v6 =	vsub.f32 v7, v8;
	[tilespmem:s28+$0x9F10] =	vst v2;
	v2 =	vmax.f32 v1, $0.0e+00  }
0x35: {  	s29 =	simm.s32 $0x80;
	v1 =	vld [tilespmem:s28+$0x4F60];
	[tilespmem:s28+$0x9F20] =	vst v2  }
0x36: {  	s30 =	simm.s32 $0x400;
	v6 =	vmax.f32 v6, $0.0e+00;
	v5 =	vsub.f32 v9, v5;
	v2 =	vld [tilespmem:s29+$0x4F70]  }
.LBB2_3:
0x37: {  	p0 =	sne.s32 s30, $0x4E00;
	v7 =	vld [tilespmem:s29+$0x7770];
	[tilespmem:s28+$0x9F30] =	vst v6  }
0x38: {  	v6 =	vld [tilespmem:s29+$0x4F00];
	v5 =	vmax.f32 v5, $0.0e+00;
	v0 =	vsub.f32 v0, v3  }
0x39: {  	v3 =	vld [tilespmem:s29+$0x7700];
	[tilespmem:s28+$0x9F40] =	vst v5  }
0x3a: {  	v5 =	vld [tilespmem:s29+$0x4F10];
	v0 =	vmax.f32 v0, $0.0e+00;
	v1 =	vsub.f32 v1, v4  }
0x3b: {  	v4 =	vld [tilespmem:s29+$0x7710];
	[tilespmem:s28+$0x9F50] =	vst v0  }
0x3c: {  	v0 =	vld [tilespmem:s29+$0x4F20];
	v2 =	vsub.f32 v2, v7;
	v1 =	vmax.f32 v1, $0.0e+00  }
0x3d: {  	v7 =	vld [tilespmem:s29+$0x7720];
	[tilespmem:s28+$0x9F60] =	vst v1;
	s28 =	smov.u32 s29  }
0x3e: {  	v1 =	vsub.f32 v6, v3;
	v6 =	vld [tilespmem:s28+$0x4F30];
	v2 =	vmax.f32 v2, $0.0e+00  }
0x3f: {  	v8 =	vld [tilespmem:s28+$0x7730];
	[tilespmem:s28+$0x9F70] =	vst v2  }
0x40: {  	v1 =	vmax.f32 v1, $0.0e+00;
	v2 =	vsub.f32 v5, v4;
	v5 =	vld [tilespmem:s28+$0x4F40]  }
0x41: {  	[tilespmem:s28+$0x9F00] =	vst v1;
	v9 =	vld [tilespmem:s28+$0x7740]  }
.Ltmp0:
0x42: {  	v1 =	vmax.f32 v2, $0.0e+00;
	v2 =	vsub.f32 v0, v7;
	v0 =	vld [tilespmem:s28+$0x4F50];
	(pc) =	sbr.rel @p0 .LBB2_3-.Ltmp0, $4  }
0x43: {  	[tilespmem:s28+$0x9F10] =	vst v1;
	v3 =	vld [tilespmem:s28+$0x7750]  }
0x44: {  	v2 =	vmax.f32 v2, $0.0e+00;
	v6 =	vsub.f32 v6, v8;
	v1 =	vld [tilespmem:s28+$0x4F60]  }
0x45: {  	s29 =	sshra.s32 s30, $0x2;
	[tilespmem:s28+$0x9F20] =	vst v2;
	v4 =	vld [tilespmem:s28+$0x7760]  }
0x46: {  	s30 =	sadd.s32 $0x200, s30;
	v2 =	vld [tilespmem:s29+$0x4F70];
	v6 =	vmax.f32 v6, $0.0e+00;
	v5 =	vsub.f32 v5, v9  }
0x47: {  	v7 =	vld [tilespmem:s29+$0x7770];
	[tilespmem:s28+$0x9F30] =	vst v6  }
0x48: {  	v6 =	vld [tilespmem:s29+$0x4F00];
	v5 =	vmax.f32 v5, $0.0e+00;
	v0 =	vsub.f32 v0, v3  }
0x49: {  	v8 =	vld [tilespmem:s29+$0x7700];
	[tilespmem:s28+$0x9F40] =	vst v5  }
0x4a: {  	v3 =	vld [tilespmem:s29+$0x4F10];
	v0 =	vmax.f32 v0, $0.0e+00;
	v1 =	vsub.f32 v1, v4  }
0x4b: {  	v5 =	vld [tilespmem:s29+$0x7710];
	[tilespmem:s28+$0x9F50] =	vst v0  }
0x4c: {  	v0 =	vld [tilespmem:s29+$0x4F20];
	v1 =	vmax.f32 v1, $0.0e+00  }
0x4d: {  	v4 =	vld [tilespmem:s29+$0x7720];
	v2 =	vsub.f32 v2, v7;
	[tilespmem:s28+$0x9F60] =	vst v1  }
0x4e: {  	v6 =	vsub.f32 v6, v8;
	v1 =	vld [tilespmem:s29+$0x4F30]  }
0x4f: {  	v2 =	vmax.f32 v2, $0.0e+00;
	v7 =	vld [tilespmem:s29+$0x7730]  }
0x50: {  	[tilespmem:s29+$0x9F70] =	vst v2;
	v2 =	vmax.f32 v6, $0.0e+00;
	v6 =	vld [tilespmem:s29+$0x4F40]  }
0x51: {  	v3 =	vsub.f32 v3, v5;
	v5 =	vld [tilespmem:s29+$0x4F50]  }
0x52: {  	[tilespmem:s29+$0x9F00] =	vst v2;
	v2 =	vld [tilespmem:s29+$0x7740];
	v0 =	vsub.f32 v0, v4  }
0x53: {  	v3 =	vmax.f32 v3, $0.0e+00;
	v4 =	vld [tilespmem:s29+$0x4F60]  }
0x54: {  	[tilespmem:s29+$0x9F10] =	vst v3;
	v3 =	vld [tilespmem:s29+$0x7750];
	v0 =	vmax.f32 v0, $0.0e+00  }
0x55: {  	[tilespmem:s29+$0x9F20] =	vst v0;
	v0 =	vld [tilespmem:s29+$0x7760];
	_ =	sdelay $0x1  }
0x56: {  	v1 =	vsub.f32 v1, v7  }
0x57: {  	v2 =	vsub.f32 v6, v2  }
0x58: {  	v1 =	vmax.f32 v1, $0.0e+00;
	v3 =	vsub.f32 v5, v3  }
0x59: {  	p0 =	seq.s32 s26, $0x7C;
	[tilespmem:s29+$0x9F30] =	vst v1;
	v1 =	vmax.f32 v2, $0.0e+00;
	v0 =	vsub.f32 v4, v0  }
0x5a: {  	s28 =	smul.u32 @!p0 $0x50, s26;
	[tilespmem:s29+$0x9F40] =	vst v1;
	v1 =	vmax.f32 v3, $0.0e+00  }
0x5b: {  	[tilespmem:s29+$0x9F50] =	vst v1;
	v0 =	vmax.f32 v0, $0.0e+00  }
0x5c: {  	s30 =	simm.s32 @!p0 $0x28;
	s31 =	simm.s32 @!p0 $0x4F00;
	[tilespmem:s29+$0x9F60] =	vst v0;
	s29 =	sadd.s32 @!p0 $0x50, s28  }
0x5d: {  	[tilespmem:s31], [sflag:$0x1] =	stream.indirect.gather @!p0 [hbm4b:s2+s30], $0x80, s29, s30, $0xb8;
	[tilespmem:$0xC700] =	vst v63  }
0x5e: {  	s29 =	sadd.s32 @!p0 $0x27D0, s28;
	s31 =	simm.s32 @!p0 $0x7700;
	s28 =	simm.s32 @p0 $0x26C0  }
0x5f: {  	[tilespmem:s31], [sflag:$0x1] =	stream.indirect.gather @!p0 [hbm4b:s5+s30], $0x80, s29, s30, $0xb8;
	[tilespmem:$0xC700] =	vst v63  }
0x60: {  	s29 =	sadd.s32 s4, s28  }
0x61: {  	s29 =	sshll.u32 s29, $0x4  }
0x62: {  	s29 =	sadd.s32 s6, s29  }
0x63: {  	[hbm4b:s29+s3] =	stream.linear.scatter [tilespmem:s20], [sflag:$0x3], $0x1400, $0x38;
	[tilespmem:$0xC700] =	vst v63  }
0x64: {  	_ =	swait.ge [sflag:s21], $0x1400  }
0x65: {  	[sflag:s21] =	ssyncset.done $0x0  }
0x66: {  	[sflag:s21] =	ssyncadd.s32 $0xFFFFEC00  }
0x67: {  	_ =	swait.ge [sflag:s21], $0x1400  }
0x68: {  	[sflag:s21] =	ssyncset.done $0x0  }
0x69: {  	s29 =	simm.s32 @!p1 $0x4;
	[sflag:s21] =	ssyncadd.s32 $0xFFFFEC00  }
0x6a: {  	_ =	swait.ge @!p1 [sflag:s29], $0x1400  }
0x6b: {  	[sflag:s29] =	ssyncset.done @!p1 $0x0  }
0x6c: {  	[sflag:s29] =	ssyncadd.s32 @!p1 $0xFFFFEC00;
	s29 =	simm.s32 $0x0  }
0x6d: {  	v0 =	vld [tilespmem:s29+$0x6370]  }
0x6e: {  	v1 =	vld [tilespmem:s29+$0x8B70]  }
0x6f: {  	v2 =	vld [tilespmem:s29+$0x6300]  }
0x70: {  	v3 =	vld [tilespmem:s29+$0x8B00]  }
0x71: {  	v4 =	vld [tilespmem:s29+$0x6310]  }
0x72: {  	v5 =	vld [tilespmem:s29+$0x8B10]  }
0x73: {  	v6 =	vld [tilespmem:s29+$0x6320]  }
0x74: {  	v0 =	vsub.f32 v0, v1;
	v1 =	vld [tilespmem:s29+$0x8B20]  }
0x75: {  	v7 =	vld [tilespmem:s29+$0x6330]  }
0x76: {  	v8 =	vld [tilespmem:s29+$0x8B30];
	v2 =	vsub.f32 v2, v3  }
0x77: {  	v9 =	vld [tilespmem:s29+$0x6340];
	v0 =	vmax.f32 v0, $0.0e+00  }
0x78: {  	[tilespmem:s29+$0xB370] =	vst v0;
	v0 =	vmax.f32 v2, $0.0e+00;
	v2 =	vsub.f32 v4, v5;
	v5 =	vld [tilespmem:s29+$0x8B40]  }
0x79: {  	v3 =	vld [tilespmem:s29+$0x8B50];
	v1 =	vsub.f32 v6, v1  }
0x7a: {  	[tilespmem:s29+$0xB300] =	vst v0;
	v0 =	vld [tilespmem:s29+$0x6350];
	v2 =	vmax.f32 v2, $0.0e+00  }
0x7b: {  	v4 =	vld [tilespmem:s29+$0x8B60];
	v6 =	vsub.f32 v7, v8;
	[tilespmem:s29+$0xB310] =	vst v2;
	v2 =	vmax.f32 v1, $0.0e+00  }
0x7c: {  	s30 =	simm.s32 $0x80;
	v1 =	vld [tilespmem:s29+$0x6360];
	[tilespmem:s29+$0xB320] =	vst v2  }
0x7d: {  	s31 =	simm.s32 $0x400;
	v6 =	vmax.f32 v6, $0.0e+00;
	v5 =	vsub.f32 v9, v5;
	v2 =	vld [tilespmem:s30+$0x6370]  }
.LBB2_5:
0x7e: {  	p1 =	sne.s32 s31, $0x4E00;
	v7 =	vld [tilespmem:s30+$0x8B70];
	[tilespmem:s29+$0xB330] =	vst v6  }
0x7f: {  	v6 =	vld [tilespmem:s30+$0x6300];
	v5 =	vmax.f32 v5, $0.0e+00;
	v0 =	vsub.f32 v0, v3  }
0x80: {  	v3 =	vld [tilespmem:s30+$0x8B00];
	[tilespmem:s29+$0xB340] =	vst v5  }
0x81: {  	v5 =	vld [tilespmem:s30+$0x6310];
	v0 =	vmax.f32 v0, $0.0e+00;
	v1 =	vsub.f32 v1, v4  }
0x82: {  	v4 =	vld [tilespmem:s30+$0x8B10];
	[tilespmem:s29+$0xB350] =	vst v0  }
0x83: {  	v0 =	vld [tilespmem:s30+$0x6320];
	v2 =	vsub.f32 v2, v7;
	v1 =	vmax.f32 v1, $0.0e+00  }
0x84: {  	v7 =	vld [tilespmem:s30+$0x8B20];
	[tilespmem:s29+$0xB360] =	vst v1;
	s29 =	smov.u32 s30  }
0x85: {  	v1 =	vsub.f32 v6, v3;
	v6 =	vld [tilespmem:s29+$0x6330];
	v2 =	vmax.f32 v2, $0.0e+00  }
0x86: {  	v8 =	vld [tilespmem:s29+$0x8B30];
	[tilespmem:s29+$0xB370] =	vst v2  }
0x87: {  	v1 =	vmax.f32 v1, $0.0e+00;
	v2 =	vsub.f32 v5, v4;
	v5 =	vld [tilespmem:s29+$0x6340]  }
0x88: {  	[tilespmem:s29+$0xB300] =	vst v1;
	v9 =	vld [tilespmem:s29+$0x8B40]  }
.Ltmp1:
0x89: {  	v1 =	vmax.f32 v2, $0.0e+00;
	v2 =	vsub.f32 v0, v7;
	v0 =	vld [tilespmem:s29+$0x6350];
	(pc) =	sbr.rel @p1 .LBB2_5-.Ltmp1, $4  }
0x8a: {  	[tilespmem:s29+$0xB310] =	vst v1;
	v3 =	vld [tilespmem:s29+$0x8B50]  }
0x8b: {  	v2 =	vmax.f32 v2, $0.0e+00;
	v6 =	vsub.f32 v6, v8;
	v1 =	vld [tilespmem:s29+$0x6360]  }
0x8c: {  	s30 =	sshra.s32 s31, $0x2;
	[tilespmem:s29+$0xB320] =	vst v2;
	v4 =	vld [tilespmem:s29+$0x8B60]  }
0x8d: {  	s31 =	sadd.s32 $0x200, s31;
	v2 =	vld [tilespmem:s30+$0x6370];
	v6 =	vmax.f32 v6, $0.0e+00;
	v5 =	vsub.f32 v5, v9  }
0x8e: {  	v7 =	vld [tilespmem:s30+$0x8B70];
	[tilespmem:s29+$0xB330] =	vst v6  }
0x8f: {  	v6 =	vld [tilespmem:s30+$0x6300];
	v5 =	vmax.f32 v5, $0.0e+00;
	v0 =	vsub.f32 v0, v3  }
0x90: {  	v8 =	vld [tilespmem:s30+$0x8B00];
	[tilespmem:s29+$0xB340] =	vst v5  }
0x91: {  	v52 =	vld [tilespmem:s30+$0x6310];
	v0 =	vmax.f32 v0, $0.0e+00;
	v1 =	vsub.f32 v1, v4  }
0x92: {  	v5 =	vld [tilespmem:s30+$0x8B10];
	[tilespmem:s29+$0xB350] =	vst v0  }
0x93: {  	v0 =	vld [tilespmem:s30+$0x6320];
	v1 =	vmax.f32 v1, $0.0e+00  }
0x94: {  	v53 =	vld [tilespmem:s30+$0x8B20];
	[tilespmem:s29+$0xB360] =	vst v1  }
0x95: {  	v1 =	vld [tilespmem:s30+$0x6330]  }
0x96: {  	v54 =	vld [tilespmem:s30+$0x8B30]  }
0x97: {  	v56 =	vld [tilespmem:s30+$0x6340]  }
0x98: {  	v57 =	vld [tilespmem:s30+$0x8B40]  }
0x99: {  	v58 =	vld [tilespmem:s30+$0x6350]  }
0x9a: {  	v2 =	vsub.f32 v2, v7;
	v59 =	vld [tilespmem:s30+$0x8B50]  }
0x9b: {  	v6 =	vsub.f32 v6, v8;
	v60 =	vld [tilespmem:s30+$0x6360]  }
0x9c: {  	v2 =	vmax.f32 v2, $0.0e+00;
	v61 =	vld [tilespmem:s30+$0x8B60];
	v3 =	vsub.f32 v52, v5  }
0x9d: {  	[tilespmem:s30+$0xB370] =	vst v2;
	v55 =	vmax.f32 v6, $0.0e+00;
	v0 =	vsub.f32 v0, v53  }
0x9e: {  	[tilespmem:s30+$0xB300] =	vst v55;
	v3 =	vmax.f32 v3, $0.0e+00;
	v1 =	vsub.f32 v1, v54  }
0x9f: {  	[tilespmem:s30+$0xB310] =	vst v3;
	v0 =	vmax.f32 v0, $0.0e+00;
	v2 =	vsub.f32 v56, v57  }
0xa0: {  	v3 =	vsub.f32 v58, v59;
	[tilespmem:s30+$0xB320] =	vst v0;
	v1 =	vmax.f32 v1, $0.0e+00  }
0xa1: {  	v0 =	vsub.f32 v60, v61;
	v62 =	vmax.f32 v2, $0.0e+00;
	[tilespmem:s30+$0xB330] =	vst v1  }
0xa2: {  	v63 =	vmax.f32 v3, $0.0e+00;
	[tilespmem:s30+$0xB340] =	vst v62  }
0xa3: {  	[tilespmem:s30+$0xB350] =	vst v63;
	v0 =	vmax.f32 v0, $0.0e+00  }
0xa4: {  	s31 =	simm.s32 @!p0 $0x6300;
	s29 =	sadd.s32 @!p0 $0x78, s28;
	[tilespmem:s30+$0xB360] =	vst v0;
	s30 =	simm.s32 @!p0 $0x28  }
0xa5: {  	[tilespmem:s31], [sflag:$0x2] =	stream.indirect.gather @!p0 [hbm4b:s2+s30], $0x80, s29, s30, $0xb8;
	[tilespmem:$0xC700] =	vst v63  }
0xa6: {  	s26 =	sadd.s32 $0x1, s26;
	s29 =	sadd.s32 @!p0 $0x27F8, s28;
	s31 =	simm.s32 @!p0 $0x8B00  }
0xa7: {  	[tilespmem:s31], [sflag:$0x2] =	stream.indirect.gather @!p0 [hbm4b:s5+s30], $0x80, s29, s30, $0xb8;
	[tilespmem:$0xC700] =	vst v63  }
0xa8: {  	p0 =	sne.s32 s26, $0x7D  }
.Ltmp2:
0xa9: {  	_ = 	snop;
	(pc) =	sbr.rel @p0 .LBB2_2-.Ltmp2, $4  }
0xaa: {  	s31 =	sadd.s32 s28, s9  }
0xab: {  	s28 =	sshll.u32 s31, $0x4  }
0xac: {  	s28 =	sadd.s32 s6, s28  }
0xad: {  	[hbm4b:s28+s3] =	stream.linear.scatter [tilespmem:s22], [sflag:$0x4], $0x1400, $0x38;
	[tilespmem:$0xC700] =	vst v63  }
0xae: {  	s25 =	sadd.s32 $0x1, s25  }
0xaf: {  	_ =	swait.ge [sflag:s23], $0x1400;
	p0 =	sne.s32 s25, s10  }
.Ltmp3:
0xb0: {  	[sflag:s23] =	ssyncset.done $0x0;
	(pc) =	sbr.rel @p0 .LBB2_1-.Ltmp3, $4  }
0xb1: {  	[sflag:s23] =	ssyncadd.s32 $0xFFFFEC00  }
0xb2: {  	_ =	swait.ge [sflag:s24], $0x1400  }
0xb3: {  	[sflag:s24] =	ssyncset.done $0x0  }
0xb4: {  	[sflag:s24] =	ssyncadd.s32 $0xFFFFEC00  }
0xb5: {  	_ =	sfence.sel $0x180000  }
0xb6: {  	[bflag:$0x0] =	sbarrier.arrive $0xFFFF  }
0xb7: {  	p0 =	sne.s32 s0, $0x0;
	_ =	strace $0x90000047  }
0xb8: {  	s0 =	sadd.s32 @!p0 $0x100000, s1;
	[bflag:$0x2] =	sbarrier.arrive $0xFFFF  }
0xb9: {  	[sflag:s0] =	ssyncadd.tile.s32 @!p0 $0x1;
	_ =	shalt  }
.Lfunc_end2:
_tile_overlayer_lowered:
.L_overlay_start_2:
0xba: {  	(tag) =	ssettag $0x2  }
0xbb: {  	s0 =	rddreg [dreg:$0x0];
	s2 =	stileid.u32  }
0xbc: {  	s1 =	rddreg [dreg:$0x1];
	p0 =	sne.s32 s2, $0x0  }
0xbd: {  	s3 =	rddreg [dreg:$0x2];
	[bflag:$0x3] =	sbarrier.arrive $0xFFFF;
	s2 =	simm.s32 @!p0 $0x1C05  }
0xbe: {  	[timem:s3], [sflag:s2] =	dma.local @!p0 [hbm:s0], s1  }
0xbf: {  	s0 =	simm.s32 @!p0 $0x5  }
0xc0: {  	_ =	swait.ge @!p0 [sflag:s0], s1  }
0xc1: {  	s1 =	ssub.s32 @!p0 $0x0, s1;
	[sflag:s0] =	ssyncset.done @!p0 $0x0  }
0xc2: {  	[sflag:s0] =	ssyncadd.s32 @!p0 s1  }
0xc3: {  	[bflag:$0x3] =	sbarrier.arrive $0xFFFF  }
0xc4: {  	_ =	shalt  }

// kernel: kernel.18.cloned.1.call-start
scs
__scs_entry_jumppad:
0x0: {  	(pc) =	sbr.rel $0x88, $3  }
0x1: {  	(tag) =	ssettag $0x0;
	lr =	simm.s32 $0x1  }
0x2: {  	[smem:$0x3F92] =	sst lr;
	_ =	strace $0xD0000000  }
0x3: {  	_ = 	snop  }
0x4: {  	_ = 	snop  }
0x5: {  	_ = 	snop  }
0x6: {  	_ = 	snop  }
0x7: {  	_ = 	snop  }
__scs_overlays_trampoline_lowered:
0x8: {  	[smem:$0x3FA1] =	sst s0  }
0x9: {  	[smem:$0x3FA2] =	sst s1  }
0xa: {  	[smem:$0x3FA3] =	sst s2  }
0xb: {  	[smem:$0x3FA4] =	sst s3  }
0xc: {  	[smem:$0x3FA5] =	sst s4  }
0xd: {  	[smem:$0x3FA6] =	sst s5  }
0xe: {  	[smem:$0x3FA7] =	sst s6  }
0xf: {  	[smem:$0x3FA8] =	sst s7  }
0x10: {  	[smem:$0x3FA9] =	sst s8  }
0x11: {  	[smem:$0x3FAA] =	sst s9;
	s0 =	simm.s32 @!p0 $0x0  }
0x12: {  	s1 =	sld [smem:$0x3F90];
	s0 =	simm.s32 @p0 $0x1  }
0x13: {  	[smem:$0x3FAB] =	sst s0;
	s0 =	simm.s32 @!p1 $0x0  }
0x14: {  	s2 =	sld [smem:$0x3F8F];
	s0 =	simm.s32 @p1 $0x1  }
0x15: {  	[smem:$0x3FAC] =	sst s0;
	s0 =	simm.s32 @!p2 $0x0  }
0x16: {  	s3 =	sld [smem:$0x3FDB];
	s0 =	simm.s32 @p2 $0x1  }
0x17: {  	s4 =	simm.s32 $0x1BF5;
	[smem:$0x3FAE] =	sst s0  }
0x18: {  	s0 =	sld [smem:$0x3F91];
	_ =	swait.ge [sflag:s4], $0x0  }
0x19: {  	s7 =	sld [smem:$0x3F92]  }
0x1a: {  	s8 =	sadd.s32 $0xFFFFE003, lr  }
0x1b: {  	s9 =	sadd.s32 $0xFFFFFEF7, lr;
	s5 =	simm.s32 $0xFFFFFFFF;
	p2 =	slt.u32 s8, $0xFFFFF086  }
0x1c: {  	p1 =	slt.u32 s9, $0xF7A;
	s5 =	simm.s32 @!p2 $0x0  }
0x1d: {  	s5 =	simm.s32 @p1 $0x1;
	p0 =	seq.s32 s7, s2  }
0x1e: {  	s7 =	smul.u32 @!p0 $0xF7A, s2;
	p2 =	seq.s32 @!p0 s5, $0x0  }
0x1f: {  	s9 =	smul.u32 $0xF7A, s1;
	s8 =	simm.s32 @!p0 $0x1BF5;
	p2 =	por !p2, p0  }
0x20: {  	[sflag:s8] =	ssyncset.s32 @!p0 $0xFFFFF086;
	s6 =	sadd.s32 @!p0 s3, s7;
	s7 =	simm.s32 @!p0 $0x108  }
0x21: {  	s3 =	sadd.s32 s3, s9;
	s6 =	sadd.s32 @!p0 $0x88, s6;
	s7 =	simm.s32 @p2 $0x1082  }
0x22: {  	[simem:s7], [sflag:s8] =	dma.local @!p0 [hbm:s6], $0xF7A  }
0x23: {  	s9 =	sor.u32 $0xD0000000, s2;
	s6 =	simm.s32 $0x108;
	_ =	swait.ge @!p0 [sflag:s8], $0x0  }
0x24: {  	s3 =	sadd.s32 $0x88, s3;
	s6 =	simm.s32 @!p1 $0x1082;
	[sflag:s4] =	ssyncset.s32 $0xFFFFF086  }
0x25: {  	[simem:s6], [sflag:s4] =	dma.local [hbm:s3], $0xF7A  }
0x26: {  	[smem:$0x3F92] =	sst s1;
	(tag) =	ssettag s2;
	_ =	strace s9  }
0x27: {  	s1 =	sld [smem:$0x3FA2]  }
0x28: {  	s2 =	sld [smem:$0x3FA3]  }
0x29: {  	s4 =	sld [smem:$0x3FA5]  }
0x2a: {  	p0 =	seq.s32 s5, $0x0;
	s5 =	sld [smem:$0x3FA6]  }
0x2b: {  	s6 =	sld [smem:$0x3FA7]  }
0x2c: {  	s7 =	sld [smem:$0x3FA8]  }
0x2d: {  	s3 =	simm.s32 $0x108;
	s8 =	sld [smem:$0x3FA9]  }
0x2e: {  	s3 =	simm.s32 @!p0 $0x1082;
	s9 =	sld [smem:$0x3FAA]  }
0x2f: {  	lr =	sadd.s32 s0, s3;
	s0 =	sld [smem:$0x3FA1]  }
0x30: {  	s3 =	sld [smem:$0x3FA4]  }
0x31: {  	[smem:$0x3FAD] =	sst s10  }
0x32: {  	s10 =	sld [smem:$0x3FAB];
	_ =	sdelay $0x3  }
0x33: {  	p0 =	seq.s32 s10, $0x1;
	s10 =	sld [smem:$0x3FAD];
	_ =	sdelay $0x3  }
0x34: {  	[smem:$0x3FAD] =	sst s10  }
0x35: {  	s10 =	sld [smem:$0x3FAC];
	_ =	sdelay $0x3  }
0x36: {  	p1 =	seq.s32 s10, $0x1;
	s10 =	sld [smem:$0x3FAD];
	_ =	sdelay $0x3  }
0x37: {  	[smem:$0x3FAD] =	sst s10  }
0x38: {  	s10 =	sld [smem:$0x3FAE]  }
0x39: {  	_ = 	snop;
	(pc) =	sbr.ind lr, $3  }
0x3a: {  	_ = 	snop  }
0x3b: {  	_ = 	snop  }
0x3c: {  	p2 =	seq.s32 s10, $0x1;
	s10 =	sld [smem:$0x3FAD]  }
0x3d: {  	_ =	shalt  }
0x3e: {  	_ =	shalt  }
0x3f: {  	_ =	shalt  }
0x40: {  	_ =	shalt  }
0x41: {  	_ =	shalt  }
0x42: {  	_ =	shalt  }
0x43: {  	_ =	shalt  }
0x44: {  	_ =	shalt  }
0x45: {  	_ =	shalt  }
0x46: {  	_ =	shalt  }
0x47: {  	_ =	shalt  }
0x48: {  	_ =	shalt  }
0x49: {  	_ =	shalt  }
0x4a: {  	_ =	shalt  }
0x4b: {  	_ =	shalt  }
0x4c: {  	_ =	shalt  }
0x4d: {  	_ =	shalt  }
0x4e: {  	_ =	shalt  }
0x4f: {  	_ =	shalt  }
0x50: {  	_ =	shalt  }
0x51: {  	_ =	shalt  }
0x52: {  	_ =	shalt  }
0x53: {  	_ =	shalt  }
0x54: {  	_ =	shalt  }
0x55: {  	_ =	shalt  }
0x56: {  	_ =	shalt  }
0x57: {  	_ =	shalt  }
0x58: {  	_ =	shalt  }
0x59: {  	_ =	shalt  }
0x5a: {  	_ =	shalt  }
0x5b: {  	_ =	shalt  }
0x5c: {  	_ =	shalt  }
0x5d: {  	_ =	shalt  }
0x5e: {  	_ =	shalt  }
0x5f: {  	_ =	shalt  }
0x60: {  	_ =	shalt  }
0x61: {  	_ =	shalt  }
0x62: {  	_ =	shalt  }
0x63: {  	_ =	shalt  }
0x64: {  	_ =	shalt  }
0x65: {  	_ =	shalt  }
0x66: {  	_ =	shalt  }
0x67: {  	_ =	shalt  }
0x68: {  	_ =	shalt  }
0x69: {  	_ =	shalt  }
0x6a: {  	_ =	shalt  }
0x6b: {  	_ =	shalt  }
0x6c: {  	_ =	shalt  }
0x6d: {  	_ =	shalt  }
0x6e: {  	_ =	shalt  }
0x6f: {  	_ =	shalt  }
0x70: {  	_ =	shalt  }
0x71: {  	_ =	shalt  }
0x72: {  	_ =	shalt  }
0x73: {  	_ =	shalt  }
0x74: {  	_ =	shalt  }
0x75: {  	_ =	shalt  }
0x76: {  	_ =	shalt  }
0x77: {  	_ =	shalt  }
0x78: {  	_ =	shalt  }
0x79: {  	_ =	shalt  }
0x7a: {  	_ =	shalt  }
0x7b: {  	_ =	shalt  }
0x7c: {  	_ =	shalt  }
0x7d: {  	_ =	shalt  }
0x7e: {  	_ =	shalt  }
0x7f: {  	_ =	shalt  }
0x80: {  	_ =	shalt  }
0x81: {  	_ =	shalt  }
0x82: {  	_ =	shalt  }
0x83: {  	_ =	shalt  }
0x84: {  	_ =	shalt  }
0x85: {  	_ =	shalt  }
0x86: {  	_ =	shalt  }
0x87: {  	_ =	shalt  }
.Lfunc_end0:
.L_simem_size_0:
called_computation.2_lowered:
.L_overlay_start_0:
0x88: {  	s2 =	sld [smem:$0x3FD9]  }
0x89: {  	s3 =	sld [smem:$0x3FFE];
	_ =	sdelay $0x1  }
0x8a: {  	s1 =	srdreg.scid  }
0x8b: {  	s0 =	sand.u32 $0x1, s1  }
0x8c: {  	s16 =	sshll.u32 s0, $0xA;
	s2 =	sadd.s32 s3, s2  }
0x8d: {  	s2 =	sadd.s32 s2, s16  }
0x8e: {  	[smem:$0x3FB9] =	sst s2  }
0x8f: {  	_ = 	snop  }
0x90: {  	(tm) =	ssettm $0x1  }
0x91: {  	s17 =	sld [smem:$0x3FFB];
	_ =	sdelay $0x3  }
0x92: {  	_ =	strace s17  }
0x93: {  	s2 =	sld [smem:$0x3FFC];
	_ =	sdelay $0x3  }
0x94: {  	_ =	strace s2  }
0x95: {  	s2 =	sld [smem:$0x3FFD];
	_ =	sdelay $0x3  }
0x96: {  	_ =	strace s2  }
0x97: {  	_ =	strace $0x8FFFFFFF  }
0x98: {  	s18 =	sld [smem:$0x3FDB];
	_ =	sdelay $0x1  }
0x99: {  	s19 =	simm.s32 $_scs_section_size  }
0x9a: {  	s4 =	simm.s32 $_size__tile_overlayer_lowered;
	s5 =	simm.s32 $_tile_overlayer_lowered  }
0x9b: {  	s22 =	simm.s32 $0x1BFF;
	s21 =	sshll.u32 s5, $0x1;
	s2 =	sadd.s32 s19, s18  }
0x9c: {  	s6 =	simm.s32 $0x0;
	s20 =	sshll.u32 s4, $0x1;
	s4 =	sadd.s32 s21, s2  }
0x9d: {  	[timem:s6], [sflag:s22] =	dma.local [hbm:s4], s20  }
0x9e: {  	_ =	swait.ge [sflag:s22], s20  }
0x9f: {  	s3 =	ssub.s32 $0x0, s20;
	[sflag:s22] =	ssyncset.done $0x0  }
0xa0: {  	[sflag:s22] =	ssyncadd.s32 s3;
	_ =	sdelay $0x1  }
0xa1: {  	s23 =	simm.s32 $0x1B8B  }
0xa2: {  	_ =	swait.ge [sflag:s23], $0x1  }
0xa3: {  	[sflag:s23] =	ssyncset.done $0x0  }
0xa4: {  	s25 =	simm.s32 $0x1B8E;
	s24 =	sld [smem:$0x3FFE];
	[sflag:s23] =	ssyncadd.s32 $0xFFFFFFFF  }
0xa5: {  	s26 =	simm.s32 $execute0_lowered;
	[smem:$0x3FD2] =	sst s25  }
0xa6: {  	s4 =	sshll.u32 s26, $0x1;
	_ =	strace $0x8000004C;
	[dreg:$0x1] =	wrdreg $0xFFFFFFFF  }
0xa7: {  	s28 =	simm.s32 $_size_execute0_lowered;
	s2 =	sadd.s32 s2, s4;
	[dreg:$0x0] =	wrdreg $0x0  }
0xa8: {  	s4 =	sshll.u32 s28, $0x1;
	[dreg:$0x2] =	wrdreg s2  }
0xa9: {  	[dreg:$0x3] =	wrdreg s4  }
0xaa: {  	[dreg:$0x4] =	wrdreg $0xC0  }
0xab: {  	_ =	task [dreg:s6], $0x5FFFF  }
0xac: {  	[dreg:$0x1] =	wrdreg $0xFFFFFFFF  }
0xad: {  	[dreg:$0x0] =	wrdreg $0x60  }
0xae: {  	[dreg:$0x2] =	wrdreg s24  }
0xaf: {  	[dreg:$0x3] =	wrdreg $0x9  }
0xb0: {  	_ =	task.clear_ibuf [dreg:s6], $0x4FFFF;
	_ =	strace $0x9000004C  }
0xb1: {  	s29 =	simm.s32 $0x9;
	_ =	strace $0x8000004E  }
0xb2: {  	_ =	swait.ge [sflag:s29], $0x1  }
0xb3: {  	[sflag:s29] =	ssyncadd.s32 $0xFFFFFFFF  }
0xb4: {  	_ =	strace $0x9000004E  }
0xb5: {  	_ =	sfence  }
0xb6: {  	s30 =	sld [smem:$0x0];
	_ =	sdelay $0x2  }
0xb7: {  	s31 =	sshll.u32 s1, $0xD;
	s1 =	sshrl.u32 s1, $0x2  }
0xb8: {  	s3 =	sand.u32 $0x4000, s31;
	s1 =	sadd.s32 s1, s30  }
0xb9: {  	s0 =	sor.u32 s3, s0;
	s1 =	sshll.u32 s1, $0x11  }
0xba: {  	s0 =	sor.u32 s1, s0  }
0xbb: {  	s0 =	sadd.s32 $0x8F2B, s0  }
0xbc: {  	[sflag:s0] =	ssyncadd.remote.s32 $0x1  }
0xbd: {  	_ =	sfence.sel $0xFFFF  }
0xbe: {  	[dreg:$0x0] =	wrdreg $0xFFFFFFFF;
	(pc) =	sbr.abs _section_cstart, $3  }
0xbf: {  	[dreg:$0x1] =	wrdreg $0xFFFFFFFF  }
0xc0: {  	_ =	task.clear_ibuf [dreg:s6], $0x2FFFF;
	_ =	strace $0x9FFFFFFF  }
0xc1: {  	(tm) =	ssettm $0x7FFFFFFF  }
tec
execute0_lowered:
.L_overlay_start_1:
0x0: {  	(tag) =	ssettag $0x1  }
0x1: {  	s0 =	rddreg [dreg:$0x0];
	s2 =	simm.s32 $0x0  }
0x2: {  	s1 =	srdreg.scid;
	s8 =	stileid.u32;
	s17 =	simm.s32 $0x2D00  }
0x3: {  	s18 =	simm.s32 $0x280;
	s19 =	simm.s32 $0x1900;
	s20 =	simm.s32 $0x2D80  }
0x4: {  	s21 =	simm.s32 $0x1;
	s22 =	simm.s32 $0x2E00;
	s7 =	smul.u32 $0x14000, s8  }
0x5: {  	[smem:$0x7FF] =	sst s2;
	s1 =	sand.u32 $0x1, s1;
	s11 =	smul.u32 $0x271000, s8  }
0x6: {  	s10 =	sadd.s32 $0x555200, s0;
	s4 =	sadd.s32 $0xEA00, s0;
	s6 =	smul.u32 $0x140000, s1  }
0x7: {  	s5 =	sadd.s32 $0x554800, s0;
	s23 =	ssub.s32 $0x2, s1;
	s24 =	smul.u32 $0x138800, s1  }
0x8: {  	_ =	strace $0x8000004D;
	s3 =	smul.u32 $0x27100, s1;
	s12 =	sshrl.u32 s23, $0x1  }
0x9: {  	s6 =	sadd.s32 s7, s6;
	s25 =	ssub.s32 s23, s12;
	s26 =	sadd.s32 s24, s11  }
0xa: {  	s28 =	sshrl.u32 s3, $0x3;
	s31 =	sadd.s32 $0x280, s3;
	s11 =	sshrl.u32 s11, $0x3  }
0xb: {  	s23 =	simm.s32 $0x2;
	s24 =	simm.s32 $0x3;
	s9 =	sshrl.u32 s6, $0x3  }
0xc: {  	s6 =	smul.u32 $0x2710, s1;
	s29 =	sshrl.u32 s26, $0x3;
	s7 =	sadd.s32 s4, s28  }
.Ltmp0:
0xd: {  	s14 =	sshrl.u32 s31, $0x3;
	s15 =	smax.u32 s25, $0x1;
	(pc) =	sbr.rel .LBB2_1-.Ltmp0, $4  }
0xe: {  	s25 =	simm.s32 $0x0;
	s0 =	sadd.s32 s9, s0;
	s8 =	sadd.s32 s10, s29  }
0xf: {  	s10 =	sadd.s32 s10, s11;
	s11 =	sadd.s32 s4, s14;
	s13 =	sadd.s32 $0x28, s6  }
0x10: {  	s30 =	sshrl.u32 s6, $0x3;
	s12 =	sadd.s32 s31, s10;
	s13 =	sshrl.u32 s13, $0x3  }
0x11: {  	v0 =	vimm.f32 $0.0e+00;
	s14 =	sadd.s32 $0x40800, s0;
	s9 =	sadd.s32 s5, s30;
	s13 =	sadd.s32 s5, s13  }
.LBB2_30:
0x12: {  	s25 =	sadd.s32 $0x1, s25  }
0x13: {  	p0 =	sne.s32 s25, s15  }
.Ltmp1:
0x14: {  	_ = 	snop;
	(pc) =	sbr.rel @!p0 .LBB2_31-.Ltmp1, $4  }
0x15: {  	[hbm4b:s14+s2] =	stream.linear.scatter [tilespmem:s22], [sflag:$0x3], $0x14000, $0x38;
	[tilespmem:$0x16E00] =	vst v63  }
0x16: {  	_ =	swait.ge [sflag:s24], $0x14000  }
0x17: {  	[sflag:s24] =	ssyncset.done $0x0  }
0x18: {  	[sflag:s24] =	ssyncadd.s32 $0xFFFEC000  }
.LBB2_1:
0x19: {  	s0 =	sand.u32 $0x70, s2;
	s1 =	sand.u32 $0x1FC00, s2  }
0x1a: {  	s0 =	sor.u32 s0, s1  }
0x1b: {  	s16 =	simm.s32 $0x0;
	s1 =	simm.s32 $0x10;
	[tilespmem:s0+$0x2E00] =	vst v0  }
.LBB2_2:
0x1c: {  	p0 =	sne.s32 s1, $0x27F0  }
.Ltmp2:
0x1d: {  	_ = 	snop;
	(pc) =	sbr.rel @p0 .LBB2_2-.Ltmp2, $4  }
0x1e: {  	s16 =	sadd.s32 $0x80, s16  }
0x1f: {  	s0 =	sand.u32 $0x70, s1;
	s26 =	sand.u32 $0x1FC00, s16  }
0x20: {  	s0 =	sor.u32 s0, s26  }
0x21: {  	s1 =	sadd.s32 $0x10, s1;
	[tilespmem:s0+$0x2E00] =	vst v0;
	s0 =	simm.s32 $0x0  }
0x22: {  	s1 =	sand.u32 $0x70, s0;
	s16 =	sand.u32 $0x1FC00, s0  }
0x23: {  	s1 =	sor.u32 s1, s16  }
0x24: {  	s26 =	simm.s32 $0x0;
	s16 =	simm.s32 $0x10;
	[tilespmem:s1+$0x2E80] =	vst v0  }
.LBB2_4:
0x25: {  	p0 =	sne.s32 s16, $0x27F0  }
.Ltmp3:
0x26: {  	_ = 	snop;
	(pc) =	sbr.rel @p0 .LBB2_4-.Ltmp3, $4  }
0x27: {  	s26 =	sadd.s32 $0x80, s26  }
0x28: {  	s28 =	sand.u32 $0x70, s16;
	s29 =	sand.u32 $0x1FC00, s26  }
0x29: {  	s28 =	sor.u32 s28, s29  }
0x2a: {  	s16 =	sadd.s32 $0x10, s16;
	[tilespmem:s28+$0x2E80] =	vst v0  }
0x2b: {  	s16 =	simm.s32 $0x10;
	[tilespmem:s1+$0x2F00] =	vst v0  }
.LBB2_6:
0x2c: {  	p0 =	sne.s32 s16, $0x27F0  }
.Ltmp4:
0x2d: {  	_ = 	snop;
	(pc) =	sbr.rel @p0 .LBB2_6-.Ltmp4, $4  }
0x2e: {  	s0 =	sadd.s32 $0x80, s0  }
0x2f: {  	s1 =	sand.u32 $0x70, s16;
	s26 =	sand.u32 $0x1FC00, s0  }
0x30: {  	s1 =	sor.u32 s1, s26  }
0x31: {  	s16 =	sadd.s32 $0x10, s16;
	[tilespmem:s1+$0x2F00] =	vst v0;
	s1 =	simm.s32 $0x0  }
0x32: {  	s0 =	sand.u32 $0x70, s1;
	s16 =	sand.u32 $0x1FC00, s1  }
0x33: {  	s0 =	sor.u32 s0, s16  }
0x34: {  	s26 =	simm.s32 $0x0;
	s16 =	simm.s32 $0x10;
	[tilespmem:s0+$0x2F80] =	vst v0  }
.LBB2_8:
0x35: {  	p0 =	sne.s32 s16, $0x27F0  }
.Ltmp5:
0x36: {  	_ = 	snop;
	(pc) =	sbr.rel @p0 .LBB2_8-.Ltmp5, $4  }
0x37: {  	s26 =	sadd.s32 $0x80, s26  }
0x38: {  	s28 =	sand.u32 $0x70, s16;
	s29 =	sand.u32 $0x1FC00, s26  }
0x39: {  	s28 =	sor.u32 s28, s29  }
0x3a: {  	s16 =	sadd.s32 $0x10, s16;
	[tilespmem:s28+$0x2F80] =	vst v0  }
0x3b: {  	s16 =	simm.s32 $0x10;
	[tilespmem:s0+$0x3000] =	vst v0  }
.LBB2_10:
0x3c: {  	p0 =	sne.s32 s16, $0x27F0  }
.Ltmp6:
0x3d: {  	_ = 	snop;
	(pc) =	sbr.rel @p0 .LBB2_10-.Ltmp6, $4  }
0x3e: {  	s1 =	sadd.s32 $0x80, s1  }
0x3f: {  	s0 =	sand.u32 $0x70, s16;
	s26 =	sand.u32 $0x1FC00, s1  }
0x40: {  	s0 =	sor.u32 s0, s26  }
0x41: {  	s16 =	sadd.s32 $0x10, s16;
	[tilespmem:s0+$0x3000] =	vst v0;
	s0 =	simm.s32 $0x0  }
0x42: {  	s1 =	sand.u32 $0x70, s0;
	s16 =	sand.u32 $0x1FC00, s0  }
0x43: {  	s16 =	sor.u32 s1, s16  }
0x44: {  	s1 =	simm.s32 $0x10;
	[tilespmem:s16+$0x3080] =	vst v0;
	s16 =	simm.s32 $0x0  }
.LBB2_12:
0x45: {  	p0 =	sne.s32 s1, $0x27F0  }
.Ltmp7:
0x46: {  	_ = 	snop;
	(pc) =	sbr.rel @p0 .LBB2_12-.Ltmp7, $4  }
0x47: {  	s16 =	sadd.s32 $0x80, s16  }
0x48: {  	s26 =	sand.u32 $0x70, s1;
	s28 =	sand.u32 $0x1FC00, s16  }
0x49: {  	s26 =	sor.u32 s26, s28  }
0x4a: {  	s1 =	sadd.s32 $0x10, s1;
	[tilespmem:s26+$0x3080] =	vst v0  }
0x4b: {  	s1 =	simm.s32 $0x0  }
.LBB2_14:
0x4c: {  	p0 =	sne.s32 s1, $0x27F0  }
.Ltmp8:
0x4d: {  	_ = 	snop;
	(pc) =	sbr.rel @p0 .LBB2_14-.Ltmp8, $4  }
0x4e: {  	_ = 	snop  }
0x4f: {  	s16 =	sand.u32 $0x70, s1;
	s26 =	sand.u32 $0x1FC00, s0  }
0x50: {  	s16 =	sor.u32 s16, s26  }
0x51: {  	s0 =	sadd.s32 $0x80, s0;
	s1 =	sadd.s32 $0x10, s1;
	[tilespmem:s16+$0x3100] =	vst v0  }
0x52: {  	s0 =	simm.s32 $0x0  }
0x53: {  	s1 =	sand.u32 $0x7, s0  }
0x54: {  	s1 =	sshll.u32 s1, $0x4  }
0x55: {  	s1 =	sadd.s32 $0x0, s1  }
0x56: {  	s16 =	sor.u32 $0x380, s1  }
0x57: {  	s1 =	simm.s32 $0x10;
	[tilespmem:s16+$0x2E00] =	vst v0;
	s16 =	simm.s32 $0x1  }
.LBB2_16:
0x58: {  	s26 =	sand.u32 $0x7, s16;
	p0 =	sne.s32 s1, $0x27F0;
	s1 =	sadd.s32 $0x10, s1  }
.Ltmp9:
0x59: {  	s0 =	sadd.s32 $0x80, s0;
	s26 =	sshll.u32 s26, $0x4;
	(pc) =	sbr.rel @p0 .LBB2_16-.Ltmp9, $4  }
0x5a: {  	s26 =	sadd.s32 s26, s0  }
0x5b: {  	s26 =	sor.u32 $0x380, s26  }
0x5c: {  	[tilespmem:s26+$0x2E00] =	vst v0  }
0x5d: {  	s16 =	sadd.s32 $0x1, s16  }
0x5e: {  	s26 =	simm.s32 $0x0  }
0x5f: {  	[tilespmem:s26], [sflag:$0x1] =	stream.linear.gather [hbm4b:s7+s26], $0x280, $0x38;
	[tilespmem:$0x16E00] =	vst v63  }
0x60: {  	s0 =	simm.s32 $0x500  }
0x61: {  	[tilespmem:s0], [sflag:$0x1] =	stream.linear.gather [hbm4b:s8+s26], $0x1400, $0x38;
	[tilespmem:$0x16E00] =	vst v63  }
0x62: {  	_ = 	snop  }
0x63: {  	[tilespmem:s17], [sflag:$0x1] =	stream.linear.gather [hbm4b:s9+s26], $0x28, $0x38;
	[tilespmem:$0x16E00] =	vst v63  }
0x64: {  	_ = 	snop  }
0x65: {  	[tilespmem:s18], [sflag:$0x2] =	stream.linear.gather [hbm4b:s11+s26], $0x280, $0x38;
	[tilespmem:$0x16E00] =	vst v63  }
0x66: {  	_ = 	snop  }
0x67: {  	[tilespmem:s19], [sflag:$0x2] =	stream.linear.gather [hbm4b:s12+s26], $0x1400, $0x38;
	[tilespmem:$0x16E00] =	vst v63  }
0x68: {  	_ = 	snop  }
0x69: {  	[tilespmem:s20], [sflag:$0x2] =	stream.linear.gather [hbm4b:s13+s26], $0x28, $0x38;
	[tilespmem:$0x16E00] =	vst v63  }
.LBB2_18:
0x6a: {  	_ =	swait.ge [sflag:s21], $0x280  }
0x6b: {  	[sflag:s21] =	ssyncset.done $0x0  }
0x6c: {  	[sflag:s21] =	ssyncadd.s32 $0xFFFFFD80  }
0x6d: {  	_ =	swait.ge [sflag:s21], $0x1400  }
.Ltmp10:
0x6e: {  	[sflag:s21] =	ssyncset.done $0x0;
	(pc) =	sbr.rel .LBB2_19-.Ltmp10, $4  }
0x6f: {  	[sflag:s21] =	ssyncadd.s32 $0xFFFFEC00  }
0x70: {  	_ =	swait.ge [sflag:s21], $0x28  }
0x71: {  	[sflag:s21] =	ssyncset.done $0x0  }
0x72: {  	s28 =	simm.s32 $0x0;
	[sflag:s21] =	ssyncadd.s32 $0xFFFFFFD8  }
.LBB2_22:
0x73: {  	s28 =	sadd.s32 $0x1, s28  }
0x74: {  	p0 =	sne.s32 s28, $0x28  }
.Ltmp11:
0x75: {  	_ = 	snop;
	(pc) =	sbr.rel @!p0 .LBB2_23-.Ltmp11, $1  }
0x76: {  	_ =	sdelay $0x3  }
.LBB2_19:
0x77: {  	s29 =	sshll.u32 s28, $0x4  }
0x78: {  	v1 =	vld [tilespmem:s29+$0x0];
	_ =	sdelay $0x4  }
0x79: {  	v2 =	vshll.u32 v1, $0x3  }
0x7a: {  	v1 =	vand.u32 $0x7F, v1;
	v2 =	vand.u32 $0xFFFFFC00, v2  }
0x7b: {  	v1 =	vor.u32 v1, v2  }
0x7c: {  	s0 =	sshll.u32 s28, $0x7  }
0x7d: {  	s1 =	sand.u32 $0x70, s29;
	s16 =	sand.u32 $0x1C00, s0  }
0x7e: {  	s30 =	sor.u32 s1, s16  }
0x7f: {  	v2 =	vld [tilespmem:s30+$0x500]  }
0x80: {  	v3 =	vld.idx.msk [tilespmem:v1+s22+$0x0], $0xffff;
	_ =	sdelay $0x4  }
0x81: {  	vm0 =	vgt.f32 v2, v3;
	_ =	sdelay $0x2  }
0x82: {  	v3 =	vor.u32 $0x80, v1;
	_ =	sdelay $0x2  }
0x83: {  	v4 =	vld [tilespmem:s28+$0x2D00];
	[tilespmem:v1+s22+$0x0] =	vst.idx.msk vm0, v2  }
0x84: {  	v2 =	vld [tilespmem:s30+$0x580]  }
0x85: {  	v5 =	vld.idx.msk [tilespmem:v3+s22+$0x0], $0xffff;
	_ =	sdelay $0x4  }
0x86: {  	vm9 =	vgt.f32 v2, v5;
	_ =	sdelay $0x2  }
0x87: {  	v61 =	vor.u32 $0x100, v1;
	_ =	sdelay $0x2  }
0x88: {  	[tilespmem:v3+s22+$0x0] =	vst.idx.msk vm9, v2  }
0x89: {  	v2 =	vld [tilespmem:s30+$0x600]  }
0x8a: {  	v3 =	vld.idx.msk [tilespmem:v61+s22+$0x0], $0xffff;
	_ =	sdelay $0x4  }
0x8b: {  	vm10 =	vgt.f32 v2, v3;
	_ =	sdelay $0x2  }
0x8c: {  	v3 =	vor.u32 $0x180, v1;
	_ =	sdelay $0x2  }
0x8d: {  	[tilespmem:v61+s22+$0x0] =	vst.idx.msk vm10, v2  }
0x8e: {  	v2 =	vld [tilespmem:s30+$0x680]  }
0x8f: {  	v5 =	vld.idx.msk [tilespmem:v3+s22+$0x0], $0xffff;
	_ =	sdelay $0x4  }
0x90: {  	vm11 =	vgt.f32 v2, v5;
	_ =	sdelay $0x2  }
0x91: {  	v62 =	vor.u32 $0x200, v1;
	_ =	sdelay $0x2  }
0x92: {  	[tilespmem:v3+s22+$0x0] =	vst.idx.msk vm11, v2  }
0x93: {  	v2 =	vld [tilespmem:s30+$0x700]  }
0x94: {  	v3 =	vld.idx.msk [tilespmem:v62+s22+$0x0], $0xffff;
	_ =	sdelay $0x4  }
0x95: {  	vm12 =	vgt.f32 v2, v3;
	_ =	sdelay $0x2  }
0x96: {  	v3 =	vor.u32 $0x280, v1;
	_ =	sdelay $0x2  }
0x97: {  	[tilespmem:v62+s22+$0x0] =	vst.idx.msk vm12, v2  }
0x98: {  	v2 =	vld [tilespmem:s30+$0x780]  }
0x99: {  	v5 =	vld.idx.msk [tilespmem:v3+s22+$0x0], $0xffff;
	_ =	sdelay $0x4  }
0x9a: {  	vm13 =	vgt.f32 v2, v5;
	_ =	sdelay $0x2  }
0x9b: {  	v63 =	vor.u32 $0x300, v1;
	_ =	sdelay $0x2  }
0x9c: {  	[tilespmem:v3+s22+$0x0] =	vst.idx.msk vm13, v2  }
0x9d: {  	v2 =	vld [tilespmem:s30+$0x800]  }
0x9e: {  	v3 =	vld.idx.msk [tilespmem:v63+s22+$0x0], $0xffff;
	_ =	sdelay $0x2  }
0x9f: {  	(v2sf) =	vpush v4, $0x0;
	_ =	sdelay $0x1  }
0xa0: {  	vm14 =	vgt.f32 v2, v3;
	_ =	sdelay $0x2  }
0xa1: {  	v1 =	vor.u32 $0x380, v1;
	_ =	sdelay $0x1  }
0xa2: {  	s0 =	sor.u32 s0, s29  }
0xa3: {  	s31 =	sor.u32 $0x380, s0;
	[tilespmem:v63+s22+$0x0] =	vst.idx.msk vm14, v2  }
0xa4: {  	v2 =	vld [tilespmem:s31+$0x500]  }
0xa5: {  	v3 =	vld.idx.msk [tilespmem:v1+s22+$0x0], $0xffff;
	_ =	sdelay $0x4  }
0xa6: {  	s16 =	spop (v2sf);
	vm15 =	vgt.f32 v2, v3  }
0xa7: {  	p0 =	slt.s32 s16, $0x1  }
.Ltmp12:
0xa8: {  	_ = 	snop;
	(pc) =	sbr.rel @p0 .LBB2_22-.Ltmp12, $2  }
0xa9: {  	_ =	sdelay $0x2  }
0xaa: {  	[tilespmem:v1+s22+$0x0] =	vst.idx.msk vm15, v2  }
0xab: {  	s0 =	sadd.s32 $0x500, s30;
	s1 =	simm.s32 $0xF  }
.LBB2_21:
0xac: {  	v1 =	vld [tilespmem:s29+$0x0];
	_ =	sdelay $0x4  }
0xad: {  	v2 =	vshll.u32 v1, $0x3  }
0xae: {  	v1 =	vand.u32 $0x7F, v1;
	v2 =	vand.u32 $0xFFFFFC00, v2  }
0xaf: {  	v1 =	vor.u32 v1, v2;
	_ =	sdelay $0x3  }
0xb0: {  	v2 =	vld [tilespmem:s30+$0x500]  }
0xb1: {  	v3 =	vld.idx.msk [tilespmem:v1+s22+$0x0], $0xffff;
	_ =	sdelay $0x4  }
0xb2: {  	vm0 =	vgt.f32 v2, v3;
	_ =	sdelay $0x2  }
0xb3: {  	v3 =	vor.u32 $0x80, v1;
	_ =	sdelay $0x2  }
0xb4: {  	[tilespmem:v1+s22+$0x0] =	vst.idx.msk vm0, v2  }
0xb5: {  	v2 =	vld [tilespmem:s0+$0x80]  }
0xb6: {  	v4 =	vld.idx.msk [tilespmem:v3+s22+$0x0], $0xffff;
	_ =	sdelay $0x4  }
0xb7: {  	vm9 =	vgt.f32 v2, v4;
	_ =	sdelay $0x2  }
0xb8: {  	v61 =	vor.u32 $0x100, v1;
	_ =	sdelay $0x2  }
0xb9: {  	[tilespmem:v3+s22+$0x0] =	vst.idx.msk vm9, v2  }
0xba: {  	v2 =	vld [tilespmem:s0+$0x100]  }
0xbb: {  	v3 =	vld.idx.msk [tilespmem:v61+s22+$0x0], $0xffff;
	_ =	sdelay $0x4  }
0xbc: {  	vm10 =	vgt.f32 v2, v3;
	_ =	sdelay $0x2  }
0xbd: {  	v3 =	vor.u32 $0x180, v1;
	_ =	sdelay $0x2  }
0xbe: {  	[tilespmem:v61+s22+$0x0] =	vst.idx.msk vm10, v2  }
0xbf: {  	v2 =	vld [tilespmem:s0+$0x180]  }
0xc0: {  	v4 =	vld.idx.msk [tilespmem:v3+s22+$0x0], $0xffff;
	_ =	sdelay $0x4  }
0xc1: {  	vm11 =	vgt.f32 v2, v4;
	_ =	sdelay $0x2  }
0xc2: {  	v62 =	vor.u32 $0x200, v1;
	_ =	sdelay $0x2  }
0xc3: {  	[tilespmem:v3+s22+$0x0] =	vst.idx.msk vm11, v2  }
0xc4: {  	v2 =	vld [tilespmem:s0+$0x200]  }
0xc5: {  	v3 =	vld.idx.msk [tilespmem:v62+s22+$0x0], $0xffff;
	_ =	sdelay $0x4  }
0xc6: {  	vm12 =	vgt.f32 v2, v3;
	_ =	sdelay $0x2  }
0xc7: {  	v3 =	vor.u32 $0x280, v1;
	_ =	sdelay $0x2  }
0xc8: {  	[tilespmem:v62+s22+$0x0] =	vst.idx.msk vm12, v2  }
0xc9: {  	v2 =	vld [tilespmem:s0+$0x280]  }
0xca: {  	v4 =	vld.idx.msk [tilespmem:v3+s22+$0x0], $0xffff;
	_ =	sdelay $0x4  }
0xcb: {  	vm13 =	vgt.f32 v2, v4;
	_ =	sdelay $0x2  }
0xcc: {  	v63 =	vor.u32 $0x300, v1;
	_ =	sdelay $0x2  }
0xcd: {  	[tilespmem:v3+s22+$0x0] =	vst.idx.msk vm13, v2  }
0xce: {  	v2 =	vld [tilespmem:s0+$0x300]  }
0xcf: {  	v3 =	vld.idx.msk [tilespmem:v63+s22+$0x0], $0xffff;
	_ =	sdelay $0x4  }
0xd0: {  	vm14 =	vgt.f32 v2, v3;
	_ =	sdelay $0x2  }
0xd1: {  	v1 =	vor.u32 $0x380, v1;
	_ =	sdelay $0x2  }
0xd2: {  	[tilespmem:v63+s22+$0x0] =	vst.idx.msk vm14, v2  }
0xd3: {  	v2 =	vld [tilespmem:s31+$0x500]  }
0xd4: {  	v3 =	vld.idx.msk [tilespmem:v1+s22+$0x0], $0xffff;
	_ =	sdelay $0x4  }
0xd5: {  	vm15 =	vgt.f32 v2, v3  }
0xd6: {  	p0 =	sne.s32 s1, $0x1  }
.Ltmp13:
0xd7: {  	_ = 	snop;
	(pc) =	sbr.rel @p0 .LBB2_21-.Ltmp13, $2  }
0xd8: {  	_ =	sdelay $0x2  }
0xd9: {  	s1 =	sadd.s32 $0xFFFFFFFF, s1;
	[tilespmem:v1+s22+$0x0] =	vst.idx.msk vm15, v2  }
.Ltmp14:
0xda: {  	_ = 	snop;
	(pc) =	sbr.rel .LBB2_22-.Ltmp14, $1  }
0xdb: {  	_ =	sdelay $0x3  }
.LBB2_23:
0xdc: {  	s28 =	sshll.u32 s26, $0x1;
	p0 =	seq.s32 s26, $0x7C  }
0xdd: {  	s0 =	sadd.s32 @!p0 $0x2, s28  }
0xde: {  	s1 =	smul.u32 @!p0 $0x280, s0;
	_ =	sdelay $0x1  }
0xdf: {  	s0 =	smul.u32 @!p0 $0x28, s0;
	s1 =	sadd.s32 @!p0 s3, s1  }
0xe0: {  	s16 =	sshrl.u32 @!p0 s1, $0x3  }
0xe1: {  	s29 =	simm.s32 @!p0 $0x0;
	s0 =	sadd.s32 @!p0 s6, s0;
	s16 =	sadd.s32 @!p0 s4, s16  }
0xe2: {  	[tilespmem:s29], [sflag:$0x1] =	stream.linear.gather @!p0 [hbm4b:s16+s29], $0x280, $0x38;
	[tilespmem:$0x16E00] =	vst v63  }
0xe3: {  	s1 =	sadd.s32 @!p0 s1, s10;
	s0 =	sshrl.u32 @!p0 s0, $0x3;
	s16 =	simm.s32 @!p0 $0x500  }
0xe4: {  	[tilespmem:s16], [sflag:$0x1] =	stream.linear.gather @!p0 [hbm4b:s1+s29], $0x1400, $0x38;
	[tilespmem:$0x16E00] =	vst v63  }
0xe5: {  	s0 =	sadd.s32 @!p0 s5, s0;
	s1 =	simm.s32 @!p0 $0x2D00  }
0xe6: {  	[tilespmem:s1], [sflag:$0x1] =	stream.linear.gather @!p0 [hbm4b:s0+s29], $0x28, $0x38;
	[tilespmem:$0x16E00] =	vst v63  }
0xe7: {  	_ =	swait.ge [sflag:s23], $0x280  }
0xe8: {  	[sflag:s23] =	ssyncset.done $0x0  }
0xe9: {  	[sflag:s23] =	ssyncadd.s32 $0xFFFFFD80  }
0xea: {  	_ =	swait.ge [sflag:s23], $0x1400  }
.Ltmp15:
0xeb: {  	[sflag:s23] =	ssyncset.done $0x0;
	(pc) =	sbr.rel .LBB2_24-.Ltmp15, $4  }
0xec: {  	[sflag:s23] =	ssyncadd.s32 $0xFFFFEC00  }
0xed: {  	_ =	swait.ge [sflag:s23], $0x28  }
0xee: {  	[sflag:s23] =	ssyncset.done $0x0  }
0xef: {  	s29 =	simm.s32 $0x0;
	[sflag:s23] =	ssyncadd.s32 $0xFFFFFFD8  }
.LBB2_27:
0xf0: {  	s29 =	sadd.s32 $0x1, s29  }
0xf1: {  	p1 =	sne.s32 s29, $0x28  }
.Ltmp16:
0xf2: {  	_ = 	snop;
	(pc) =	sbr.rel @!p1 .LBB2_28-.Ltmp16, $1  }
0xf3: {  	_ =	sdelay $0x3  }
.LBB2_24:
0xf4: {  	s30 =	sshll.u32 s29, $0x4  }
0xf5: {  	v1 =	vld [tilespmem:s30+$0x280];
	_ =	sdelay $0x4  }
0xf6: {  	v2 =	vshll.u32 v1, $0x3  }
0xf7: {  	v1 =	vand.u32 $0x7F, v1;
	v2 =	vand.u32 $0xFFFFFC00, v2  }
0xf8: {  	v1 =	vor.u32 v1, v2  }
0xf9: {  	s0 =	sshll.u32 s29, $0x7  }
0xfa: {  	s1 =	sand.u32 $0x70, s30;
	s16 =	sand.u32 $0x1C00, s0  }
0xfb: {  	s31 =	sor.u32 s1, s16  }
0xfc: {  	v2 =	vld [tilespmem:s31+$0x1900]  }
0xfd: {  	v3 =	vld.idx.msk [tilespmem:v1+s22+$0x0], $0xffff;
	_ =	sdelay $0x4  }
0xfe: {  	vm0 =	vgt.f32 v2, v3;
	_ =	sdelay $0x2  }
0xff: {  	v3 =	vor.u32 $0x80, v1;
	_ =	sdelay $0x2  }
0x100: {  	v4 =	vld [tilespmem:s29+$0x2D80];
	[tilespmem:v1+s22+$0x0] =	vst.idx.msk vm0, v2  }
0x101: {  	v2 =	vld [tilespmem:s31+$0x1980]  }
0x102: {  	v5 =	vld.idx.msk [tilespmem:v3+s22+$0x0], $0xffff;
	_ =	sdelay $0x4  }
0x103: {  	vm9 =	vgt.f32 v2, v5;
	_ =	sdelay $0x2  }
0x104: {  	v61 =	vor.u32 $0x100, v1;
	_ =	sdelay $0x2  }
0x105: {  	[tilespmem:v3+s22+$0x0] =	vst.idx.msk vm9, v2  }
0x106: {  	v2 =	vld [tilespmem:s31+$0x1A00]  }
0x107: {  	v3 =	vld.idx.msk [tilespmem:v61+s22+$0x0], $0xffff;
	_ =	sdelay $0x4  }
0x108: {  	vm10 =	vgt.f32 v2, v3;
	_ =	sdelay $0x2  }
0x109: {  	v3 =	vor.u32 $0x180, v1;
	_ =	sdelay $0x2  }
0x10a: {  	[tilespmem:v61+s22+$0x0] =	vst.idx.msk vm10, v2  }
0x10b: {  	v2 =	vld [tilespmem:s31+$0x1A80]  }
0x10c: {  	v5 =	vld.idx.msk [tilespmem:v3+s22+$0x0], $0xffff;
	_ =	sdelay $0x4  }
0x10d: {  	vm11 =	vgt.f32 v2, v5;
	_ =	sdelay $0x2  }
0x10e: {  	v62 =	vor.u32 $0x200, v1;
	_ =	sdelay $0x2  }
0x10f: {  	[tilespmem:v3+s22+$0x0] =	vst.idx.msk vm11, v2  }
0x110: {  	v2 =	vld [tilespmem:s31+$0x1B00]  }
0x111: {  	v3 =	vld.idx.msk [tilespmem:v62+s22+$0x0], $0xffff;
	_ =	sdelay $0x4  }
0x112: {  	vm12 =	vgt.f32 v2, v3;
	_ =	sdelay $0x2  }
0x113: {  	v3 =	vor.u32 $0x280, v1;
	_ =	sdelay $0x2  }
0x114: {  	[tilespmem:v62+s22+$0x0] =	vst.idx.msk vm12, v2  }
0x115: {  	v2 =	vld [tilespmem:s31+$0x1B80]  }
0x116: {  	v5 =	vld.idx.msk [tilespmem:v3+s22+$0x0], $0xffff;
	_ =	sdelay $0x4  }
0x117: {  	vm13 =	vgt.f32 v2, v5;
	_ =	sdelay $0x2  }
0x118: {  	v63 =	vor.u32 $0x300, v1;
	_ =	sdelay $0x2  }
0x119: {  	[tilespmem:v3+s22+$0x0] =	vst.idx.msk vm13, v2  }
0x11a: {  	v2 =	vld [tilespmem:s31+$0x1C00]  }
0x11b: {  	v3 =	vld.idx.msk [tilespmem:v63+s22+$0x0], $0xffff;
	_ =	sdelay $0x2  }
0x11c: {  	(v2sf) =	vpush v4, $0x0;
	_ =	sdelay $0x1  }
0x11d: {  	vm14 =	vgt.f32 v2, v3;
	_ =	sdelay $0x2  }
0x11e: {  	v1 =	vor.u32 $0x380, v1;
	_ =	sdelay $0x1  }
0x11f: {  	s0 =	sor.u32 s0, s30  }
0x120: {  	s0 =	sor.u32 $0x380, s0;
	[tilespmem:v63+s22+$0x0] =	vst.idx.msk vm14, v2  }
0x121: {  	v2 =	vld [tilespmem:s0+$0x1900]  }
0x122: {  	v3 =	vld.idx.msk [tilespmem:v1+s22+$0x0], $0xffff;
	_ =	sdelay $0x4  }
0x123: {  	s16 =	spop (v2sf);
	vm15 =	vgt.f32 v2, v3  }
0x124: {  	p1 =	slt.s32 s16, $0x1  }
.Ltmp17:
0x125: {  	_ = 	snop;
	(pc) =	sbr.rel @p1 .LBB2_27-.Ltmp17, $2  }
0x126: {  	_ =	sdelay $0x2  }
0x127: {  	[tilespmem:v1+s22+$0x0] =	vst.idx.msk vm15, v2  }
0x128: {  	s1 =	sadd.s32 $0x1900, s31;
	s16 =	simm.s32 $0xF  }
.LBB2_26:
0x129: {  	v1 =	vld [tilespmem:s30+$0x280];
	_ =	sdelay $0x4  }
0x12a: {  	v2 =	vshll.u32 v1, $0x3  }
0x12b: {  	v1 =	vand.u32 $0x7F, v1;
	v2 =	vand.u32 $0xFFFFFC00, v2  }
0x12c: {  	v1 =	vor.u32 v1, v2;
	_ =	sdelay $0x3  }
0x12d: {  	v2 =	vld [tilespmem:s31+$0x1900]  }
0x12e: {  	v3 =	vld.idx.msk [tilespmem:v1+s22+$0x0], $0xffff;
	_ =	sdelay $0x4  }
0x12f: {  	vm0 =	vgt.f32 v2, v3;
	_ =	sdelay $0x2  }
0x130: {  	v3 =	vor.u32 $0x80, v1;
	_ =	sdelay $0x2  }
0x131: {  	[tilespmem:v1+s22+$0x0] =	vst.idx.msk vm0, v2  }
0x132: {  	v2 =	vld [tilespmem:s1+$0x80]  }
0x133: {  	v4 =	vld.idx.msk [tilespmem:v3+s22+$0x0], $0xffff;
	_ =	sdelay $0x4  }
0x134: {  	vm9 =	vgt.f32 v2, v4;
	_ =	sdelay $0x2  }
0x135: {  	v61 =	vor.u32 $0x100, v1;
	_ =	sdelay $0x2  }
0x136: {  	[tilespmem:v3+s22+$0x0] =	vst.idx.msk vm9, v2  }
0x137: {  	v2 =	vld [tilespmem:s1+$0x100]  }
0x138: {  	v3 =	vld.idx.msk [tilespmem:v61+s22+$0x0], $0xffff;
	_ =	sdelay $0x4  }
0x139: {  	vm10 =	vgt.f32 v2, v3;
	_ =	sdelay $0x2  }
0x13a: {  	v3 =	vor.u32 $0x180, v1;
	_ =	sdelay $0x2  }
0x13b: {  	[tilespmem:v61+s22+$0x0] =	vst.idx.msk vm10, v2  }
0x13c: {  	v2 =	vld [tilespmem:s1+$0x180]  }
0x13d: {  	v4 =	vld.idx.msk [tilespmem:v3+s22+$0x0], $0xffff;
	_ =	sdelay $0x4  }
0x13e: {  	vm11 =	vgt.f32 v2, v4;
	_ =	sdelay $0x2  }
0x13f: {  	v62 =	vor.u32 $0x200, v1;
	_ =	sdelay $0x2  }
0x140: {  	[tilespmem:v3+s22+$0x0] =	vst.idx.msk vm11, v2  }
0x141: {  	v2 =	vld [tilespmem:s1+$0x200]  }
0x142: {  	v3 =	vld.idx.msk [tilespmem:v62+s22+$0x0], $0xffff;
	_ =	sdelay $0x4  }
0x143: {  	vm12 =	vgt.f32 v2, v3;
	_ =	sdelay $0x2  }
0x144: {  	v3 =	vor.u32 $0x280, v1;
	_ =	sdelay $0x2  }
0x145: {  	[tilespmem:v62+s22+$0x0] =	vst.idx.msk vm12, v2  }
0x146: {  	v2 =	vld [tilespmem:s1+$0x280]  }
0x147: {  	v4 =	vld.idx.msk [tilespmem:v3+s22+$0x0], $0xffff;
	_ =	sdelay $0x4  }
0x148: {  	vm13 =	vgt.f32 v2, v4;
	_ =	sdelay $0x2  }
0x149: {  	v63 =	vor.u32 $0x300, v1;
	_ =	sdelay $0x2  }
0x14a: {  	[tilespmem:v3+s22+$0x0] =	vst.idx.msk vm13, v2  }
0x14b: {  	v2 =	vld [tilespmem:s1+$0x300]  }
0x14c: {  	v3 =	vld.idx.msk [tilespmem:v63+s22+$0x0], $0xffff;
	_ =	sdelay $0x4  }
0x14d: {  	vm14 =	vgt.f32 v2, v3;
	_ =	sdelay $0x2  }
0x14e: {  	v1 =	vor.u32 $0x380, v1;
	_ =	sdelay $0x2  }
0x14f: {  	[tilespmem:v63+s22+$0x0] =	vst.idx.msk vm14, v2  }
0x150: {  	v2 =	vld [tilespmem:s0+$0x1900]  }
0x151: {  	v3 =	vld.idx.msk [tilespmem:v1+s22+$0x0], $0xffff;
	_ =	sdelay $0x4  }
0x152: {  	vm15 =	vgt.f32 v2, v3  }
0x153: {  	p1 =	sne.s32 s16, $0x1  }
.Ltmp18:
0x154: {  	_ = 	snop;
	(pc) =	sbr.rel @p1 .LBB2_26-.Ltmp18, $2  }
0x155: {  	_ =	sdelay $0x2  }
0x156: {  	s16 =	sadd.s32 $0xFFFFFFFF, s16;
	[tilespmem:v1+s22+$0x0] =	vst.idx.msk vm15, v2  }
.Ltmp19:
0x157: {  	_ = 	snop;
	(pc) =	sbr.rel .LBB2_27-.Ltmp19, $1  }
0x158: {  	_ =	sdelay $0x3  }
.LBB2_28:
.Ltmp20:
0x159: {  	(pc) =	sbr.rel @p0 .LBB2_30-.Ltmp20, $1  }
0x15a: {  	_ =	sdelay $0x3  }
0x15b: {  	s0 =	sadd.s32 $0x3, s28  }
0x15c: {  	s1 =	smul.u32 $0x280, s0;
	_ =	sdelay $0x1  }
0x15d: {  	s1 =	sadd.s32 s3, s1  }
0x15e: {  	s16 =	sshrl.u32 s1, $0x3  }
0x15f: {  	s0 =	smul.u32 $0x28, s0;
	s16 =	sadd.s32 s4, s16  }
0x160: {  	[tilespmem:s18], [sflag:$0x2] =	stream.linear.gather [hbm4b:s16+s2], $0x280, $0x38;
	[tilespmem:$0x16E00] =	vst v63  }
.Ltmp21:
0x161: {  	s0 =	sadd.s32 s6, s0;
	(pc) =	sbr.rel .LBB2_18-.Ltmp21, $4  }
0x162: {  	s1 =	sadd.s32 s1, s10;
	s0 =	sshrl.u32 s0, $0x3  }
0x163: {  	[tilespmem:s19], [sflag:$0x2] =	stream.linear.gather [hbm4b:s1+s2], $0x1400, $0x38;
	[tilespmem:$0x16E00] =	vst v63  }
0x164: {  	s26 =	sadd.s32 $0x1, s26;
	s0 =	sadd.s32 s5, s0  }
0x165: {  	[tilespmem:s20], [sflag:$0x2] =	stream.linear.gather [hbm4b:s0+s2], $0x28, $0x38;
	[tilespmem:$0x16E00] =	vst v63  }
.LBB2_31:
0x166: {  	_ =	sfence.sel $0x180000  }
0x167: {  	[bflag:$0x0] =	sbarrier.arrive $0xFFFF  }
0x168: {  	_ =	strace $0x9000004D  }
0x169: {  	s0 =	stileid.u32;
	[bflag:$0x2] =	sbarrier.arrive $0xFFFF  }
0x16a: {  	p0 =	sne.s32 s0, $0x0;
	s0 =	rddreg [dreg:$0x1]  }
0x16b: {  	s0 =	sadd.s32 @!p0 $0x100000, s0  }
0x16c: {  	[sflag:s0] =	ssyncadd.tile.s32 @!p0 $0x1;
	_ =	shalt  }
.Lfunc_end2:
_tile_overlayer_lowered:
.L_overlay_start_2:
0x16d: {  	(tag) =	ssettag $0x2  }
0x16e: {  	s0 =	rddreg [dreg:$0x0];
	s2 =	stileid.u32  }
0x16f: {  	s1 =	rddreg [dreg:$0x1];
	p0 =	sne.s32 s2, $0x0  }
0x170: {  	s3 =	rddreg [dreg:$0x2];
	[bflag:$0x3] =	sbarrier.arrive $0xFFFF;
	s2 =	simm.s32 @!p0 $0x1C03  }
0x171: {  	[timem:s3], [sflag:s2] =	dma.local @!p0 [hbm:s0], s1  }
0x172: {  	s0 =	simm.s32 @!p0 $0x3  }
0x173: {  	_ =	swait.ge @!p0 [sflag:s0], s1  }
0x174: {  	s1 =	ssub.s32 @!p0 $0x0, s1;
	[sflag:s0] =	ssyncset.done @!p0 $0x0  }
0x175: {  	[sflag:s0] =	ssyncadd.s32 @!p0 s1  }
0x176: {  	[bflag:$0x3] =	sbarrier.arrive $0xFFFF  }
0x177: {  	_ =	shalt  }

// kernel: kernel.21.cloned.1.call-start
scs
__scs_entry_jumppad:
0x0: {  	(pc) =	sbr.rel $0x88, $3  }
0x1: {  	(tag) =	ssettag $0x0;
	lr =	simm.s32 $0x1  }
0x2: {  	[smem:$0x3F92] =	sst lr;
	_ =	strace $0xD0000000  }
0x3: {  	_ = 	snop  }
0x4: {  	_ = 	snop  }
0x5: {  	_ = 	snop  }
0x6: {  	_ = 	snop  }
0x7: {  	_ = 	snop  }
__scs_overlays_trampoline_lowered:
0x8: {  	[smem:$0x3FA1] =	sst s0  }
0x9: {  	[smem:$0x3FA2] =	sst s1  }
0xa: {  	[smem:$0x3FA3] =	sst s2  }
0xb: {  	[smem:$0x3FA4] =	sst s3  }
0xc: {  	[smem:$0x3FA5] =	sst s4  }
0xd: {  	[smem:$0x3FA6] =	sst s5  }
0xe: {  	[smem:$0x3FA7] =	sst s6  }
0xf: {  	[smem:$0x3FA8] =	sst s7  }
0x10: {  	[smem:$0x3FA9] =	sst s8  }
0x11: {  	[smem:$0x3FAA] =	sst s9;
	s0 =	simm.s32 @!p0 $0x0  }
0x12: {  	s1 =	sld [smem:$0x3F90];
	s0 =	simm.s32 @p0 $0x1  }
0x13: {  	[smem:$0x3FAB] =	sst s0;
	s0 =	simm.s32 @!p1 $0x0  }
0x14: {  	s2 =	sld [smem:$0x3F8F];
	s0 =	simm.s32 @p1 $0x1  }
0x15: {  	[smem:$0x3FAC] =	sst s0;
	s0 =	simm.s32 @!p2 $0x0  }
0x16: {  	s3 =	sld [smem:$0x3FDB];
	s0 =	simm.s32 @p2 $0x1  }
0x17: {  	s4 =	simm.s32 $0x1BF5;
	[smem:$0x3FAE] =	sst s0  }
0x18: {  	s0 =	sld [smem:$0x3F91];
	_ =	swait.ge [sflag:s4], $0x0  }
0x19: {  	s7 =	sld [smem:$0x3F92]  }
0x1a: {  	s8 =	sadd.s32 $0xFFFFE003, lr  }
0x1b: {  	s9 =	sadd.s32 $0xFFFFFEF7, lr;
	s5 =	simm.s32 $0xFFFFFFFF;
	p2 =	slt.u32 s8, $0xFFFFF086  }
0x1c: {  	p1 =	slt.u32 s9, $0xF7A;
	s5 =	simm.s32 @!p2 $0x0  }
0x1d: {  	s5 =	simm.s32 @p1 $0x1;
	p0 =	seq.s32 s7, s2  }
0x1e: {  	s7 =	smul.u32 @!p0 $0xF7A, s2;
	p2 =	seq.s32 @!p0 s5, $0x0  }
0x1f: {  	s9 =	smul.u32 $0xF7A, s1;
	s8 =	simm.s32 @!p0 $0x1BF5;
	p2 =	por !p2, p0  }
0x20: {  	[sflag:s8] =	ssyncset.s32 @!p0 $0xFFFFF086;
	s6 =	sadd.s32 @!p0 s3, s7;
	s7 =	simm.s32 @!p0 $0x108  }
0x21: {  	s3 =	sadd.s32 s3, s9;
	s6 =	sadd.s32 @!p0 $0x88, s6;
	s7 =	simm.s32 @p2 $0x1082  }
0x22: {  	[simem:s7], [sflag:s8] =	dma.local @!p0 [hbm:s6], $0xF7A  }
0x23: {  	s9 =	sor.u32 $0xD0000000, s2;
	s6 =	simm.s32 $0x108;
	_ =	swait.ge @!p0 [sflag:s8], $0x0  }
0x24: {  	s3 =	sadd.s32 $0x88, s3;
	s6 =	simm.s32 @!p1 $0x1082;
	[sflag:s4] =	ssyncset.s32 $0xFFFFF086  }
0x25: {  	[simem:s6], [sflag:s4] =	dma.local [hbm:s3], $0xF7A  }
0x26: {  	[smem:$0x3F92] =	sst s1;
	(tag) =	ssettag s2;
	_ =	strace s9  }
0x27: {  	s1 =	sld [smem:$0x3FA2]  }
0x28: {  	s2 =	sld [smem:$0x3FA3]  }
0x29: {  	s4 =	sld [smem:$0x3FA5]  }
0x2a: {  	p0 =	seq.s32 s5, $0x0;
	s5 =	sld [smem:$0x3FA6]  }
0x2b: {  	s6 =	sld [smem:$0x3FA7]  }
0x2c: {  	s7 =	sld [smem:$0x3FA8]  }
0x2d: {  	s3 =	simm.s32 $0x108;
	s8 =	sld [smem:$0x3FA9]  }
0x2e: {  	s3 =	simm.s32 @!p0 $0x1082;
	s9 =	sld [smem:$0x3FAA]  }
0x2f: {  	lr =	sadd.s32 s0, s3;
	s0 =	sld [smem:$0x3FA1]  }
0x30: {  	s3 =	sld [smem:$0x3FA4]  }
0x31: {  	[smem:$0x3FAD] =	sst s10  }
0x32: {  	s10 =	sld [smem:$0x3FAB];
	_ =	sdelay $0x3  }
0x33: {  	p0 =	seq.s32 s10, $0x1;
	s10 =	sld [smem:$0x3FAD];
	_ =	sdelay $0x3  }
0x34: {  	[smem:$0x3FAD] =	sst s10  }
0x35: {  	s10 =	sld [smem:$0x3FAC];
	_ =	sdelay $0x3  }
0x36: {  	p1 =	seq.s32 s10, $0x1;
	s10 =	sld [smem:$0x3FAD];
	_ =	sdelay $0x3  }
0x37: {  	[smem:$0x3FAD] =	sst s10  }
0x38: {  	s10 =	sld [smem:$0x3FAE]  }
0x39: {  	_ = 	snop;
	(pc) =	sbr.ind lr, $3  }
0x3a: {  	_ = 	snop  }
0x3b: {  	_ = 	snop  }
0x3c: {  	p2 =	seq.s32 s10, $0x1;
	s10 =	sld [smem:$0x3FAD]  }
0x3d: {  	_ =	shalt  }
0x3e: {  	_ =	shalt  }
0x3f: {  	_ =	shalt  }
0x40: {  	_ =	shalt  }
0x41: {  	_ =	shalt  }
0x42: {  	_ =	shalt  }
0x43: {  	_ =	shalt  }
0x44: {  	_ =	shalt  }
0x45: {  	_ =	shalt  }
0x46: {  	_ =	shalt  }
0x47: {  	_ =	shalt  }
0x48: {  	_ =	shalt  }
0x49: {  	_ =	shalt  }
0x4a: {  	_ =	shalt  }
0x4b: {  	_ =	shalt  }
0x4c: {  	_ =	shalt  }
0x4d: {  	_ =	shalt  }
0x4e: {  	_ =	shalt  }
0x4f: {  	_ =	shalt  }
0x50: {  	_ =	shalt  }
0x51: {  	_ =	shalt  }
0x52: {  	_ =	shalt  }
0x53: {  	_ =	shalt  }
0x54: {  	_ =	shalt  }
0x55: {  	_ =	shalt  }
0x56: {  	_ =	shalt  }
0x57: {  	_ =	shalt  }
0x58: {  	_ =	shalt  }
0x59: {  	_ =	shalt  }
0x5a: {  	_ =	shalt  }
0x5b: {  	_ =	shalt  }
0x5c: {  	_ =	shalt  }
0x5d: {  	_ =	shalt  }
0x5e: {  	_ =	shalt  }
0x5f: {  	_ =	shalt  }
0x60: {  	_ =	shalt  }
0x61: {  	_ =	shalt  }
0x62: {  	_ =	shalt  }
0x63: {  	_ =	shalt  }
0x64: {  	_ =	shalt  }
0x65: {  	_ =	shalt  }
0x66: {  	_ =	shalt  }
0x67: {  	_ =	shalt  }
0x68: {  	_ =	shalt  }
0x69: {  	_ =	shalt  }
0x6a: {  	_ =	shalt  }
0x6b: {  	_ =	shalt  }
0x6c: {  	_ =	shalt  }
0x6d: {  	_ =	shalt  }
0x6e: {  	_ =	shalt  }
0x6f: {  	_ =	shalt  }
0x70: {  	_ =	shalt  }
0x71: {  	_ =	shalt  }
0x72: {  	_ =	shalt  }
0x73: {  	_ =	shalt  }
0x74: {  	_ =	shalt  }
0x75: {  	_ =	shalt  }
0x76: {  	_ =	shalt  }
0x77: {  	_ =	shalt  }
0x78: {  	_ =	shalt  }
0x79: {  	_ =	shalt  }
0x7a: {  	_ =	shalt  }
0x7b: {  	_ =	shalt  }
0x7c: {  	_ =	shalt  }
0x7d: {  	_ =	shalt  }
0x7e: {  	_ =	shalt  }
0x7f: {  	_ =	shalt  }
0x80: {  	_ =	shalt  }
0x81: {  	_ =	shalt  }
0x82: {  	_ =	shalt  }
0x83: {  	_ =	shalt  }
0x84: {  	_ =	shalt  }
0x85: {  	_ =	shalt  }
0x86: {  	_ =	shalt  }
0x87: {  	_ =	shalt  }
.Lfunc_end0:
.L_simem_size_0:
called_computation.3_lowered:
.L_overlay_start_0:
0x88: {  	s2 =	sld [smem:$0x3FD9]  }
0x89: {  	s3 =	sld [smem:$0x3FFE];
	_ =	sdelay $0x1  }
0x8a: {  	s1 =	srdreg.scid  }
0x8b: {  	s0 =	sand.u32 $0x1, s1  }
0x8c: {  	s17 =	sshll.u32 s0, $0xA;
	s2 =	sadd.s32 s3, s2  }
0x8d: {  	s2 =	sadd.s32 s2, s17  }
0x8e: {  	[smem:$0x3FB9] =	sst s2  }
0x8f: {  	_ = 	snop  }
0x90: {  	s2 =	sld [smem:$0x3FD0];
	(tm) =	ssettm $0x1  }
0x91: {  	s18 =	sld [smem:$0x3FFB];
	_ =	sdelay $0x3  }
0x92: {  	_ =	strace s18  }
0x93: {  	s3 =	sld [smem:$0x3FFC];
	_ =	sdelay $0x3  }
0x94: {  	_ =	strace s3  }
0x95: {  	s3 =	sld [smem:$0x3FFD];
	_ =	sdelay $0x3  }
0x96: {  	_ =	strace s3  }
0x97: {  	_ =	strace $0x8FFFFFFF  }
0x98: {  	s19 =	sld [smem:$0x3FDB];
	_ =	sdelay $0x1  }
0x99: {  	s4 =	simm.s32 $_scs_section_size  }
0x9a: {  	s5 =	simm.s32 $_size__tile_overlayer_lowered;
	s6 =	simm.s32 $_tile_overlayer_lowered  }
0x9b: {  	s22 =	simm.s32 $0x1BFF;
	s21 =	sshll.u32 s6, $0x1;
	s3 =	sadd.s32 s4, s19  }
0x9c: {  	s7 =	simm.s32 $0x0;
	s20 =	sshll.u32 s5, $0x1;
	s5 =	sadd.s32 s21, s3  }
0x9d: {  	[timem:s7], [sflag:s22] =	dma.local [hbm:s5], s20  }
0x9e: {  	_ =	swait.ge [sflag:s22], s20  }
0x9f: {  	s4 =	ssub.s32 $0x0, s20;
	[sflag:s22] =	ssyncset.done $0x0  }
0xa0: {  	[sflag:s22] =	ssyncadd.s32 s4;
	_ =	sdelay $0x1  }
0xa1: {  	s23 =	simm.s32 $0x1B8B  }
0xa2: {  	_ =	swait.ge [sflag:s23], $0x1  }
0xa3: {  	[sflag:s23] =	ssyncset.done $0x0  }
0xa4: {  	s25 =	simm.s32 $0x1B8E;
	s24 =	sld [smem:$0x3FFE];
	[sflag:s23] =	ssyncadd.s32 $0xFFFFFFFF  }
0xa5: {  	s26 =	simm.s32 $execute0_lowered;
	[smem:$0x3FD2] =	sst s25  }
0xa6: {  	s5 =	sshll.u32 s26, $0x1;
	_ =	strace $0x8000004F;
	[dreg:$0x1] =	wrdreg $0xFFFFFFFF  }
0xa7: {  	s28 =	simm.s32 $_size_execute0_lowered;
	s3 =	sadd.s32 s3, s5;
	[dreg:$0x0] =	wrdreg $0x0  }
0xa8: {  	s5 =	sshll.u32 s28, $0x1;
	[dreg:$0x2] =	wrdreg s3  }
0xa9: {  	[dreg:$0x3] =	wrdreg s5  }
0xaa: {  	[dreg:$0x4] =	wrdreg $0xC0  }
0xab: {  	_ =	task [dreg:s7], $0x5FFFF  }
0xac: {  	[dreg:$0x1] =	wrdreg $0xFFFFFFFF  }
0xad: {  	[dreg:$0x0] =	wrdreg $0x60  }
0xae: {  	[dreg:$0x2] =	wrdreg s2  }
0xaf: {  	[dreg:$0x3] =	wrdreg s24  }
0xb0: {  	[dreg:$0x4] =	wrdreg $0x9  }
0xb1: {  	_ =	task.clear_ibuf [dreg:s7], $0x5FFFF;
	_ =	strace $0x9000004F  }
0xb2: {  	s29 =	simm.s32 $0x9;
	_ =	strace $0x80000051  }
0xb3: {  	_ =	swait.ge [sflag:s29], $0x1  }
0xb4: {  	[sflag:s29] =	ssyncadd.s32 $0xFFFFFFFF  }
0xb5: {  	_ =	strace $0x90000051  }
0xb6: {  	_ =	sfence  }
0xb7: {  	s30 =	sld [smem:$0x0];
	_ =	sdelay $0x2  }
0xb8: {  	s31 =	sshll.u32 s1, $0xD;
	s1 =	sshrl.u32 s1, $0x2  }
0xb9: {  	s3 =	sand.u32 $0x4000, s31;
	s1 =	sadd.s32 s1, s30  }
0xba: {  	s0 =	sor.u32 s3, s0;
	s1 =	sshll.u32 s1, $0x11  }
0xbb: {  	s0 =	sor.u32 s1, s0  }
0xbc: {  	s0 =	sadd.s32 $0x8F2B, s0  }
0xbd: {  	[sflag:s0] =	ssyncadd.remote.s32 $0x1  }
0xbe: {  	_ =	sfence.sel $0xFFFF  }
0xbf: {  	[dreg:$0x0] =	wrdreg $0xFFFFFFFF;
	(pc) =	sbr.abs _section_cstart, $3  }
0xc0: {  	[dreg:$0x1] =	wrdreg $0xFFFFFFFF  }
0xc1: {  	_ =	task.clear_ibuf [dreg:s7], $0x2FFFF;
	_ =	strace $0x9FFFFFFF  }
0xc2: {  	(tm) =	ssettm $0x7FFFFFFF  }
0xc3: {  	_ =	shalt  }
tec
execute0_lowered:
.L_overlay_start_1:
0x0: {  	(tag) =	ssettag $0x1  }
0x1: {  	s1 =	srdreg.scid;
	s2 =	rddreg [dreg:$0x0]  }
0x2: {  	s0 =	stileid.u32;
	s6 =	rddreg [dreg:$0x1];
	s3 =	simm.s32 $0x0  }
0x3: {  	s11 =	simm.s32 $0x5;
	s12 =	simm.s32 $0x2780;
	s13 =	simm.s32 $0x28  }
0x4: {  	s14 =	simm.s32 $0x4F00;
	s15 =	simm.s32 $0x7700;
	s16 =	simm.s32 $0x6300  }
0x5: {  	s17 =	simm.s32 $0x27A8;
	s18 =	simm.s32 $0x8B00;
	s19 =	simm.s32 $0x1  }
0x6: {  	s20 =	simm.s32 $0x9F00;
	s21 =	simm.s32 $0x2;
	s22 =	simm.s32 $0xB300  }
0x7: {  	s23 =	simm.s32 $0x3;
	s5 =	sand.u32 $0x1, s1;
	s30 =	sshll.u32 s0, $0x1  }
0x8: {  	s24 =	simm.s32 $0x4;
	s25 =	simm.s32 $0x0;
	s4 =	sor.u32 s5, s30  }
0x9: {  	[smem:$0x7FF] =	sst s3;
	s8 =	ssub.s32 $0x2, s5;
	s4 =	smul.u32 $0x2710, s4  }
0xa: {  	s1 =	rddreg [dreg:$0x2];
	_ =	strace $0x80000050;
	s31 =	sshrl.u32 s8, $0x1  }
0xb: {  	s5 =	sadd.s32 $0x18800, s6;
	s10 =	ssub.s32 s8, s31;
	s7 =	sshrl.u32 s4, $0x3  }
0xc: {  	s10 =	smax.u32 s10, $0x1;
	s9 =	sadd.s32 s7, s6;
	s6 =	sadd.s32 $0x40800, s6  }
0xd: {  	s7 =	sadd.s32 $0x4C00, s9;
	s8 =	sadd.s32 $0xEA00, s9;
	s9 =	sadd.s32 $0x28, s4  }
.LBB2_1:
0xe: {  	[tilespmem:s3], [sflag:$0x5] =	stream.linear.gather [hbm4b:s7+s3], $0x2710, $0x38;
	[tilespmem:$0xC700] =	vst v63  }
0xf: {  	_ =	swait.ge [sflag:s11], $0x2710  }
0x10: {  	[sflag:s11] =	ssyncset.done $0x0  }
0x11: {  	[sflag:s11] =	ssyncadd.s32 $0xFFFFD8F0  }
0x12: {  	[tilespmem:s12], [sflag:$0x5] =	stream.linear.gather [hbm4b:s8+s3], $0x2710, $0x38;
	[tilespmem:$0xC700] =	vst v63  }
0x13: {  	_ =	swait.ge [sflag:s11], $0x2710  }
0x14: {  	[sflag:s11] =	ssyncset.done $0x0  }
0x15: {  	[sflag:s11] =	ssyncadd.s32 $0xFFFFD8F0  }
0x16: {  	[tilespmem:s14], [sflag:$0x1] =	stream.indirect.gather [hbm4b:s2+s13], $0x80, s3, s13, $0xb8;
	[tilespmem:$0xC700] =	vst v63  }
0x17: {  	_ = 	snop  }
0x18: {  	[tilespmem:s15], [sflag:$0x1] =	stream.indirect.gather [hbm4b:s5+s13], $0x80, s12, s13, $0xb8;
	[tilespmem:$0xC700] =	vst v63  }
0x19: {  	_ = 	snop  }
0x1a: {  	[tilespmem:s16], [sflag:$0x2] =	stream.indirect.gather [hbm4b:s2+s13], $0x80, s13, s13, $0xb8;
	[tilespmem:$0xC700] =	vst v63  }
0x1b: {  	s26 =	simm.s32 $0x0  }
0x1c: {  	[tilespmem:s18], [sflag:$0x2] =	stream.indirect.gather [hbm4b:s5+s13], $0x80, s17, s13, $0xb8;
	[tilespmem:$0xC700] =	vst v63  }
.LBB2_2:
0x1d: {  	_ =	swait.ge [sflag:s19], $0x1400  }
0x1e: {  	[sflag:s19] =	ssyncset.done $0x0  }
0x1f: {  	[sflag:s19] =	ssyncadd.s32 $0xFFFFEC00  }
0x20: {  	_ =	swait.ge [sflag:s19], $0x1400  }
0x21: {  	p1 =	seq.s32 s26, $0x0;
	[sflag:s19] =	ssyncset.done $0x0  }
0x22: {  	s28 =	simm.s32 @!p1 $0x3;
	[sflag:s19] =	ssyncadd.s32 $0xFFFFEC00  }
0x23: {  	_ =	swait.ge @!p1 [sflag:s28], $0x1400  }
0x24: {  	[sflag:s28] =	ssyncset.done @!p1 $0x0  }
0x25: {  	[sflag:s28] =	ssyncadd.s32 @!p1 $0xFFFFEC00;
	s28 =	simm.s32 $0x0  }
0x26: {  	v0 =	vld [tilespmem:s28+$0x4F70]  }
0x27: {  	v1 =	vld [tilespmem:s28+$0x7770]  }
0x28: {  	v2 =	vld [tilespmem:s28+$0x4F00]  }
0x29: {  	v3 =	vld [tilespmem:s28+$0x7700]  }
0x2a: {  	v4 =	vld [tilespmem:s28+$0x4F10]  }
0x2b: {  	v5 =	vld [tilespmem:s28+$0x7710]  }
0x2c: {  	v6 =	vld [tilespmem:s28+$0x4F20]  }
0x2d: {  	v0 =	vsub.f32 v0, v1;
	v1 =	vld [tilespmem:s28+$0x7720]  }
0x2e: {  	v7 =	vld [tilespmem:s28+$0x4F30]  }
0x2f: {  	v8 =	vld [tilespmem:s28+$0x7730];
	v2 =	vsub.f32 v2, v3  }
0x30: {  	v9 =	vld [tilespmem:s28+$0x4F40];
	v0 =	vmax.f32 v0, $0.0e+00  }
0x31: {  	[tilespmem:s28+$0x9F70] =	vst v0;
	v0 =	vmax.f32 v2, $0.0e+00;
	v2 =	vsub.f32 v4, v5;
	v5 =	vld [tilespmem:s28+$0x7740]  }
0x32: {  	v3 =	vld [tilespmem:s28+$0x7750];
	v1 =	vsub.f32 v6, v1  }
0x33: {  	[tilespmem:s28+$0x9F00] =	vst v0;
	v0 =	vld [tilespmem:s28+$0x4F50];
	v2 =	vmax.f32 v2, $0.0e+00  }
0x34: {  	v4 =	vld [tilespmem:s28+$0x7760];
	v6 =	vsub.f32 v7, v8;
	[tilespmem:s28+$0x9F10] =	vst v2;
	v2 =	vmax.f32 v1, $0.0e+00  }
0x35: {  	s29 =	simm.s32 $0x80;
	v1 =	vld [tilespmem:s28+$0x4F60];
	[tilespmem:s28+$0x9F20] =	vst v2  }
0x36: {  	s30 =	simm.s32 $0x400;
	v6 =	vmax.f32 v6, $0.0e+00;
	v5 =	vsub.f32 v9, v5;
	v2 =	vld [tilespmem:s29+$0x4F70]  }
.LBB2_3:
0x37: {  	p0 =	sne.s32 s30, $0x4E00;
	v7 =	vld [tilespmem:s29+$0x7770];
	[tilespmem:s28+$0x9F30] =	vst v6  }
0x38: {  	v6 =	vld [tilespmem:s29+$0x4F00];
	v5 =	vmax.f32 v5, $0.0e+00;
	v0 =	vsub.f32 v0, v3  }
0x39: {  	v3 =	vld [tilespmem:s29+$0x7700];
	[tilespmem:s28+$0x9F40] =	vst v5  }
0x3a: {  	v5 =	vld [tilespmem:s29+$0x4F10];
	v0 =	vmax.f32 v0, $0.0e+00;
	v1 =	vsub.f32 v1, v4  }
0x3b: {  	v4 =	vld [tilespmem:s29+$0x7710];
	[tilespmem:s28+$0x9F50] =	vst v0  }
0x3c: {  	v0 =	vld [tilespmem:s29+$0x4F20];
	v2 =	vsub.f32 v2, v7;
	v1 =	vmax.f32 v1, $0.0e+00  }
0x3d: {  	v7 =	vld [tilespmem:s29+$0x7720];
	[tilespmem:s28+$0x9F60] =	vst v1;
	s28 =	smov.u32 s29  }
0x3e: {  	v1 =	vsub.f32 v6, v3;
	v6 =	vld [tilespmem:s28+$0x4F30];
	v2 =	vmax.f32 v2, $0.0e+00  }
0x3f: {  	v8 =	vld [tilespmem:s28+$0x7730];
	[tilespmem:s28+$0x9F70] =	vst v2  }
0x40: {  	v1 =	vmax.f32 v1, $0.0e+00;
	v2 =	vsub.f32 v5, v4;
	v5 =	vld [tilespmem:s28+$0x4F40]  }
0x41: {  	[tilespmem:s28+$0x9F00] =	vst v1;
	v9 =	vld [tilespmem:s28+$0x7740]  }
.Ltmp0:
0x42: {  	v1 =	vmax.f32 v2, $0.0e+00;
	v2 =	vsub.f32 v0, v7;
	v0 =	vld [tilespmem:s28+$0x4F50];
	(pc) =	sbr.rel @p0 .LBB2_3-.Ltmp0, $4  }
0x43: {  	[tilespmem:s28+$0x9F10] =	vst v1;
	v3 =	vld [tilespmem:s28+$0x7750]  }
0x44: {  	v2 =	vmax.f32 v2, $0.0e+00;
	v6 =	vsub.f32 v6, v8;
	v1 =	vld [tilespmem:s28+$0x4F60]  }
0x45: {  	s29 =	sshra.s32 s30, $0x2;
	[tilespmem:s28+$0x9F20] =	vst v2;
	v4 =	vld [tilespmem:s28+$0x7760]  }
0x46: {  	s30 =	sadd.s32 $0x200, s30;
	v2 =	vld [tilespmem:s29+$0x4F70];
	v6 =	vmax.f32 v6, $0.0e+00;
	v5 =	vsub.f32 v5, v9  }
0x47: {  	v7 =	vld [tilespmem:s29+$0x7770];
	[tilespmem:s28+$0x9F30] =	vst v6  }
0x48: {  	v6 =	vld [tilespmem:s29+$0x4F00];
	v5 =	vmax.f32 v5, $0.0e+00;
	v0 =	vsub.f32 v0, v3  }
0x49: {  	v8 =	vld [tilespmem:s29+$0x7700];
	[tilespmem:s28+$0x9F40] =	vst v5  }
0x4a: {  	v3 =	vld [tilespmem:s29+$0x4F10];
	v0 =	vmax.f32 v0, $0.0e+00;
	v1 =	vsub.f32 v1, v4  }
0x4b: {  	v5 =	vld [tilespmem:s29+$0x7710];
	[tilespmem:s28+$0x9F50] =	vst v0  }
0x4c: {  	v0 =	vld [tilespmem:s29+$0x4F20];
	v1 =	vmax.f32 v1, $0.0e+00  }
0x4d: {  	v4 =	vld [tilespmem:s29+$0x7720];
	v2 =	vsub.f32 v2, v7;
	[tilespmem:s28+$0x9F60] =	vst v1  }
0x4e: {  	v6 =	vsub.f32 v6, v8;
	v1 =	vld [tilespmem:s29+$0x4F30]  }
0x4f: {  	v2 =	vmax.f32 v2, $0.0e+00;
	v7 =	vld [tilespmem:s29+$0x7730]  }
0x50: {  	[tilespmem:s29+$0x9F70] =	vst v2;
	v2 =	vmax.f32 v6, $0.0e+00;
	v6 =	vld [tilespmem:s29+$0x4F40]  }
0x51: {  	v3 =	vsub.f32 v3, v5;
	v5 =	vld [tilespmem:s29+$0x4F50]  }
0x52: {  	[tilespmem:s29+$0x9F00] =	vst v2;
	v2 =	vld [tilespmem:s29+$0x7740];
	v0 =	vsub.f32 v0, v4  }
0x53: {  	v3 =	vmax.f32 v3, $0.0e+00;
	v4 =	vld [tilespmem:s29+$0x4F60]  }
0x54: {  	[tilespmem:s29+$0x9F10] =	vst v3;
	v3 =	vld [tilespmem:s29+$0x7750];
	v0 =	vmax.f32 v0, $0.0e+00  }
0x55: {  	[tilespmem:s29+$0x9F20] =	vst v0;
	v0 =	vld [tilespmem:s29+$0x7760];
	_ =	sdelay $0x1  }
0x56: {  	v1 =	vsub.f32 v1, v7  }
0x57: {  	v2 =	vsub.f32 v6, v2  }
0x58: {  	v1 =	vmax.f32 v1, $0.0e+00;
	v3 =	vsub.f32 v5, v3  }
0x59: {  	p0 =	seq.s32 s26, $0x7C;
	[tilespmem:s29+$0x9F30] =	vst v1;
	v1 =	vmax.f32 v2, $0.0e+00;
	v0 =	vsub.f32 v4, v0  }
0x5a: {  	s28 =	smul.u32 @!p0 $0x50, s26;
	[tilespmem:s29+$0x9F40] =	vst v1;
	v1 =	vmax.f32 v3, $0.0e+00  }
0x5b: {  	[tilespmem:s29+$0x9F50] =	vst v1;
	v0 =	vmax.f32 v0, $0.0e+00  }
0x5c: {  	s30 =	simm.s32 @!p0 $0x28;
	s31 =	simm.s32 @!p0 $0x4F00;
	[tilespmem:s29+$0x9F60] =	vst v0;
	s29 =	sadd.s32 @!p0 $0x50, s28  }
0x5d: {  	[tilespmem:s31], [sflag:$0x1] =	stream.indirect.gather @!p0 [hbm4b:s2+s30], $0x80, s29, s30, $0xb8;
	[tilespmem:$0xC700] =	vst v63  }
0x5e: {  	s29 =	sadd.s32 @!p0 $0x27D0, s28;
	s31 =	simm.s32 @!p0 $0x7700;
	s28 =	simm.s32 @p0 $0x26C0  }
0x5f: {  	[tilespmem:s31], [sflag:$0x1] =	stream.indirect.gather @!p0 [hbm4b:s5+s30], $0x80, s29, s30, $0xb8;
	[tilespmem:$0xC700] =	vst v63  }
0x60: {  	s29 =	sadd.s32 s4, s28  }
0x61: {  	s29 =	sshll.u32 s29, $0x4  }
0x62: {  	s29 =	sadd.s32 s6, s29  }
0x63: {  	[hbm4b:s29+s3] =	stream.linear.scatter [tilespmem:s20], [sflag:$0x3], $0x1400, $0x38;
	[tilespmem:$0xC700] =	vst v63  }
0x64: {  	_ =	swait.ge [sflag:s21], $0x1400  }
0x65: {  	[sflag:s21] =	ssyncset.done $0x0  }
0x66: {  	[sflag:s21] =	ssyncadd.s32 $0xFFFFEC00  }
0x67: {  	_ =	swait.ge [sflag:s21], $0x1400  }
0x68: {  	[sflag:s21] =	ssyncset.done $0x0  }
0x69: {  	s29 =	simm.s32 @!p1 $0x4;
	[sflag:s21] =	ssyncadd.s32 $0xFFFFEC00  }
0x6a: {  	_ =	swait.ge @!p1 [sflag:s29], $0x1400  }
0x6b: {  	[sflag:s29] =	ssyncset.done @!p1 $0x0  }
0x6c: {  	[sflag:s29] =	ssyncadd.s32 @!p1 $0xFFFFEC00;
	s29 =	simm.s32 $0x0  }
0x6d: {  	v0 =	vld [tilespmem:s29+$0x6370]  }
0x6e: {  	v1 =	vld [tilespmem:s29+$0x8B70]  }
0x6f: {  	v2 =	vld [tilespmem:s29+$0x6300]  }
0x70: {  	v3 =	vld [tilespmem:s29+$0x8B00]  }
0x71: {  	v4 =	vld [tilespmem:s29+$0x6310]  }
0x72: {  	v5 =	vld [tilespmem:s29+$0x8B10]  }
0x73: {  	v6 =	vld [tilespmem:s29+$0x6320]  }
0x74: {  	v0 =	vsub.f32 v0, v1;
	v1 =	vld [tilespmem:s29+$0x8B20]  }
0x75: {  	v7 =	vld [tilespmem:s29+$0x6330]  }
0x76: {  	v8 =	vld [tilespmem:s29+$0x8B30];
	v2 =	vsub.f32 v2, v3  }
0x77: {  	v9 =	vld [tilespmem:s29+$0x6340];
	v0 =	vmax.f32 v0, $0.0e+00  }
0x78: {  	[tilespmem:s29+$0xB370] =	vst v0;
	v0 =	vmax.f32 v2, $0.0e+00;
	v2 =	vsub.f32 v4, v5;
	v5 =	vld [tilespmem:s29+$0x8B40]  }
0x79: {  	v3 =	vld [tilespmem:s29+$0x8B50];
	v1 =	vsub.f32 v6, v1  }
0x7a: {  	[tilespmem:s29+$0xB300] =	vst v0;
	v0 =	vld [tilespmem:s29+$0x6350];
	v2 =	vmax.f32 v2, $0.0e+00  }
0x7b: {  	v4 =	vld [tilespmem:s29+$0x8B60];
	v6 =	vsub.f32 v7, v8;
	[tilespmem:s29+$0xB310] =	vst v2;
	v2 =	vmax.f32 v1, $0.0e+00  }
0x7c: {  	s30 =	simm.s32 $0x80;
	v1 =	vld [tilespmem:s29+$0x6360];
	[tilespmem:s29+$0xB320] =	vst v2  }
0x7d: {  	s31 =	simm.s32 $0x400;
	v6 =	vmax.f32 v6, $0.0e+00;
	v5 =	vsub.f32 v9, v5;
	v2 =	vld [tilespmem:s30+$0x6370]  }
.LBB2_5:
0x7e: {  	p1 =	sne.s32 s31, $0x4E00;
	v7 =	vld [tilespmem:s30+$0x8B70];
	[tilespmem:s29+$0xB330] =	vst v6  }
0x7f: {  	v6 =	vld [tilespmem:s30+$0x6300];
	v5 =	vmax.f32 v5, $0.0e+00;
	v0 =	vsub.f32 v0, v3  }
0x80: {  	v3 =	vld [tilespmem:s30+$0x8B00];
	[tilespmem:s29+$0xB340] =	vst v5  }
0x81: {  	v5 =	vld [tilespmem:s30+$0x6310];
	v0 =	vmax.f32 v0, $0.0e+00;
	v1 =	vsub.f32 v1, v4  }
0x82: {  	v4 =	vld [tilespmem:s30+$0x8B10];
	[tilespmem:s29+$0xB350] =	vst v0  }
0x83: {  	v0 =	vld [tilespmem:s30+$0x6320];
	v2 =	vsub.f32 v2, v7;
	v1 =	vmax.f32 v1, $0.0e+00  }
0x84: {  	v7 =	vld [tilespmem:s30+$0x8B20];
	[tilespmem:s29+$0xB360] =	vst v1;
	s29 =	smov.u32 s30  }
0x85: {  	v1 =	vsub.f32 v6, v3;
	v6 =	vld [tilespmem:s29+$0x6330];
	v2 =	vmax.f32 v2, $0.0e+00  }
0x86: {  	v8 =	vld [tilespmem:s29+$0x8B30];
	[tilespmem:s29+$0xB370] =	vst v2  }
0x87: {  	v1 =	vmax.f32 v1, $0.0e+00;
	v2 =	vsub.f32 v5, v4;
	v5 =	vld [tilespmem:s29+$0x6340]  }
0x88: {  	[tilespmem:s29+$0xB300] =	vst v1;
	v9 =	vld [tilespmem:s29+$0x8B40]  }
.Ltmp1:
0x89: {  	v1 =	vmax.f32 v2, $0.0e+00;
	v2 =	vsub.f32 v0, v7;
	v0 =	vld [tilespmem:s29+$0x6350];
	(pc) =	sbr.rel @p1 .LBB2_5-.Ltmp1, $4  }
0x8a: {  	[tilespmem:s29+$0xB310] =	vst v1;
	v3 =	vld [tilespmem:s29+$0x8B50]  }
0x8b: {  	v2 =	vmax.f32 v2, $0.0e+00;
	v6 =	vsub.f32 v6, v8;
	v1 =	vld [tilespmem:s29+$0x6360]  }
0x8c: {  	s30 =	sshra.s32 s31, $0x2;
	[tilespmem:s29+$0xB320] =	vst v2;
	v4 =	vld [tilespmem:s29+$0x8B60]  }
0x8d: {  	s31 =	sadd.s32 $0x200, s31;
	v2 =	vld [tilespmem:s30+$0x6370];
	v6 =	vmax.f32 v6, $0.0e+00;
	v5 =	vsub.f32 v5, v9  }
0x8e: {  	v7 =	vld [tilespmem:s30+$0x8B70];
	[tilespmem:s29+$0xB330] =	vst v6  }
0x8f: {  	v6 =	vld [tilespmem:s30+$0x6300];
	v5 =	vmax.f32 v5, $0.0e+00;
	v0 =	vsub.f32 v0, v3  }
0x90: {  	v8 =	vld [tilespmem:s30+$0x8B00];
	[tilespmem:s29+$0xB340] =	vst v5  }
0x91: {  	v52 =	vld [tilespmem:s30+$0x6310];
	v0 =	vmax.f32 v0, $0.0e+00;
	v1 =	vsub.f32 v1, v4  }
0x92: {  	v5 =	vld [tilespmem:s30+$0x8B10];
	[tilespmem:s29+$0xB350] =	vst v0  }
0x93: {  	v0 =	vld [tilespmem:s30+$0x6320];
	v1 =	vmax.f32 v1, $0.0e+00  }
0x94: {  	v53 =	vld [tilespmem:s30+$0x8B20];
	[tilespmem:s29+$0xB360] =	vst v1  }
0x95: {  	v1 =	vld [tilespmem:s30+$0x6330]  }
0x96: {  	v54 =	vld [tilespmem:s30+$0x8B30]  }
0x97: {  	v56 =	vld [tilespmem:s30+$0x6340]  }
0x98: {  	v57 =	vld [tilespmem:s30+$0x8B40]  }
0x99: {  	v58 =	vld [tilespmem:s30+$0x6350]  }
0x9a: {  	v2 =	vsub.f32 v2, v7;
	v59 =	vld [tilespmem:s30+$0x8B50]  }
0x9b: {  	v6 =	vsub.f32 v6, v8;
	v60 =	vld [tilespmem:s30+$0x6360]  }
0x9c: {  	v2 =	vmax.f32 v2, $0.0e+00;
	v61 =	vld [tilespmem:s30+$0x8B60];
	v3 =	vsub.f32 v52, v5  }
0x9d: {  	[tilespmem:s30+$0xB370] =	vst v2;
	v55 =	vmax.f32 v6, $0.0e+00;
	v0 =	vsub.f32 v0, v53  }
0x9e: {  	[tilespmem:s30+$0xB300] =	vst v55;
	v3 =	vmax.f32 v3, $0.0e+00;
	v1 =	vsub.f32 v1, v54  }
0x9f: {  	[tilespmem:s30+$0xB310] =	vst v3;
	v0 =	vmax.f32 v0, $0.0e+00;
	v2 =	vsub.f32 v56, v57  }
0xa0: {  	v3 =	vsub.f32 v58, v59;
	[tilespmem:s30+$0xB320] =	vst v0;
	v1 =	vmax.f32 v1, $0.0e+00  }
0xa1: {  	v0 =	vsub.f32 v60, v61;
	v62 =	vmax.f32 v2, $0.0e+00;
	[tilespmem:s30+$0xB330] =	vst v1  }
0xa2: {  	v63 =	vmax.f32 v3, $0.0e+00;
	[tilespmem:s30+$0xB340] =	vst v62  }
0xa3: {  	[tilespmem:s30+$0xB350] =	vst v63;
	v0 =	vmax.f32 v0, $0.0e+00  }
0xa4: {  	s31 =	simm.s32 @!p0 $0x6300;
	s29 =	sadd.s32 @!p0 $0x78, s28;
	[tilespmem:s30+$0xB360] =	vst v0;
	s30 =	simm.s32 @!p0 $0x28  }
0xa5: {  	[tilespmem:s31], [sflag:$0x2] =	stream.indirect.gather @!p0 [hbm4b:s2+s30], $0x80, s29, s30, $0xb8;
	[tilespmem:$0xC700] =	vst v63  }
0xa6: {  	s26 =	sadd.s32 $0x1, s26;
	s29 =	sadd.s32 @!p0 $0x27F8, s28;
	s31 =	simm.s32 @!p0 $0x8B00  }
0xa7: {  	[tilespmem:s31], [sflag:$0x2] =	stream.indirect.gather @!p0 [hbm4b:s5+s30], $0x80, s29, s30, $0xb8;
	[tilespmem:$0xC700] =	vst v63  }
0xa8: {  	p0 =	sne.s32 s26, $0x7D  }
.Ltmp2:
0xa9: {  	_ = 	snop;
	(pc) =	sbr.rel @p0 .LBB2_2-.Ltmp2, $4  }
0xaa: {  	s31 =	sadd.s32 s28, s9  }
0xab: {  	s28 =	sshll.u32 s31, $0x4  }
0xac: {  	s28 =	sadd.s32 s6, s28  }
0xad: {  	[hbm4b:s28+s3] =	stream.linear.scatter [tilespmem:s22], [sflag:$0x4], $0x1400, $0x38;
	[tilespmem:$0xC700] =	vst v63  }
0xae: {  	s25 =	sadd.s32 $0x1, s25  }
0xaf: {  	_ =	swait.ge [sflag:s23], $0x1400;
	p0 =	sne.s32 s25, s10  }
.Ltmp3:
0xb0: {  	[sflag:s23] =	ssyncset.done $0x0;
	(pc) =	sbr.rel @p0 .LBB2_1-.Ltmp3, $4  }
0xb1: {  	[sflag:s23] =	ssyncadd.s32 $0xFFFFEC00  }
0xb2: {  	_ =	swait.ge [sflag:s24], $0x1400  }
0xb3: {  	[sflag:s24] =	ssyncset.done $0x0  }
0xb4: {  	[sflag:s24] =	ssyncadd.s32 $0xFFFFEC00  }
0xb5: {  	_ =	sfence.sel $0x180000  }
0xb6: {  	[bflag:$0x0] =	sbarrier.arrive $0xFFFF  }
0xb7: {  	p0 =	sne.s32 s0, $0x0;
	_ =	strace $0x90000050  }
0xb8: {  	s0 =	sadd.s32 @!p0 $0x100000, s1;
	[bflag:$0x2] =	sbarrier.arrive $0xFFFF  }
0xb9: {  	[sflag:s0] =	ssyncadd.tile.s32 @!p0 $0x1;
	_ =	shalt  }
.Lfunc_end2:
_tile_overlayer_lowered:
.L_overlay_start_2:
0xba: {  	(tag) =	ssettag $0x2  }
0xbb: {  	s0 =	rddreg [dreg:$0x0];
	s2 =	stileid.u32  }
0xbc: {  	s1 =	rddreg [dreg:$0x1];
	p0 =	sne.s32 s2, $0x0  }
0xbd: {  	s3 =	rddreg [dreg:$0x2];
	[bflag:$0x3] =	sbarrier.arrive $0xFFFF;
	s2 =	simm.s32 @!p0 $0x1C05  }
0xbe: {  	[timem:s3], [sflag:s2] =	dma.local @!p0 [hbm:s0], s1  }
0xbf: {  	s0 =	simm.s32 @!p0 $0x5  }
0xc0: {  	_ =	swait.ge @!p0 [sflag:s0], s1  }
0xc1: {  	s1 =	ssub.s32 @!p0 $0x0, s1;
	[sflag:s0] =	ssyncset.done @!p0 $0x0  }
0xc2: {  	[sflag:s0] =	ssyncadd.s32 @!p0 s1  }
0xc3: {  	[bflag:$0x3] =	sbarrier.arrive $0xFFFF  }
0xc4: {  	_ =	shalt  }

// kernel: kernel.24.cloned.1.call-start
scs
__scs_entry_jumppad:
0x0: {  	(pc) =	sbr.rel $0x88, $3  }
0x1: {  	(tag) =	ssettag $0x0;
	lr =	simm.s32 $0x1  }
0x2: {  	[smem:$0x3F92] =	sst lr;
	_ =	strace $0xD0000000  }
0x3: {  	_ = 	snop  }
0x4: {  	_ = 	snop  }
0x5: {  	_ = 	snop  }
0x6: {  	_ = 	snop  }
0x7: {  	_ = 	snop  }
__scs_overlays_trampoline_lowered:
0x8: {  	[smem:$0x3FA1] =	sst s0  }
0x9: {  	[smem:$0x3FA2] =	sst s1  }
0xa: {  	[smem:$0x3FA3] =	sst s2  }
0xb: {  	[smem:$0x3FA4] =	sst s3  }
0xc: {  	[smem:$0x3FA5] =	sst s4  }
0xd: {  	[smem:$0x3FA6] =	sst s5  }
0xe: {  	[smem:$0x3FA7] =	sst s6  }
0xf: {  	[smem:$0x3FA8] =	sst s7  }
0x10: {  	[smem:$0x3FA9] =	sst s8  }
0x11: {  	[smem:$0x3FAA] =	sst s9;
	s0 =	simm.s32 @!p0 $0x0  }
0x12: {  	s1 =	sld [smem:$0x3F90];
	s0 =	simm.s32 @p0 $0x1  }
0x13: {  	[smem:$0x3FAB] =	sst s0;
	s0 =	simm.s32 @!p1 $0x0  }
0x14: {  	s2 =	sld [smem:$0x3F8F];
	s0 =	simm.s32 @p1 $0x1  }
0x15: {  	[smem:$0x3FAC] =	sst s0;
	s0 =	simm.s32 @!p2 $0x0  }
0x16: {  	s3 =	sld [smem:$0x3FDB];
	s0 =	simm.s32 @p2 $0x1  }
0x17: {  	s4 =	simm.s32 $0x1BF5;
	[smem:$0x3FAE] =	sst s0  }
0x18: {  	s0 =	sld [smem:$0x3F91];
	_ =	swait.ge [sflag:s4], $0x0  }
0x19: {  	s7 =	sld [smem:$0x3F92]  }
0x1a: {  	s8 =	sadd.s32 $0xFFFFE003, lr  }
0x1b: {  	s9 =	sadd.s32 $0xFFFFFEF7, lr;
	s5 =	simm.s32 $0xFFFFFFFF;
	p2 =	slt.u32 s8, $0xFFFFF086  }
0x1c: {  	p1 =	slt.u32 s9, $0xF7A;
	s5 =	simm.s32 @!p2 $0x0  }
0x1d: {  	s5 =	simm.s32 @p1 $0x1;
	p0 =	seq.s32 s7, s2  }
0x1e: {  	s7 =	smul.u32 @!p0 $0xF7A, s2;
	p2 =	seq.s32 @!p0 s5, $0x0  }
0x1f: {  	s9 =	smul.u32 $0xF7A, s1;
	s8 =	simm.s32 @!p0 $0x1BF5;
	p2 =	por !p2, p0  }
0x20: {  	[sflag:s8] =	ssyncset.s32 @!p0 $0xFFFFF086;
	s6 =	sadd.s32 @!p0 s3, s7;
	s7 =	simm.s32 @!p0 $0x108  }
0x21: {  	s3 =	sadd.s32 s3, s9;
	s6 =	sadd.s32 @!p0 $0x88, s6;
	s7 =	simm.s32 @p2 $0x1082  }
0x22: {  	[simem:s7], [sflag:s8] =	dma.local @!p0 [hbm:s6], $0xF7A  }
0x23: {  	s9 =	sor.u32 $0xD0000000, s2;
	s6 =	simm.s32 $0x108;
	_ =	swait.ge @!p0 [sflag:s8], $0x0  }
0x24: {  	s3 =	sadd.s32 $0x88, s3;
	s6 =	simm.s32 @!p1 $0x1082;
	[sflag:s4] =	ssyncset.s32 $0xFFFFF086  }
0x25: {  	[simem:s6], [sflag:s4] =	dma.local [hbm:s3], $0xF7A  }
0x26: {  	[smem:$0x3F92] =	sst s1;
	(tag) =	ssettag s2;
	_ =	strace s9  }
0x27: {  	s1 =	sld [smem:$0x3FA2]  }
0x28: {  	s2 =	sld [smem:$0x3FA3]  }
0x29: {  	s4 =	sld [smem:$0x3FA5]  }
0x2a: {  	p0 =	seq.s32 s5, $0x0;
	s5 =	sld [smem:$0x3FA6]  }
0x2b: {  	s6 =	sld [smem:$0x3FA7]  }
0x2c: {  	s7 =	sld [smem:$0x3FA8]  }
0x2d: {  	s3 =	simm.s32 $0x108;
	s8 =	sld [smem:$0x3FA9]  }
0x2e: {  	s3 =	simm.s32 @!p0 $0x1082;
	s9 =	sld [smem:$0x3FAA]  }
0x2f: {  	lr =	sadd.s32 s0, s3;
	s0 =	sld [smem:$0x3FA1]  }
0x30: {  	s3 =	sld [smem:$0x3FA4]  }
0x31: {  	[smem:$0x3FAD] =	sst s10  }
0x32: {  	s10 =	sld [smem:$0x3FAB];
	_ =	sdelay $0x3  }
0x33: {  	p0 =	seq.s32 s10, $0x1;
	s10 =	sld [smem:$0x3FAD];
	_ =	sdelay $0x3  }
0x34: {  	[smem:$0x3FAD] =	sst s10  }
0x35: {  	s10 =	sld [smem:$0x3FAC];
	_ =	sdelay $0x3  }
0x36: {  	p1 =	seq.s32 s10, $0x1;
	s10 =	sld [smem:$0x3FAD];
	_ =	sdelay $0x3  }
0x37: {  	[smem:$0x3FAD] =	sst s10  }
0x38: {  	s10 =	sld [smem:$0x3FAE]  }
0x39: {  	_ = 	snop;
	(pc) =	sbr.ind lr, $3  }
0x3a: {  	_ = 	snop  }
0x3b: {  	_ = 	snop  }
0x3c: {  	p2 =	seq.s32 s10, $0x1;
	s10 =	sld [smem:$0x3FAD]  }
0x3d: {  	_ =	shalt  }
0x3e: {  	_ =	shalt  }
0x3f: {  	_ =	shalt  }
0x40: {  	_ =	shalt  }
0x41: {  	_ =	shalt  }
0x42: {  	_ =	shalt  }
0x43: {  	_ =	shalt  }
0x44: {  	_ =	shalt  }
0x45: {  	_ =	shalt  }
0x46: {  	_ =	shalt  }
0x47: {  	_ =	shalt  }
0x48: {  	_ =	shalt  }
0x49: {  	_ =	shalt  }
0x4a: {  	_ =	shalt  }
0x4b: {  	_ =	shalt  }
0x4c: {  	_ =	shalt  }
0x4d: {  	_ =	shalt  }
0x4e: {  	_ =	shalt  }
0x4f: {  	_ =	shalt  }
0x50: {  	_ =	shalt  }
0x51: {  	_ =	shalt  }
0x52: {  	_ =	shalt  }
0x53: {  	_ =	shalt  }
0x54: {  	_ =	shalt  }
0x55: {  	_ =	shalt  }
0x56: {  	_ =	shalt  }
0x57: {  	_ =	shalt  }
0x58: {  	_ =	shalt  }
0x59: {  	_ =	shalt  }
0x5a: {  	_ =	shalt  }
0x5b: {  	_ =	shalt  }
0x5c: {  	_ =	shalt  }
0x5d: {  	_ =	shalt  }
0x5e: {  	_ =	shalt  }
0x5f: {  	_ =	shalt  }
0x60: {  	_ =	shalt  }
0x61: {  	_ =	shalt  }
0x62: {  	_ =	shalt  }
0x63: {  	_ =	shalt  }
0x64: {  	_ =	shalt  }
0x65: {  	_ =	shalt  }
0x66: {  	_ =	shalt  }
0x67: {  	_ =	shalt  }
0x68: {  	_ =	shalt  }
0x69: {  	_ =	shalt  }
0x6a: {  	_ =	shalt  }
0x6b: {  	_ =	shalt  }
0x6c: {  	_ =	shalt  }
0x6d: {  	_ =	shalt  }
0x6e: {  	_ =	shalt  }
0x6f: {  	_ =	shalt  }
0x70: {  	_ =	shalt  }
0x71: {  	_ =	shalt  }
0x72: {  	_ =	shalt  }
0x73: {  	_ =	shalt  }
0x74: {  	_ =	shalt  }
0x75: {  	_ =	shalt  }
0x76: {  	_ =	shalt  }
0x77: {  	_ =	shalt  }
0x78: {  	_ =	shalt  }
0x79: {  	_ =	shalt  }
0x7a: {  	_ =	shalt  }
0x7b: {  	_ =	shalt  }
0x7c: {  	_ =	shalt  }
0x7d: {  	_ =	shalt  }
0x7e: {  	_ =	shalt  }
0x7f: {  	_ =	shalt  }
0x80: {  	_ =	shalt  }
0x81: {  	_ =	shalt  }
0x82: {  	_ =	shalt  }
0x83: {  	_ =	shalt  }
0x84: {  	_ =	shalt  }
0x85: {  	_ =	shalt  }
0x86: {  	_ =	shalt  }
0x87: {  	_ =	shalt  }
.Lfunc_end0:
.L_simem_size_0:
called_computation.4_lowered:
.L_overlay_start_0:
0x88: {  	s2 =	sld [smem:$0x3FD9]  }
0x89: {  	s3 =	sld [smem:$0x3FFE];
	_ =	sdelay $0x1  }
0x8a: {  	s1 =	srdreg.scid  }
0x8b: {  	s0 =	sand.u32 $0x1, s1  }
0x8c: {  	s16 =	sshll.u32 s0, $0xA;
	s2 =	sadd.s32 s3, s2  }
0x8d: {  	s2 =	sadd.s32 s2, s16  }
0x8e: {  	[smem:$0x3FB9] =	sst s2  }
0x8f: {  	_ = 	snop  }
0x90: {  	(tm) =	ssettm $0x1  }
0x91: {  	s17 =	sld [smem:$0x3FFB];
	_ =	sdelay $0x3  }
0x92: {  	_ =	strace s17  }
0x93: {  	s2 =	sld [smem:$0x3FFC];
	_ =	sdelay $0x3  }
0x94: {  	_ =	strace s2  }
0x95: {  	s2 =	sld [smem:$0x3FFD];
	_ =	sdelay $0x3  }
0x96: {  	_ =	strace s2  }
0x97: {  	_ =	strace $0x8FFFFFFF  }
0x98: {  	s18 =	sld [smem:$0x3FDB];
	_ =	sdelay $0x1  }
0x99: {  	s19 =	simm.s32 $_scs_section_size  }
0x9a: {  	s4 =	simm.s32 $_size__tile_overlayer_lowered;
	s5 =	simm.s32 $_tile_overlayer_lowered  }
0x9b: {  	s22 =	simm.s32 $0x1BFF;
	s21 =	sshll.u32 s5, $0x1;
	s2 =	sadd.s32 s19, s18  }
0x9c: {  	s6 =	simm.s32 $0x0;
	s20 =	sshll.u32 s4, $0x1;
	s4 =	sadd.s32 s21, s2  }
0x9d: {  	[timem:s6], [sflag:s22] =	dma.local [hbm:s4], s20  }
0x9e: {  	_ =	swait.ge [sflag:s22], s20  }
0x9f: {  	s3 =	ssub.s32 $0x0, s20;
	[sflag:s22] =	ssyncset.done $0x0  }
0xa0: {  	[sflag:s22] =	ssyncadd.s32 s3;
	_ =	sdelay $0x1  }
0xa1: {  	s23 =	simm.s32 $0x1B8B  }
0xa2: {  	_ =	swait.ge [sflag:s23], $0x1  }
0xa3: {  	[sflag:s23] =	ssyncset.done $0x0  }
0xa4: {  	s25 =	simm.s32 $0x1B8E;
	s24 =	sld [smem:$0x3FFE];
	[sflag:s23] =	ssyncadd.s32 $0xFFFFFFFF  }
0xa5: {  	s26 =	simm.s32 $execute0_lowered;
	[smem:$0x3FD2] =	sst s25  }
0xa6: {  	s4 =	sshll.u32 s26, $0x1;
	_ =	strace $0x80000052;
	[dreg:$0x1] =	wrdreg $0xFFFFFFFF  }
0xa7: {  	s28 =	simm.s32 $_size_execute0_lowered;
	s2 =	sadd.s32 s2, s4;
	[dreg:$0x0] =	wrdreg $0x0  }
0xa8: {  	s4 =	sshll.u32 s28, $0x1;
	[dreg:$0x2] =	wrdreg s2  }
0xa9: {  	[dreg:$0x3] =	wrdreg s4  }
0xaa: {  	[dreg:$0x4] =	wrdreg $0xC0  }
0xab: {  	_ =	task [dreg:s6], $0x5FFFF  }
0xac: {  	[dreg:$0x1] =	wrdreg $0xFFFFFFFF  }
0xad: {  	[dreg:$0x0] =	wrdreg $0x60  }
0xae: {  	[dreg:$0x2] =	wrdreg s24  }
0xaf: {  	[dreg:$0x3] =	wrdreg $0x9  }
0xb0: {  	_ =	task.clear_ibuf [dreg:s6], $0x4FFFF;
	_ =	strace $0x90000052  }
0xb1: {  	s29 =	simm.s32 $0x9;
	_ =	strace $0x80000054  }
0xb2: {  	_ =	swait.ge [sflag:s29], $0x1  }
0xb3: {  	[sflag:s29] =	ssyncadd.s32 $0xFFFFFFFF  }
0xb4: {  	_ =	strace $0x90000054  }
0xb5: {  	_ =	sfence  }
0xb6: {  	s30 =	sld [smem:$0x0];
	_ =	sdelay $0x2  }
0xb7: {  	s31 =	sshll.u32 s1, $0xD;
	s1 =	sshrl.u32 s1, $0x2  }
0xb8: {  	s3 =	sand.u32 $0x4000, s31;
	s1 =	sadd.s32 s1, s30  }
0xb9: {  	s0 =	sor.u32 s3, s0;
	s1 =	sshll.u32 s1, $0x11  }
0xba: {  	s0 =	sor.u32 s1, s0  }
0xbb: {  	s0 =	sadd.s32 $0x8F2B, s0  }
0xbc: {  	[sflag:s0] =	ssyncadd.remote.s32 $0x1  }
0xbd: {  	_ =	sfence.sel $0xFFFF  }
0xbe: {  	[dreg:$0x0] =	wrdreg $0xFFFFFFFF;
	(pc) =	sbr.abs _section_cstart, $3  }
0xbf: {  	[dreg:$0x1] =	wrdreg $0xFFFFFFFF  }
0xc0: {  	_ =	task.clear_ibuf [dreg:s6], $0x2FFFF;
	_ =	strace $0x9FFFFFFF  }
0xc1: {  	(tm) =	ssettm $0x7FFFFFFF  }
tec
execute0_lowered:
.L_overlay_start_1:
0x0: {  	(tag) =	ssettag $0x1  }
0x1: {  	s0 =	rddreg [dreg:$0x0];
	s2 =	simm.s32 $0x0  }
0x2: {  	s1 =	srdreg.scid;
	s8 =	stileid.u32;
	s17 =	simm.s32 $0x2D00  }
0x3: {  	s18 =	simm.s32 $0x280;
	s19 =	simm.s32 $0x1900;
	s20 =	simm.s32 $0x2D80  }
0x4: {  	s21 =	simm.s32 $0x1;
	s22 =	simm.s32 $0x2E00;
	s7 =	smul.u32 $0x14000, s8  }
0x5: {  	[smem:$0x7FF] =	sst s2;
	s1 =	sand.u32 $0x1, s1;
	s11 =	smul.u32 $0x271000, s8  }
0x6: {  	s10 =	sadd.s32 $0x555200, s0;
	s4 =	sadd.s32 $0xEA00, s0;
	s6 =	smul.u32 $0x140000, s1  }
0x7: {  	s5 =	sadd.s32 $0x554800, s0;
	s23 =	ssub.s32 $0x2, s1;
	s24 =	smul.u32 $0x138800, s1  }
0x8: {  	_ =	strace $0x80000053;
	s3 =	smul.u32 $0x27100, s1;
	s12 =	sshrl.u32 s23, $0x1  }
0x9: {  	s6 =	sadd.s32 s7, s6;
	s25 =	ssub.s32 s23, s12;
	s26 =	sadd.s32 s24, s11  }
0xa: {  	s28 =	sshrl.u32 s3, $0x3;
	s31 =	sadd.s32 $0x280, s3;
	s11 =	sshrl.u32 s11, $0x3  }
0xb: {  	s23 =	simm.s32 $0x2;
	s24 =	simm.s32 $0x3;
	s9 =	sshrl.u32 s6, $0x3  }
0xc: {  	s6 =	smul.u32 $0x2710, s1;
	s29 =	sshrl.u32 s26, $0x3;
	s7 =	sadd.s32 s4, s28  }
.Ltmp0:
0xd: {  	s14 =	sshrl.u32 s31, $0x3;
	s15 =	smax.u32 s25, $0x1;
	(pc) =	sbr.rel .LBB2_1-.Ltmp0, $4  }
0xe: {  	s25 =	simm.s32 $0x0;
	s0 =	sadd.s32 s9, s0;
	s8 =	sadd.s32 s10, s29  }
0xf: {  	s10 =	sadd.s32 s10, s11;
	s11 =	sadd.s32 s4, s14;
	s13 =	sadd.s32 $0x28, s6  }
0x10: {  	s30 =	sshrl.u32 s6, $0x3;
	s12 =	sadd.s32 s31, s10;
	s13 =	sshrl.u32 s13, $0x3  }
0x11: {  	v0 =	vimm.f32 $0.0e+00;
	s14 =	sadd.s32 $0x18800, s0;
	s9 =	sadd.s32 s5, s30;
	s13 =	sadd.s32 s5, s13  }
.LBB2_30:
0x12: {  	s25 =	sadd.s32 $0x1, s25  }
0x13: {  	p0 =	sne.s32 s25, s15  }
.Ltmp1:
0x14: {  	_ = 	snop;
	(pc) =	sbr.rel @!p0 .LBB2_31-.Ltmp1, $4  }
0x15: {  	[hbm4b:s14+s2] =	stream.linear.scatter [tilespmem:s22], [sflag:$0x3], $0x14000, $0x38;
	[tilespmem:$0x16E00] =	vst v63  }
0x16: {  	_ =	swait.ge [sflag:s24], $0x14000  }
0x17: {  	[sflag:s24] =	ssyncset.done $0x0  }
0x18: {  	[sflag:s24] =	ssyncadd.s32 $0xFFFEC000  }
.LBB2_1:
0x19: {  	s0 =	sand.u32 $0x70, s2;
	s1 =	sand.u32 $0x1FC00, s2  }
0x1a: {  	s0 =	sor.u32 s0, s1  }
0x1b: {  	s16 =	simm.s32 $0x0;
	s1 =	simm.s32 $0x10;
	[tilespmem:s0+$0x2E00] =	vst v0  }
.LBB2_2:
0x1c: {  	p0 =	sne.s32 s1, $0x27F0  }
.Ltmp2:
0x1d: {  	_ = 	snop;
	(pc) =	sbr.rel @p0 .LBB2_2-.Ltmp2, $4  }
0x1e: {  	s16 =	sadd.s32 $0x80, s16  }
0x1f: {  	s0 =	sand.u32 $0x70, s1;
	s26 =	sand.u32 $0x1FC00, s16  }
0x20: {  	s0 =	sor.u32 s0, s26  }
0x21: {  	s1 =	sadd.s32 $0x10, s1;
	[tilespmem:s0+$0x2E00] =	vst v0;
	s0 =	simm.s32 $0x0  }
0x22: {  	s1 =	sand.u32 $0x70, s0;
	s16 =	sand.u32 $0x1FC00, s0  }
0x23: {  	s1 =	sor.u32 s1, s16  }
0x24: {  	s26 =	simm.s32 $0x0;
	s16 =	simm.s32 $0x10;
	[tilespmem:s1+$0x2E80] =	vst v0  }
.LBB2_4:
0x25: {  	p0 =	sne.s32 s16, $0x27F0  }
.Ltmp3:
0x26: {  	_ = 	snop;
	(pc) =	sbr.rel @p0 .LBB2_4-.Ltmp3, $4  }
0x27: {  	s26 =	sadd.s32 $0x80, s26  }
0x28: {  	s28 =	sand.u32 $0x70, s16;
	s29 =	sand.u32 $0x1FC00, s26  }
0x29: {  	s28 =	sor.u32 s28, s29  }
0x2a: {  	s16 =	sadd.s32 $0x10, s16;
	[tilespmem:s28+$0x2E80] =	vst v0  }
0x2b: {  	s16 =	simm.s32 $0x10;
	[tilespmem:s1+$0x2F00] =	vst v0  }
.LBB2_6:
0x2c: {  	p0 =	sne.s32 s16, $0x27F0  }
.Ltmp4:
0x2d: {  	_ = 	snop;
	(pc) =	sbr.rel @p0 .LBB2_6-.Ltmp4, $4  }
0x2e: {  	s0 =	sadd.s32 $0x80, s0  }
0x2f: {  	s1 =	sand.u32 $0x70, s16;
	s26 =	sand.u32 $0x1FC00, s0  }
0x30: {  	s1 =	sor.u32 s1, s26  }
0x31: {  	s16 =	sadd.s32 $0x10, s16;
	[tilespmem:s1+$0x2F00] =	vst v0;
	s1 =	simm.s32 $0x0  }
0x32: {  	s0 =	sand.u32 $0x70, s1;
	s16 =	sand.u32 $0x1FC00, s1  }
0x33: {  	s0 =	sor.u32 s0, s16  }
0x34: {  	s26 =	simm.s32 $0x0;
	s16 =	simm.s32 $0x10;
	[tilespmem:s0+$0x2F80] =	vst v0  }
.LBB2_8:
0x35: {  	p0 =	sne.s32 s16, $0x27F0  }
.Ltmp5:
0x36: {  	_ = 	snop;
	(pc) =	sbr.rel @p0 .LBB2_8-.Ltmp5, $4  }
0x37: {  	s26 =	sadd.s32 $0x80, s26  }
0x38: {  	s28 =	sand.u32 $0x70, s16;
	s29 =	sand.u32 $0x1FC00, s26  }
0x39: {  	s28 =	sor.u32 s28, s29  }
0x3a: {  	s16 =	sadd.s32 $0x10, s16;
	[tilespmem:s28+$0x2F80] =	vst v0  }
0x3b: {  	s16 =	simm.s32 $0x10;
	[tilespmem:s0+$0x3000] =	vst v0  }
.LBB2_10:
0x3c: {  	p0 =	sne.s32 s16, $0x27F0  }
.Ltmp6:
0x3d: {  	_ = 	snop;
	(pc) =	sbr.rel @p0 .LBB2_10-.Ltmp6, $4  }
0x3e: {  	s1 =	sadd.s32 $0x80, s1  }
0x3f: {  	s0 =	sand.u32 $0x70, s16;
	s26 =	sand.u32 $0x1FC00, s1  }
0x40: {  	s0 =	sor.u32 s0, s26  }
0x41: {  	s16 =	sadd.s32 $0x10, s16;
	[tilespmem:s0+$0x3000] =	vst v0;
	s0 =	simm.s32 $0x0  }
0x42: {  	s1 =	sand.u32 $0x70, s0;
	s16 =	sand.u32 $0x1FC00, s0  }
0x43: {  	s16 =	sor.u32 s1, s16  }
0x44: {  	s1 =	simm.s32 $0x10;
	[tilespmem:s16+$0x3080] =	vst v0;
	s16 =	simm.s32 $0x0  }
.LBB2_12:
0x45: {  	p0 =	sne.s32 s1, $0x27F0  }
.Ltmp7:
0x46: {  	_ = 	snop;
	(pc) =	sbr.rel @p0 .LBB2_12-.Ltmp7, $4  }
0x47: {  	s16 =	sadd.s32 $0x80, s16  }
0x48: {  	s26 =	sand.u32 $0x70, s1;
	s28 =	sand.u32 $0x1FC00, s16  }
0x49: {  	s26 =	sor.u32 s26, s28  }
0x4a: {  	s1 =	sadd.s32 $0x10, s1;
	[tilespmem:s26+$0x3080] =	vst v0  }
0x4b: {  	s1 =	simm.s32 $0x0  }
.LBB2_14:
0x4c: {  	p0 =	sne.s32 s1, $0x27F0  }
.Ltmp8:
0x4d: {  	_ = 	snop;
	(pc) =	sbr.rel @p0 .LBB2_14-.Ltmp8, $4  }
0x4e: {  	_ = 	snop  }
0x4f: {  	s16 =	sand.u32 $0x70, s1;
	s26 =	sand.u32 $0x1FC00, s0  }
0x50: {  	s16 =	sor.u32 s16, s26  }
0x51: {  	s0 =	sadd.s32 $0x80, s0;
	s1 =	sadd.s32 $0x10, s1;
	[tilespmem:s16+$0x3100] =	vst v0  }
0x52: {  	s0 =	simm.s32 $0x0  }
0x53: {  	s1 =	sand.u32 $0x7, s0  }
0x54: {  	s1 =	sshll.u32 s1, $0x4  }
0x55: {  	s1 =	sadd.s32 $0x0, s1  }
0x56: {  	s16 =	sor.u32 $0x380, s1  }
0x57: {  	s1 =	simm.s32 $0x10;
	[tilespmem:s16+$0x2E00] =	vst v0;
	s16 =	simm.s32 $0x1  }
.LBB2_16:
0x58: {  	s26 =	sand.u32 $0x7, s16;
	p0 =	sne.s32 s1, $0x27F0;
	s1 =	sadd.s32 $0x10, s1  }
.Ltmp9:
0x59: {  	s0 =	sadd.s32 $0x80, s0;
	s26 =	sshll.u32 s26, $0x4;
	(pc) =	sbr.rel @p0 .LBB2_16-.Ltmp9, $4  }
0x5a: {  	s26 =	sadd.s32 s26, s0  }
0x5b: {  	s26 =	sor.u32 $0x380, s26  }
0x5c: {  	[tilespmem:s26+$0x2E00] =	vst v0  }
0x5d: {  	s16 =	sadd.s32 $0x1, s16  }
0x5e: {  	s26 =	simm.s32 $0x0  }
0x5f: {  	[tilespmem:s26], [sflag:$0x1] =	stream.linear.gather [hbm4b:s7+s26], $0x280, $0x38;
	[tilespmem:$0x16E00] =	vst v63  }
0x60: {  	s0 =	simm.s32 $0x500  }
0x61: {  	[tilespmem:s0], [sflag:$0x1] =	stream.linear.gather [hbm4b:s8+s26], $0x1400, $0x38;
	[tilespmem:$0x16E00] =	vst v63  }
0x62: {  	_ = 	snop  }
0x63: {  	[tilespmem:s17], [sflag:$0x1] =	stream.linear.gather [hbm4b:s9+s26], $0x28, $0x38;
	[tilespmem:$0x16E00] =	vst v63  }
0x64: {  	_ = 	snop  }
0x65: {  	[tilespmem:s18], [sflag:$0x2] =	stream.linear.gather [hbm4b:s11+s26], $0x280, $0x38;
	[tilespmem:$0x16E00] =	vst v63  }
0x66: {  	_ = 	snop  }
0x67: {  	[tilespmem:s19], [sflag:$0x2] =	stream.linear.gather [hbm4b:s12+s26], $0x1400, $0x38;
	[tilespmem:$0x16E00] =	vst v63  }
0x68: {  	_ = 	snop  }
0x69: {  	[tilespmem:s20], [sflag:$0x2] =	stream.linear.gather [hbm4b:s13+s26], $0x28, $0x38;
	[tilespmem:$0x16E00] =	vst v63  }
.LBB2_18:
0x6a: {  	_ =	swait.ge [sflag:s21], $0x280  }
0x6b: {  	[sflag:s21] =	ssyncset.done $0x0  }
0x6c: {  	[sflag:s21] =	ssyncadd.s32 $0xFFFFFD80  }
0x6d: {  	_ =	swait.ge [sflag:s21], $0x1400  }
.Ltmp10:
0x6e: {  	[sflag:s21] =	ssyncset.done $0x0;
	(pc) =	sbr.rel .LBB2_19-.Ltmp10, $4  }
0x6f: {  	[sflag:s21] =	ssyncadd.s32 $0xFFFFEC00  }
0x70: {  	_ =	swait.ge [sflag:s21], $0x28  }
0x71: {  	[sflag:s21] =	ssyncset.done $0x0  }
0x72: {  	s28 =	simm.s32 $0x0;
	[sflag:s21] =	ssyncadd.s32 $0xFFFFFFD8  }
.LBB2_22:
0x73: {  	s28 =	sadd.s32 $0x1, s28  }
0x74: {  	p0 =	sne.s32 s28, $0x28  }
.Ltmp11:
0x75: {  	_ = 	snop;
	(pc) =	sbr.rel @!p0 .LBB2_23-.Ltmp11, $1  }
0x76: {  	_ =	sdelay $0x3  }
.LBB2_19:
0x77: {  	s29 =	sshll.u32 s28, $0x4  }
0x78: {  	v1 =	vld [tilespmem:s29+$0x0];
	_ =	sdelay $0x4  }
0x79: {  	v2 =	vshll.u32 v1, $0x3  }
0x7a: {  	v1 =	vand.u32 $0x7F, v1;
	v2 =	vand.u32 $0xFFFFFC00, v2  }
0x7b: {  	v1 =	vor.u32 v1, v2  }
0x7c: {  	s0 =	sshll.u32 s28, $0x7  }
0x7d: {  	s1 =	sand.u32 $0x70, s29;
	s16 =	sand.u32 $0x1C00, s0  }
0x7e: {  	s30 =	sor.u32 s1, s16  }
0x7f: {  	v2 =	vld [tilespmem:s30+$0x500]  }
0x80: {  	v3 =	vld.idx.msk [tilespmem:v1+s22+$0x0], $0xffff;
	_ =	sdelay $0x4  }
0x81: {  	vm0 =	vgt.f32 v2, v3;
	_ =	sdelay $0x2  }
0x82: {  	v3 =	vor.u32 $0x80, v1;
	_ =	sdelay $0x2  }
0x83: {  	v4 =	vld [tilespmem:s28+$0x2D00];
	[tilespmem:v1+s22+$0x0] =	vst.idx.msk vm0, v2  }
0x84: {  	v2 =	vld [tilespmem:s30+$0x580]  }
0x85: {  	v5 =	vld.idx.msk [tilespmem:v3+s22+$0x0], $0xffff;
	_ =	sdelay $0x4  }
0x86: {  	vm9 =	vgt.f32 v2, v5;
	_ =	sdelay $0x2  }
0x87: {  	v61 =	vor.u32 $0x100, v1;
	_ =	sdelay $0x2  }
0x88: {  	[tilespmem:v3+s22+$0x0] =	vst.idx.msk vm9, v2  }
0x89: {  	v2 =	vld [tilespmem:s30+$0x600]  }
0x8a: {  	v3 =	vld.idx.msk [tilespmem:v61+s22+$0x0], $0xffff;
	_ =	sdelay $0x4  }
0x8b: {  	vm10 =	vgt.f32 v2, v3;
	_ =	sdelay $0x2  }
0x8c: {  	v3 =	vor.u32 $0x180, v1;
	_ =	sdelay $0x2  }
0x8d: {  	[tilespmem:v61+s22+$0x0] =	vst.idx.msk vm10, v2  }
0x8e: {  	v2 =	vld [tilespmem:s30+$0x680]  }
0x8f: {  	v5 =	vld.idx.msk [tilespmem:v3+s22+$0x0], $0xffff;
	_ =	sdelay $0x4  }
0x90: {  	vm11 =	vgt.f32 v2, v5;
	_ =	sdelay $0x2  }
0x91: {  	v62 =	vor.u32 $0x200, v1;
	_ =	sdelay $0x2  }
0x92: {  	[tilespmem:v3+s22+$0x0] =	vst.idx.msk vm11, v2  }
0x93: {  	v2 =	vld [tilespmem:s30+$0x700]  }
0x94: {  	v3 =	vld.idx.msk [tilespmem:v62+s22+$0x0], $0xffff;
	_ =	sdelay $0x4  }
0x95: {  	vm12 =	vgt.f32 v2, v3;
	_ =	sdelay $0x2  }
0x96: {  	v3 =	vor.u32 $0x280, v1;
	_ =	sdelay $0x2  }
0x97: {  	[tilespmem:v62+s22+$0x0] =	vst.idx.msk vm12, v2  }
0x98: {  	v2 =	vld [tilespmem:s30+$0x780]  }
0x99: {  	v5 =	vld.idx.msk [tilespmem:v3+s22+$0x0], $0xffff;
	_ =	sdelay $0x4  }
0x9a: {  	vm13 =	vgt.f32 v2, v5;
	_ =	sdelay $0x2  }
0x9b: {  	v63 =	vor.u32 $0x300, v1;
	_ =	sdelay $0x2  }
0x9c: {  	[tilespmem:v3+s22+$0x0] =	vst.idx.msk vm13, v2  }
0x9d: {  	v2 =	vld [tilespmem:s30+$0x800]  }
0x9e: {  	v3 =	vld.idx.msk [tilespmem:v63+s22+$0x0], $0xffff;
	_ =	sdelay $0x2  }
0x9f: {  	(v2sf) =	vpush v4, $0x0;
	_ =	sdelay $0x1  }
0xa0: {  	vm14 =	vgt.f32 v2, v3;
	_ =	sdelay $0x2  }
0xa1: {  	v1 =	vor.u32 $0x380, v1;
	_ =	sdelay $0x1  }
0xa2: {  	s0 =	sor.u32 s0, s29  }
0xa3: {  	s31 =	sor.u32 $0x380, s0;
	[tilespmem:v63+s22+$0x0] =	vst.idx.msk vm14, v2  }
0xa4: {  	v2 =	vld [tilespmem:s31+$0x500]  }
0xa5: {  	v3 =	vld.idx.msk [tilespmem:v1+s22+$0x0], $0xffff;
	_ =	sdelay $0x4  }
0xa6: {  	s16 =	spop (v2sf);
	vm15 =	vgt.f32 v2, v3  }
0xa7: {  	p0 =	slt.s32 s16, $0x1  }
.Ltmp12:
0xa8: {  	_ = 	snop;
	(pc) =	sbr.rel @p0 .LBB2_22-.Ltmp12, $2  }
0xa9: {  	_ =	sdelay $0x2  }
0xaa: {  	[tilespmem:v1+s22+$0x0] =	vst.idx.msk vm15, v2  }
0xab: {  	s0 =	sadd.s32 $0x500, s30;
	s1 =	simm.s32 $0xF  }
.LBB2_21:
0xac: {  	v1 =	vld [tilespmem:s29+$0x0];
	_ =	sdelay $0x4  }
0xad: {  	v2 =	vshll.u32 v1, $0x3  }
0xae: {  	v1 =	vand.u32 $0x7F, v1;
	v2 =	vand.u32 $0xFFFFFC00, v2  }
0xaf: {  	v1 =	vor.u32 v1, v2;
	_ =	sdelay $0x3  }
0xb0: {  	v2 =	vld [tilespmem:s30+$0x500]  }
0xb1: {  	v3 =	vld.idx.msk [tilespmem:v1+s22+$0x0], $0xffff;
	_ =	sdelay $0x4  }
0xb2: {  	vm0 =	vgt.f32 v2, v3;
	_ =	sdelay $0x2  }
0xb3: {  	v3 =	vor.u32 $0x80, v1;
	_ =	sdelay $0x2  }
0xb4: {  	[tilespmem:v1+s22+$0x0] =	vst.idx.msk vm0, v2  }
0xb5: {  	v2 =	vld [tilespmem:s0+$0x80]  }
0xb6: {  	v4 =	vld.idx.msk [tilespmem:v3+s22+$0x0], $0xffff;
	_ =	sdelay $0x4  }
0xb7: {  	vm9 =	vgt.f32 v2, v4;
	_ =	sdelay $0x2  }
0xb8: {  	v61 =	vor.u32 $0x100, v1;
	_ =	sdelay $0x2  }
0xb9: {  	[tilespmem:v3+s22+$0x0] =	vst.idx.msk vm9, v2  }
0xba: {  	v2 =	vld [tilespmem:s0+$0x100]  }
0xbb: {  	v3 =	vld.idx.msk [tilespmem:v61+s22+$0x0], $0xffff;
	_ =	sdelay $0x4  }
0xbc: {  	vm10 =	vgt.f32 v2, v3;
	_ =	sdelay $0x2  }
0xbd: {  	v3 =	vor.u32 $0x180, v1;
	_ =	sdelay $0x2  }
0xbe: {  	[tilespmem:v61+s22+$0x0] =	vst.idx.msk vm10, v2  }
0xbf: {  	v2 =	vld [tilespmem:s0+$0x180]  }
0xc0: {  	v4 =	vld.idx.msk [tilespmem:v3+s22+$0x0], $0xffff;
	_ =	sdelay $0x4  }
0xc1: {  	vm11 =	vgt.f32 v2, v4;
	_ =	sdelay $0x2  }
0xc2: {  	v62 =	vor.u32 $0x200, v1;
	_ =	sdelay $0x2  }
0xc3: {  	[tilespmem:v3+s22+$0x0] =	vst.idx.msk vm11, v2  }
0xc4: {  	v2 =	vld [tilespmem:s0+$0x200]  }
0xc5: {  	v3 =	vld.idx.msk [tilespmem:v62+s22+$0x0], $0xffff;
	_ =	sdelay $0x4  }
0xc6: {  	vm12 =	vgt.f32 v2, v3;
	_ =	sdelay $0x2  }
0xc7: {  	v3 =	vor.u32 $0x280, v1;
	_ =	sdelay $0x2  }
0xc8: {  	[tilespmem:v62+s22+$0x0] =	vst.idx.msk vm12, v2  }
0xc9: {  	v2 =	vld [tilespmem:s0+$0x280]  }
0xca: {  	v4 =	vld.idx.msk [tilespmem:v3+s22+$0x0], $0xffff;
	_ =	sdelay $0x4  }
0xcb: {  	vm13 =	vgt.f32 v2, v4;
	_ =	sdelay $0x2  }
0xcc: {  	v63 =	vor.u32 $0x300, v1;
	_ =	sdelay $0x2  }
0xcd: {  	[tilespmem:v3+s22+$0x0] =	vst.idx.msk vm13, v2  }
0xce: {  	v2 =	vld [tilespmem:s0+$0x300]  }
0xcf: {  	v3 =	vld.idx.msk [tilespmem:v63+s22+$0x0], $0xffff;
	_ =	sdelay $0x4  }
0xd0: {  	vm14 =	vgt.f32 v2, v3;
	_ =	sdelay $0x2  }
0xd1: {  	v1 =	vor.u32 $0x380, v1;
	_ =	sdelay $0x2  }
0xd2: {  	[tilespmem:v63+s22+$0x0] =	vst.idx.msk vm14, v2  }
0xd3: {  	v2 =	vld [tilespmem:s31+$0x500]  }
0xd4: {  	v3 =	vld.idx.msk [tilespmem:v1+s22+$0x0], $0xffff;
	_ =	sdelay $0x4  }
0xd5: {  	vm15 =	vgt.f32 v2, v3  }
0xd6: {  	p0 =	sne.s32 s1, $0x1  }
.Ltmp13:
0xd7: {  	_ = 	snop;
	(pc) =	sbr.rel @p0 .LBB2_21-.Ltmp13, $2  }
0xd8: {  	_ =	sdelay $0x2  }
0xd9: {  	s1 =	sadd.s32 $0xFFFFFFFF, s1;
	[tilespmem:v1+s22+$0x0] =	vst.idx.msk vm15, v2  }
.Ltmp14:
0xda: {  	_ = 	snop;
	(pc) =	sbr.rel .LBB2_22-.Ltmp14, $1  }
0xdb: {  	_ =	sdelay $0x3  }
.LBB2_23:
0xdc: {  	s28 =	sshll.u32 s26, $0x1;
	p0 =	seq.s32 s26, $0x7C  }
0xdd: {  	s0 =	sadd.s32 @!p0 $0x2, s28  }
0xde: {  	s1 =	smul.u32 @!p0 $0x280, s0;
	_ =	sdelay $0x1  }
0xdf: {  	s0 =	smul.u32 @!p0 $0x28, s0;
	s1 =	sadd.s32 @!p0 s3, s1  }
0xe0: {  	s16 =	sshrl.u32 @!p0 s1, $0x3  }
0xe1: {  	s29 =	simm.s32 @!p0 $0x0;
	s0 =	sadd.s32 @!p0 s6, s0;
	s16 =	sadd.s32 @!p0 s4, s16  }
0xe2: {  	[tilespmem:s29], [sflag:$0x1] =	stream.linear.gather @!p0 [hbm4b:s16+s29], $0x280, $0x38;
	[tilespmem:$0x16E00] =	vst v63  }
0xe3: {  	s1 =	sadd.s32 @!p0 s1, s10;
	s0 =	sshrl.u32 @!p0 s0, $0x3;
	s16 =	simm.s32 @!p0 $0x500  }
0xe4: {  	[tilespmem:s16], [sflag:$0x1] =	stream.linear.gather @!p0 [hbm4b:s1+s29], $0x1400, $0x38;
	[tilespmem:$0x16E00] =	vst v63  }
0xe5: {  	s0 =	sadd.s32 @!p0 s5, s0;
	s1 =	simm.s32 @!p0 $0x2D00  }
0xe6: {  	[tilespmem:s1], [sflag:$0x1] =	stream.linear.gather @!p0 [hbm4b:s0+s29], $0x28, $0x38;
	[tilespmem:$0x16E00] =	vst v63  }
0xe7: {  	_ =	swait.ge [sflag:s23], $0x280  }
0xe8: {  	[sflag:s23] =	ssyncset.done $0x0  }
0xe9: {  	[sflag:s23] =	ssyncadd.s32 $0xFFFFFD80  }
0xea: {  	_ =	swait.ge [sflag:s23], $0x1400  }
.Ltmp15:
0xeb: {  	[sflag:s23] =	ssyncset.done $0x0;
	(pc) =	sbr.rel .LBB2_24-.Ltmp15, $4  }
0xec: {  	[sflag:s23] =	ssyncadd.s32 $0xFFFFEC00  }
0xed: {  	_ =	swait.ge [sflag:s23], $0x28  }
0xee: {  	[sflag:s23] =	ssyncset.done $0x0  }
0xef: {  	s29 =	simm.s32 $0x0;
	[sflag:s23] =	ssyncadd.s32 $0xFFFFFFD8  }
.LBB2_27:
0xf0: {  	s29 =	sadd.s32 $0x1, s29  }
0xf1: {  	p1 =	sne.s32 s29, $0x28  }
.Ltmp16:
0xf2: {  	_ = 	snop;
	(pc) =	sbr.rel @!p1 .LBB2_28-.Ltmp16, $1  }
0xf3: {  	_ =	sdelay $0x3  }
.LBB2_24:
0xf4: {  	s30 =	sshll.u32 s29, $0x4  }
0xf5: {  	v1 =	vld [tilespmem:s30+$0x280];
	_ =	sdelay $0x4  }
0xf6: {  	v2 =	vshll.u32 v1, $0x3  }
0xf7: {  	v1 =	vand.u32 $0x7F, v1;
	v2 =	vand.u32 $0xFFFFFC00, v2  }
0xf8: {  	v1 =	vor.u32 v1, v2  }
0xf9: {  	s0 =	sshll.u32 s29, $0x7  }
0xfa: {  	s1 =	sand.u32 $0x70, s30;
	s16 =	sand.u32 $0x1C00, s0  }
0xfb: {  	s31 =	sor.u32 s1, s16  }
0xfc: {  	v2 =	vld [tilespmem:s31+$0x1900]  }
0xfd: {  	v3 =	vld.idx.msk [tilespmem:v1+s22+$0x0], $0xffff;
	_ =	sdelay $0x4  }
0xfe: {  	vm0 =	vgt.f32 v2, v3;
	_ =	sdelay $0x2  }
0xff: {  	v3 =	vor.u32 $0x80, v1;
	_ =	sdelay $0x2  }
0x100: {  	v4 =	vld [tilespmem:s29+$0x2D80];
	[tilespmem:v1+s22+$0x0] =	vst.idx.msk vm0, v2  }
0x101: {  	v2 =	vld [tilespmem:s31+$0x1980]  }
0x102: {  	v5 =	vld.idx.msk [tilespmem:v3+s22+$0x0], $0xffff;
	_ =	sdelay $0x4  }
0x103: {  	vm9 =	vgt.f32 v2, v5;
	_ =	sdelay $0x2  }
0x104: {  	v61 =	vor.u32 $0x100, v1;
	_ =	sdelay $0x2  }
0x105: {  	[tilespmem:v3+s22+$0x0] =	vst.idx.msk vm9, v2  }
0x106: {  	v2 =	vld [tilespmem:s31+$0x1A00]  }
0x107: {  	v3 =	vld.idx.msk [tilespmem:v61+s22+$0x0], $0xffff;
	_ =	sdelay $0x4  }
0x108: {  	vm10 =	vgt.f32 v2, v3;
	_ =	sdelay $0x2  }
0x109: {  	v3 =	vor.u32 $0x180, v1;
	_ =	sdelay $0x2  }
0x10a: {  	[tilespmem:v61+s22+$0x0] =	vst.idx.msk vm10, v2  }
0x10b: {  	v2 =	vld [tilespmem:s31+$0x1A80]  }
0x10c: {  	v5 =	vld.idx.msk [tilespmem:v3+s22+$0x0], $0xffff;
	_ =	sdelay $0x4  }
0x10d: {  	vm11 =	vgt.f32 v2, v5;
	_ =	sdelay $0x2  }
0x10e: {  	v62 =	vor.u32 $0x200, v1;
	_ =	sdelay $0x2  }
0x10f: {  	[tilespmem:v3+s22+$0x0] =	vst.idx.msk vm11, v2  }
0x110: {  	v2 =	vld [tilespmem:s31+$0x1B00]  }
0x111: {  	v3 =	vld.idx.msk [tilespmem:v62+s22+$0x0], $0xffff;
	_ =	sdelay $0x4  }
0x112: {  	vm12 =	vgt.f32 v2, v3;
	_ =	sdelay $0x2  }
0x113: {  	v3 =	vor.u32 $0x280, v1;
	_ =	sdelay $0x2  }
0x114: {  	[tilespmem:v62+s22+$0x0] =	vst.idx.msk vm12, v2  }
0x115: {  	v2 =	vld [tilespmem:s31+$0x1B80]  }
0x116: {  	v5 =	vld.idx.msk [tilespmem:v3+s22+$0x0], $0xffff;
	_ =	sdelay $0x4  }
0x117: {  	vm13 =	vgt.f32 v2, v5;
	_ =	sdelay $0x2  }
0x118: {  	v63 =	vor.u32 $0x300, v1;
	_ =	sdelay $0x2  }
0x119: {  	[tilespmem:v3+s22+$0x0] =	vst.idx.msk vm13, v2  }
0x11a: {  	v2 =	vld [tilespmem:s31+$0x1C00]  }
0x11b: {  	v3 =	vld.idx.msk [tilespmem:v63+s22+$0x0], $0xffff;
	_ =	sdelay $0x2  }
0x11c: {  	(v2sf) =	vpush v4, $0x0;
	_ =	sdelay $0x1  }
0x11d: {  	vm14 =	vgt.f32 v2, v3;
	_ =	sdelay $0x2  }
0x11e: {  	v1 =	vor.u32 $0x380, v1;
	_ =	sdelay $0x1  }
0x11f: {  	s0 =	sor.u32 s0, s30  }
0x120: {  	s0 =	sor.u32 $0x380, s0;
	[tilespmem:v63+s22+$0x0] =	vst.idx.msk vm14, v2  }
0x121: {  	v2 =	vld [tilespmem:s0+$0x1900]  }
0x122: {  	v3 =	vld.idx.msk [tilespmem:v1+s22+$0x0], $0xffff;
	_ =	sdelay $0x4  }
0x123: {  	s16 =	spop (v2sf);
	vm15 =	vgt.f32 v2, v3  }
0x124: {  	p1 =	slt.s32 s16, $0x1  }
.Ltmp17:
0x125: {  	_ = 	snop;
	(pc) =	sbr.rel @p1 .LBB2_27-.Ltmp17, $2  }
0x126: {  	_ =	sdelay $0x2  }
0x127: {  	[tilespmem:v1+s22+$0x0] =	vst.idx.msk vm15, v2  }
0x128: {  	s1 =	sadd.s32 $0x1900, s31;
	s16 =	simm.s32 $0xF  }
.LBB2_26:
0x129: {  	v1 =	vld [tilespmem:s30+$0x280];
	_ =	sdelay $0x4  }
0x12a: {  	v2 =	vshll.u32 v1, $0x3  }
0x12b: {  	v1 =	vand.u32 $0x7F, v1;
	v2 =	vand.u32 $0xFFFFFC00, v2  }
0x12c: {  	v1 =	vor.u32 v1, v2;
	_ =	sdelay $0x3  }
0x12d: {  	v2 =	vld [tilespmem:s31+$0x1900]  }
0x12e: {  	v3 =	vld.idx.msk [tilespmem:v1+s22+$0x0], $0xffff;
	_ =	sdelay $0x4  }
0x12f: {  	vm0 =	vgt.f32 v2, v3;
	_ =	sdelay $0x2  }
0x130: {  	v3 =	vor.u32 $0x80, v1;
	_ =	sdelay $0x2  }
0x131: {  	[tilespmem:v1+s22+$0x0] =	vst.idx.msk vm0, v2  }
0x132: {  	v2 =	vld [tilespmem:s1+$0x80]  }
0x133: {  	v4 =	vld.idx.msk [tilespmem:v3+s22+$0x0], $0xffff;
	_ =	sdelay $0x4  }
0x134: {  	vm9 =	vgt.f32 v2, v4;
	_ =	sdelay $0x2  }
0x135: {  	v61 =	vor.u32 $0x100, v1;
	_ =	sdelay $0x2  }
0x136: {  	[tilespmem:v3+s22+$0x0] =	vst.idx.msk vm9, v2  }
0x137: {  	v2 =	vld [tilespmem:s1+$0x100]  }
0x138: {  	v3 =	vld.idx.msk [tilespmem:v61+s22+$0x0], $0xffff;
	_ =	sdelay $0x4  }
0x139: {  	vm10 =	vgt.f32 v2, v3;
	_ =	sdelay $0x2  }
0x13a: {  	v3 =	vor.u32 $0x180, v1;
	_ =	sdelay $0x2  }
0x13b: {  	[tilespmem:v61+s22+$0x0] =	vst.idx.msk vm10, v2  }
0x13c: {  	v2 =	vld [tilespmem:s1+$0x180]  }
0x13d: {  	v4 =	vld.idx.msk [tilespmem:v3+s22+$0x0], $0xffff;
	_ =	sdelay $0x4  }
0x13e: {  	vm11 =	vgt.f32 v2, v4;
	_ =	sdelay $0x2  }
0x13f: {  	v62 =	vor.u32 $0x200, v1;
	_ =	sdelay $0x2  }
0x140: {  	[tilespmem:v3+s22+$0x0] =	vst.idx.msk vm11, v2  }
0x141: {  	v2 =	vld [tilespmem:s1+$0x200]  }
0x142: {  	v3 =	vld.idx.msk [tilespmem:v62+s22+$0x0], $0xffff;
	_ =	sdelay $0x4  }
0x143: {  	vm12 =	vgt.f32 v2, v3;
	_ =	sdelay $0x2  }
0x144: {  	v3 =	vor.u32 $0x280, v1;
	_ =	sdelay $0x2  }
0x145: {  	[tilespmem:v62+s22+$0x0] =	vst.idx.msk vm12, v2  }
0x146: {  	v2 =	vld [tilespmem:s1+$0x280]  }
0x147: {  	v4 =	vld.idx.msk [tilespmem:v3+s22+$0x0], $0xffff;
	_ =	sdelay $0x4  }
0x148: {  	vm13 =	vgt.f32 v2, v4;
	_ =	sdelay $0x2  }
0x149: {  	v63 =	vor.u32 $0x300, v1;
	_ =	sdelay $0x2  }
0x14a: {  	[tilespmem:v3+s22+$0x0] =	vst.idx.msk vm13, v2  }
0x14b: {  	v2 =	vld [tilespmem:s1+$0x300]  }
0x14c: {  	v3 =	vld.idx.msk [tilespmem:v63+s22+$0x0], $0xffff;
	_ =	sdelay $0x4  }
0x14d: {  	vm14 =	vgt.f32 v2, v3;
	_ =	sdelay $0x2  }
0x14e: {  	v1 =	vor.u32 $0x380, v1;
	_ =	sdelay $0x2  }
0x14f: {  	[tilespmem:v63+s22+$0x0] =	vst.idx.msk vm14, v2  }
0x150: {  	v2 =	vld [tilespmem:s0+$0x1900]  }
0x151: {  	v3 =	vld.idx.msk [tilespmem:v1+s22+$0x0], $0xffff;
	_ =	sdelay $0x4  }
0x152: {  	vm15 =	vgt.f32 v2, v3  }
0x153: {  	p1 =	sne.s32 s16, $0x1  }
.Ltmp18:
0x154: {  	_ = 	snop;
	(pc) =	sbr.rel @p1 .LBB2_26-.Ltmp18, $2  }
0x155: {  	_ =	sdelay $0x2  }
0x156: {  	s16 =	sadd.s32 $0xFFFFFFFF, s16;
	[tilespmem:v1+s22+$0x0] =	vst.idx.msk vm15, v2  }
.Ltmp19:
0x157: {  	_ = 	snop;
	(pc) =	sbr.rel .LBB2_27-.Ltmp19, $1  }
0x158: {  	_ =	sdelay $0x3  }
.LBB2_28:
.Ltmp20:
0x159: {  	(pc) =	sbr.rel @p0 .LBB2_30-.Ltmp20, $1  }
0x15a: {  	_ =	sdelay $0x3  }
0x15b: {  	s0 =	sadd.s32 $0x3, s28  }
0x15c: {  	s1 =	smul.u32 $0x280, s0;
	_ =	sdelay $0x1  }
0x15d: {  	s1 =	sadd.s32 s3, s1  }
0x15e: {  	s16 =	sshrl.u32 s1, $0x3  }
0x15f: {  	s0 =	smul.u32 $0x28, s0;
	s16 =	sadd.s32 s4, s16  }
0x160: {  	[tilespmem:s18], [sflag:$0x2] =	stream.linear.gather [hbm4b:s16+s2], $0x280, $0x38;
	[tilespmem:$0x16E00] =	vst v63  }
.Ltmp21:
0x161: {  	s0 =	sadd.s32 s6, s0;
	(pc) =	sbr.rel .LBB2_18-.Ltmp21, $4  }
0x162: {  	s1 =	sadd.s32 s1, s10;
	s0 =	sshrl.u32 s0, $0x3  }
0x163: {  	[tilespmem:s19], [sflag:$0x2] =	stream.linear.gather [hbm4b:s1+s2], $0x1400, $0x38;
	[tilespmem:$0x16E00] =	vst v63  }
0x164: {  	s26 =	sadd.s32 $0x1, s26;
	s0 =	sadd.s32 s5, s0  }
0x165: {  	[tilespmem:s20], [sflag:$0x2] =	stream.linear.gather [hbm4b:s0+s2], $0x28, $0x38;
	[tilespmem:$0x16E00] =	vst v63  }
.LBB2_31:
0x166: {  	_ =	sfence.sel $0x180000  }
0x167: {  	[bflag:$0x0] =	sbarrier.arrive $0xFFFF  }
0x168: {  	_ =	strace $0x90000053  }
0x169: {  	s0 =	stileid.u32;
	[bflag:$0x2] =	sbarrier.arrive $0xFFFF  }
0x16a: {  	p0 =	sne.s32 s0, $0x0;
	s0 =	rddreg [dreg:$0x1]  }
0x16b: {  	s0 =	sadd.s32 @!p0 $0x100000, s0  }
0x16c: {  	[sflag:s0] =	ssyncadd.tile.s32 @!p0 $0x1;
	_ =	shalt  }
.Lfunc_end2:
_tile_overlayer_lowered:
.L_overlay_start_2:
0x16d: {  	(tag) =	ssettag $0x2  }
0x16e: {  	s0 =	rddreg [dreg:$0x0];
	s2 =	stileid.u32  }
0x16f: {  	s1 =	rddreg [dreg:$0x1];
	p0 =	sne.s32 s2, $0x0  }
0x170: {  	s3 =	rddreg [dreg:$0x2];
	[bflag:$0x3] =	sbarrier.arrive $0xFFFF;
	s2 =	simm.s32 @!p0 $0x1C03  }
0x171: {  	[timem:s3], [sflag:s2] =	dma.local @!p0 [hbm:s0], s1  }
0x172: {  	s0 =	simm.s32 @!p0 $0x3  }
0x173: {  	_ =	swait.ge @!p0 [sflag:s0], s1  }
0x174: {  	s1 =	ssub.s32 @!p0 $0x0, s1;
	[sflag:s0] =	ssyncset.done @!p0 $0x0  }
0x175: {  	[sflag:s0] =	ssyncadd.s32 @!p0 s1  }
0x176: {  	[bflag:$0x3] =	sbarrier.arrive $0xFFFF  }
0x177: {  	_ =	shalt  }

</sc_bundles>
